<compile_context>
chip_gen: v7x
topology: tpu7x:2x2x1
jax: 0.10.2.dev20260603
libtpu: 0.0.44.dev20260713+nightly
codegen_flags: <defaults>
</compile_context>

<pallas_src>
import functools

import jax
import jax.numpy as jnp
from jax import lax
from jax.experimental import pallas as pl
from jax.experimental.pallas import tpu as pltpu
from jax.experimental.pallas import tpu_sc as plsc

N = 1_000_000
D = 16
B = 16384

NC = 2
NS = 16
NW = NC * NS
BW = B // NW
ROWS = 3 * BW
NIDX = ROWS // 128
RND = 48
NROUND = ROWS // RND
RTRIP = RND // 3

LN2 = 0.6931471805599453
_P = (
    5.06533310e-06,
    1.44239548e+00,
    -7.16986875e-01,
    4.53856241e-01,
    -2.72353158e-01,
    1.17905183e-01,
    -2.48256066e-02,
)

_mesh = plsc.VectorSubcoreMesh(core_axis_name="c", subcore_axis_name="s")


def _softplus16(x):
    y = 1.0 + jnp.exp(x)
    bits = lax.bitcast_convert_type(y, jnp.int32)
    ex = jnp.right_shift(bits, 23) - 127
    m = lax.bitcast_convert_type(
        jnp.bitwise_or(jnp.bitwise_and(bits, 0x007FFFFF), 0x3F800000),
        jnp.float32,
    )
    t = m - 1.0
    p = jnp.float32(_P[6])
    for k in (5, 4, 3, 2, 1, 0):
        p = p * t + jnp.float32(_P[k])
    log2y = ex.astype(jnp.float32) + p
    return log2y * jnp.float32(LN2)


@functools.partial(
    pl.kernel,
    mesh=_mesh,
    out_type=jax.ShapeDtypeStruct((B,), jnp.float32),
    compiler_params=pltpu.CompilerParams(
        needs_layout_passes=False, use_tc_tiling_on_sc=True
    ),
    scratch_types=[
        pltpu.VMEM((NIDX, 128), jnp.int32),
        pltpu.VMEM((RND, 8, D), jnp.float32),
        pltpu.VMEM((RND, 8, D), jnp.float32),
        pltpu.VMEM((BW,), jnp.float32),
        pltpu.SemaphoreType.DMA,
        pltpu.SemaphoreType.DMA,
    ],
)
def _ste_sc(idx_hbm, table_hbm, out_hbm, idx_v, buf_a, buf_b, out_v, sem_a, sem_b):
    wid = lax.axis_index("s") * NC + lax.axis_index("c")
    base = wid * BW
    t8 = table_hbm.reshape(N // 8, 8, D)

    pltpu.sync_copy(idx_hbm.at[wid], idx_v)

    lane = lax.iota(jnp.int32, 16)

    def fire(rnd, buf, sem):
        p0 = rnd * RND
        for m in range(RND // 16):
            pm = p0 + 16 * m
            rvec = idx_v[
                jnp.right_shift(pm, 7), pl.ds(jnp.bitwise_and(pm, 127), 16)
            ]
            for j in range(16):
                q8 = pl.multiple_of(jnp.bitwise_and(rvec[j], ~7), 8)
                pltpu.async_copy(
                    table_hbm.at[pl.ds(q8, 8), :],
                    buf.at[16 * m + j],
                    sem,
                )

    def drain(buf, sem):
        pltpu.make_async_copy(t8.at[pl.ds(0, RND)], buf, sem).wait()

    def compute(rnd, buf):
        p0 = rnd * RND
        acc = jnp.zeros((16,), jnp.float32)
        rv = [None] * 3
        for m in range(3):
            pm = p0 + 16 * m
            rv[m] = idx_v[
                jnp.right_shift(pm, 7), pl.ds(jnp.bitwise_and(pm, 127), 16)
            ]
        for j in range(16):
            vecs = [None] * 3
            for s in range(3):
                q = 3 * j + s
                r = rv[q // 16][q % 16]
                vecs[s] = buf[3 * j + s, jnp.bitwise_and(r, 7), :]
            dw = vecs[0] - vecs[1]
            dl = vecs[0] - vecs[2]
            v = dw * dw - dl * dl
            acc = jnp.where(lane == j, jnp.sum(v), acc)
        out_v[pl.ds(rnd * RTRIP, 16)] = _softplus16(acc)

    fire(0, buf_a, sem_a)

    def pair_body(c, carry):
        fire(2 * c + 1, buf_b, sem_b)
        drain(buf_a, sem_a)
        compute(2 * c, buf_a)

        @pl.when(c < NROUND // 2 - 1)
        def _():
            fire(2 * c + 2, buf_a, sem_a)

        drain(buf_b, sem_b)
        compute(2 * c + 1, buf_b)
        return carry

    lax.fori_loop(0, NROUND // 2, pair_body, 0)

    pltpu.sync_copy(out_v, out_hbm.at[pl.ds(base, BW)])


def kernel(h_w_l, embedding):
    idx = h_w_l.reshape(NW, NIDX, 128)
    return _ste_sc(idx, embedding)

# --- scband reference (transcript-rebuilt; emitter-appended) ---
"""Pipeline reference for scband-ste-2113123909941 (READ-ONLY COPY).

The authoritative reference and input builder live on the scoring server;
editing this copy changes nothing except your own understanding.
"""

import jax, jax.numpy as jnp
import numpy as np

N = 1000000
D = 16
B = 16384


def setup_inputs(seed: int = 0) -> dict:
    key = jax.random.key(seed)
    k1, k2 = jax.random.split(key)
    h_w_l = jax.random.randint(k1, (B, 3), 0, N, dtype=jnp.int32)
    embedding = (1e-4 * jax.random.normal(k2, (N, D), dtype=jnp.float32)).astype(jnp.float32)
    return {"h_w_l": h_w_l, "embedding": embedding}


def reference(h_w_l, embedding):
    # _get_dists: gather head/winner/loser rows from the embedding table
    heads = jnp.take(embedding, h_w_l[:, 0], axis=0)
    winners = jnp.take(embedding, h_w_l[:, 1], axis=0)
    losers = jnp.take(embedding, h_w_l[:, 2], axis=0)
    win2 = jnp.linalg.norm(heads - winners, axis=1) ** 2
    lose2 = jnp.linalg.norm(heads - losers, axis=1) ** 2
    # STE.probs: 1 / (1 + exp(win2 - lose2)); losses: -log(probs)
    probs = 1.0 / (1.0 + jnp.exp(win2 - lose2))
    return -1.0 * jnp.log(probs)

if __name__ == "__main__":
    import jax
    _d = setup_inputs()
    print(jax.jit(kernel)(*tuple(_d.values())))

</pallas_src>

<mosaic_0001>
#map = affine_map<(d0, d1) -> (0, 0, 0)>
#map1 = affine_map<(d0, d1) -> (0, 0)>
#map2 = affine_map<(d0, d1) -> (0)>
module attributes {stable_mosaic.version = 14 : i64} {
  func.func @_ste_sc(%arg0: i32, %arg1: i32, %arg2: memref<32x12x128xi32, #tpu.memory_space<hbm>>, %arg3: memref<1000000x16xf32, #tpu.memory_space<hbm>>, %arg4: memref<16384xf32, #tpu.memory_space<hbm>>, %arg5: memref<12x128xi32, #tpu.memory_space<vmem>>, %arg6: memref<48x8x16xf32, #tpu.memory_space<vmem>>, %arg7: memref<48x8x16xf32, #tpu.memory_space<vmem>>, %arg8: memref<512xf32, #tpu.memory_space<vmem>>, %arg9: memref<!tpu.dma_semaphore, #tpu.memory_space<semaphore_mem>>, %arg10: memref<!tpu.dma_semaphore, #tpu.memory_space<semaphore_mem>>) attributes {dimension_semantics = [#tpu.dimension_semantics<core_parallel>, #tpu.dimension_semantics<subcore_parallel>], iteration_bounds = array<i64: 2, 16>, scalar_prefetch = 0 : i64, scratch_operands = 6 : i64, tpu.core_type = #tpu.core_type<sc_vector_subcore>, window_params = [{transform_indices = #map}, {transform_indices = #map1}, {transform_indices = #map2}]} {
    %mul3A = arith.constant 2 : i32
    %mul3A_0 = arith.muli %arg1, %mul3A : i32
    %add3A = arith.addi %mul3A_0, %arg0 : i32
    %mul3A_1 = arith.constant 512 : i32
    %mul3A_2 = arith.muli %add3A, %mul3A_1 : i32
    "tpu.region"() ({
      %run_scoped3A = tpu.sem_alloc : memref<!tpu.dma_semaphore, #tpu.memory_space<semaphore_mem>>
      %dma_start3A_892 = arith.constant 0 : i32
      %dma_start3A_893 = arith.constant 0 : i32
      %dma_start3A_894 = tpu.memref_slice %arg2[%add3A, %dma_start3A_892, %dma_start3A_893] : memref<32x12x128xi32, #tpu.memory_space<hbm>> -> memref<1x12x128xi32, #tpu.memory_space<hbm>>
      %dma_start3A_895 = tpu.memref_squeeze %dma_start3A_894 : memref<1x12x128xi32, #tpu.memory_space<hbm>> -> memref<12x128xi32, #tpu.memory_space<hbm>>
      %dma_start3A_896 = arith.constant 0 : i32
      %dma_start3A_897 = arith.constant 0 : i32
      %dma_start3A_898 = tpu.memref_slice %arg2[%add3A, %dma_start3A_896, %dma_start3A_897] : memref<32x12x128xi32, #tpu.memory_space<hbm>> -> memref<1x12x128xi32, #tpu.memory_space<hbm>>
      %dma_start3A_899 = tpu.memref_squeeze %dma_start3A_898 : memref<1x12x128xi32, #tpu.memory_space<hbm>> -> memref<12x128xi32, #tpu.memory_space<hbm>>
      tpu.enqueue_dma source(%dma_start3A_899 : memref<12x128xi32, #tpu.memory_space<hbm>>) target(%arg5 : memref<12x128xi32, #tpu.memory_space<vmem>>) target_semaphore(%run_scoped3A : memref<!tpu.dma_semaphore, #tpu.memory_space<semaphore_mem>>)
      %dma_wait3A = arith.constant 0 : i32
      %dma_wait3A_900 = arith.constant 0 : i32
      %dma_wait3A_901 = tpu.memref_slice %arg2[%add3A, %dma_wait3A, %dma_wait3A_900] : memref<32x12x128xi32, #tpu.memory_space<hbm>> -> memref<1x12x128xi32, #tpu.memory_space<hbm>>
      %dma_wait3A_902 = tpu.memref_squeeze %dma_wait3A_901 : memref<1x12x128xi32, #tpu.memory_space<hbm>> -> memref<12x128xi32, #tpu.memory_space<hbm>>
      %dma_wait3A_903 = arith.constant 0 : i32
      %dma_wait3A_904 = arith.constant 0 : i32
      %dma_wait3A_905 = tpu.memref_slice %arg2[%add3A, %dma_wait3A_903, %dma_wait3A_904] : memref<32x12x128xi32, #tpu.memory_space<hbm>> -> memref<1x12x128xi32, #tpu.memory_space<hbm>>
      %dma_wait3A_906 = tpu.memref_squeeze %dma_wait3A_905 : memref<1x12x128xi32, #tpu.memory_space<hbm>> -> memref<12x128xi32, #tpu.memory_space<hbm>>
      tpu.wait_dma2 semaphore(%run_scoped3A : memref<!tpu.dma_semaphore, #tpu.memory_space<semaphore_mem>>) src(%dma_wait3A_906 : memref<12x128xi32, #tpu.memory_space<hbm>>) dst(%arg5 : memref<12x128xi32, #tpu.memory_space<vmem>>)
      tpu.yield
    }) : () -> ()
    %iota3A = tpu.iota {dimensions = array<i32: 0>} : vector<16xi32>
    %shift_right_arithmetic3A = arith.constant 0 : i32
    %shift_right_arithmetic3A_3 = arith.constant 7 : i32
    %shift_right_arithmetic3A_4 = arith.shrsi %shift_right_arithmetic3A, %shift_right_arithmetic3A_3 : i32
    %and3A = arith.constant 0 : i32
    %and3A_5 = arith.constant 127 : i32
    %and3A_6 = arith.andi %and3A, %and3A_5 : i32
    %get3A = arith.index_cast %shift_right_arithmetic3A_4 : i32 to index
    %get3A_7 = arith.index_cast %and3A_6 : i32 to index
    %get3A_8 = tpu.vector_load %arg5[%get3A, %get3A_7] {strides = array<i32>} : memref<12x128xi32, #tpu.memory_space<vmem>>, vector<16xi32>,
    %slice3A = vector.extract_strided_slice %get3A_8 {offsets = [0], sizes = [1], strides = [1]} : vector<16xi32> to vector<1xi32>
    %squeeze3A = vector.extract %slice3A[0] : i32 from vector<1xi32>
    %and3A_9 = arith.constant -8 : i32
    %and3A_10 = arith.andi %squeeze3A, %and3A_9 : i32
    %multiple_of3A = tpu.assume_multiple %and3A_10, 8 : i32
    %dma_start3A = arith.constant 0 : i32
    %dma_start3A_11 = arith.constant 0 : i32
    %dma_start3A_12 = arith.constant 0 : i32
    %dma_start3A_13 = tpu.memref_slice %arg6[%dma_start3A, %dma_start3A_11, %dma_start3A_12] : memref<48x8x16xf32, #tpu.memory_space<vmem>> -> memref<1x8x16xf32, #tpu.memory_space<vmem>>
    %dma_start3A_14 = tpu.memref_squeeze %dma_start3A_13 : memref<1x8x16xf32, #tpu.memory_space<vmem>> -> memref<8x16xf32, #tpu.memory_space<vmem>>
    %dma_start3A_15 = arith.constant 0 : i32
    %dma_start3A_16 = tpu.memref_slice %arg3[%multiple_of3A, %dma_start3A_15] : memref<1000000x16xf32, #tpu.memory_space<hbm>> -> memref<8x16xf32, #tpu.memory_space<hbm>>
    %dma_start3A_17 = arith.constant 0 : i32
    %dma_start3A_18 = arith.constant 0 : i32
    %dma_start3A_19 = tpu.memref_slice %arg6[%dma_start3A, %dma_start3A_17, %dma_start3A_18] : memref<48x8x16xf32, #tpu.memory_space<vmem>> -> memref<1x8x16xf32, #tpu.memory_space<vmem>>
    %dma_start3A_20 = tpu.memref_squeeze %dma_start3A_19 : memref<1x8x16xf32, #tpu.memory_space<vmem>> -> memref<8x16xf32, #tpu.memory_space<vmem>>
    %dma_start3A_21 = arith.constant 0 : i32
    %dma_start3A_22 = tpu.memref_slice %arg3[%multiple_of3A, %dma_start3A_21] : memref<1000000x16xf32, #tpu.memory_space<hbm>> -> memref<8x16xf32, #tpu.memory_space<hbm>>
    tpu.enqueue_dma source(%dma_start3A_22 : memref<8x16xf32, #tpu.memory_space<hbm>>) target(%dma_start3A_20 : memref<8x16xf32, #tpu.memory_space<vmem>>) target_semaphore(%arg9 : memref<!tpu.dma_semaphore, #tpu.memory_space<semaphore_mem>>)
    %slice3A_23 = vector.extract_strided_slice %get3A_8 {offsets = [1], sizes = [1], strides = [1]} : vector<16xi32> to vector<1xi32>
    %squeeze3A_24 = vector.extract %slice3A_23[0] : i32 from vector<1xi32>
    %and3A_25 = arith.constant -8 : i32
    %and3A_26 = arith.andi %squeeze3A_24, %and3A_25 : i32
    %multiple_of3A_27 = tpu.assume_multiple %and3A_26, 8 : i32
    %dma_start3A_28 = arith.constant 1 : i32
    %dma_start3A_29 = arith.constant 0 : i32
    %dma_start3A_30 = arith.constant 0 : i32
    %dma_start3A_31 = tpu.memref_slice %arg6[%dma_start3A_28, %dma_start3A_29, %dma_start3A_30] : memref<48x8x16xf32, #tpu.memory_space<vmem>> -> memref<1x8x16xf32, #tpu.memory_space<vmem>>
    %dma_start3A_32 = tpu.memref_squeeze %dma_start3A_31 : memref<1x8x16xf32, #tpu.memory_space<vmem>> -> memref<8x16xf32, #tpu.memory_space<vmem>>
    %dma_start3A_33 = arith.constant 0 : i32
    %dma_start3A_34 = tpu.memref_slice %arg3[%multiple_of3A_27, %dma_start3A_33] : memref<1000000x16xf32, #tpu.memory_space<hbm>> -> memref<8x16xf32, #tpu.memory_space<hbm>>
    %dma_start3A_35 = arith.constant 0 : i32
    %dma_start3A_36 = arith.constant 0 : i32
    %dma_start3A_37 = tpu.memref_slice %arg6[%dma_start3A_28, %dma_start3A_35, %dma_start3A_36] : memref<48x8x16xf32, #tpu.memory_space<vmem>> -> memref<1x8x16xf32, #tpu.memory_space<vmem>>
    %dma_start3A_38 = tpu.memref_squeeze %dma_start3A_37 : memref<1x8x16xf32, #tpu.memory_space<vmem>> -> memref<8x16xf32, #tpu.memory_space<vmem>>
    %dma_start3A_39 = arith.constant 0 : i32
    %dma_start3A_40 = tpu.memref_slice %arg3[%multiple_of3A_27, %dma_start3A_39] : memref<1000000x16xf32, #tpu.memory_space<hbm>> -> memref<8x16xf32, #tpu.memory_space<hbm>>
    tpu.enqueue_dma source(%dma_start3A_40 : memref<8x16xf32, #tpu.memory_space<hbm>>) target(%dma_start3A_38 : memref<8x16xf32, #tpu.memory_space<vmem>>) target_semaphore(%arg9 : memref<!tpu.dma_semaphore, #tpu.memory_space<semaphore_mem>>)
    %slice3A_41 = vector.extract_strided_slice %get3A_8 {offsets = [2], sizes = [1], strides = [1]} : vector<16xi32> to vector<1xi32>
    %squeeze3A_42 = vector.extract %slice3A_41[0] : i32 from vector<1xi32>
    %and3A_43 = arith.constant -8 : i32
    %and3A_44 = arith.andi %squeeze3A_42, %and3A_43 : i32
    %multiple_of3A_45 = tpu.assume_multiple %and3A_44, 8 : i32
    %dma_start3A_46 = arith.constant 2 : i32
    %dma_start3A_47 = arith.constant 0 : i32
    %dma_start3A_48 = arith.constant 0 : i32
    %dma_start3A_49 = tpu.memref_slice %arg6[%dma_start3A_46, %dma_start3A_47, %dma_start3A_48] : memref<48x8x16xf32, #tpu.memory_space<vmem>> -> memref<1x8x16xf32, #tpu.memory_space<vmem>>
    %dma_start3A_50 = tpu.memref_squeeze %dma_start3A_49 : memref<1x8x16xf32, #tpu.memory_space<vmem>> -> memref<8x16xf32, #tpu.memory_space<vmem>>
    %dma_start3A_51 = arith.constant 0 : i32
    %dma_start3A_52 = tpu.memref_slice %arg3[%multiple_of3A_45, %dma_start3A_51] : memref<1000000x16xf32, #tpu.memory_space<hbm>> -> memref<8x16xf32, #tpu.memory_space<hbm>>
    %dma_start3A_53 = arith.constant 0 : i32
    %dma_start3A_54 = arith.constant 0 : i32
    %dma_start3A_55 = tpu.memref_slice %arg6[%dma_start3A_46, %dma_start3A_53, %dma_start3A_54] : memref<48x8x16xf32, #tpu.memory_space<vmem>> -> memref<1x8x16xf32, #tpu.memory_space<vmem>>
    %dma_start3A_56 = tpu.memref_squeeze %dma_start3A_55 : memref<1x8x16xf32, #tpu.memory_space<vmem>> -> memref<8x16xf32, #tpu.memory_space<vmem>>
    %dma_start3A_57 = arith.constant 0 : i32
    %dma_start3A_58 = tpu.memref_slice %arg3[%multiple_of3A_45, %dma_start3A_57] : memref<1000000x16xf32, #tpu.memory_space<hbm>> -> memref<8x16xf32, #tpu.memory_space<hbm>>
    tpu.enqueue_dma source(%dma_start3A_58 : memref<8x16xf32, #tpu.memory_space<hbm>>) target(%dma_start3A_56 : memref<8x16xf32, #tpu.memory_space<vmem>>) target_semaphore(%arg9 : memref<!tpu.dma_semaphore, #tpu.memory_space<semaphore_mem>>)
    %slice3A_59 = vector.extract_strided_slice %get3A_8 {offsets = [3], sizes = [1], strides = [1]} : vector<16xi32> to vector<1xi32>
    %squeeze3A_60 = vector.extract %slice3A_59[0] : i32 from vector<1xi32>
    %and3A_61 = arith.constant -8 : i32
    %and3A_62 = arith.andi %squeeze3A_60, %and3A_61 : i32
    %multiple_of3A_63 = tpu.assume_multiple %and3A_62, 8 : i32
    %dma_start3A_64 = arith.constant 3 : i32
    %dma_start3A_65 = arith.constant 0 : i32
    %dma_start3A_66 = arith.constant 0 : i32
    %dma_start3A_67 = tpu.memref_slice %arg6[%dma_start3A_64, %dma_start3A_65, %dma_start3A_66] : memref<48x8x16xf32, #tpu.memory_space<vmem>> -> memref<1x8x16xf32, #tpu.memory_space<vmem>>
    %dma_start3A_68 = tpu.memref_squeeze %dma_start3A_67 : memref<1x8x16xf32, #tpu.memory_space<vmem>> -> memref<8x16xf32, #tpu.memory_space<vmem>>
    %dma_start3A_69 = arith.constant 0 : i32
    %dma_start3A_70 = tpu.memref_slice %arg3[%multiple_of3A_63, %dma_start3A_69] : memref<1000000x16xf32, #tpu.memory_space<hbm>> -> memref<8x16xf32, #tpu.memory_space<hbm>>
    %dma_start3A_71 = arith.constant 0 : i32
    %dma_start3A_72 = arith.constant 0 : i32
    %dma_start3A_73 = tpu.memref_slice %arg6[%dma_start3A_64, %dma_start3A_71, %dma_start3A_72] : memref<48x8x16xf32, #tpu.memory_space<vmem>> -> memref<1x8x16xf32, #tpu.memory_space<vmem>>
    %dma_start3A_74 = tpu.memref_squeeze %dma_start3A_73 : memref<1x8x16xf32, #tpu.memory_space<vmem>> -> memref<8x16xf32, #tpu.memory_space<vmem>>
    %dma_start3A_75 = arith.constant 0 : i32
    %dma_start3A_76 = tpu.memref_slice %arg3[%multiple_of3A_63, %dma_start3A_75] : memref<1000000x16xf32, #tpu.memory_space<hbm>> -> memref<8x16xf32, #tpu.memory_space<hbm>>
    tpu.enqueue_dma source(%dma_start3A_76 : memref<8x16xf32, #tpu.memory_space<hbm>>) target(%dma_start3A_74 : memref<8x16xf32, #tpu.memory_space<vmem>>) target_semaphore(%arg9 : memref<!tpu.dma_semaphore, #tpu.memory_space<semaphore_mem>>)
    %slice3A_77 = vector.extract_strided_slice %get3A_8 {offsets = [4], sizes = [1], strides = [1]} : vector<16xi32> to vector<1xi32>
    %squeeze3A_78 = vector.extract %slice3A_77[0] : i32 from vector<1xi32>
    %and3A_79 = arith.constant -8 : i32
    %and3A_80 = arith.andi %squeeze3A_78, %and3A_79 : i32
    %multiple_of3A_81 = tpu.assume_multiple %and3A_80, 8 : i32
    %dma_start3A_82 = arith.constant 4 : i32
    %dma_start3A_83 = arith.constant 0 : i32
    %dma_start3A_84 = arith.constant 0 : i32
    %dma_start3A_85 = tpu.memref_slice %arg6[%dma_start3A_82, %dma_start3A_83, %dma_start3A_84] : memref<48x8x16xf32, #tpu.memory_space<vmem>> -> memref<1x8x16xf32, #tpu.memory_space<vmem>>
    %dma_start3A_86 = tpu.memref_squeeze %dma_start3A_85 : memref<1x8x16xf32, #tpu.memory_space<vmem>> -> memref<8x16xf32, #tpu.memory_space<vmem>>
    %dma_start3A_87 = arith.constant 0 : i32
    %dma_start3A_88 = tpu.memref_slice %arg3[%multiple_of3A_81, %dma_start3A_87] : memref<1000000x16xf32, #tpu.memory_space<hbm>> -> memref<8x16xf32, #tpu.memory_space<hbm>>
    %dma_start3A_89 = arith.constant 0 : i32
    %dma_start3A_90 = arith.constant 0 : i32
    %dma_start3A_91 = tpu.memref_slice %arg6[%dma_start3A_82, %dma_start3A_89, %dma_start3A_90] : memref<48x8x16xf32, #tpu.memory_space<vmem>> -> memref<1x8x16xf32, #tpu.memory_space<vmem>>
    %dma_start3A_92 = tpu.memref_squeeze %dma_start3A_91 : memref<1x8x16xf32, #tpu.memory_space<vmem>> -> memref<8x16xf32, #tpu.memory_space<vmem>>
    %dma_start3A_93 = arith.constant 0 : i32
    %dma_start3A_94 = tpu.memref_slice %arg3[%multiple_of3A_81, %dma_start3A_93] : memref<1000000x16xf32, #tpu.memory_space<hbm>> -> memref<8x16xf32, #tpu.memory_space<hbm>>
    tpu.enqueue_dma source(%dma_start3A_94 : memref<8x16xf32, #tpu.memory_space<hbm>>) target(%dma_start3A_92 : memref<8x16xf32, #tpu.memory_space<vmem>>) target_semaphore(%arg9 : memref<!tpu.dma_semaphore, #tpu.memory_space<semaphore_mem>>)
    %slice3A_95 = vector.extract_strided_slice %get3A_8 {offsets = [5], sizes = [1], strides = [1]} : vector<16xi32> to vector<1xi32>
    %squeeze3A_96 = vector.extract %slice3A_95[0] : i32 from vector<1xi32>
    %and3A_97 = arith.constant -8 : i32
    %and3A_98 = arith.andi %squeeze3A_96, %and3A_97 : i32
    %multiple_of3A_99 = tpu.assume_multiple %and3A_98, 8 : i32
    %dma_start3A_100 = arith.constant 5 : i32
    %dma_start3A_101 = arith.constant 0 : i32
    %dma_start3A_102 = arith.constant 0 : i32
    %dma_start3A_103 = tpu.memref_slice %arg6[%dma_start3A_100, %dma_start3A_101, %dma_start3A_102] : memref<48x8x16xf32, #tpu.memory_space<vmem>> -> memref<1x8x16xf32, #tpu.memory_space<vmem>>
    %dma_start3A_104 = tpu.memref_squeeze %dma_start3A_103 : memref<1x8x16xf32, #tpu.memory_space<vmem>> -> memref<8x16xf32, #tpu.memory_space<vmem>>
    %dma_start3A_105 = arith.constant 0 : i32
    %dma_start3A_106 = tpu.memref_slice %arg3[%multiple_of3A_99, %dma_start3A_105] : memref<1000000x16xf32, #tpu.memory_space<hbm>> -> memref<8x16xf32, #tpu.memory_space<hbm>>
    %dma_start3A_107 = arith.constant 0 : i32
    %dma_start3A_108 = arith.constant 0 : i32
    %dma_start3A_109 = tpu.memref_slice %arg6[%dma_start3A_100, %dma_start3A_107, %dma_start3A_108] : memref<48x8x16xf32, #tpu.memory_space<vmem>> -> memref<1x8x16xf32, #tpu.memory_space<vmem>>
    %dma_start3A_110 = tpu.memref_squeeze %dma_start3A_109 : memref<1x8x16xf32, #tpu.memory_space<vmem>> -> memref<8x16xf32, #tpu.memory_space<vmem>>
    %dma_start3A_111 = arith.constant 0 : i32
    %dma_start3A_112 = tpu.memref_slice %arg3[%multiple_of3A_99, %dma_start3A_111] : memref<1000000x16xf32, #tpu.memory_space<hbm>> -> memref<8x16xf32, #tpu.memory_space<hbm>>
    tpu.enqueue_dma source(%dma_start3A_112 : memref<8x16xf32, #tpu.memory_space<hbm>>) target(%dma_start3A_110 : memref<8x16xf32, #tpu.memory_space<vmem>>) target_semaphore(%arg9 : memref<!tpu.dma_semaphore, #tpu.memory_space<semaphore_mem>>)
    %slice3A_113 = vector.extract_strided_slice %get3A_8 {offsets = [6], sizes = [1], strides = [1]} : vector<16xi32> to vector<1xi32>
    %squeeze3A_114 = vector.extract %slice3A_113[0] : i32 from vector<1xi32>
    %and3A_115 = arith.constant -8 : i32
    %and3A_116 = arith.andi %squeeze3A_114, %and3A_115 : i32
    %multiple_of3A_117 = tpu.assume_multiple %and3A_116, 8 : i32
    %dma_start3A_118 = arith.constant 6 : i32
    %dma_start3A_119 = arith.constant 0 : i32
    %dma_start3A_120 = arith.constant 0 : i32
    %dma_start3A_121 = tpu.memref_slice %arg6[%dma_start3A_118, %dma_start3A_119, %dma_start3A_120] : memref<48x8x16xf32, #tpu.memory_space<vmem>> -> memref<1x8x16xf32, #tpu.memory_space<vmem>>
    %dma_start3A_122 = tpu.memref_squeeze %dma_start3A_121 : memref<1x8x16xf32, #tpu.memory_space<vmem>> -> memref<8x16xf32, #tpu.memory_space<vmem>>
    %dma_start3A_123 = arith.constant 0 : i32
    %dma_start3A_124 = tpu.memref_slice %arg3[%multiple_of3A_117, %dma_start3A_123] : memref<1000000x16xf32, #tpu.memory_space<hbm>> -> memref<8x16xf32, #tpu.memory_space<hbm>>
    %dma_start3A_125 = arith.constant 0 : i32
    %dma_start3A_126 = arith.constant 0 : i32
    %dma_start3A_127 = tpu.memref_slice %arg6[%dma_start3A_118, %dma_start3A_125, %dma_start3A_126] : memref<48x8x16xf32, #tpu.memory_space<vmem>> -> memref<1x8x16xf32, #tpu.memory_space<vmem>>
    %dma_start3A_128 = tpu.memref_squeeze %dma_start3A_127 : memref<1x8x16xf32, #tpu.memory_space<vmem>> -> memref<8x16xf32, #tpu.memory_space<vmem>>
    %dma_start3A_129 = arith.constant 0 : i32
    %dma_start3A_130 = tpu.memref_slice %arg3[%multiple_of3A_117, %dma_start3A_129] : memref<1000000x16xf32, #tpu.memory_space<hbm>> -> memref<8x16xf32, #tpu.memory_space<hbm>>
    tpu.enqueue_dma source(%dma_start3A_130 : memref<8x16xf32, #tpu.memory_space<hbm>>) target(%dma_start3A_128 : memref<8x16xf32, #tpu.memory_space<vmem>>) target_semaphore(%arg9 : memref<!tpu.dma_semaphore, #tpu.memory_space<semaphore_mem>>)
    %slice3A_131 = vector.extract_strided_slice %get3A_8 {offsets = [7], sizes = [1], strides = [1]} : vector<16xi32> to vector<1xi32>
    %squeeze3A_132 = vector.extract %slice3A_131[0] : i32 from vector<1xi32>
    %and3A_133 = arith.constant -8 : i32
    %and3A_134 = arith.andi %squeeze3A_132, %and3A_133 : i32
    %multiple_of3A_135 = tpu.assume_multiple %and3A_134, 8 : i32
    %dma_start3A_136 = arith.constant 7 : i32
    %dma_start3A_137 = arith.constant 0 : i32
    %dma_start3A_138 = arith.constant 0 : i32
    %dma_start3A_139 = tpu.memref_slice %arg6[%dma_start3A_136, %dma_start3A_137, %dma_start3A_138] : memref<48x8x16xf32, #tpu.memory_space<vmem>> -> memref<1x8x16xf32, #tpu.memory_space<vmem>>
    %dma_start3A_140 = tpu.memref_squeeze %dma_start3A_139 : memref<1x8x16xf32, #tpu.memory_space<vmem>> -> memref<8x16xf32, #tpu.memory_space<vmem>>
    %dma_start3A_141 = arith.constant 0 : i32
    %dma_start3A_142 = tpu.memref_slice %arg3[%multiple_of3A_135, %dma_start3A_141] : memref<1000000x16xf32, #tpu.memory_space<hbm>> -> memref<8x16xf32, #tpu.memory_space<hbm>>
    %dma_start3A_143 = arith.constant 0 : i32
    %dma_start3A_144 = arith.constant 0 : i32
    %dma_start3A_145 = tpu.memref_slice %arg6[%dma_start3A_136, %dma_start3A_143, %dma_start3A_144] : memref<48x8x16xf32, #tpu.memory_space<vmem>> -> memref<1x8x16xf32, #tpu.memory_space<vmem>>
    %dma_start3A_146 = tpu.memref_squeeze %dma_start3A_145 : memref<1x8x16xf32, #tpu.memory_space<vmem>> -> memref<8x16xf32, #tpu.memory_space<vmem>>
    %dma_start3A_147 = arith.constant 0 : i32
    %dma_start3A_148 = tpu.memref_slice %arg3[%multiple_of3A_135, %dma_start3A_147] : memref<1000000x16xf32, #tpu.memory_space<hbm>> -> memref<8x16xf32, #tpu.memory_space<hbm>>
    tpu.enqueue_dma source(%dma_start3A_148 : memref<8x16xf32, #tpu.memory_space<hbm>>) target(%dma_start3A_146 : memref<8x16xf32, #tpu.memory_space<vmem>>) target_semaphore(%arg9 : memref<!tpu.dma_semaphore, #tpu.memory_space<semaphore_mem>>)
    %slice3A_149 = vector.extract_strided_slice %get3A_8 {offsets = [8], sizes = [1], strides = [1]} : vector<16xi32> to vector<1xi32>
    %squeeze3A_150 = vector.extract %slice3A_149[0] : i32 from vector<1xi32>
    %and3A_151 = arith.constant -8 : i32
    %and3A_152 = arith.andi %squeeze3A_150, %and3A_151 : i32
    %multiple_of3A_153 = tpu.assume_multiple %and3A_152, 8 : i32
    %dma_start3A_154 = arith.constant 8 : i32
    %dma_start3A_155 = arith.constant 0 : i32
    %dma_start3A_156 = arith.constant 0 : i32
    %dma_start3A_157 = tpu.memref_slice %arg6[%dma_start3A_154, %dma_start3A_155, %dma_start3A_156] : memref<48x8x16xf32, #tpu.memory_space<vmem>> -> memref<1x8x16xf32, #tpu.memory_space<vmem>>
    %dma_start3A_158 = tpu.memref_squeeze %dma_start3A_157 : memref<1x8x16xf32, #tpu.memory_space<vmem>> -> memref<8x16xf32, #tpu.memory_space<vmem>>
    %dma_start3A_159 = arith.constant 0 : i32
    %dma_start3A_160 = tpu.memref_slice %arg3[%multiple_of3A_153, %dma_start3A_159] : memref<1000000x16xf32, #tpu.memory_space<hbm>> -> memref<8x16xf32, #tpu.memory_space<hbm>>
    %dma_start3A_161 = arith.constant 0 : i32
    %dma_start3A_162 = arith.constant 0 : i32
    %dma_start3A_163 = tpu.memref_slice %arg6[%dma_start3A_154, %dma_start3A_161, %dma_start3A_162] : memref<48x8x16xf32, #tpu.memory_space<vmem>> -> memref<1x8x16xf32, #tpu.memory_space<vmem>>
    %dma_start3A_164 = tpu.memref_squeeze %dma_start3A_163 : memref<1x8x16xf32, #tpu.memory_space<vmem>> -> memref<8x16xf32, #tpu.memory_space<vmem>>
    %dma_start3A_165 = arith.constant 0 : i32
    %dma_start3A_166 = tpu.memref_slice %arg3[%multiple_of3A_153, %dma_start3A_165] : memref<1000000x16xf32, #tpu.memory_space<hbm>> -> memref<8x16xf32, #tpu.memory_space<hbm>>
    tpu.enqueue_dma source(%dma_start3A_166 : memref<8x16xf32, #tpu.memory_space<hbm>>) target(%dma_start3A_164 : memref<8x16xf32, #tpu.memory_space<vmem>>) target_semaphore(%arg9 : memref<!tpu.dma_semaphore, #tpu.memory_space<semaphore_mem>>)
    %slice3A_167 = vector.extract_strided_slice %get3A_8 {offsets = [9], sizes = [1], strides = [1]} : vector<16xi32> to vector<1xi32>
    %squeeze3A_168 = vector.extract %slice3A_167[0] : i32 from vector<1xi32>
    %and3A_169 = arith.constant -8 : i32
    %and3A_170 = arith.andi %squeeze3A_168, %and3A_169 : i32
    %multiple_of3A_171 = tpu.assume_multiple %and3A_170, 8 : i32
    %dma_start3A_172 = arith.constant 9 : i32
    %dma_start3A_173 = arith.constant 0 : i32
    %dma_start3A_174 = arith.constant 0 : i32
    %dma_start3A_175 = tpu.memref_slice %arg6[%dma_start3A_172, %dma_start3A_173, %dma_start3A_174] : memref<48x8x16xf32, #tpu.memory_space<vmem>> -> memref<1x8x16xf32, #tpu.memory_space<vmem>>
    %dma_start3A_176 = tpu.memref_squeeze %dma_start3A_175 : memref<1x8x16xf32, #tpu.memory_space<vmem>> -> memref<8x16xf32, #tpu.memory_space<vmem>>
    %dma_start3A_177 = arith.constant 0 : i32
    %dma_start3A_178 = tpu.memref_slice %arg3[%multiple_of3A_171, %dma_start3A_177] : memref<1000000x16xf32, #tpu.memory_space<hbm>> -> memref<8x16xf32, #tpu.memory_space<hbm>>
    %dma_start3A_179 = arith.constant 0 : i32
    %dma_start3A_180 = arith.constant 0 : i32
    %dma_start3A_181 = tpu.memref_slice %arg6[%dma_start3A_172, %dma_start3A_179, %dma_start3A_180] : memref<48x8x16xf32, #tpu.memory_space<vmem>> -> memref<1x8x16xf32, #tpu.memory_space<vmem>>
    %dma_start3A_182 = tpu.memref_squeeze %dma_start3A_181 : memref<1x8x16xf32, #tpu.memory_space<vmem>> -> memref<8x16xf32, #tpu.memory_space<vmem>>
    %dma_start3A_183 = arith.constant 0 : i32
    %dma_start3A_184 = tpu.memref_slice %arg3[%multiple_of3A_171, %dma_start3A_183] : memref<1000000x16xf32, #tpu.memory_space<hbm>> -> memref<8x16xf32, #tpu.memory_space<hbm>>
    tpu.enqueue_dma source(%dma_start3A_184 : memref<8x16xf32, #tpu.memory_space<hbm>>) target(%dma_start3A_182 : memref<8x16xf32, #tpu.memory_space<vmem>>) target_semaphore(%arg9 : memref<!tpu.dma_semaphore, #tpu.memory_space<semaphore_mem>>)
    %slice3A_185 = vector.extract_strided_slice %get3A_8 {offsets = [10], sizes = [1], strides = [1]} : vector<16xi32> to vector<1xi32>
    %squeeze3A_186 = vector.extract %slice3A_185[0] : i32 from vector<1xi32>
    %and3A_187 = arith.constant -8 : i32
    %and3A_188 = arith.andi %squeeze3A_186, %and3A_187 : i32
    %multiple_of3A_189 = tpu.assume_multiple %and3A_188, 8 : i32
    %dma_start3A_190 = arith.constant 10 : i32
    %dma_start3A_191 = arith.constant 0 : i32
    %dma_start3A_192 = arith.constant 0 : i32
    %dma_start3A_193 = tpu.memref_slice %arg6[%dma_start3A_190, %dma_start3A_191, %dma_start3A_192] : memref<48x8x16xf32, #tpu.memory_space<vmem>> -> memref<1x8x16xf32, #tpu.memory_space<vmem>>
    %dma_start3A_194 = tpu.memref_squeeze %dma_start3A_193 : memref<1x8x16xf32, #tpu.memory_space<vmem>> -> memref<8x16xf32, #tpu.memory_space<vmem>>
    %dma_start3A_195 = arith.constant 0 : i32
    %dma_start3A_196 = tpu.memref_slice %arg3[%multiple_of3A_189, %dma_start3A_195] : memref<1000000x16xf32, #tpu.memory_space<hbm>> -> memref<8x16xf32, #tpu.memory_space<hbm>>
    %dma_start3A_197 = arith.constant 0 : i32
    %dma_start3A_198 = arith.constant 0 : i32
    %dma_start3A_199 = tpu.memref_slice %arg6[%dma_start3A_190, %dma_start3A_197, %dma_start3A_198] : memref<48x8x16xf32, #tpu.memory_space<vmem>> -> memref<1x8x16xf32, #tpu.memory_space<vmem>>
    %dma_start3A_200 = tpu.memref_squeeze %dma_start3A_199 : memref<1x8x16xf32, #tpu.memory_space<vmem>> -> memref<8x16xf32, #tpu.memory_space<vmem>>
    %dma_start3A_201 = arith.constant 0 : i32
    %dma_start3A_202 = tpu.memref_slice %arg3[%multiple_of3A_189, %dma_start3A_201] : memref<1000000x16xf32, #tpu.memory_space<hbm>> -> memref<8x16xf32, #tpu.memory_space<hbm>>
    tpu.enqueue_dma source(%dma_start3A_202 : memref<8x16xf32, #tpu.memory_space<hbm>>) target(%dma_start3A_200 : memref<8x16xf32, #tpu.memory_space<vmem>>) target_semaphore(%arg9 : memref<!tpu.dma_semaphore, #tpu.memory_space<semaphore_mem>>)
    %slice3A_203 = vector.extract_strided_slice %get3A_8 {offsets = [11], sizes = [1], strides = [1]} : vector<16xi32> to vector<1xi32>
    %squeeze3A_204 = vector.extract %slice3A_203[0] : i32 from vector<1xi32>
    %and3A_205 = arith.constant -8 : i32
    %and3A_206 = arith.andi %squeeze3A_204, %and3A_205 : i32
    %multiple_of3A_207 = tpu.assume_multiple %and3A_206, 8 : i32
    %dma_start3A_208 = arith.constant 11 : i32
    %dma_start3A_209 = arith.constant 0 : i32
    %dma_start3A_210 = arith.constant 0 : i32
    %dma_start3A_211 = tpu.memref_slice %arg6[%dma_start3A_208, %dma_start3A_209, %dma_start3A_210] : memref<48x8x16xf32, #tpu.memory_space<vmem>> -> memref<1x8x16xf32, #tpu.memory_space<vmem>>
    %dma_start3A_212 = tpu.memref_squeeze %dma_start3A_211 : memref<1x8x16xf32, #tpu.memory_space<vmem>> -> memref<8x16xf32, #tpu.memory_space<vmem>>
    %dma_start3A_213 = arith.constant 0 : i32
    %dma_start3A_214 = tpu.memref_slice %arg3[%multiple_of3A_207, %dma_start3A_213] : memref<1000000x16xf32, #tpu.memory_space<hbm>> -> memref<8x16xf32, #tpu.memory_space<hbm>>
    %dma_start3A_215 = arith.constant 0 : i32
    %dma_start3A_216 = arith.constant 0 : i32
    %dma_start3A_217 = tpu.memref_slice %arg6[%dma_start3A_208, %dma_start3A_215, %dma_start3A_216] : memref<48x8x16xf32, #tpu.memory_space<vmem>> -> memref<1x8x16xf32, #tpu.memory_space<vmem>>
    %dma_start3A_218 = tpu.memref_squeeze %dma_start3A_217 : memref<1x8x16xf32, #tpu.memory_space<vmem>> -> memref<8x16xf32, #tpu.memory_space<vmem>>
    %dma_start3A_219 = arith.constant 0 : i32
    %dma_start3A_220 = tpu.memref_slice %arg3[%multiple_of3A_207, %dma_start3A_219] : memref<1000000x16xf32, #tpu.memory_space<hbm>> -> memref<8x16xf32, #tpu.memory_space<hbm>>
    tpu.enqueue_dma source(%dma_start3A_220 : memref<8x16xf32, #tpu.memory_space<hbm>>) target(%dma_start3A_218 : memref<8x16xf32, #tpu.memory_space<vmem>>) target_semaphore(%arg9 : memref<!tpu.dma_semaphore, #tpu.memory_space<semaphore_mem>>)
    %slice3A_221 = vector.extract_strided_slice %get3A_8 {offsets = [12], sizes = [1], strides = [1]} : vector<16xi32> to vector<1xi32>
    %squeeze3A_222 = vector.extract %slice3A_221[0] : i32 from vector<1xi32>
    %and3A_223 = arith.constant -8 : i32
    %and3A_224 = arith.andi %squeeze3A_222, %and3A_223 : i32
    %multiple_of3A_225 = tpu.assume_multiple %and3A_224, 8 : i32
    %dma_start3A_226 = arith.constant 12 : i32
    %dma_start3A_227 = arith.constant 0 : i32
    %dma_start3A_228 = arith.constant 0 : i32
    %dma_start3A_229 = tpu.memref_slice %arg6[%dma_start3A_226, %dma_start3A_227, %dma_start3A_228] : memref<48x8x16xf32, #tpu.memory_space<vmem>> -> memref<1x8x16xf32, #tpu.memory_space<vmem>>
    %dma_start3A_230 = tpu.memref_squeeze %dma_start3A_229 : memref<1x8x16xf32, #tpu.memory_space<vmem>> -> memref<8x16xf32, #tpu.memory_space<vmem>>
    %dma_start3A_231 = arith.constant 0 : i32
    %dma_start3A_232 = tpu.memref_slice %arg3[%multiple_of3A_225, %dma_start3A_231] : memref<1000000x16xf32, #tpu.memory_space<hbm>> -> memref<8x16xf32, #tpu.memory_space<hbm>>
    %dma_start3A_233 = arith.constant 0 : i32
    %dma_start3A_234 = arith.constant 0 : i32
    %dma_start3A_235 = tpu.memref_slice %arg6[%dma_start3A_226, %dma_start3A_233, %dma_start3A_234] : memref<48x8x16xf32, #tpu.memory_space<vmem>> -> memref<1x8x16xf32, #tpu.memory_space<vmem>>
    %dma_start3A_236 = tpu.memref_squeeze %dma_start3A_235 : memref<1x8x16xf32, #tpu.memory_space<vmem>> -> memref<8x16xf32, #tpu.memory_space<vmem>>
    %dma_start3A_237 = arith.constant 0 : i32
    %dma_start3A_238 = tpu.memref_slice %arg3[%multiple_of3A_225, %dma_start3A_237] : memref<1000000x16xf32, #tpu.memory_space<hbm>> -> memref<8x16xf32, #tpu.memory_space<hbm>>
    tpu.enqueue_dma source(%dma_start3A_238 : memref<8x16xf32, #tpu.memory_space<hbm>>) target(%dma_start3A_236 : memref<8x16xf32, #tpu.memory_space<vmem>>) target_semaphore(%arg9 : memref<!tpu.dma_semaphore, #tpu.memory_space<semaphore_mem>>)
    %slice3A_239 = vector.extract_strided_slice %get3A_8 {offsets = [13], sizes = [1], strides = [1]} : vector<16xi32> to vector<1xi32>
    %squeeze3A_240 = vector.extract %slice3A_239[0] : i32 from vector<1xi32>
    %and3A_241 = arith.constant -8 : i32
    %and3A_242 = arith.andi %squeeze3A_240, %and3A_241 : i32
    %multiple_of3A_243 = tpu.assume_multiple %and3A_242, 8 : i32
    %dma_start3A_244 = arith.constant 13 : i32
    %dma_start3A_245 = arith.constant 0 : i32
    %dma_start3A_246 = arith.constant 0 : i32
    %dma_start3A_247 = tpu.memref_slice %arg6[%dma_start3A_244, %dma_start3A_245, %dma_start3A_246] : memref<48x8x16xf32, #tpu.memory_space<vmem>> -> memref<1x8x16xf32, #tpu.memory_space<vmem>>
    %dma_start3A_248 = tpu.memref_squeeze %dma_start3A_247 : memref<1x8x16xf32, #tpu.memory_space<vmem>> -> memref<8x16xf32, #tpu.memory_space<vmem>>
    %dma_start3A_249 = arith.constant 0 : i32
    %dma_start3A_250 = tpu.memref_slice %arg3[%multiple_of3A_243, %dma_start3A_249] : memref<1000000x16xf32, #tpu.memory_space<hbm>> -> memref<8x16xf32, #tpu.memory_space<hbm>>
    %dma_start3A_251 = arith.constant 0 : i32
    %dma_start3A_252 = arith.constant 0 : i32
    %dma_start3A_253 = tpu.memref_slice %arg6[%dma_start3A_244, %dma_start3A_251, %dma_start3A_252] : memref<48x8x16xf32, #tpu.memory_space<vmem>> -> memref<1x8x16xf32, #tpu.memory_space<vmem>>
    %dma_start3A_254 = tpu.memref_squeeze %dma_start3A_253 : memref<1x8x16xf32, #tpu.memory_space<vmem>> -> memref<8x16xf32, #tpu.memory_space<vmem>>
    %dma_start3A_255 = arith.constant 0 : i32
    %dma_start3A_256 = tpu.memref_slice %arg3[%multiple_of3A_243, %dma_start3A_255] : memref<1000000x16xf32, #tpu.memory_space<hbm>> -> memref<8x16xf32, #tpu.memory_space<hbm>>
    tpu.enqueue_dma source(%dma_start3A_256 : memref<8x16xf32, #tpu.memory_space<hbm>>) target(%dma_start3A_254 : memref<8x16xf32, #tpu.memory_space<vmem>>) target_semaphore(%arg9 : memref<!tpu.dma_semaphore, #tpu.memory_space<semaphore_mem>>)
    %slice3A_257 = vector.extract_strided_slice %get3A_8 {offsets = [14], sizes = [1], strides = [1]} : vector<16xi32> to vector<1xi32>
    %squeeze3A_258 = vector.extract %slice3A_257[0] : i32 from vector<1xi32>
    %and3A_259 = arith.constant -8 : i32
    %and3A_260 = arith.andi %squeeze3A_258, %and3A_259 : i32
    %multiple_of3A_261 = tpu.assume_multiple %and3A_260, 8 : i32
    %dma_start3A_262 = arith.constant 14 : i32
    %dma_start3A_263 = arith.constant 0 : i32
    %dma_start3A_264 = arith.constant 0 : i32
    %dma_start3A_265 = tpu.memref_slice %arg6[%dma_start3A_262, %dma_start3A_263, %dma_start3A_264] : memref<48x8x16xf32, #tpu.memory_space<vmem>> -> memref<1x8x16xf32, #tpu.memory_space<vmem>>
    %dma_start3A_266 = tpu.memref_squeeze %dma_start3A_265 : memref<1x8x16xf32, #tpu.memory_space<vmem>> -> memref<8x16xf32, #tpu.memory_space<vmem>>
    %dma_start3A_267 = arith.constant 0 : i32
    %dma_start3A_268 = tpu.memref_slice %arg3[%multiple_of3A_261, %dma_start3A_267] : memref<1000000x16xf32, #tpu.memory_space<hbm>> -> memref<8x16xf32, #tpu.memory_space<hbm>>
    %dma_start3A_269 = arith.constant 0 : i32
    %dma_start3A_270 = arith.constant 0 : i32
    %dma_start3A_271 = tpu.memref_slice %arg6[%dma_start3A_262, %dma_start3A_269, %dma_start3A_270] : memref<48x8x16xf32, #tpu.memory_space<vmem>> -> memref<1x8x16xf32, #tpu.memory_space<vmem>>
    %dma_start3A_272 = tpu.memref_squeeze %dma_start3A_271 : memref<1x8x16xf32, #tpu.memory_space<vmem>> -> memref<8x16xf32, #tpu.memory_space<vmem>>
    %dma_start3A_273 = arith.constant 0 : i32
    %dma_start3A_274 = tpu.memref_slice %arg3[%multiple_of3A_261, %dma_start3A_273] : memref<1000000x16xf32, #tpu.memory_space<hbm>> -> memref<8x16xf32, #tpu.memory_space<hbm>>
    tpu.enqueue_dma source(%dma_start3A_274 : memref<8x16xf32, #tpu.memory_space<hbm>>) target(%dma_start3A_272 : memref<8x16xf32, #tpu.memory_space<vmem>>) target_semaphore(%arg9 : memref<!tpu.dma_semaphore, #tpu.memory_space<semaphore_mem>>)
    %slice3A_275 = vector.extract_strided_slice %get3A_8 {offsets = [15], sizes = [1], strides = [1]} : vector<16xi32> to vector<1xi32>
    %squeeze3A_276 = vector.extract %slice3A_275[0] : i32 from vector<1xi32>
    %and3A_277 = arith.constant -8 : i32
    %and3A_278 = arith.andi %squeeze3A_276, %and3A_277 : i32
    %multiple_of3A_279 = tpu.assume_multiple %and3A_278, 8 : i32
    %dma_start3A_280 = arith.constant 15 : i32
    %dma_start3A_281 = arith.constant 0 : i32
    %dma_start3A_282 = arith.constant 0 : i32
    %dma_start3A_283 = tpu.memref_slice %arg6[%dma_start3A_280, %dma_start3A_281, %dma_start3A_282] : memref<48x8x16xf32, #tpu.memory_space<vmem>> -> memref<1x8x16xf32, #tpu.memory_space<vmem>>
    %dma_start3A_284 = tpu.memref_squeeze %dma_start3A_283 : memref<1x8x16xf32, #tpu.memory_space<vmem>> -> memref<8x16xf32, #tpu.memory_space<vmem>>
    %dma_start3A_285 = arith.constant 0 : i32
    %dma_start3A_286 = tpu.memref_slice %arg3[%multiple_of3A_279, %dma_start3A_285] : memref<1000000x16xf32, #tpu.memory_space<hbm>> -> memref<8x16xf32, #tpu.memory_space<hbm>>
    %dma_start3A_287 = arith.constant 0 : i32
    %dma_start3A_288 = arith.constant 0 : i32
    %dma_start3A_289 = tpu.memref_slice %arg6[%dma_start3A_280, %dma_start3A_287, %dma_start3A_288] : memref<48x8x16xf32, #tpu.memory_space<vmem>> -> memref<1x8x16xf32, #tpu.memory_space<vmem>>
    %dma_start3A_290 = tpu.memref_squeeze %dma_start3A_289 : memref<1x8x16xf32, #tpu.memory_space<vmem>> -> memref<8x16xf32, #tpu.memory_space<vmem>>
    %dma_start3A_291 = arith.constant 0 : i32
    %dma_start3A_292 = tpu.memref_slice %arg3[%multiple_of3A_279, %dma_start3A_291] : memref<1000000x16xf32, #tpu.memory_space<hbm>> -> memref<8x16xf32, #tpu.memory_space<hbm>>
    tpu.enqueue_dma source(%dma_start3A_292 : memref<8x16xf32, #tpu.memory_space<hbm>>) target(%dma_start3A_290 : memref<8x16xf32, #tpu.memory_space<vmem>>) target_semaphore(%arg9 : memref<!tpu.dma_semaphore, #tpu.memory_space<semaphore_mem>>)
    %shift_right_arithmetic3A_293 = arith.constant 16 : i32
    %shift_right_arithmetic3A_294 = arith.constant 7 : i32
    %shift_right_arithmetic3A_295 = arith.shrsi %shift_right_arithmetic3A_293, %shift_right_arithmetic3A_294 : i32
    %and3A_296 = arith.constant 16 : i32
    %and3A_297 = arith.constant 127 : i32
    %and3A_298 = arith.andi %and3A_296, %and3A_297 : i32
    %get3A_299 = arith.index_cast %shift_right_arithmetic3A_295 : i32 to index
    %get3A_300 = arith.index_cast %and3A_298 : i32 to index
    %get3A_301 = tpu.vector_load %arg5[%get3A_299, %get3A_300] {strides = array<i32>} : memref<12x128xi32, #tpu.memory_space<vmem>>, vector<16xi32>,
    %slice3A_302 = vector.extract_strided_slice %get3A_301 {offsets = [0], sizes = [1], strides = [1]} : vector<16xi32> to vector<1xi32>
    %squeeze3A_303 = vector.extract %slice3A_302[0] : i32 from vector<1xi32>
    %and3A_304 = arith.constant -8 : i32
    %and3A_305 = arith.andi %squeeze3A_303, %and3A_304 : i32
    %multiple_of3A_306 = tpu.assume_multiple %and3A_305, 8 : i32
    %dma_start3A_307 = arith.constant 16 : i32
    %dma_start3A_308 = arith.constant 0 : i32
    %dma_start3A_309 = arith.constant 0 : i32
    %dma_start3A_310 = tpu.memref_slice %arg6[%dma_start3A_307, %dma_start3A_308, %dma_start3A_309] : memref<48x8x16xf32, #tpu.memory_space<vmem>> -> memref<1x8x16xf32, #tpu.memory_space<vmem>>
    %dma_start3A_311 = tpu.memref_squeeze %dma_start3A_310 : memref<1x8x16xf32, #tpu.memory_space<vmem>> -> memref<8x16xf32, #tpu.memory_space<vmem>>
    %dma_start3A_312 = arith.constant 0 : i32
    %dma_start3A_313 = tpu.memref_slice %arg3[%multiple_of3A_306, %dma_start3A_312] : memref<1000000x16xf32, #tpu.memory_space<hbm>> -> memref<8x16xf32, #tpu.memory_space<hbm>>
    %dma_start3A_314 = arith.constant 0 : i32
    %dma_start3A_315 = arith.constant 0 : i32
    %dma_start3A_316 = tpu.memref_slice %arg6[%dma_start3A_307, %dma_start3A_314, %dma_start3A_315] : memref<48x8x16xf32, #tpu.memory_space<vmem>> -> memref<1x8x16xf32, #tpu.memory_space<vmem>>
    %dma_start3A_317 = tpu.memref_squeeze %dma_start3A_316 : memref<1x8x16xf32, #tpu.memory_space<vmem>> -> memref<8x16xf32, #tpu.memory_space<vmem>>
    %dma_start3A_318 = arith.constant 0 : i32
    %dma_start3A_319 = tpu.memref_slice %arg3[%multiple_of3A_306, %dma_start3A_318] : memref<1000000x16xf32, #tpu.memory_space<hbm>> -> memref<8x16xf32, #tpu.memory_space<hbm>>
    tpu.enqueue_dma source(%dma_start3A_319 : memref<8x16xf32, #tpu.memory_space<hbm>>) target(%dma_start3A_317 : memref<8x16xf32, #tpu.memory_space<vmem>>) target_semaphore(%arg9 : memref<!tpu.dma_semaphore, #tpu.memory_space<semaphore_mem>>)
    %slice3A_320 = vector.extract_strided_slice %get3A_301 {offsets = [1], sizes = [1], strides = [1]} : vector<16xi32> to vector<1xi32>
    %squeeze3A_321 = vector.extract %slice3A_320[0] : i32 from vector<1xi32>
    %and3A_322 = arith.constant -8 : i32
    %and3A_323 = arith.andi %squeeze3A_321, %and3A_322 : i32
    %multiple_of3A_324 = tpu.assume_multiple %and3A_323, 8 : i32
    %dma_start3A_325 = arith.constant 17 : i32
    %dma_start3A_326 = arith.constant 0 : i32
    %dma_start3A_327 = arith.constant 0 : i32
    %dma_start3A_328 = tpu.memref_slice %arg6[%dma_start3A_325, %dma_start3A_326, %dma_start3A_327] : memref<48x8x16xf32, #tpu.memory_space<vmem>> -> memref<1x8x16xf32, #tpu.memory_space<vmem>>
    %dma_start3A_329 = tpu.memref_squeeze %dma_start3A_328 : memref<1x8x16xf32, #tpu.memory_space<vmem>> -> memref<8x16xf32, #tpu.memory_space<vmem>>
    %dma_start3A_330 = arith.constant 0 : i32
    %dma_start3A_331 = tpu.memref_slice %arg3[%multiple_of3A_324, %dma_start3A_330] : memref<1000000x16xf32, #tpu.memory_space<hbm>> -> memref<8x16xf32, #tpu.memory_space<hbm>>
    %dma_start3A_332 = arith.constant 0 : i32
    %dma_start3A_333 = arith.constant 0 : i32
    %dma_start3A_334 = tpu.memref_slice %arg6[%dma_start3A_325, %dma_start3A_332, %dma_start3A_333] : memref<48x8x16xf32, #tpu.memory_space<vmem>> -> memref<1x8x16xf32, #tpu.memory_space<vmem>>
    %dma_start3A_335 = tpu.memref_squeeze %dma_start3A_334 : memref<1x8x16xf32, #tpu.memory_space<vmem>> -> memref<8x16xf32, #tpu.memory_space<vmem>>
    %dma_start3A_336 = arith.constant 0 : i32
    %dma_start3A_337 = tpu.memref_slice %arg3[%multiple_of3A_324, %dma_start3A_336] : memref<1000000x16xf32, #tpu.memory_space<hbm>> -> memref<8x16xf32, #tpu.memory_space<hbm>>
    tpu.enqueue_dma source(%dma_start3A_337 : memref<8x16xf32, #tpu.memory_space<hbm>>) target(%dma_start3A_335 : memref<8x16xf32, #tpu.memory_space<vmem>>) target_semaphore(%arg9 : memref<!tpu.dma_semaphore, #tpu.memory_space<semaphore_mem>>)
    %slice3A_338 = vector.extract_strided_slice %get3A_301 {offsets = [2], sizes = [1], strides = [1]} : vector<16xi32> to vector<1xi32>
    %squeeze3A_339 = vector.extract %slice3A_338[0] : i32 from vector<1xi32>
    %and3A_340 = arith.constant -8 : i32
    %and3A_341 = arith.andi %squeeze3A_339, %and3A_340 : i32
    %multiple_of3A_342 = tpu.assume_multiple %and3A_341, 8 : i32
    %dma_start3A_343 = arith.constant 18 : i32
    %dma_start3A_344 = arith.constant 0 : i32
    %dma_start3A_345 = arith.constant 0 : i32
    %dma_start3A_346 = tpu.memref_slice %arg6[%dma_start3A_343, %dma_start3A_344, %dma_start3A_345] : memref<48x8x16xf32, #tpu.memory_space<vmem>> -> memref<1x8x16xf32, #tpu.memory_space<vmem>>
    %dma_start3A_347 = tpu.memref_squeeze %dma_start3A_346 : memref<1x8x16xf32, #tpu.memory_space<vmem>> -> memref<8x16xf32, #tpu.memory_space<vmem>>
    %dma_start3A_348 = arith.constant 0 : i32
    %dma_start3A_349 = tpu.memref_slice %arg3[%multiple_of3A_342, %dma_start3A_348] : memref<1000000x16xf32, #tpu.memory_space<hbm>> -> memref<8x16xf32, #tpu.memory_space<hbm>>
    %dma_start3A_350 = arith.constant 0 : i32
    %dma_start3A_351 = arith.constant 0 : i32
    %dma_start3A_352 = tpu.memref_slice %arg6[%dma_start3A_343, %dma_start3A_350, %dma_start3A_351] : memref<48x8x16xf32, #tpu.memory_space<vmem>> -> memref<1x8x16xf32, #tpu.memory_space<vmem>>
    %dma_start3A_353 = tpu.memref_squeeze %dma_start3A_352 : memref<1x8x16xf32, #tpu.memory_space<vmem>> -> memref<8x16xf32, #tpu.memory_space<vmem>>
    %dma_start3A_354 = arith.constant 0 : i32
    %dma_start3A_355 = tpu.memref_slice %arg3[%multiple_of3A_342, %dma_start3A_354] : memref<1000000x16xf32, #tpu.memory_space<hbm>> -> memref<8x16xf32, #tpu.memory_space<hbm>>
    tpu.enqueue_dma source(%dma_start3A_355 : memref<8x16xf32, #tpu.memory_space<hbm>>) target(%dma_start3A_353 : memref<8x16xf32, #tpu.memory_space<vmem>>) target_semaphore(%arg9 : memref<!tpu.dma_semaphore, #tpu.memory_space<semaphore_mem>>)
    %slice3A_356 = vector.extract_strided_slice %get3A_301 {offsets = [3], sizes = [1], strides = [1]} : vector<16xi32> to vector<1xi32>
    %squeeze3A_357 = vector.extract %slice3A_356[0] : i32 from vector<1xi32>
    %and3A_358 = arith.constant -8 : i32
    %and3A_359 = arith.andi %squeeze3A_357, %and3A_358 : i32
    %multiple_of3A_360 = tpu.assume_multiple %and3A_359, 8 : i32
    %dma_start3A_361 = arith.constant 19 : i32
    %dma_start3A_362 = arith.constant 0 : i32
    %dma_start3A_363 = arith.constant 0 : i32
    %dma_start3A_364 = tpu.memref_slice %arg6[%dma_start3A_361, %dma_start3A_362, %dma_start3A_363] : memref<48x8x16xf32, #tpu.memory_space<vmem>> -> memref<1x8x16xf32, #tpu.memory_space<vmem>>
    %dma_start3A_365 = tpu.memref_squeeze %dma_start3A_364 : memref<1x8x16xf32, #tpu.memory_space<vmem>> -> memref<8x16xf32, #tpu.memory_space<vmem>>
    %dma_start3A_366 = arith.constant 0 : i32
    %dma_start3A_367 = tpu.memref_slice %arg3[%multiple_of3A_360, %dma_start3A_366] : memref<1000000x16xf32, #tpu.memory_space<hbm>> -> memref<8x16xf32, #tpu.memory_space<hbm>>
    %dma_start3A_368 = arith.constant 0 : i32
    %dma_start3A_369 = arith.constant 0 : i32
    %dma_start3A_370 = tpu.memref_slice %arg6[%dma_start3A_361, %dma_start3A_368, %dma_start3A_369] : memref<48x8x16xf32, #tpu.memory_space<vmem>> -> memref<1x8x16xf32, #tpu.memory_space<vmem>>
    %dma_start3A_371 = tpu.memref_squeeze %dma_start3A_370 : memref<1x8x16xf32, #tpu.memory_space<vmem>> -> memref<8x16xf32, #tpu.memory_space<vmem>>
    %dma_start3A_372 = arith.constant 0 : i32
    %dma_start3A_373 = tpu.memref_slice %arg3[%multiple_of3A_360, %dma_start3A_372] : memref<1000000x16xf32, #tpu.memory_space<hbm>> -> memref<8x16xf32, #tpu.memory_space<hbm>>
    tpu.enqueue_dma source(%dma_start3A_373 : memref<8x16xf32, #tpu.memory_space<hbm>>) target(%dma_start3A_371 : memref<8x16xf32, #tpu.memory_space<vmem>>) target_semaphore(%arg9 : memref<!tpu.dma_semaphore, #tpu.memory_space<semaphore_mem>>)
    %slice3A_374 = vector.extract_strided_slice %get3A_301 {offsets = [4], sizes = [1], strides = [1]} : vector<16xi32> to vector<1xi32>
    %squeeze3A_375 = vector.extract %slice3A_374[0] : i32 from vector<1xi32>
    %and3A_376 = arith.constant -8 : i32
    %and3A_377 = arith.andi %squeeze3A_375, %and3A_376 : i32
    %multiple_of3A_378 = tpu.assume_multiple %and3A_377, 8 : i32
    %dma_start3A_379 = arith.constant 20 : i32
    %dma_start3A_380 = arith.constant 0 : i32
    %dma_start3A_381 = arith.constant 0 : i32
    %dma_start3A_382 = tpu.memref_slice %arg6[%dma_start3A_379, %dma_start3A_380, %dma_start3A_381] : memref<48x8x16xf32, #tpu.memory_space<vmem>> -> memref<1x8x16xf32, #tpu.memory_space<vmem>>
    %dma_start3A_383 = tpu.memref_squeeze %dma_start3A_382 : memref<1x8x16xf32, #tpu.memory_space<vmem>> -> memref<8x16xf32, #tpu.memory_space<vmem>>
    %dma_start3A_384 = arith.constant 0 : i32
    %dma_start3A_385 = tpu.memref_slice %arg3[%multiple_of3A_378, %dma_start3A_384] : memref<1000000x16xf32, #tpu.memory_space<hbm>> -> memref<8x16xf32, #tpu.memory_space<hbm>>
    %dma_start3A_386 = arith.constant 0 : i32
    %dma_start3A_387 = arith.constant 0 : i32
    %dma_start3A_388 = tpu.memref_slice %arg6[%dma_start3A_379, %dma_start3A_386, %dma_start3A_387] : memref<48x8x16xf32, #tpu.memory_space<vmem>> -> memref<1x8x16xf32, #tpu.memory_space<vmem>>
    %dma_start3A_389 = tpu.memref_squeeze %dma_start3A_388 : memref<1x8x16xf32, #tpu.memory_space<vmem>> -> memref<8x16xf32, #tpu.memory_space<vmem>>
    %dma_start3A_390 = arith.constant 0 : i32
    %dma_start3A_391 = tpu.memref_slice %arg3[%multiple_of3A_378, %dma_start3A_390] : memref<1000000x16xf32, #tpu.memory_space<hbm>> -> memref<8x16xf32, #tpu.memory_space<hbm>>
    tpu.enqueue_dma source(%dma_start3A_391 : memref<8x16xf32, #tpu.memory_space<hbm>>) target(%dma_start3A_389 : memref<8x16xf32, #tpu.memory_space<vmem>>) target_semaphore(%arg9 : memref<!tpu.dma_semaphore, #tpu.memory_space<semaphore_mem>>)
    %slice3A_392 = vector.extract_strided_slice %get3A_301 {offsets = [5], sizes = [1], strides = [1]} : vector<16xi32> to vector<1xi32>
    %squeeze3A_393 = vector.extract %slice3A_392[0] : i32 from vector<1xi32>
    %and3A_394 = arith.constant -8 : i32
    %and3A_395 = arith.andi %squeeze3A_393, %and3A_394 : i32
    %multiple_of3A_396 = tpu.assume_multiple %and3A_395, 8 : i32
    %dma_start3A_397 = arith.constant 21 : i32
    %dma_start3A_398 = arith.constant 0 : i32
    %dma_start3A_399 = arith.constant 0 : i32
    %dma_start3A_400 = tpu.memref_slice %arg6[%dma_start3A_397, %dma_start3A_398, %dma_start3A_399] : memref<48x8x16xf32, #tpu.memory_space<vmem>> -> memref<1x8x16xf32, #tpu.memory_space<vmem>>
    %dma_start3A_401 = tpu.memref_squeeze %dma_start3A_400 : memref<1x8x16xf32, #tpu.memory_space<vmem>> -> memref<8x16xf32, #tpu.memory_space<vmem>>
    %dma_start3A_402 = arith.constant 0 : i32
    %dma_start3A_403 = tpu.memref_slice %arg3[%multiple_of3A_396, %dma_start3A_402] : memref<1000000x16xf32, #tpu.memory_space<hbm>> -> memref<8x16xf32, #tpu.memory_space<hbm>>
    %dma_start3A_404 = arith.constant 0 : i32
    %dma_start3A_405 = arith.constant 0 : i32
    %dma_start3A_406 = tpu.memref_slice %arg6[%dma_start3A_397, %dma_start3A_404, %dma_start3A_405] : memref<48x8x16xf32, #tpu.memory_space<vmem>> -> memref<1x8x16xf32, #tpu.memory_space<vmem>>
    %dma_start3A_407 = tpu.memref_squeeze %dma_start3A_406 : memref<1x8x16xf32, #tpu.memory_space<vmem>> -> memref<8x16xf32, #tpu.memory_space<vmem>>
    %dma_start3A_408 = arith.constant 0 : i32
    %dma_start3A_409 = tpu.memref_slice %arg3[%multiple_of3A_396, %dma_start3A_408] : memref<1000000x16xf32, #tpu.memory_space<hbm>> -> memref<8x16xf32, #tpu.memory_space<hbm>>
    tpu.enqueue_dma source(%dma_start3A_409 : memref<8x16xf32, #tpu.memory_space<hbm>>) target(%dma_start3A_407 : memref<8x16xf32, #tpu.memory_space<vmem>>) target_semaphore(%arg9 : memref<!tpu.dma_semaphore, #tpu.memory_space<semaphore_mem>>)
    %slice3A_410 = vector.extract_strided_slice %get3A_301 {offsets = [6], sizes = [1], strides = [1]} : vector<16xi32> to vector<1xi32>
    %squeeze3A_411 = vector.extract %slice3A_410[0] : i32 from vector<1xi32>
    %and3A_412 = arith.constant -8 : i32
    %and3A_413 = arith.andi %squeeze3A_411, %and3A_412 : i32
    %multiple_of3A_414 = tpu.assume_multiple %and3A_413, 8 : i32
    %dma_start3A_415 = arith.constant 22 : i32
    %dma_start3A_416 = arith.constant 0 : i32
    %dma_start3A_417 = arith.constant 0 : i32
    %dma_start3A_418 = tpu.memref_slice %arg6[%dma_start3A_415, %dma_start3A_416, %dma_start3A_417] : memref<48x8x16xf32, #tpu.memory_space<vmem>> -> memref<1x8x16xf32, #tpu.memory_space<vmem>>
    %dma_start3A_419 = tpu.memref_squeeze %dma_start3A_418 : memref<1x8x16xf32, #tpu.memory_space<vmem>> -> memref<8x16xf32, #tpu.memory_space<vmem>>
    %dma_start3A_420 = arith.constant 0 : i32
    %dma_start3A_421 = tpu.memref_slice %arg3[%multiple_of3A_414, %dma_start3A_420] : memref<1000000x16xf32, #tpu.memory_space<hbm>> -> memref<8x16xf32, #tpu.memory_space<hbm>>
    %dma_start3A_422 = arith.constant 0 : i32
    %dma_start3A_423 = arith.constant 0 : i32
    %dma_start3A_424 = tpu.memref_slice %arg6[%dma_start3A_415, %dma_start3A_422, %dma_start3A_423] : memref<48x8x16xf32, #tpu.memory_space<vmem>> -> memref<1x8x16xf32, #tpu.memory_space<vmem>>
    %dma_start3A_425 = tpu.memref_squeeze %dma_start3A_424 : memref<1x8x16xf32, #tpu.memory_space<vmem>> -> memref<8x16xf32, #tpu.memory_space<vmem>>
    %dma_start3A_426 = arith.constant 0 : i32
    %dma_start3A_427 = tpu.memref_slice %arg3[%multiple_of3A_414, %dma_start3A_426] : memref<1000000x16xf32, #tpu.memory_space<hbm>> -> memref<8x16xf32, #tpu.memory_space<hbm>>
    tpu.enqueue_dma source(%dma_start3A_427 : memref<8x16xf32, #tpu.memory_space<hbm>>) target(%dma_start3A_425 : memref<8x16xf32, #tpu.memory_space<vmem>>) target_semaphore(%arg9 : memref<!tpu.dma_semaphore, #tpu.memory_space<semaphore_mem>>)
    %slice3A_428 = vector.extract_strided_slice %get3A_301 {offsets = [7], sizes = [1], strides = [1]} : vector<16xi32> to vector<1xi32>
    %squeeze3A_429 = vector.extract %slice3A_428[0] : i32 from vector<1xi32>
    %and3A_430 = arith.constant -8 : i32
    %and3A_431 = arith.andi %squeeze3A_429, %and3A_430 : i32
    %multiple_of3A_432 = tpu.assume_multiple %and3A_431, 8 : i32
    %dma_start3A_433 = arith.constant 23 : i32
    %dma_start3A_434 = arith.constant 0 : i32
    %dma_start3A_435 = arith.constant 0 : i32
    %dma_start3A_436 = tpu.memref_slice %arg6[%dma_start3A_433, %dma_start3A_434, %dma_start3A_435] : memref<48x8x16xf32, #tpu.memory_space<vmem>> -> memref<1x8x16xf32, #tpu.memory_space<vmem>>
    %dma_start3A_437 = tpu.memref_squeeze %dma_start3A_436 : memref<1x8x16xf32, #tpu.memory_space<vmem>> -> memref<8x16xf32, #tpu.memory_space<vmem>>
    %dma_start3A_438 = arith.constant 0 : i32
    %dma_start3A_439 = tpu.memref_slice %arg3[%multiple_of3A_432, %dma_start3A_438] : memref<1000000x16xf32, #tpu.memory_space<hbm>> -> memref<8x16xf32, #tpu.memory_space<hbm>>
    %dma_start3A_440 = arith.constant 0 : i32
    %dma_start3A_441 = arith.constant 0 : i32
    %dma_start3A_442 = tpu.memref_slice %arg6[%dma_start3A_433, %dma_start3A_440, %dma_start3A_441] : memref<48x8x16xf32, #tpu.memory_space<vmem>> -> memref<1x8x16xf32, #tpu.memory_space<vmem>>
    %dma_start3A_443 = tpu.memref_squeeze %dma_start3A_442 : memref<1x8x16xf32, #tpu.memory_space<vmem>> -> memref<8x16xf32, #tpu.memory_space<vmem>>
    %dma_start3A_444 = arith.constant 0 : i32
    %dma_start3A_445 = tpu.memref_slice %arg3[%multiple_of3A_432, %dma_start3A_444] : memref<1000000x16xf32, #tpu.memory_space<hbm>> -> memref<8x16xf32, #tpu.memory_space<hbm>>
    tpu.enqueue_dma source(%dma_start3A_445 : memref<8x16xf32, #tpu.memory_space<hbm>>) target(%dma_start3A_443 : memref<8x16xf32, #tpu.memory_space<vmem>>) target_semaphore(%arg9 : memref<!tpu.dma_semaphore, #tpu.memory_space<semaphore_mem>>)
    %slice3A_446 = vector.extract_strided_slice %get3A_301 {offsets = [8], sizes = [1], strides = [1]} : vector<16xi32> to vector<1xi32>
    %squeeze3A_447 = vector.extract %slice3A_446[0] : i32 from vector<1xi32>
    %and3A_448 = arith.constant -8 : i32
    %and3A_449 = arith.andi %squeeze3A_447, %and3A_448 : i32
    %multiple_of3A_450 = tpu.assume_multiple %and3A_449, 8 : i32
    %dma_start3A_451 = arith.constant 24 : i32
    %dma_start3A_452 = arith.constant 0 : i32
    %dma_start3A_453 = arith.constant 0 : i32
    %dma_start3A_454 = tpu.memref_slice %arg6[%dma_start3A_451, %dma_start3A_452, %dma_start3A_453] : memref<48x8x16xf32, #tpu.memory_space<vmem>> -> memref<1x8x16xf32, #tpu.memory_space<vmem>>
    %dma_start3A_455 = tpu.memref_squeeze %dma_start3A_454 : memref<1x8x16xf32, #tpu.memory_space<vmem>> -> memref<8x16xf32, #tpu.memory_space<vmem>>
    %dma_start3A_456 = arith.constant 0 : i32
    %dma_start3A_457 = tpu.memref_slice %arg3[%multiple_of3A_450, %dma_start3A_456] : memref<1000000x16xf32, #tpu.memory_space<hbm>> -> memref<8x16xf32, #tpu.memory_space<hbm>>
    %dma_start3A_458 = arith.constant 0 : i32
    %dma_start3A_459 = arith.constant 0 : i32
    %dma_start3A_460 = tpu.memref_slice %arg6[%dma_start3A_451, %dma_start3A_458, %dma_start3A_459] : memref<48x8x16xf32, #tpu.memory_space<vmem>> -> memref<1x8x16xf32, #tpu.memory_space<vmem>>
    %dma_start3A_461 = tpu.memref_squeeze %dma_start3A_460 : memref<1x8x16xf32, #tpu.memory_space<vmem>> -> memref<8x16xf32, #tpu.memory_space<vmem>>
    %dma_start3A_462 = arith.constant 0 : i32
    %dma_start3A_463 = tpu.memref_slice %arg3[%multiple_of3A_450, %dma_start3A_462] : memref<1000000x16xf32, #tpu.memory_space<hbm>> -> memref<8x16xf32, #tpu.memory_space<hbm>>
    tpu.enqueue_dma source(%dma_start3A_463 : memref<8x16xf32, #tpu.memory_space<hbm>>) target(%dma_start3A_461 : memref<8x16xf32, #tpu.memory_space<vmem>>) target_semaphore(%arg9 : memref<!tpu.dma_semaphore, #tpu.memory_space<semaphore_mem>>)
    %slice3A_464 = vector.extract_strided_slice %get3A_301 {offsets = [9], sizes = [1], strides = [1]} : vector<16xi32> to vector<1xi32>
    %squeeze3A_465 = vector.extract %slice3A_464[0] : i32 from vector<1xi32>
    %and3A_466 = arith.constant -8 : i32
    %and3A_467 = arith.andi %squeeze3A_465, %and3A_466 : i32
    %multiple_of3A_468 = tpu.assume_multiple %and3A_467, 8 : i32
    %dma_start3A_469 = arith.constant 25 : i32
    %dma_start3A_470 = arith.constant 0 : i32
    %dma_start3A_471 = arith.constant 0 : i32
    %dma_start3A_472 = tpu.memref_slice %arg6[%dma_start3A_469, %dma_start3A_470, %dma_start3A_471] : memref<48x8x16xf32, #tpu.memory_space<vmem>> -> memref<1x8x16xf32, #tpu.memory_space<vmem>>
    %dma_start3A_473 = tpu.memref_squeeze %dma_start3A_472 : memref<1x8x16xf32, #tpu.memory_space<vmem>> -> memref<8x16xf32, #tpu.memory_space<vmem>>
    %dma_start3A_474 = arith.constant 0 : i32
    %dma_start3A_475 = tpu.memref_slice %arg3[%multiple_of3A_468, %dma_start3A_474] : memref<1000000x16xf32, #tpu.memory_space<hbm>> -> memref<8x16xf32, #tpu.memory_space<hbm>>
    %dma_start3A_476 = arith.constant 0 : i32
    %dma_start3A_477 = arith.constant 0 : i32
    %dma_start3A_478 = tpu.memref_slice %arg6[%dma_start3A_469, %dma_start3A_476, %dma_start3A_477] : memref<48x8x16xf32, #tpu.memory_space<vmem>> -> memref<1x8x16xf32, #tpu.memory_space<vmem>>
    %dma_start3A_479 = tpu.memref_squeeze %dma_start3A_478 : memref<1x8x16xf32, #tpu.memory_space<vmem>> -> memref<8x16xf32, #tpu.memory_space<vmem>>
    %dma_start3A_480 = arith.constant 0 : i32
    %dma_start3A_481 = tpu.memref_slice %arg3[%multiple_of3A_468, %dma_start3A_480] : memref<1000000x16xf32, #tpu.memory_space<hbm>> -> memref<8x16xf32, #tpu.memory_space<hbm>>
    tpu.enqueue_dma source(%dma_start3A_481 : memref<8x16xf32, #tpu.memory_space<hbm>>) target(%dma_start3A_479 : memref<8x16xf32, #tpu.memory_space<vmem>>) target_semaphore(%arg9 : memref<!tpu.dma_semaphore, #tpu.memory_space<semaphore_mem>>)
    %slice3A_482 = vector.extract_strided_slice %get3A_301 {offsets = [10], sizes = [1], strides = [1]} : vector<16xi32> to vector<1xi32>
    %squeeze3A_483 = vector.extract %slice3A_482[0] : i32 from vector<1xi32>
    %and3A_484 = arith.constant -8 : i32
    %and3A_485 = arith.andi %squeeze3A_483, %and3A_484 : i32
    %multiple_of3A_486 = tpu.assume_multiple %and3A_485, 8 : i32
    %dma_start3A_487 = arith.constant 26 : i32
    %dma_start3A_488 = arith.constant 0 : i32
    %dma_start3A_489 = arith.constant 0 : i32
    %dma_start3A_490 = tpu.memref_slice %arg6[%dma_start3A_487, %dma_start3A_488, %dma_start3A_489] : memref<48x8x16xf32, #tpu.memory_space<vmem>> -> memref<1x8x16xf32, #tpu.memory_space<vmem>>
    %dma_start3A_491 = tpu.memref_squeeze %dma_start3A_490 : memref<1x8x16xf32, #tpu.memory_space<vmem>> -> memref<8x16xf32, #tpu.memory_space<vmem>>
    %dma_start3A_492 = arith.constant 0 : i32
    %dma_start3A_493 = tpu.memref_slice %arg3[%multiple_of3A_486, %dma_start3A_492] : memref<1000000x16xf32, #tpu.memory_space<hbm>> -> memref<8x16xf32, #tpu.memory_space<hbm>>
    %dma_start3A_494 = arith.constant 0 : i32
    %dma_start3A_495 = arith.constant 0 : i32
    %dma_start3A_496 = tpu.memref_slice %arg6[%dma_start3A_487, %dma_start3A_494, %dma_start3A_495] : memref<48x8x16xf32, #tpu.memory_space<vmem>> -> memref<1x8x16xf32, #tpu.memory_space<vmem>>
    %dma_start3A_497 = tpu.memref_squeeze %dma_start3A_496 : memref<1x8x16xf32, #tpu.memory_space<vmem>> -> memref<8x16xf32, #tpu.memory_space<vmem>>
    %dma_start3A_498 = arith.constant 0 : i32
    %dma_start3A_499 = tpu.memref_slice %arg3[%multiple_of3A_486, %dma_start3A_498] : memref<1000000x16xf32, #tpu.memory_space<hbm>> -> memref<8x16xf32, #tpu.memory_space<hbm>>
    tpu.enqueue_dma source(%dma_start3A_499 : memref<8x16xf32, #tpu.memory_space<hbm>>) target(%dma_start3A_497 : memref<8x16xf32, #tpu.memory_space<vmem>>) target_semaphore(%arg9 : memref<!tpu.dma_semaphore, #tpu.memory_space<semaphore_mem>>)
    %slice3A_500 = vector.extract_strided_slice %get3A_301 {offsets = [11], sizes = [1], strides = [1]} : vector<16xi32> to vector<1xi32>
    %squeeze3A_501 = vector.extract %slice3A_500[0] : i32 from vector<1xi32>
    %and3A_502 = arith.constant -8 : i32
    %and3A_503 = arith.andi %squeeze3A_501, %and3A_502 : i32
    %multiple_of3A_504 = tpu.assume_multiple %and3A_503, 8 : i32
    %dma_start3A_505 = arith.constant 27 : i32
    %dma_start3A_506 = arith.constant 0 : i32
    %dma_start3A_507 = arith.constant 0 : i32
    %dma_start3A_508 = tpu.memref_slice %arg6[%dma_start3A_505, %dma_start3A_506, %dma_start3A_507] : memref<48x8x16xf32, #tpu.memory_space<vmem>> -> memref<1x8x16xf32, #tpu.memory_space<vmem>>
    %dma_start3A_509 = tpu.memref_squeeze %dma_start3A_508 : memref<1x8x16xf32, #tpu.memory_space<vmem>> -> memref<8x16xf32, #tpu.memory_space<vmem>>
    %dma_start3A_510 = arith.constant 0 : i32
    %dma_start3A_511 = tpu.memref_slice %arg3[%multiple_of3A_504, %dma_start3A_510] : memref<1000000x16xf32, #tpu.memory_space<hbm>> -> memref<8x16xf32, #tpu.memory_space<hbm>>
    %dma_start3A_512 = arith.constant 0 : i32
    %dma_start3A_513 = arith.constant 0 : i32
    %dma_start3A_514 = tpu.memref_slice %arg6[%dma_start3A_505, %dma_start3A_512, %dma_start3A_513] : memref<48x8x16xf32, #tpu.memory_space<vmem>> -> memref<1x8x16xf32, #tpu.memory_space<vmem>>
    %dma_start3A_515 = tpu.memref_squeeze %dma_start3A_514 : memref<1x8x16xf32, #tpu.memory_space<vmem>> -> memref<8x16xf32, #tpu.memory_space<vmem>>
    %dma_start3A_516 = arith.constant 0 : i32
    %dma_start3A_517 = tpu.memref_slice %arg3[%multiple_of3A_504, %dma_start3A_516] : memref<1000000x16xf32, #tpu.memory_space<hbm>> -> memref<8x16xf32, #tpu.memory_space<hbm>>
    tpu.enqueue_dma source(%dma_start3A_517 : memref<8x16xf32, #tpu.memory_space<hbm>>) target(%dma_start3A_515 : memref<8x16xf32, #tpu.memory_space<vmem>>) target_semaphore(%arg9 : memref<!tpu.dma_semaphore, #tpu.memory_space<semaphore_mem>>)
    %slice3A_518 = vector.extract_strided_slice %get3A_301 {offsets = [12], sizes = [1], strides = [1]} : vector<16xi32> to vector<1xi32>
    %squeeze3A_519 = vector.extract %slice3A_518[0] : i32 from vector<1xi32>
    %and3A_520 = arith.constant -8 : i32
    %and3A_521 = arith.andi %squeeze3A_519, %and3A_520 : i32
    %multiple_of3A_522 = tpu.assume_multiple %and3A_521, 8 : i32
    %dma_start3A_523 = arith.constant 28 : i32
    %dma_start3A_524 = arith.constant 0 : i32
    %dma_start3A_525 = arith.constant 0 : i32
    %dma_start3A_526 = tpu.memref_slice %arg6[%dma_start3A_523, %dma_start3A_524, %dma_start3A_525] : memref<48x8x16xf32, #tpu.memory_space<vmem>> -> memref<1x8x16xf32, #tpu.memory_space<vmem>>
    %dma_start3A_527 = tpu.memref_squeeze %dma_start3A_526 : memref<1x8x16xf32, #tpu.memory_space<vmem>> -> memref<8x16xf32, #tpu.memory_space<vmem>>
    %dma_start3A_528 = arith.constant 0 : i32
    %dma_start3A_529 = tpu.memref_slice %arg3[%multiple_of3A_522, %dma_start3A_528] : memref<1000000x16xf32, #tpu.memory_space<hbm>> -> memref<8x16xf32, #tpu.memory_space<hbm>>
    %dma_start3A_530 = arith.constant 0 : i32
    %dma_start3A_531 = arith.constant 0 : i32
    %dma_start3A_532 = tpu.memref_slice %arg6[%dma_start3A_523, %dma_start3A_530, %dma_start3A_531] : memref<48x8x16xf32, #tpu.memory_space<vmem>> -> memref<1x8x16xf32, #tpu.memory_space<vmem>>
    %dma_start3A_533 = tpu.memref_squeeze %dma_start3A_532 : memref<1x8x16xf32, #tpu.memory_space<vmem>> -> memref<8x16xf32, #tpu.memory_space<vmem>>
    %dma_start3A_534 = arith.constant 0 : i32
    %dma_start3A_535 = tpu.memref_slice %arg3[%multiple_of3A_522, %dma_start3A_534] : memref<1000000x16xf32, #tpu.memory_space<hbm>> -> memref<8x16xf32, #tpu.memory_space<hbm>>
    tpu.enqueue_dma source(%dma_start3A_535 : memref<8x16xf32, #tpu.memory_space<hbm>>) target(%dma_start3A_533 : memref<8x16xf32, #tpu.memory_space<vmem>>) target_semaphore(%arg9 : memref<!tpu.dma_semaphore, #tpu.memory_space<semaphore_mem>>)
    %slice3A_536 = vector.extract_strided_slice %get3A_301 {offsets = [13], sizes = [1], strides = [1]} : vector<16xi32> to vector<1xi32>
    %squeeze3A_537 = vector.extract %slice3A_536[0] : i32 from vector<1xi32>
    %and3A_538 = arith.constant -8 : i32
    %and3A_539 = arith.andi %squeeze3A_537, %and3A_538 : i32
    %multiple_of3A_540 = tpu.assume_multiple %and3A_539, 8 : i32
    %dma_start3A_541 = arith.constant 29 : i32
    %dma_start3A_542 = arith.constant 0 : i32
    %dma_start3A_543 = arith.constant 0 : i32
    %dma_start3A_544 = tpu.memref_slice %arg6[%dma_start3A_541, %dma_start3A_542, %dma_start3A_543] : memref<48x8x16xf32, #tpu.memory_space<vmem>> -> memref<1x8x16xf32, #tpu.memory_space<vmem>>
    %dma_start3A_545 = tpu.memref_squeeze %dma_start3A_544 : memref<1x8x16xf32, #tpu.memory_space<vmem>> -> memref<8x16xf32, #tpu.memory_space<vmem>>
    %dma_start3A_546 = arith.constant 0 : i32
    %dma_start3A_547 = tpu.memref_slice %arg3[%multiple_of3A_540, %dma_start3A_546] : memref<1000000x16xf32, #tpu.memory_space<hbm>> -> memref<8x16xf32, #tpu.memory_space<hbm>>
    %dma_start3A_548 = arith.constant 0 : i32
    %dma_start3A_549 = arith.constant 0 : i32
    %dma_start3A_550 = tpu.memref_slice %arg6[%dma_start3A_541, %dma_start3A_548, %dma_start3A_549] : memref<48x8x16xf32, #tpu.memory_space<vmem>> -> memref<1x8x16xf32, #tpu.memory_space<vmem>>
    %dma_start3A_551 = tpu.memref_squeeze %dma_start3A_550 : memref<1x8x16xf32, #tpu.memory_space<vmem>> -> memref<8x16xf32, #tpu.memory_space<vmem>>
    %dma_start3A_552 = arith.constant 0 : i32
    %dma_start3A_553 = tpu.memref_slice %arg3[%multiple_of3A_540, %dma_start3A_552] : memref<1000000x16xf32, #tpu.memory_space<hbm>> -> memref<8x16xf32, #tpu.memory_space<hbm>>
    tpu.enqueue_dma source(%dma_start3A_553 : memref<8x16xf32, #tpu.memory_space<hbm>>) target(%dma_start3A_551 : memref<8x16xf32, #tpu.memory_space<vmem>>) target_semaphore(%arg9 : memref<!tpu.dma_semaphore, #tpu.memory_space<semaphore_mem>>)
    %slice3A_554 = vector.extract_strided_slice %get3A_301 {offsets = [14], sizes = [1], strides = [1]} : vector<16xi32> to vector<1xi32>
    %squeeze3A_555 = vector.extract %slice3A_554[0] : i32 from vector<1xi32>
    %and3A_556 = arith.constant -8 : i32
    %and3A_557 = arith.andi %squeeze3A_555, %and3A_556 : i32
    %multiple_of3A_558 = tpu.assume_multiple %and3A_557, 8 : i32
    %dma_start3A_559 = arith.constant 30 : i32
    %dma_start3A_560 = arith.constant 0 : i32
    %dma_start3A_561 = arith.constant 0 : i32
    %dma_start3A_562 = tpu.memref_slice %arg6[%dma_start3A_559, %dma_start3A_560, %dma_start3A_561] : memref<48x8x16xf32, #tpu.memory_space<vmem>> -> memref<1x8x16xf32, #tpu.memory_space<vmem>>
    %dma_start3A_563 = tpu.memref_squeeze %dma_start3A_562 : memref<1x8x16xf32, #tpu.memory_space<vmem>> -> memref<8x16xf32, #tpu.memory_space<vmem>>
    %dma_start3A_564 = arith.constant 0 : i32
    %dma_start3A_565 = tpu.memref_slice %arg3[%multiple_of3A_558, %dma_start3A_564] : memref<1000000x16xf32, #tpu.memory_space<hbm>> -> memref<8x16xf32, #tpu.memory_space<hbm>>
    %dma_start3A_566 = arith.constant 0 : i32
    %dma_start3A_567 = arith.constant 0 : i32
    %dma_start3A_568 = tpu.memref_slice %arg6[%dma_start3A_559, %dma_start3A_566, %dma_start3A_567] : memref<48x8x16xf32, #tpu.memory_space<vmem>> -> memref<1x8x16xf32, #tpu.memory_space<vmem>>
    %dma_start3A_569 = tpu.memref_squeeze %dma_start3A_568 : memref<1x8x16xf32, #tpu.memory_space<vmem>> -> memref<8x16xf32, #tpu.memory_space<vmem>>
    %dma_start3A_570 = arith.constant 0 : i32
    %dma_start3A_571 = tpu.memref_slice %arg3[%multiple_of3A_558, %dma_start3A_570] : memref<1000000x16xf32, #tpu.memory_space<hbm>> -> memref<8x16xf32, #tpu.memory_space<hbm>>
    tpu.enqueue_dma source(%dma_start3A_571 : memref<8x16xf32, #tpu.memory_space<hbm>>) target(%dma_start3A_569 : memref<8x16xf32, #tpu.memory_space<vmem>>) target_semaphore(%arg9 : memref<!tpu.dma_semaphore, #tpu.memory_space<semaphore_mem>>)
    %slice3A_572 = vector.extract_strided_slice %get3A_301 {offsets = [15], sizes = [1], strides = [1]} : vector<16xi32> to vector<1xi32>
    %squeeze3A_573 = vector.extract %slice3A_572[0] : i32 from vector<1xi32>
    %and3A_574 = arith.constant -8 : i32
    %and3A_575 = arith.andi %squeeze3A_573, %and3A_574 : i32
    %multiple_of3A_576 = tpu.assume_multiple %and3A_575, 8 : i32
    %dma_start3A_577 = arith.constant 31 : i32
    %dma_start3A_578 = arith.constant 0 : i32
    %dma_start3A_579 = arith.constant 0 : i32
    %dma_start3A_580 = tpu.memref_slice %arg6[%dma_start3A_577, %dma_start3A_578, %dma_start3A_579] : memref<48x8x16xf32, #tpu.memory_space<vmem>> -> memref<1x8x16xf32, #tpu.memory_space<vmem>>
    %dma_start3A_581 = tpu.memref_squeeze %dma_start3A_580 : memref<1x8x16xf32, #tpu.memory_space<vmem>> -> memref<8x16xf32, #tpu.memory_space<vmem>>
    %dma_start3A_582 = arith.constant 0 : i32
    %dma_start3A_583 = tpu.memref_slice %arg3[%multiple_of3A_576, %dma_start3A_582] : memref<1000000x16xf32, #tpu.memory_space<hbm>> -> memref<8x16xf32, #tpu.memory_space<hbm>>
    %dma_start3A_584 = arith.constant 0 : i32
    %dma_start3A_585 = arith.constant 0 : i32
    %dma_start3A_586 = tpu.memref_slice %arg6[%dma_start3A_577, %dma_start3A_584, %dma_start3A_585] : memref<48x8x16xf32, #tpu.memory_space<vmem>> -> memref<1x8x16xf32, #tpu.memory_space<vmem>>
    %dma_start3A_587 = tpu.memref_squeeze %dma_start3A_586 : memref<1x8x16xf32, #tpu.memory_space<vmem>> -> memref<8x16xf32, #tpu.memory_space<vmem>>
    %dma_start3A_588 = arith.constant 0 : i32
    %dma_start3A_589 = tpu.memref_slice %arg3[%multiple_of3A_576, %dma_start3A_588] : memref<1000000x16xf32, #tpu.memory_space<hbm>> -> memref<8x16xf32, #tpu.memory_space<hbm>>
    tpu.enqueue_dma source(%dma_start3A_589 : memref<8x16xf32, #tpu.memory_space<hbm>>) target(%dma_start3A_587 : memref<8x16xf32, #tpu.memory_space<vmem>>) target_semaphore(%arg9 : memref<!tpu.dma_semaphore, #tpu.memory_space<semaphore_mem>>)
    %shift_right_arithmetic3A_590 = arith.constant 32 : i32
    %shift_right_arithmetic3A_591 = arith.constant 7 : i32
    %shift_right_arithmetic3A_592 = arith.shrsi %shift_right_arithmetic3A_590, %shift_right_arithmetic3A_591 : i32
    %and3A_593 = arith.constant 32 : i32
    %and3A_594 = arith.constant 127 : i32
    %and3A_595 = arith.andi %and3A_593, %and3A_594 : i32
    %get3A_596 = arith.index_cast %shift_right_arithmetic3A_592 : i32 to index
    %get3A_597 = arith.index_cast %and3A_595 : i32 to index
    %get3A_598 = tpu.vector_load %arg5[%get3A_596, %get3A_597] {strides = array<i32>} : memref<12x128xi32, #tpu.memory_space<vmem>>, vector<16xi32>,
    %slice3A_599 = vector.extract_strided_slice %get3A_598 {offsets = [0], sizes = [1], strides = [1]} : vector<16xi32> to vector<1xi32>
    %squeeze3A_600 = vector.extract %slice3A_599[0] : i32 from vector<1xi32>
    %and3A_601 = arith.constant -8 : i32
    %and3A_602 = arith.andi %squeeze3A_600, %and3A_601 : i32
    %multiple_of3A_603 = tpu.assume_multiple %and3A_602, 8 : i32
    %dma_start3A_604 = arith.constant 32 : i32
    %dma_start3A_605 = arith.constant 0 : i32
    %dma_start3A_606 = arith.constant 0 : i32
    %dma_start3A_607 = tpu.memref_slice %arg6[%dma_start3A_604, %dma_start3A_605, %dma_start3A_606] : memref<48x8x16xf32, #tpu.memory_space<vmem>> -> memref<1x8x16xf32, #tpu.memory_space<vmem>>
    %dma_start3A_608 = tpu.memref_squeeze %dma_start3A_607 : memref<1x8x16xf32, #tpu.memory_space<vmem>> -> memref<8x16xf32, #tpu.memory_space<vmem>>
    %dma_start3A_609 = arith.constant 0 : i32
    %dma_start3A_610 = tpu.memref_slice %arg3[%multiple_of3A_603, %dma_start3A_609] : memref<1000000x16xf32, #tpu.memory_space<hbm>> -> memref<8x16xf32, #tpu.memory_space<hbm>>
    %dma_start3A_611 = arith.constant 0 : i32
    %dma_start3A_612 = arith.constant 0 : i32
    %dma_start3A_613 = tpu.memref_slice %arg6[%dma_start3A_604, %dma_start3A_611, %dma_start3A_612] : memref<48x8x16xf32, #tpu.memory_space<vmem>> -> memref<1x8x16xf32, #tpu.memory_space<vmem>>
    %dma_start3A_614 = tpu.memref_squeeze %dma_start3A_613 : memref<1x8x16xf32, #tpu.memory_space<vmem>> -> memref<8x16xf32, #tpu.memory_space<vmem>>
    %dma_start3A_615 = arith.constant 0 : i32
    %dma_start3A_616 = tpu.memref_slice %arg3[%multiple_of3A_603, %dma_start3A_615] : memref<1000000x16xf32, #tpu.memory_space<hbm>> -> memref<8x16xf32, #tpu.memory_space<hbm>>
    tpu.enqueue_dma source(%dma_start3A_616 : memref<8x16xf32, #tpu.memory_space<hbm>>) target(%dma_start3A_614 : memref<8x16xf32, #tpu.memory_space<vmem>>) target_semaphore(%arg9 : memref<!tpu.dma_semaphore, #tpu.memory_space<semaphore_mem>>)
    %slice3A_617 = vector.extract_strided_slice %get3A_598 {offsets = [1], sizes = [1], strides = [1]} : vector<16xi32> to vector<1xi32>
    %squeeze3A_618 = vector.extract %slice3A_617[0] : i32 from vector<1xi32>
    %and3A_619 = arith.constant -8 : i32
    %and3A_620 = arith.andi %squeeze3A_618, %and3A_619 : i32
    %multiple_of3A_621 = tpu.assume_multiple %and3A_620, 8 : i32
    %dma_start3A_622 = arith.constant 33 : i32
    %dma_start3A_623 = arith.constant 0 : i32
    %dma_start3A_624 = arith.constant 0 : i32
    %dma_start3A_625 = tpu.memref_slice %arg6[%dma_start3A_622, %dma_start3A_623, %dma_start3A_624] : memref<48x8x16xf32, #tpu.memory_space<vmem>> -> memref<1x8x16xf32, #tpu.memory_space<vmem>>
    %dma_start3A_626 = tpu.memref_squeeze %dma_start3A_625 : memref<1x8x16xf32, #tpu.memory_space<vmem>> -> memref<8x16xf32, #tpu.memory_space<vmem>>
    %dma_start3A_627 = arith.constant 0 : i32
    %dma_start3A_628 = tpu.memref_slice %arg3[%multiple_of3A_621, %dma_start3A_627] : memref<1000000x16xf32, #tpu.memory_space<hbm>> -> memref<8x16xf32, #tpu.memory_space<hbm>>
    %dma_start3A_629 = arith.constant 0 : i32
    %dma_start3A_630 = arith.constant 0 : i32
    %dma_start3A_631 = tpu.memref_slice %arg6[%dma_start3A_622, %dma_start3A_629, %dma_start3A_630] : memref<48x8x16xf32, #tpu.memory_space<vmem>> -> memref<1x8x16xf32, #tpu.memory_space<vmem>>
    %dma_start3A_632 = tpu.memref_squeeze %dma_start3A_631 : memref<1x8x16xf32, #tpu.memory_space<vmem>> -> memref<8x16xf32, #tpu.memory_space<vmem>>
    %dma_start3A_633 = arith.constant 0 : i32
    %dma_start3A_634 = tpu.memref_slice %arg3[%multiple_of3A_621, %dma_start3A_633] : memref<1000000x16xf32, #tpu.memory_space<hbm>> -> memref<8x16xf32, #tpu.memory_space<hbm>>
    tpu.enqueue_dma source(%dma_start3A_634 : memref<8x16xf32, #tpu.memory_space<hbm>>) target(%dma_start3A_632 : memref<8x16xf32, #tpu.memory_space<vmem>>) target_semaphore(%arg9 : memref<!tpu.dma_semaphore, #tpu.memory_space<semaphore_mem>>)
    %slice3A_635 = vector.extract_strided_slice %get3A_598 {offsets = [2], sizes = [1], strides = [1]} : vector<16xi32> to vector<1xi32>
    %squeeze3A_636 = vector.extract %slice3A_635[0] : i32 from vector<1xi32>
    %and3A_637 = arith.constant -8 : i32
    %and3A_638 = arith.andi %squeeze3A_636, %and3A_637 : i32
    %multiple_of3A_639 = tpu.assume_multiple %and3A_638, 8 : i32
    %dma_start3A_640 = arith.constant 34 : i32
    %dma_start3A_641 = arith.constant 0 : i32
    %dma_start3A_642 = arith.constant 0 : i32
    %dma_start3A_643 = tpu.memref_slice %arg6[%dma_start3A_640, %dma_start3A_641, %dma_start3A_642] : memref<48x8x16xf32, #tpu.memory_space<vmem>> -> memref<1x8x16xf32, #tpu.memory_space<vmem>>
    %dma_start3A_644 = tpu.memref_squeeze %dma_start3A_643 : memref<1x8x16xf32, #tpu.memory_space<vmem>> -> memref<8x16xf32, #tpu.memory_space<vmem>>
    %dma_start3A_645 = arith.constant 0 : i32
    %dma_start3A_646 = tpu.memref_slice %arg3[%multiple_of3A_639, %dma_start3A_645] : memref<1000000x16xf32, #tpu.memory_space<hbm>> -> memref<8x16xf32, #tpu.memory_space<hbm>>
    %dma_start3A_647 = arith.constant 0 : i32
    %dma_start3A_648 = arith.constant 0 : i32
    %dma_start3A_649 = tpu.memref_slice %arg6[%dma_start3A_640, %dma_start3A_647, %dma_start3A_648] : memref<48x8x16xf32, #tpu.memory_space<vmem>> -> memref<1x8x16xf32, #tpu.memory_space<vmem>>
    %dma_start3A_650 = tpu.memref_squeeze %dma_start3A_649 : memref<1x8x16xf32, #tpu.memory_space<vmem>> -> memref<8x16xf32, #tpu.memory_space<vmem>>
    %dma_start3A_651 = arith.constant 0 : i32
    %dma_start3A_652 = tpu.memref_slice %arg3[%multiple_of3A_639, %dma_start3A_651] : memref<1000000x16xf32, #tpu.memory_space<hbm>> -> memref<8x16xf32, #tpu.memory_space<hbm>>
    tpu.enqueue_dma source(%dma_start3A_652 : memref<8x16xf32, #tpu.memory_space<hbm>>) target(%dma_start3A_650 : memref<8x16xf32, #tpu.memory_space<vmem>>) target_semaphore(%arg9 : memref<!tpu.dma_semaphore, #tpu.memory_space<semaphore_mem>>)
    %slice3A_653 = vector.extract_strided_slice %get3A_598 {offsets = [3], sizes = [1], strides = [1]} : vector<16xi32> to vector<1xi32>
    %squeeze3A_654 = vector.extract %slice3A_653[0] : i32 from vector<1xi32>
    %and3A_655 = arith.constant -8 : i32
    %and3A_656 = arith.andi %squeeze3A_654, %and3A_655 : i32
    %multiple_of3A_657 = tpu.assume_multiple %and3A_656, 8 : i32
    %dma_start3A_658 = arith.constant 35 : i32
    %dma_start3A_659 = arith.constant 0 : i32
    %dma_start3A_660 = arith.constant 0 : i32
    %dma_start3A_661 = tpu.memref_slice %arg6[%dma_start3A_658, %dma_start3A_659, %dma_start3A_660] : memref<48x8x16xf32, #tpu.memory_space<vmem>> -> memref<1x8x16xf32, #tpu.memory_space<vmem>>
    %dma_start3A_662 = tpu.memref_squeeze %dma_start3A_661 : memref<1x8x16xf32, #tpu.memory_space<vmem>> -> memref<8x16xf32, #tpu.memory_space<vmem>>
    %dma_start3A_663 = arith.constant 0 : i32
    %dma_start3A_664 = tpu.memref_slice %arg3[%multiple_of3A_657, %dma_start3A_663] : memref<1000000x16xf32, #tpu.memory_space<hbm>> -> memref<8x16xf32, #tpu.memory_space<hbm>>
    %dma_start3A_665 = arith.constant 0 : i32
    %dma_start3A_666 = arith.constant 0 : i32
    %dma_start3A_667 = tpu.memref_slice %arg6[%dma_start3A_658, %dma_start3A_665, %dma_start3A_666] : memref<48x8x16xf32, #tpu.memory_space<vmem>> -> memref<1x8x16xf32, #tpu.memory_space<vmem>>
    %dma_start3A_668 = tpu.memref_squeeze %dma_start3A_667 : memref<1x8x16xf32, #tpu.memory_space<vmem>> -> memref<8x16xf32, #tpu.memory_space<vmem>>
    %dma_start3A_669 = arith.constant 0 : i32
    %dma_start3A_670 = tpu.memref_slice %arg3[%multiple_of3A_657, %dma_start3A_669] : memref<1000000x16xf32, #tpu.memory_space<hbm>> -> memref<8x16xf32, #tpu.memory_space<hbm>>
    tpu.enqueue_dma source(%dma_start3A_670 : memref<8x16xf32, #tpu.memory_space<hbm>>) target(%dma_start3A_668 : memref<8x16xf32, #tpu.memory_space<vmem>>) target_semaphore(%arg9 : memref<!tpu.dma_semaphore, #tpu.memory_space<semaphore_mem>>)
    %slice3A_671 = vector.extract_strided_slice %get3A_598 {offsets = [4], sizes = [1], strides = [1]} : vector<16xi32> to vector<1xi32>
    %squeeze3A_672 = vector.extract %slice3A_671[0] : i32 from vector<1xi32>
    %and3A_673 = arith.constant -8 : i32
    %and3A_674 = arith.andi %squeeze3A_672, %and3A_673 : i32
    %multiple_of3A_675 = tpu.assume_multiple %and3A_674, 8 : i32
    %dma_start3A_676 = arith.constant 36 : i32
    %dma_start3A_677 = arith.constant 0 : i32
    %dma_start3A_678 = arith.constant 0 : i32
    %dma_start3A_679 = tpu.memref_slice %arg6[%dma_start3A_676, %dma_start3A_677, %dma_start3A_678] : memref<48x8x16xf32, #tpu.memory_space<vmem>> -> memref<1x8x16xf32, #tpu.memory_space<vmem>>
    %dma_start3A_680 = tpu.memref_squeeze %dma_start3A_679 : memref<1x8x16xf32, #tpu.memory_space<vmem>> -> memref<8x16xf32, #tpu.memory_space<vmem>>
    %dma_start3A_681 = arith.constant 0 : i32
    %dma_start3A_682 = tpu.memref_slice %arg3[%multiple_of3A_675, %dma_start3A_681] : memref<1000000x16xf32, #tpu.memory_space<hbm>> -> memref<8x16xf32, #tpu.memory_space<hbm>>
    %dma_start3A_683 = arith.constant 0 : i32
    %dma_start3A_684 = arith.constant 0 : i32
    %dma_start3A_685 = tpu.memref_slice %arg6[%dma_start3A_676, %dma_start3A_683, %dma_start3A_684] : memref<48x8x16xf32, #tpu.memory_space<vmem>> -> memref<1x8x16xf32, #tpu.memory_space<vmem>>
    %dma_start3A_686 = tpu.memref_squeeze %dma_start3A_685 : memref<1x8x16xf32, #tpu.memory_space<vmem>> -> memref<8x16xf32, #tpu.memory_space<vmem>>
    %dma_start3A_687 = arith.constant 0 : i32
    %dma_start3A_688 = tpu.memref_slice %arg3[%multiple_of3A_675, %dma_start3A_687] : memref<1000000x16xf32, #tpu.memory_space<hbm>> -> memref<8x16xf32, #tpu.memory_space<hbm>>
    tpu.enqueue_dma source(%dma_start3A_688 : memref<8x16xf32, #tpu.memory_space<hbm>>) target(%dma_start3A_686 : memref<8x16xf32, #tpu.memory_space<vmem>>) target_semaphore(%arg9 : memref<!tpu.dma_semaphore, #tpu.memory_space<semaphore_mem>>)
    %slice3A_689 = vector.extract_strided_slice %get3A_598 {offsets = [5], sizes = [1], strides = [1]} : vector<16xi32> to vector<1xi32>
    %squeeze3A_690 = vector.extract %slice3A_689[0] : i32 from vector<1xi32>
    %and3A_691 = arith.constant -8 : i32
    %and3A_692 = arith.andi %squeeze3A_690, %and3A_691 : i32
    %multiple_of3A_693 = tpu.assume_multiple %and3A_692, 8 : i32
    %dma_start3A_694 = arith.constant 37 : i32
    %dma_start3A_695 = arith.constant 0 : i32
    %dma_start3A_696 = arith.constant 0 : i32
    %dma_start3A_697 = tpu.memref_slice %arg6[%dma_start3A_694, %dma_start3A_695, %dma_start3A_696] : memref<48x8x16xf32, #tpu.memory_space<vmem>> -> memref<1x8x16xf32, #tpu.memory_space<vmem>>
    %dma_start3A_698 = tpu.memref_squeeze %dma_start3A_697 : memref<1x8x16xf32, #tpu.memory_space<vmem>> -> memref<8x16xf32, #tpu.memory_space<vmem>>
    %dma_start3A_699 = arith.constant 0 : i32
    %dma_start3A_700 = tpu.memref_slice %arg3[%multiple_of3A_693, %dma_start3A_699] : memref<1000000x16xf32, #tpu.memory_space<hbm>> -> memref<8x16xf32, #tpu.memory_space<hbm>>
    %dma_start3A_701 = arith.constant 0 : i32
    %dma_start3A_702 = arith.constant 0 : i32
    %dma_start3A_703 = tpu.memref_slice %arg6[%dma_start3A_694, %dma_start3A_701, %dma_start3A_702] : memref<48x8x16xf32, #tpu.memory_space<vmem>> -> memref<1x8x16xf32, #tpu.memory_space<vmem>>
    %dma_start3A_704 = tpu.memref_squeeze %dma_start3A_703 : memref<1x8x16xf32, #tpu.memory_space<vmem>> -> memref<8x16xf32, #tpu.memory_space<vmem>>
    %dma_start3A_705 = arith.constant 0 : i32
    %dma_start3A_706 = tpu.memref_slice %arg3[%multiple_of3A_693, %dma_start3A_705] : memref<1000000x16xf32, #tpu.memory_space<hbm>> -> memref<8x16xf32, #tpu.memory_space<hbm>>
    tpu.enqueue_dma source(%dma_start3A_706 : memref<8x16xf32, #tpu.memory_space<hbm>>) target(%dma_start3A_704 : memref<8x16xf32, #tpu.memory_space<vmem>>) target_semaphore(%arg9 : memref<!tpu.dma_semaphore, #tpu.memory_space<semaphore_mem>>)
    %slice3A_707 = vector.extract_strided_slice %get3A_598 {offsets = [6], sizes = [1], strides = [1]} : vector<16xi32> to vector<1xi32>
    %squeeze3A_708 = vector.extract %slice3A_707[0] : i32 from vector<1xi32>
    %and3A_709 = arith.constant -8 : i32
    %and3A_710 = arith.andi %squeeze3A_708, %and3A_709 : i32
    %multiple_of3A_711 = tpu.assume_multiple %and3A_710, 8 : i32
    %dma_start3A_712 = arith.constant 38 : i32
    %dma_start3A_713 = arith.constant 0 : i32
    %dma_start3A_714 = arith.constant 0 : i32
    %dma_start3A_715 = tpu.memref_slice %arg6[%dma_start3A_712, %dma_start3A_713, %dma_start3A_714] : memref<48x8x16xf32, #tpu.memory_space<vmem>> -> memref<1x8x16xf32, #tpu.memory_space<vmem>>
    %dma_start3A_716 = tpu.memref_squeeze %dma_start3A_715 : memref<1x8x16xf32, #tpu.memory_space<vmem>> -> memref<8x16xf32, #tpu.memory_space<vmem>>
    %dma_start3A_717 = arith.constant 0 : i32
    %dma_start3A_718 = tpu.memref_slice %arg3[%multiple_of3A_711, %dma_start3A_717] : memref<1000000x16xf32, #tpu.memory_space<hbm>> -> memref<8x16xf32, #tpu.memory_space<hbm>>
    %dma_start3A_719 = arith.constant 0 : i32
    %dma_start3A_720 = arith.constant 0 : i32
    %dma_start3A_721 = tpu.memref_slice %arg6[%dma_start3A_712, %dma_start3A_719, %dma_start3A_720] : memref<48x8x16xf32, #tpu.memory_space<vmem>> -> memref<1x8x16xf32, #tpu.memory_space<vmem>>
    %dma_start3A_722 = tpu.memref_squeeze %dma_start3A_721 : memref<1x8x16xf32, #tpu.memory_space<vmem>> -> memref<8x16xf32, #tpu.memory_space<vmem>>
    %dma_start3A_723 = arith.constant 0 : i32
    %dma_start3A_724 = tpu.memref_slice %arg3[%multiple_of3A_711, %dma_start3A_723] : memref<1000000x16xf32, #tpu.memory_space<hbm>> -> memref<8x16xf32, #tpu.memory_space<hbm>>
    tpu.enqueue_dma source(%dma_start3A_724 : memref<8x16xf32, #tpu.memory_space<hbm>>) target(%dma_start3A_722 : memref<8x16xf32, #tpu.memory_space<vmem>>) target_semaphore(%arg9 : memref<!tpu.dma_semaphore, #tpu.memory_space<semaphore_mem>>)
    %slice3A_725 = vector.extract_strided_slice %get3A_598 {offsets = [7], sizes = [1], strides = [1]} : vector<16xi32> to vector<1xi32>
    %squeeze3A_726 = vector.extract %slice3A_725[0] : i32 from vector<1xi32>
    %and3A_727 = arith.constant -8 : i32
    %and3A_728 = arith.andi %squeeze3A_726, %and3A_727 : i32
    %multiple_of3A_729 = tpu.assume_multiple %and3A_728, 8 : i32
    %dma_start3A_730 = arith.constant 39 : i32
    %dma_start3A_731 = arith.constant 0 : i32
    %dma_start3A_732 = arith.constant 0 : i32
    %dma_start3A_733 = tpu.memref_slice %arg6[%dma_start3A_730, %dma_start3A_731, %dma_start3A_732] : memref<48x8x16xf32, #tpu.memory_space<vmem>> -> memref<1x8x16xf32, #tpu.memory_space<vmem>>
    %dma_start3A_734 = tpu.memref_squeeze %dma_start3A_733 : memref<1x8x16xf32, #tpu.memory_space<vmem>> -> memref<8x16xf32, #tpu.memory_space<vmem>>
    %dma_start3A_735 = arith.constant 0 : i32
    %dma_start3A_736 = tpu.memref_slice %arg3[%multiple_of3A_729, %dma_start3A_735] : memref<1000000x16xf32, #tpu.memory_space<hbm>> -> memref<8x16xf32, #tpu.memory_space<hbm>>
    %dma_start3A_737 = arith.constant 0 : i32
    %dma_start3A_738 = arith.constant 0 : i32
    %dma_start3A_739 = tpu.memref_slice %arg6[%dma_start3A_730, %dma_start3A_737, %dma_start3A_738] : memref<48x8x16xf32, #tpu.memory_space<vmem>> -> memref<1x8x16xf32, #tpu.memory_space<vmem>>
    %dma_start3A_740 = tpu.memref_squeeze %dma_start3A_739 : memref<1x8x16xf32, #tpu.memory_space<vmem>> -> memref<8x16xf32, #tpu.memory_space<vmem>>
    %dma_start3A_741 = arith.constant 0 : i32
    %dma_start3A_742 = tpu.memref_slice %arg3[%multiple_of3A_729, %dma_start3A_741] : memref<1000000x16xf32, #tpu.memory_space<hbm>> -> memref<8x16xf32, #tpu.memory_space<hbm>>
    tpu.enqueue_dma source(%dma_start3A_742 : memref<8x16xf32, #tpu.memory_space<hbm>>) target(%dma_start3A_740 : memref<8x16xf32, #tpu.memory_space<vmem>>) target_semaphore(%arg9 : memref<!tpu.dma_semaphore, #tpu.memory_space<semaphore_mem>>)
    %slice3A_743 = vector.extract_strided_slice %get3A_598 {offsets = [8], sizes = [1], strides = [1]} : vector<16xi32> to vector<1xi32>
    %squeeze3A_744 = vector.extract %slice3A_743[0] : i32 from vector<1xi32>
    %and3A_745 = arith.constant -8 : i32
    %and3A_746 = arith.andi %squeeze3A_744, %and3A_745 : i32
    %multiple_of3A_747 = tpu.assume_multiple %and3A_746, 8 : i32
    %dma_start3A_748 = arith.constant 40 : i32
    %dma_start3A_749 = arith.constant 0 : i32
    %dma_start3A_750 = arith.constant 0 : i32
    %dma_start3A_751 = tpu.memref_slice %arg6[%dma_start3A_748, %dma_start3A_749, %dma_start3A_750] : memref<48x8x16xf32, #tpu.memory_space<vmem>> -> memref<1x8x16xf32, #tpu.memory_space<vmem>>
    %dma_start3A_752 = tpu.memref_squeeze %dma_start3A_751 : memref<1x8x16xf32, #tpu.memory_space<vmem>> -> memref<8x16xf32, #tpu.memory_space<vmem>>
    %dma_start3A_753 = arith.constant 0 : i32
    %dma_start3A_754 = tpu.memref_slice %arg3[%multiple_of3A_747, %dma_start3A_753] : memref<1000000x16xf32, #tpu.memory_space<hbm>> -> memref<8x16xf32, #tpu.memory_space<hbm>>
    %dma_start3A_755 = arith.constant 0 : i32
    %dma_start3A_756 = arith.constant 0 : i32
    %dma_start3A_757 = tpu.memref_slice %arg6[%dma_start3A_748, %dma_start3A_755, %dma_start3A_756] : memref<48x8x16xf32, #tpu.memory_space<vmem>> -> memref<1x8x16xf32, #tpu.memory_space<vmem>>
    %dma_start3A_758 = tpu.memref_squeeze %dma_start3A_757 : memref<1x8x16xf32, #tpu.memory_space<vmem>> -> memref<8x16xf32, #tpu.memory_space<vmem>>
    %dma_start3A_759 = arith.constant 0 : i32
    %dma_start3A_760 = tpu.memref_slice %arg3[%multiple_of3A_747, %dma_start3A_759] : memref<1000000x16xf32, #tpu.memory_space<hbm>> -> memref<8x16xf32, #tpu.memory_space<hbm>>
    tpu.enqueue_dma source(%dma_start3A_760 : memref<8x16xf32, #tpu.memory_space<hbm>>) target(%dma_start3A_758 : memref<8x16xf32, #tpu.memory_space<vmem>>) target_semaphore(%arg9 : memref<!tpu.dma_semaphore, #tpu.memory_space<semaphore_mem>>)
    %slice3A_761 = vector.extract_strided_slice %get3A_598 {offsets = [9], sizes = [1], strides = [1]} : vector<16xi32> to vector<1xi32>
    %squeeze3A_762 = vector.extract %slice3A_761[0] : i32 from vector<1xi32>
    %and3A_763 = arith.constant -8 : i32
    %and3A_764 = arith.andi %squeeze3A_762, %and3A_763 : i32
    %multiple_of3A_765 = tpu.assume_multiple %and3A_764, 8 : i32
    %dma_start3A_766 = arith.constant 41 : i32
    %dma_start3A_767 = arith.constant 0 : i32
    %dma_start3A_768 = arith.constant 0 : i32
    %dma_start3A_769 = tpu.memref_slice %arg6[%dma_start3A_766, %dma_start3A_767, %dma_start3A_768] : memref<48x8x16xf32, #tpu.memory_space<vmem>> -> memref<1x8x16xf32, #tpu.memory_space<vmem>>
    %dma_start3A_770 = tpu.memref_squeeze %dma_start3A_769 : memref<1x8x16xf32, #tpu.memory_space<vmem>> -> memref<8x16xf32, #tpu.memory_space<vmem>>
    %dma_start3A_771 = arith.constant 0 : i32
    %dma_start3A_772 = tpu.memref_slice %arg3[%multiple_of3A_765, %dma_start3A_771] : memref<1000000x16xf32, #tpu.memory_space<hbm>> -> memref<8x16xf32, #tpu.memory_space<hbm>>
    %dma_start3A_773 = arith.constant 0 : i32
    %dma_start3A_774 = arith.constant 0 : i32
    %dma_start3A_775 = tpu.memref_slice %arg6[%dma_start3A_766, %dma_start3A_773, %dma_start3A_774] : memref<48x8x16xf32, #tpu.memory_space<vmem>> -> memref<1x8x16xf32, #tpu.memory_space<vmem>>
    %dma_start3A_776 = tpu.memref_squeeze %dma_start3A_775 : memref<1x8x16xf32, #tpu.memory_space<vmem>> -> memref<8x16xf32, #tpu.memory_space<vmem>>
    %dma_start3A_777 = arith.constant 0 : i32
    %dma_start3A_778 = tpu.memref_slice %arg3[%multiple_of3A_765, %dma_start3A_777] : memref<1000000x16xf32, #tpu.memory_space<hbm>> -> memref<8x16xf32, #tpu.memory_space<hbm>>
    tpu.enqueue_dma source(%dma_start3A_778 : memref<8x16xf32, #tpu.memory_space<hbm>>) target(%dma_start3A_776 : memref<8x16xf32, #tpu.memory_space<vmem>>) target_semaphore(%arg9 : memref<!tpu.dma_semaphore, #tpu.memory_space<semaphore_mem>>)
    %slice3A_779 = vector.extract_strided_slice %get3A_598 {offsets = [10], sizes = [1], strides = [1]} : vector<16xi32> to vector<1xi32>
    %squeeze3A_780 = vector.extract %slice3A_779[0] : i32 from vector<1xi32>
    %and3A_781 = arith.constant -8 : i32
    %and3A_782 = arith.andi %squeeze3A_780, %and3A_781 : i32
    %multiple_of3A_783 = tpu.assume_multiple %and3A_782, 8 : i32
    %dma_start3A_784 = arith.constant 42 : i32
    %dma_start3A_785 = arith.constant 0 : i32
    %dma_start3A_786 = arith.constant 0 : i32
    %dma_start3A_787 = tpu.memref_slice %arg6[%dma_start3A_784, %dma_start3A_785, %dma_start3A_786] : memref<48x8x16xf32, #tpu.memory_space<vmem>> -> memref<1x8x16xf32, #tpu.memory_space<vmem>>
    %dma_start3A_788 = tpu.memref_squeeze %dma_start3A_787 : memref<1x8x16xf32, #tpu.memory_space<vmem>> -> memref<8x16xf32, #tpu.memory_space<vmem>>
    %dma_start3A_789 = arith.constant 0 : i32
    %dma_start3A_790 = tpu.memref_slice %arg3[%multiple_of3A_783, %dma_start3A_789] : memref<1000000x16xf32, #tpu.memory_space<hbm>> -> memref<8x16xf32, #tpu.memory_space<hbm>>
    %dma_start3A_791 = arith.constant 0 : i32
    %dma_start3A_792 = arith.constant 0 : i32
    %dma_start3A_793 = tpu.memref_slice %arg6[%dma_start3A_784, %dma_start3A_791, %dma_start3A_792] : memref<48x8x16xf32, #tpu.memory_space<vmem>> -> memref<1x8x16xf32, #tpu.memory_space<vmem>>
    %dma_start3A_794 = tpu.memref_squeeze %dma_start3A_793 : memref<1x8x16xf32, #tpu.memory_space<vmem>> -> memref<8x16xf32, #tpu.memory_space<vmem>>
    %dma_start3A_795 = arith.constant 0 : i32
    %dma_start3A_796 = tpu.memref_slice %arg3[%multiple_of3A_783, %dma_start3A_795] : memref<1000000x16xf32, #tpu.memory_space<hbm>> -> memref<8x16xf32, #tpu.memory_space<hbm>>
    tpu.enqueue_dma source(%dma_start3A_796 : memref<8x16xf32, #tpu.memory_space<hbm>>) target(%dma_start3A_794 : memref<8x16xf32, #tpu.memory_space<vmem>>) target_semaphore(%arg9 : memref<!tpu.dma_semaphore, #tpu.memory_space<semaphore_mem>>)
    %slice3A_797 = vector.extract_strided_slice %get3A_598 {offsets = [11], sizes = [1], strides = [1]} : vector<16xi32> to vector<1xi32>
    %squeeze3A_798 = vector.extract %slice3A_797[0] : i32 from vector<1xi32>
    %and3A_799 = arith.constant -8 : i32
    %and3A_800 = arith.andi %squeeze3A_798, %and3A_799 : i32
    %multiple_of3A_801 = tpu.assume_multiple %and3A_800, 8 : i32
    %dma_start3A_802 = arith.constant 43 : i32
    %dma_start3A_803 = arith.constant 0 : i32
    %dma_start3A_804 = arith.constant 0 : i32
    %dma_start3A_805 = tpu.memref_slice %arg6[%dma_start3A_802, %dma_start3A_803, %dma_start3A_804] : memref<48x8x16xf32, #tpu.memory_space<vmem>> -> memref<1x8x16xf32, #tpu.memory_space<vmem>>
    %dma_start3A_806 = tpu.memref_squeeze %dma_start3A_805 : memref<1x8x16xf32, #tpu.memory_space<vmem>> -> memref<8x16xf32, #tpu.memory_space<vmem>>
    %dma_start3A_807 = arith.constant 0 : i32
    %dma_start3A_808 = tpu.memref_slice %arg3[%multiple_of3A_801, %dma_start3A_807] : memref<1000000x16xf32, #tpu.memory_space<hbm>> -> memref<8x16xf32, #tpu.memory_space<hbm>>
    %dma_start3A_809 = arith.constant 0 : i32
    %dma_start3A_810 = arith.constant 0 : i32
    %dma_start3A_811 = tpu.memref_slice %arg6[%dma_start3A_802, %dma_start3A_809, %dma_start3A_810] : memref<48x8x16xf32, #tpu.memory_space<vmem>> -> memref<1x8x16xf32, #tpu.memory_space<vmem>>
    %dma_start3A_812 = tpu.memref_squeeze %dma_start3A_811 : memref<1x8x16xf32, #tpu.memory_space<vmem>> -> memref<8x16xf32, #tpu.memory_space<vmem>>
    %dma_start3A_813 = arith.constant 0 : i32
    %dma_start3A_814 = tpu.memref_slice %arg3[%multiple_of3A_801, %dma_start3A_813] : memref<1000000x16xf32, #tpu.memory_space<hbm>> -> memref<8x16xf32, #tpu.memory_space<hbm>>
    tpu.enqueue_dma source(%dma_start3A_814 : memref<8x16xf32, #tpu.memory_space<hbm>>) target(%dma_start3A_812 : memref<8x16xf32, #tpu.memory_space<vmem>>) target_semaphore(%arg9 : memref<!tpu.dma_semaphore, #tpu.memory_space<semaphore_mem>>)
    %slice3A_815 = vector.extract_strided_slice %get3A_598 {offsets = [12], sizes = [1], strides = [1]} : vector<16xi32> to vector<1xi32>
    %squeeze3A_816 = vector.extract %slice3A_815[0] : i32 from vector<1xi32>
    %and3A_817 = arith.constant -8 : i32
    %and3A_818 = arith.andi %squeeze3A_816, %and3A_817 : i32
    %multiple_of3A_819 = tpu.assume_multiple %and3A_818, 8 : i32
    %dma_start3A_820 = arith.constant 44 : i32
    %dma_start3A_821 = arith.constant 0 : i32
    %dma_start3A_822 = arith.constant 0 : i32
    %dma_start3A_823 = tpu.memref_slice %arg6[%dma_start3A_820, %dma_start3A_821, %dma_start3A_822] : memref<48x8x16xf32, #tpu.memory_space<vmem>> -> memref<1x8x16xf32, #tpu.memory_space<vmem>>
    %dma_start3A_824 = tpu.memref_squeeze %dma_start3A_823 : memref<1x8x16xf32, #tpu.memory_space<vmem>> -> memref<8x16xf32, #tpu.memory_space<vmem>>
    %dma_start3A_825 = arith.constant 0 : i32
    %dma_start3A_826 = tpu.memref_slice %arg3[%multiple_of3A_819, %dma_start3A_825] : memref<1000000x16xf32, #tpu.memory_space<hbm>> -> memref<8x16xf32, #tpu.memory_space<hbm>>
    %dma_start3A_827 = arith.constant 0 : i32
    %dma_start3A_828 = arith.constant 0 : i32
    %dma_start3A_829 = tpu.memref_slice %arg6[%dma_start3A_820, %dma_start3A_827, %dma_start3A_828] : memref<48x8x16xf32, #tpu.memory_space<vmem>> -> memref<1x8x16xf32, #tpu.memory_space<vmem>>
    %dma_start3A_830 = tpu.memref_squeeze %dma_start3A_829 : memref<1x8x16xf32, #tpu.memory_space<vmem>> -> memref<8x16xf32, #tpu.memory_space<vmem>>
    %dma_start3A_831 = arith.constant 0 : i32
    %dma_start3A_832 = tpu.memref_slice %arg3[%multiple_of3A_819, %dma_start3A_831] : memref<1000000x16xf32, #tpu.memory_space<hbm>> -> memref<8x16xf32, #tpu.memory_space<hbm>>
    tpu.enqueue_dma source(%dma_start3A_832 : memref<8x16xf32, #tpu.memory_space<hbm>>) target(%dma_start3A_830 : memref<8x16xf32, #tpu.memory_space<vmem>>) target_semaphore(%arg9 : memref<!tpu.dma_semaphore, #tpu.memory_space<semaphore_mem>>)
    %slice3A_833 = vector.extract_strided_slice %get3A_598 {offsets = [13], sizes = [1], strides = [1]} : vector<16xi32> to vector<1xi32>
    %squeeze3A_834 = vector.extract %slice3A_833[0] : i32 from vector<1xi32>
    %and3A_835 = arith.constant -8 : i32
    %and3A_836 = arith.andi %squeeze3A_834, %and3A_835 : i32
    %multiple_of3A_837 = tpu.assume_multiple %and3A_836, 8 : i32
    %dma_start3A_838 = arith.constant 45 : i32
    %dma_start3A_839 = arith.constant 0 : i32
    %dma_start3A_840 = arith.constant 0 : i32
    %dma_start3A_841 = tpu.memref_slice %arg6[%dma_start3A_838, %dma_start3A_839, %dma_start3A_840] : memref<48x8x16xf32, #tpu.memory_space<vmem>> -> memref<1x8x16xf32, #tpu.memory_space<vmem>>
    %dma_start3A_842 = tpu.memref_squeeze %dma_start3A_841 : memref<1x8x16xf32, #tpu.memory_space<vmem>> -> memref<8x16xf32, #tpu.memory_space<vmem>>
    %dma_start3A_843 = arith.constant 0 : i32
    %dma_start3A_844 = tpu.memref_slice %arg3[%multiple_of3A_837, %dma_start3A_843] : memref<1000000x16xf32, #tpu.memory_space<hbm>> -> memref<8x16xf32, #tpu.memory_space<hbm>>
    %dma_start3A_845 = arith.constant 0 : i32
    %dma_start3A_846 = arith.constant 0 : i32
    %dma_start3A_847 = tpu.memref_slice %arg6[%dma_start3A_838, %dma_start3A_845, %dma_start3A_846] : memref<48x8x16xf32, #tpu.memory_space<vmem>> -> memref<1x8x16xf32, #tpu.memory_space<vmem>>
    %dma_start3A_848 = tpu.memref_squeeze %dma_start3A_847 : memref<1x8x16xf32, #tpu.memory_space<vmem>> -> memref<8x16xf32, #tpu.memory_space<vmem>>
    %dma_start3A_849 = arith.constant 0 : i32
    %dma_start3A_850 = tpu.memref_slice %arg3[%multiple_of3A_837, %dma_start3A_849] : memref<1000000x16xf32, #tpu.memory_space<hbm>> -> memref<8x16xf32, #tpu.memory_space<hbm>>
    tpu.enqueue_dma source(%dma_start3A_850 : memref<8x16xf32, #tpu.memory_space<hbm>>) target(%dma_start3A_848 : memref<8x16xf32, #tpu.memory_space<vmem>>) target_semaphore(%arg9 : memref<!tpu.dma_semaphore, #tpu.memory_space<semaphore_mem>>)
    %slice3A_851 = vector.extract_strided_slice %get3A_598 {offsets = [14], sizes = [1], strides = [1]} : vector<16xi32> to vector<1xi32>
    %squeeze3A_852 = vector.extract %slice3A_851[0] : i32 from vector<1xi32>
    %and3A_853 = arith.constant -8 : i32
    %and3A_854 = arith.andi %squeeze3A_852, %and3A_853 : i32
    %multiple_of3A_855 = tpu.assume_multiple %and3A_854, 8 : i32
    %dma_start3A_856 = arith.constant 46 : i32
    %dma_start3A_857 = arith.constant 0 : i32
    %dma_start3A_858 = arith.constant 0 : i32
    %dma_start3A_859 = tpu.memref_slice %arg6[%dma_start3A_856, %dma_start3A_857, %dma_start3A_858] : memref<48x8x16xf32, #tpu.memory_space<vmem>> -> memref<1x8x16xf32, #tpu.memory_space<vmem>>
    %dma_start3A_860 = tpu.memref_squeeze %dma_start3A_859 : memref<1x8x16xf32, #tpu.memory_space<vmem>> -> memref<8x16xf32, #tpu.memory_space<vmem>>
    %dma_start3A_861 = arith.constant 0 : i32
    %dma_start3A_862 = tpu.memref_slice %arg3[%multiple_of3A_855, %dma_start3A_861] : memref<1000000x16xf32, #tpu.memory_space<hbm>> -> memref<8x16xf32, #tpu.memory_space<hbm>>
    %dma_start3A_863 = arith.constant 0 : i32
    %dma_start3A_864 = arith.constant 0 : i32
    %dma_start3A_865 = tpu.memref_slice %arg6[%dma_start3A_856, %dma_start3A_863, %dma_start3A_864] : memref<48x8x16xf32, #tpu.memory_space<vmem>> -> memref<1x8x16xf32, #tpu.memory_space<vmem>>
    %dma_start3A_866 = tpu.memref_squeeze %dma_start3A_865 : memref<1x8x16xf32, #tpu.memory_space<vmem>> -> memref<8x16xf32, #tpu.memory_space<vmem>>
    %dma_start3A_867 = arith.constant 0 : i32
    %dma_start3A_868 = tpu.memref_slice %arg3[%multiple_of3A_855, %dma_start3A_867] : memref<1000000x16xf32, #tpu.memory_space<hbm>> -> memref<8x16xf32, #tpu.memory_space<hbm>>
    tpu.enqueue_dma source(%dma_start3A_868 : memref<8x16xf32, #tpu.memory_space<hbm>>) target(%dma_start3A_866 : memref<8x16xf32, #tpu.memory_space<vmem>>) target_semaphore(%arg9 : memref<!tpu.dma_semaphore, #tpu.memory_space<semaphore_mem>>)
    %slice3A_869 = vector.extract_strided_slice %get3A_598 {offsets = [15], sizes = [1], strides = [1]} : vector<16xi32> to vector<1xi32>
    %squeeze3A_870 = vector.extract %slice3A_869[0] : i32 from vector<1xi32>
    %and3A_871 = arith.constant -8 : i32
    %and3A_872 = arith.andi %squeeze3A_870, %and3A_871 : i32
    %multiple_of3A_873 = tpu.assume_multiple %and3A_872, 8 : i32
    %dma_start3A_874 = arith.constant 47 : i32
    %dma_start3A_875 = arith.constant 0 : i32
    %dma_start3A_876 = arith.constant 0 : i32
    %dma_start3A_877 = tpu.memref_slice %arg6[%dma_start3A_874, %dma_start3A_875, %dma_start3A_876] : memref<48x8x16xf32, #tpu.memory_space<vmem>> -> memref<1x8x16xf32, #tpu.memory_space<vmem>>
    %dma_start3A_878 = tpu.memref_squeeze %dma_start3A_877 : memref<1x8x16xf32, #tpu.memory_space<vmem>> -> memref<8x16xf32, #tpu.memory_space<vmem>>
    %dma_start3A_879 = arith.constant 0 : i32
    %dma_start3A_880 = tpu.memref_slice %arg3[%multiple_of3A_873, %dma_start3A_879] : memref<1000000x16xf32, #tpu.memory_space<hbm>> -> memref<8x16xf32, #tpu.memory_space<hbm>>
    %dma_start3A_881 = arith.constant 0 : i32
    %dma_start3A_882 = arith.constant 0 : i32
    %dma_start3A_883 = tpu.memref_slice %arg6[%dma_start3A_874, %dma_start3A_881, %dma_start3A_882] : memref<48x8x16xf32, #tpu.memory_space<vmem>> -> memref<1x8x16xf32, #tpu.memory_space<vmem>>
    %dma_start3A_884 = tpu.memref_squeeze %dma_start3A_883 : memref<1x8x16xf32, #tpu.memory_space<vmem>> -> memref<8x16xf32, #tpu.memory_space<vmem>>
    %dma_start3A_885 = arith.constant 0 : i32
    %dma_start3A_886 = tpu.memref_slice %arg3[%multiple_of3A_873, %dma_start3A_885] : memref<1000000x16xf32, #tpu.memory_space<hbm>> -> memref<8x16xf32, #tpu.memory_space<hbm>>
    tpu.enqueue_dma source(%dma_start3A_886 : memref<8x16xf32, #tpu.memory_space<hbm>>) target(%dma_start3A_884 : memref<8x16xf32, #tpu.memory_space<vmem>>) target_semaphore(%arg9 : memref<!tpu.dma_semaphore, #tpu.memory_space<semaphore_mem>>)
    %scan3A = arith.constant 0 : i32
    %scan3A_887 = arith.constant 0 : i32
    %scan3A_888 = arith.constant 16 : i32
    %scan3A_889 = arith.addi %scan3A_887, %scan3A_888 : i32
    %scan3A_890 = arith.constant 1 : i32
    scf.for %scan3A_892 = %scan3A_887 to %scan3A_889 step %scan3A_890  : i32 {
      %mul3A_893 = arith.constant 2 : i32
      %mul3A_894 = arith.muli %mul3A_893, %scan3A_892 : i32
      %add3A_895 = arith.constant 1 : i32
      %add3A_896 = arith.addi %mul3A_894, %add3A_895 : i32
      %mul3A_897 = arith.constant 48 : i32
      %mul3A_898 = arith.muli %add3A_896, %mul3A_897 : i32
      %add3A_899 = arith.constant 0 : i32
      %add3A_900 = arith.addi %mul3A_898, %add3A_899 : i32
      %shift_right_arithmetic3A_901 = arith.constant 7 : i32
      %shift_right_arithmetic3A_902 = arith.shrsi %add3A_900, %shift_right_arithmetic3A_901 : i32
      %and3A_903 = arith.constant 127 : i32
      %and3A_904 = arith.andi %add3A_900, %and3A_903 : i32
      %get3A_905 = arith.index_cast %shift_right_arithmetic3A_902 : i32 to index
      %get3A_906 = arith.index_cast %and3A_904 : i32 to index
      %get3A_907 = tpu.vector_load %arg5[%get3A_905, %get3A_906] {strides = array<i32>} : memref<12x128xi32, #tpu.memory_space<vmem>>, vector<16xi32>,
      %slice3A_908 = vector.extract_strided_slice %get3A_907 {offsets = [0], sizes = [1], strides = [1]} : vector<16xi32> to vector<1xi32>
      %squeeze3A_909 = vector.extract %slice3A_908[0] : i32 from vector<1xi32>
      %and3A_910 = arith.constant -8 : i32
      %and3A_911 = arith.andi %squeeze3A_909, %and3A_910 : i32
      %multiple_of3A_912 = tpu.assume_multiple %and3A_911, 8 : i32
      %dma_start3A_913 = arith.constant 0 : i32
      %dma_start3A_914 = arith.constant 0 : i32
      %dma_start3A_915 = arith.constant 0 : i32
      %dma_start3A_916 = tpu.memref_slice %arg7[%dma_start3A_913, %dma_start3A_914, %dma_start3A_915] : memref<48x8x16xf32, #tpu.memory_space<vmem>> -> memref<1x8x16xf32, #tpu.memory_space<vmem>>
      %dma_start3A_917 = tpu.memref_squeeze %dma_start3A_916 : memref<1x8x16xf32, #tpu.memory_space<vmem>> -> memref<8x16xf32, #tpu.memory_space<vmem>>
      %dma_start3A_918 = arith.constant 0 : i32
      %dma_start3A_919 = tpu.memref_slice %arg3[%multiple_of3A_912, %dma_start3A_918] : memref<1000000x16xf32, #tpu.memory_space<hbm>> -> memref<8x16xf32, #tpu.memory_space<hbm>>
      %dma_start3A_920 = arith.constant 0 : i32
      %dma_start3A_921 = arith.constant 0 : i32
      %dma_start3A_922 = tpu.memref_slice %arg7[%dma_start3A_913, %dma_start3A_920, %dma_start3A_921] : memref<48x8x16xf32, #tpu.memory_space<vmem>> -> memref<1x8x16xf32, #tpu.memory_space<vmem>>
      %dma_start3A_923 = tpu.memref_squeeze %dma_start3A_922 : memref<1x8x16xf32, #tpu.memory_space<vmem>> -> memref<8x16xf32, #tpu.memory_space<vmem>>
      %dma_start3A_924 = arith.constant 0 : i32
      %dma_start3A_925 = tpu.memref_slice %arg3[%multiple_of3A_912, %dma_start3A_924] : memref<1000000x16xf32, #tpu.memory_space<hbm>> -> memref<8x16xf32, #tpu.memory_space<hbm>>
      tpu.enqueue_dma source(%dma_start3A_925 : memref<8x16xf32, #tpu.memory_space<hbm>>) target(%dma_start3A_923 : memref<8x16xf32, #tpu.memory_space<vmem>>) target_semaphore(%arg10 : memref<!tpu.dma_semaphore, #tpu.memory_space<semaphore_mem>>)
      %slice3A_926 = vector.extract_strided_slice %get3A_907 {offsets = [1], sizes = [1], strides = [1]} : vector<16xi32> to vector<1xi32>
      %squeeze3A_927 = vector.extract %slice3A_926[0] : i32 from vector<1xi32>
      %and3A_928 = arith.constant -8 : i32
      %and3A_929 = arith.andi %squeeze3A_927, %and3A_928 : i32
      %multiple_of3A_930 = tpu.assume_multiple %and3A_929, 8 : i32
      %dma_start3A_931 = arith.constant 1 : i32
      %dma_start3A_932 = arith.constant 0 : i32
      %dma_start3A_933 = arith.constant 0 : i32
      %dma_start3A_934 = tpu.memref_slice %arg7[%dma_start3A_931, %dma_start3A_932, %dma_start3A_933] : memref<48x8x16xf32, #tpu.memory_space<vmem>> -> memref<1x8x16xf32, #tpu.memory_space<vmem>>
      %dma_start3A_935 = tpu.memref_squeeze %dma_start3A_934 : memref<1x8x16xf32, #tpu.memory_space<vmem>> -> memref<8x16xf32, #tpu.memory_space<vmem>>
      %dma_start3A_936 = arith.constant 0 : i32
      %dma_start3A_937 = tpu.memref_slice %arg3[%multiple_of3A_930, %dma_start3A_936] : memref<1000000x16xf32, #tpu.memory_space<hbm>> -> memref<8x16xf32, #tpu.memory_space<hbm>>
      %dma_start3A_938 = arith.constant 0 : i32
      %dma_start3A_939 = arith.constant 0 : i32
      %dma_start3A_940 = tpu.memref_slice %arg7[%dma_start3A_931, %dma_start3A_938, %dma_start3A_939] : memref<48x8x16xf32, #tpu.memory_space<vmem>> -> memref<1x8x16xf32, #tpu.memory_space<vmem>>
      %dma_start3A_941 = tpu.memref_squeeze %dma_start3A_940 : memref<1x8x16xf32, #tpu.memory_space<vmem>> -> memref<8x16xf32, #tpu.memory_space<vmem>>
      %dma_start3A_942 = arith.constant 0 : i32
      %dma_start3A_943 = tpu.memref_slice %arg3[%multiple_of3A_930, %dma_start3A_942] : memref<1000000x16xf32, #tpu.memory_space<hbm>> -> memref<8x16xf32, #tpu.memory_space<hbm>>
      tpu.enqueue_dma source(%dma_start3A_943 : memref<8x16xf32, #tpu.memory_space<hbm>>) target(%dma_start3A_941 : memref<8x16xf32, #tpu.memory_space<vmem>>) target_semaphore(%arg10 : memref<!tpu.dma_semaphore, #tpu.memory_space<semaphore_mem>>)
      %slice3A_944 = vector.extract_strided_slice %get3A_907 {offsets = [2], sizes = [1], strides = [1]} : vector<16xi32> to vector<1xi32>
      %squeeze3A_945 = vector.extract %slice3A_944[0] : i32 from vector<1xi32>
      %and3A_946 = arith.constant -8 : i32
      %and3A_947 = arith.andi %squeeze3A_945, %and3A_946 : i32
      %multiple_of3A_948 = tpu.assume_multiple %and3A_947, 8 : i32
      %dma_start3A_949 = arith.constant 2 : i32
      %dma_start3A_950 = arith.constant 0 : i32
      %dma_start3A_951 = arith.constant 0 : i32
      %dma_start3A_952 = tpu.memref_slice %arg7[%dma_start3A_949, %dma_start3A_950, %dma_start3A_951] : memref<48x8x16xf32, #tpu.memory_space<vmem>> -> memref<1x8x16xf32, #tpu.memory_space<vmem>>
      %dma_start3A_953 = tpu.memref_squeeze %dma_start3A_952 : memref<1x8x16xf32, #tpu.memory_space<vmem>> -> memref<8x16xf32, #tpu.memory_space<vmem>>
      %dma_start3A_954 = arith.constant 0 : i32
      %dma_start3A_955 = tpu.memref_slice %arg3[%multiple_of3A_948, %dma_start3A_954] : memref<1000000x16xf32, #tpu.memory_space<hbm>> -> memref<8x16xf32, #tpu.memory_space<hbm>>
      %dma_start3A_956 = arith.constant 0 : i32
      %dma_start3A_957 = arith.constant 0 : i32
      %dma_start3A_958 = tpu.memref_slice %arg7[%dma_start3A_949, %dma_start3A_956, %dma_start3A_957] : memref<48x8x16xf32, #tpu.memory_space<vmem>> -> memref<1x8x16xf32, #tpu.memory_space<vmem>>
      %dma_start3A_959 = tpu.memref_squeeze %dma_start3A_958 : memref<1x8x16xf32, #tpu.memory_space<vmem>> -> memref<8x16xf32, #tpu.memory_space<vmem>>
      %dma_start3A_960 = arith.constant 0 : i32
      %dma_start3A_961 = tpu.memref_slice %arg3[%multiple_of3A_948, %dma_start3A_960] : memref<1000000x16xf32, #tpu.memory_space<hbm>> -> memref<8x16xf32, #tpu.memory_space<hbm>>
      tpu.enqueue_dma source(%dma_start3A_961 : memref<8x16xf32, #tpu.memory_space<hbm>>) target(%dma_start3A_959 : memref<8x16xf32, #tpu.memory_space<vmem>>) target_semaphore(%arg10 : memref<!tpu.dma_semaphore, #tpu.memory_space<semaphore_mem>>)
      %slice3A_962 = vector.extract_strided_slice %get3A_907 {offsets = [3], sizes = [1], strides = [1]} : vector<16xi32> to vector<1xi32>
      %squeeze3A_963 = vector.extract %slice3A_962[0] : i32 from vector<1xi32>
      %and3A_964 = arith.constant -8 : i32
      %and3A_965 = arith.andi %squeeze3A_963, %and3A_964 : i32
      %multiple_of3A_966 = tpu.assume_multiple %and3A_965, 8 : i32
      %dma_start3A_967 = arith.constant 3 : i32
      %dma_start3A_968 = arith.constant 0 : i32
      %dma_start3A_969 = arith.constant 0 : i32
      %dma_start3A_970 = tpu.memref_slice %arg7[%dma_start3A_967, %dma_start3A_968, %dma_start3A_969] : memref<48x8x16xf32, #tpu.memory_space<vmem>> -> memref<1x8x16xf32, #tpu.memory_space<vmem>>
      %dma_start3A_971 = tpu.memref_squeeze %dma_start3A_970 : memref<1x8x16xf32, #tpu.memory_space<vmem>> -> memref<8x16xf32, #tpu.memory_space<vmem>>
      %dma_start3A_972 = arith.constant 0 : i32
      %dma_start3A_973 = tpu.memref_slice %arg3[%multiple_of3A_966, %dma_start3A_972] : memref<1000000x16xf32, #tpu.memory_space<hbm>> -> memref<8x16xf32, #tpu.memory_space<hbm>>
      %dma_start3A_974 = arith.constant 0 : i32
      %dma_start3A_975 = arith.constant 0 : i32
      %dma_start3A_976 = tpu.memref_slice %arg7[%dma_start3A_967, %dma_start3A_974, %dma_start3A_975] : memref<48x8x16xf32, #tpu.memory_space<vmem>> -> memref<1x8x16xf32, #tpu.memory_space<vmem>>
      %dma_start3A_977 = tpu.memref_squeeze %dma_start3A_976 : memref<1x8x16xf32, #tpu.memory_space<vmem>> -> memref<8x16xf32, #tpu.memory_space<vmem>>
      %dma_start3A_978 = arith.constant 0 : i32
      %dma_start3A_979 = tpu.memref_slice %arg3[%multiple_of3A_966, %dma_start3A_978] : memref<1000000x16xf32, #tpu.memory_space<hbm>> -> memref<8x16xf32, #tpu.memory_space<hbm>>
      tpu.enqueue_dma source(%dma_start3A_979 : memref<8x16xf32, #tpu.memory_space<hbm>>) target(%dma_start3A_977 : memref<8x16xf32, #tpu.memory_space<vmem>>) target_semaphore(%arg10 : memref<!tpu.dma_semaphore, #tpu.memory_space<semaphore_mem>>)
      %slice3A_980 = vector.extract_strided_slice %get3A_907 {offsets = [4], sizes = [1], strides = [1]} : vector<16xi32> to vector<1xi32>
      %squeeze3A_981 = vector.extract %slice3A_980[0] : i32 from vector<1xi32>
      %and3A_982 = arith.constant -8 : i32
      %and3A_983 = arith.andi %squeeze3A_981, %and3A_982 : i32
      %multiple_of3A_984 = tpu.assume_multiple %and3A_983, 8 : i32
      %dma_start3A_985 = arith.constant 4 : i32
      %dma_start3A_986 = arith.constant 0 : i32
      %dma_start3A_987 = arith.constant 0 : i32
      %dma_start3A_988 = tpu.memref_slice %arg7[%dma_start3A_985, %dma_start3A_986, %dma_start3A_987] : memref<48x8x16xf32, #tpu.memory_space<vmem>> -> memref<1x8x16xf32, #tpu.memory_space<vmem>>
      %dma_start3A_989 = tpu.memref_squeeze %dma_start3A_988 : memref<1x8x16xf32, #tpu.memory_space<vmem>> -> memref<8x16xf32, #tpu.memory_space<vmem>>
      %dma_start3A_990 = arith.constant 0 : i32
      %dma_start3A_991 = tpu.memref_slice %arg3[%multiple_of3A_984, %dma_start3A_990] : memref<1000000x16xf32, #tpu.memory_space<hbm>> -> memref<8x16xf32, #tpu.memory_space<hbm>>
      %dma_start3A_992 = arith.constant 0 : i32
      %dma_start3A_993 = arith.constant 0 : i32
      %dma_start3A_994 = tpu.memref_slice %arg7[%dma_start3A_985, %dma_start3A_992, %dma_start3A_993] : memref<48x8x16xf32, #tpu.memory_space<vmem>> -> memref<1x8x16xf32, #tpu.memory_space<vmem>>
      %dma_start3A_995 = tpu.memref_squeeze %dma_start3A_994 : memref<1x8x16xf32, #tpu.memory_space<vmem>> -> memref<8x16xf32, #tpu.memory_space<vmem>>
      %dma_start3A_996 = arith.constant 0 : i32
      %dma_start3A_997 = tpu.memref_slice %arg3[%multiple_of3A_984, %dma_start3A_996] : memref<1000000x16xf32, #tpu.memory_space<hbm>> -> memref<8x16xf32, #tpu.memory_space<hbm>>
      tpu.enqueue_dma source(%dma_start3A_997 : memref<8x16xf32, #tpu.memory_space<hbm>>) target(%dma_start3A_995 : memref<8x16xf32, #tpu.memory_space<vmem>>) target_semaphore(%arg10 : memref<!tpu.dma_semaphore, #tpu.memory_space<semaphore_mem>>)
      %slice3A_998 = vector.extract_strided_slice %get3A_907 {offsets = [5], sizes = [1], strides = [1]} : vector<16xi32> to vector<1xi32>
      %squeeze3A_999 = vector.extract %slice3A_998[0] : i32 from vector<1xi32>
      %and3A_1000 = arith.constant -8 : i32
      %and3A_1001 = arith.andi %squeeze3A_999, %and3A_1000 : i32
      %multiple_of3A_1002 = tpu.assume_multiple %and3A_1001, 8 : i32
      %dma_start3A_1003 = arith.constant 5 : i32
      %dma_start3A_1004 = arith.constant 0 : i32
      %dma_start3A_1005 = arith.constant 0 : i32
      %dma_start3A_1006 = tpu.memref_slice %arg7[%dma_start3A_1003, %dma_start3A_1004, %dma_start3A_1005] : memref<48x8x16xf32, #tpu.memory_space<vmem>> -> memref<1x8x16xf32, #tpu.memory_space<vmem>>
      %dma_start3A_1007 = tpu.memref_squeeze %dma_start3A_1006 : memref<1x8x16xf32, #tpu.memory_space<vmem>> -> memref<8x16xf32, #tpu.memory_space<vmem>>
      %dma_start3A_1008 = arith.constant 0 : i32
      %dma_start3A_1009 = tpu.memref_slice %arg3[%multiple_of3A_1002, %dma_start3A_1008] : memref<1000000x16xf32, #tpu.memory_space<hbm>> -> memref<8x16xf32, #tpu.memory_space<hbm>>
      %dma_start3A_1010 = arith.constant 0 : i32
      %dma_start3A_1011 = arith.constant 0 : i32
      %dma_start3A_1012 = tpu.memref_slice %arg7[%dma_start3A_1003, %dma_start3A_1010, %dma_start3A_1011] : memref<48x8x16xf32, #tpu.memory_space<vmem>> -> memref<1x8x16xf32, #tpu.memory_space<vmem>>
      %dma_start3A_1013 = tpu.memref_squeeze %dma_start3A_1012 : memref<1x8x16xf32, #tpu.memory_space<vmem>> -> memref<8x16xf32, #tpu.memory_space<vmem>>
      %dma_start3A_1014 = arith.constant 0 : i32
      %dma_start3A_1015 = tpu.memref_slice %arg3[%multiple_of3A_1002, %dma_start3A_1014] : memref<1000000x16xf32, #tpu.memory_space<hbm>> -> memref<8x16xf32, #tpu.memory_space<hbm>>
      tpu.enqueue_dma source(%dma_start3A_1015 : memref<8x16xf32, #tpu.memory_space<hbm>>) target(%dma_start3A_1013 : memref<8x16xf32, #tpu.memory_space<vmem>>) target_semaphore(%arg10 : memref<!tpu.dma_semaphore, #tpu.memory_space<semaphore_mem>>)
      %slice3A_1016 = vector.extract_strided_slice %get3A_907 {offsets = [6], sizes = [1], strides = [1]} : vector<16xi32> to vector<1xi32>
      %squeeze3A_1017 = vector.extract %slice3A_1016[0] : i32 from vector<1xi32>
      %and3A_1018 = arith.constant -8 : i32
      %and3A_1019 = arith.andi %squeeze3A_1017, %and3A_1018 : i32
      %multiple_of3A_1020 = tpu.assume_multiple %and3A_1019, 8 : i32
      %dma_start3A_1021 = arith.constant 6 : i32
      %dma_start3A_1022 = arith.constant 0 : i32
      %dma_start3A_1023 = arith.constant 0 : i32
      %dma_start3A_1024 = tpu.memref_slice %arg7[%dma_start3A_1021, %dma_start3A_1022, %dma_start3A_1023] : memref<48x8x16xf32, #tpu.memory_space<vmem>> -> memref<1x8x16xf32, #tpu.memory_space<vmem>>
      %dma_start3A_1025 = tpu.memref_squeeze %dma_start3A_1024 : memref<1x8x16xf32, #tpu.memory_space<vmem>> -> memref<8x16xf32, #tpu.memory_space<vmem>>
      %dma_start3A_1026 = arith.constant 0 : i32
      %dma_start3A_1027 = tpu.memref_slice %arg3[%multiple_of3A_1020, %dma_start3A_1026] : memref<1000000x16xf32, #tpu.memory_space<hbm>> -> memref<8x16xf32, #tpu.memory_space<hbm>>
      %dma_start3A_1028 = arith.constant 0 : i32
      %dma_start3A_1029 = arith.constant 0 : i32
      %dma_start3A_1030 = tpu.memref_slice %arg7[%dma_start3A_1021, %dma_start3A_1028, %dma_start3A_1029] : memref<48x8x16xf32, #tpu.memory_space<vmem>> -> memref<1x8x16xf32, #tpu.memory_space<vmem>>
      %dma_start3A_1031 = tpu.memref_squeeze %dma_start3A_1030 : memref<1x8x16xf32, #tpu.memory_space<vmem>> -> memref<8x16xf32, #tpu.memory_space<vmem>>
      %dma_start3A_1032 = arith.constant 0 : i32
      %dma_start3A_1033 = tpu.memref_slice %arg3[%multiple_of3A_1020, %dma_start3A_1032] : memref<1000000x16xf32, #tpu.memory_space<hbm>> -> memref<8x16xf32, #tpu.memory_space<hbm>>
      tpu.enqueue_dma source(%dma_start3A_1033 : memref<8x16xf32, #tpu.memory_space<hbm>>) target(%dma_start3A_1031 : memref<8x16xf32, #tpu.memory_space<vmem>>) target_semaphore(%arg10 : memref<!tpu.dma_semaphore, #tpu.memory_space<semaphore_mem>>)
      %slice3A_1034 = vector.extract_strided_slice %get3A_907 {offsets = [7], sizes = [1], strides = [1]} : vector<16xi32> to vector<1xi32>
      %squeeze3A_1035 = vector.extract %slice3A_1034[0] : i32 from vector<1xi32>
      %and3A_1036 = arith.constant -8 : i32
      %and3A_1037 = arith.andi %squeeze3A_1035, %and3A_1036 : i32
      %multiple_of3A_1038 = tpu.assume_multiple %and3A_1037, 8 : i32
      %dma_start3A_1039 = arith.constant 7 : i32
      %dma_start3A_1040 = arith.constant 0 : i32
      %dma_start3A_1041 = arith.constant 0 : i32
      %dma_start3A_1042 = tpu.memref_slice %arg7[%dma_start3A_1039, %dma_start3A_1040, %dma_start3A_1041] : memref<48x8x16xf32, #tpu.memory_space<vmem>> -> memref<1x8x16xf32, #tpu.memory_space<vmem>>
      %dma_start3A_1043 = tpu.memref_squeeze %dma_start3A_1042 : memref<1x8x16xf32, #tpu.memory_space<vmem>> -> memref<8x16xf32, #tpu.memory_space<vmem>>
      %dma_start3A_1044 = arith.constant 0 : i32
      %dma_start3A_1045 = tpu.memref_slice %arg3[%multiple_of3A_1038, %dma_start3A_1044] : memref<1000000x16xf32, #tpu.memory_space<hbm>> -> memref<8x16xf32, #tpu.memory_space<hbm>>
      %dma_start3A_1046 = arith.constant 0 : i32
      %dma_start3A_1047 = arith.constant 0 : i32
      %dma_start3A_1048 = tpu.memref_slice %arg7[%dma_start3A_1039, %dma_start3A_1046, %dma_start3A_1047] : memref<48x8x16xf32, #tpu.memory_space<vmem>> -> memref<1x8x16xf32, #tpu.memory_space<vmem>>
      %dma_start3A_1049 = tpu.memref_squeeze %dma_start3A_1048 : memref<1x8x16xf32, #tpu.memory_space<vmem>> -> memref<8x16xf32, #tpu.memory_space<vmem>>
      %dma_start3A_1050 = arith.constant 0 : i32
      %dma_start3A_1051 = tpu.memref_slice %arg3[%multiple_of3A_1038, %dma_start3A_1050] : memref<1000000x16xf32, #tpu.memory_space<hbm>> -> memref<8x16xf32, #tpu.memory_space<hbm>>
      tpu.enqueue_dma source(%dma_start3A_1051 : memref<8x16xf32, #tpu.memory_space<hbm>>) target(%dma_start3A_1049 : memref<8x16xf32, #tpu.memory_space<vmem>>) target_semaphore(%arg10 : memref<!tpu.dma_semaphore, #tpu.memory_space<semaphore_mem>>)
      %slice3A_1052 = vector.extract_strided_slice %get3A_907 {offsets = [8], sizes = [1], strides = [1]} : vector<16xi32> to vector<1xi32>
      %squeeze3A_1053 = vector.extract %slice3A_1052[0] : i32 from vector<1xi32>
      %and3A_1054 = arith.constant -8 : i32
      %and3A_1055 = arith.andi %squeeze3A_1053, %and3A_1054 : i32
      %multiple_of3A_1056 = tpu.assume_multiple %and3A_1055, 8 : i32
      %dma_start3A_1057 = arith.constant 8 : i32
      %dma_start3A_1058 = arith.constant 0 : i32
      %dma_start3A_1059 = arith.constant 0 : i32
      %dma_start3A_1060 = tpu.memref_slice %arg7[%dma_start3A_1057, %dma_start3A_1058, %dma_start3A_1059] : memref<48x8x16xf32, #tpu.memory_space<vmem>> -> memref<1x8x16xf32, #tpu.memory_space<vmem>>
      %dma_start3A_1061 = tpu.memref_squeeze %dma_start3A_1060 : memref<1x8x16xf32, #tpu.memory_space<vmem>> -> memref<8x16xf32, #tpu.memory_space<vmem>>
      %dma_start3A_1062 = arith.constant 0 : i32
      %dma_start3A_1063 = tpu.memref_slice %arg3[%multiple_of3A_1056, %dma_start3A_1062] : memref<1000000x16xf32, #tpu.memory_space<hbm>> -> memref<8x16xf32, #tpu.memory_space<hbm>>
      %dma_start3A_1064 = arith.constant 0 : i32
      %dma_start3A_1065 = arith.constant 0 : i32
      %dma_start3A_1066 = tpu.memref_slice %arg7[%dma_start3A_1057, %dma_start3A_1064, %dma_start3A_1065] : memref<48x8x16xf32, #tpu.memory_space<vmem>> -> memref<1x8x16xf32, #tpu.memory_space<vmem>>
      %dma_start3A_1067 = tpu.memref_squeeze %dma_start3A_1066 : memref<1x8x16xf32, #tpu.memory_space<vmem>> -> memref<8x16xf32, #tpu.memory_space<vmem>>
      %dma_start3A_1068 = arith.constant 0 : i32
      %dma_start3A_1069 = tpu.memref_slice %arg3[%multiple_of3A_1056, %dma_start3A_1068] : memref<1000000x16xf32, #tpu.memory_space<hbm>> -> memref<8x16xf32, #tpu.memory_space<hbm>>
      tpu.enqueue_dma source(%dma_start3A_1069 : memref<8x16xf32, #tpu.memory_space<hbm>>) target(%dma_start3A_1067 : memref<8x16xf32, #tpu.memory_space<vmem>>) target_semaphore(%arg10 : memref<!tpu.dma_semaphore, #tpu.memory_space<semaphore_mem>>)
      %slice3A_1070 = vector.extract_strided_slice %get3A_907 {offsets = [9], sizes = [1], strides = [1]} : vector<16xi32> to vector<1xi32>
      %squeeze3A_1071 = vector.extract %slice3A_1070[0] : i32 from vector<1xi32>
      %and3A_1072 = arith.constant -8 : i32
      %and3A_1073 = arith.andi %squeeze3A_1071, %and3A_1072 : i32
      %multiple_of3A_1074 = tpu.assume_multiple %and3A_1073, 8 : i32
      %dma_start3A_1075 = arith.constant 9 : i32
      %dma_start3A_1076 = arith.constant 0 : i32
      %dma_start3A_1077 = arith.constant 0 : i32
      %dma_start3A_1078 = tpu.memref_slice %arg7[%dma_start3A_1075, %dma_start3A_1076, %dma_start3A_1077] : memref<48x8x16xf32, #tpu.memory_space<vmem>> -> memref<1x8x16xf32, #tpu.memory_space<vmem>>
      %dma_start3A_1079 = tpu.memref_squeeze %dma_start3A_1078 : memref<1x8x16xf32, #tpu.memory_space<vmem>> -> memref<8x16xf32, #tpu.memory_space<vmem>>
      %dma_start3A_1080 = arith.constant 0 : i32
      %dma_start3A_1081 = tpu.memref_slice %arg3[%multiple_of3A_1074, %dma_start3A_1080] : memref<1000000x16xf32, #tpu.memory_space<hbm>> -> memref<8x16xf32, #tpu.memory_space<hbm>>
      %dma_start3A_1082 = arith.constant 0 : i32
      %dma_start3A_1083 = arith.constant 0 : i32
      %dma_start3A_1084 = tpu.memref_slice %arg7[%dma_start3A_1075, %dma_start3A_1082, %dma_start3A_1083] : memref<48x8x16xf32, #tpu.memory_space<vmem>> -> memref<1x8x16xf32, #tpu.memory_space<vmem>>
      %dma_start3A_1085 = tpu.memref_squeeze %dma_start3A_1084 : memref<1x8x16xf32, #tpu.memory_space<vmem>> -> memref<8x16xf32, #tpu.memory_space<vmem>>
      %dma_start3A_1086 = arith.constant 0 : i32
      %dma_start3A_1087 = tpu.memref_slice %arg3[%multiple_of3A_1074, %dma_start3A_1086] : memref<1000000x16xf32, #tpu.memory_space<hbm>> -> memref<8x16xf32, #tpu.memory_space<hbm>>
      tpu.enqueue_dma source(%dma_start3A_1087 : memref<8x16xf32, #tpu.memory_space<hbm>>) target(%dma_start3A_1085 : memref<8x16xf32, #tpu.memory_space<vmem>>) target_semaphore(%arg10 : memref<!tpu.dma_semaphore, #tpu.memory_space<semaphore_mem>>)
      %slice3A_1088 = vector.extract_strided_slice %get3A_907 {offsets = [10], sizes = [1], strides = [1]} : vector<16xi32> to vector<1xi32>
      %squeeze3A_1089 = vector.extract %slice3A_1088[0] : i32 from vector<1xi32>
      %and3A_1090 = arith.constant -8 : i32
      %and3A_1091 = arith.andi %squeeze3A_1089, %and3A_1090 : i32
      %multiple_of3A_1092 = tpu.assume_multiple %and3A_1091, 8 : i32
      %dma_start3A_1093 = arith.constant 10 : i32
      %dma_start3A_1094 = arith.constant 0 : i32
      %dma_start3A_1095 = arith.constant 0 : i32
      %dma_start3A_1096 = tpu.memref_slice %arg7[%dma_start3A_1093, %dma_start3A_1094, %dma_start3A_1095] : memref<48x8x16xf32, #tpu.memory_space<vmem>> -> memref<1x8x16xf32, #tpu.memory_space<vmem>>
      %dma_start3A_1097 = tpu.memref_squeeze %dma_start3A_1096 : memref<1x8x16xf32, #tpu.memory_space<vmem>> -> memref<8x16xf32, #tpu.memory_space<vmem>>
      %dma_start3A_1098 = arith.constant 0 : i32
      %dma_start3A_1099 = tpu.memref_slice %arg3[%multiple_of3A_1092, %dma_start3A_1098] : memref<1000000x16xf32, #tpu.memory_space<hbm>> -> memref<8x16xf32, #tpu.memory_space<hbm>>
      %dma_start3A_1100 = arith.constant 0 : i32
      %dma_start3A_1101 = arith.constant 0 : i32
      %dma_start3A_1102 = tpu.memref_slice %arg7[%dma_start3A_1093, %dma_start3A_1100, %dma_start3A_1101] : memref<48x8x16xf32, #tpu.memory_space<vmem>> -> memref<1x8x16xf32, #tpu.memory_space<vmem>>
      %dma_start3A_1103 = tpu.memref_squeeze %dma_start3A_1102 : memref<1x8x16xf32, #tpu.memory_space<vmem>> -> memref<8x16xf32, #tpu.memory_space<vmem>>
      %dma_start3A_1104 = arith.constant 0 : i32
      %dma_start3A_1105 = tpu.memref_slice %arg3[%multiple_of3A_1092, %dma_start3A_1104] : memref<1000000x16xf32, #tpu.memory_space<hbm>> -> memref<8x16xf32, #tpu.memory_space<hbm>>
      tpu.enqueue_dma source(%dma_start3A_1105 : memref<8x16xf32, #tpu.memory_space<hbm>>) target(%dma_start3A_1103 : memref<8x16xf32, #tpu.memory_space<vmem>>) target_semaphore(%arg10 : memref<!tpu.dma_semaphore, #tpu.memory_space<semaphore_mem>>)
      %slice3A_1106 = vector.extract_strided_slice %get3A_907 {offsets = [11], sizes = [1], strides = [1]} : vector<16xi32> to vector<1xi32>
      %squeeze3A_1107 = vector.extract %slice3A_1106[0] : i32 from vector<1xi32>
      %and3A_1108 = arith.constant -8 : i32
      %and3A_1109 = arith.andi %squeeze3A_1107, %and3A_1108 : i32
      %multiple_of3A_1110 = tpu.assume_multiple %and3A_1109, 8 : i32
      %dma_start3A_1111 = arith.constant 11 : i32
      %dma_start3A_1112 = arith.constant 0 : i32
      %dma_start3A_1113 = arith.constant 0 : i32
      %dma_start3A_1114 = tpu.memref_slice %arg7[%dma_start3A_1111, %dma_start3A_1112, %dma_start3A_1113] : memref<48x8x16xf32, #tpu.memory_space<vmem>> -> memref<1x8x16xf32, #tpu.memory_space<vmem>>
      %dma_start3A_1115 = tpu.memref_squeeze %dma_start3A_1114 : memref<1x8x16xf32, #tpu.memory_space<vmem>> -> memref<8x16xf32, #tpu.memory_space<vmem>>
      %dma_start3A_1116 = arith.constant 0 : i32
      %dma_start3A_1117 = tpu.memref_slice %arg3[%multiple_of3A_1110, %dma_start3A_1116] : memref<1000000x16xf32, #tpu.memory_space<hbm>> -> memref<8x16xf32, #tpu.memory_space<hbm>>
      %dma_start3A_1118 = arith.constant 0 : i32
      %dma_start3A_1119 = arith.constant 0 : i32
      %dma_start3A_1120 = tpu.memref_slice %arg7[%dma_start3A_1111, %dma_start3A_1118, %dma_start3A_1119] : memref<48x8x16xf32, #tpu.memory_space<vmem>> -> memref<1x8x16xf32, #tpu.memory_space<vmem>>
      %dma_start3A_1121 = tpu.memref_squeeze %dma_start3A_1120 : memref<1x8x16xf32, #tpu.memory_space<vmem>> -> memref<8x16xf32, #tpu.memory_space<vmem>>
      %dma_start3A_1122 = arith.constant 0 : i32
      %dma_start3A_1123 = tpu.memref_slice %arg3[%multiple_of3A_1110, %dma_start3A_1122] : memref<1000000x16xf32, #tpu.memory_space<hbm>> -> memref<8x16xf32, #tpu.memory_space<hbm>>
      tpu.enqueue_dma source(%dma_start3A_1123 : memref<8x16xf32, #tpu.memory_space<hbm>>) target(%dma_start3A_1121 : memref<8x16xf32, #tpu.memory_space<vmem>>) target_semaphore(%arg10 : memref<!tpu.dma_semaphore, #tpu.memory_space<semaphore_mem>>)
      %slice3A_1124 = vector.extract_strided_slice %get3A_907 {offsets = [12], sizes = [1], strides = [1]} : vector<16xi32> to vector<1xi32>
      %squeeze3A_1125 = vector.extract %slice3A_1124[0] : i32 from vector<1xi32>
      %and3A_1126 = arith.constant -8 : i32
      %and3A_1127 = arith.andi %squeeze3A_1125, %and3A_1126 : i32
      %multiple_of3A_1128 = tpu.assume_multiple %and3A_1127, 8 : i32
      %dma_start3A_1129 = arith.constant 12 : i32
      %dma_start3A_1130 = arith.constant 0 : i32
      %dma_start3A_1131 = arith.constant 0 : i32
      %dma_start3A_1132 = tpu.memref_slice %arg7[%dma_start3A_1129, %dma_start3A_1130, %dma_start3A_1131] : memref<48x8x16xf32, #tpu.memory_space<vmem>> -> memref<1x8x16xf32, #tpu.memory_space<vmem>>
      %dma_start3A_1133 = tpu.memref_squeeze %dma_start3A_1132 : memref<1x8x16xf32, #tpu.memory_space<vmem>> -> memref<8x16xf32, #tpu.memory_space<vmem>>
      %dma_start3A_1134 = arith.constant 0 : i32
      %dma_start3A_1135 = tpu.memref_slice %arg3[%multiple_of3A_1128, %dma_start3A_1134] : memref<1000000x16xf32, #tpu.memory_space<hbm>> -> memref<8x16xf32, #tpu.memory_space<hbm>>
      %dma_start3A_1136 = arith.constant 0 : i32
      %dma_start3A_1137 = arith.constant 0 : i32
      %dma_start3A_1138 = tpu.memref_slice %arg7[%dma_start3A_1129, %dma_start3A_1136, %dma_start3A_1137] : memref<48x8x16xf32, #tpu.memory_space<vmem>> -> memref<1x8x16xf32, #tpu.memory_space<vmem>>
      %dma_start3A_1139 = tpu.memref_squeeze %dma_start3A_1138 : memref<1x8x16xf32, #tpu.memory_space<vmem>> -> memref<8x16xf32, #tpu.memory_space<vmem>>
      %dma_start3A_1140 = arith.constant 0 : i32
      %dma_start3A_1141 = tpu.memref_slice %arg3[%multiple_of3A_1128, %dma_start3A_1140] : memref<1000000x16xf32, #tpu.memory_space<hbm>> -> memref<8x16xf32, #tpu.memory_space<hbm>>
      tpu.enqueue_dma source(%dma_start3A_1141 : memref<8x16xf32, #tpu.memory_space<hbm>>) target(%dma_start3A_1139 : memref<8x16xf32, #tpu.memory_space<vmem>>) target_semaphore(%arg10 : memref<!tpu.dma_semaphore, #tpu.memory_space<semaphore_mem>>)
      %slice3A_1142 = vector.extract_strided_slice %get3A_907 {offsets = [13], sizes = [1], strides = [1]} : vector<16xi32> to vector<1xi32>
      %squeeze3A_1143 = vector.extract %slice3A_1142[0] : i32 from vector<1xi32>
      %and3A_1144 = arith.constant -8 : i32
      %and3A_1145 = arith.andi %squeeze3A_1143, %and3A_1144 : i32
      %multiple_of3A_1146 = tpu.assume_multiple %and3A_1145, 8 : i32
      %dma_start3A_1147 = arith.constant 13 : i32
      %dma_start3A_1148 = arith.constant 0 : i32
      %dma_start3A_1149 = arith.constant 0 : i32
      %dma_start3A_1150 = tpu.memref_slice %arg7[%dma_start3A_1147, %dma_start3A_1148, %dma_start3A_1149] : memref<48x8x16xf32, #tpu.memory_space<vmem>> -> memref<1x8x16xf32, #tpu.memory_space<vmem>>
      %dma_start3A_1151 = tpu.memref_squeeze %dma_start3A_1150 : memref<1x8x16xf32, #tpu.memory_space<vmem>> -> memref<8x16xf32, #tpu.memory_space<vmem>>
      %dma_start3A_1152 = arith.constant 0 : i32
      %dma_start3A_1153 = tpu.memref_slice %arg3[%multiple_of3A_1146, %dma_start3A_1152] : memref<1000000x16xf32, #tpu.memory_space<hbm>> -> memref<8x16xf32, #tpu.memory_space<hbm>>
      %dma_start3A_1154 = arith.constant 0 : i32
      %dma_start3A_1155 = arith.constant 0 : i32
      %dma_start3A_1156 = tpu.memref_slice %arg7[%dma_start3A_1147, %dma_start3A_1154, %dma_start3A_1155] : memref<48x8x16xf32, #tpu.memory_space<vmem>> -> memref<1x8x16xf32, #tpu.memory_space<vmem>>
      %dma_start3A_1157 = tpu.memref_squeeze %dma_start3A_1156 : memref<1x8x16xf32, #tpu.memory_space<vmem>> -> memref<8x16xf32, #tpu.memory_space<vmem>>
      %dma_start3A_1158 = arith.constant 0 : i32
      %dma_start3A_1159 = tpu.memref_slice %arg3[%multiple_of3A_1146, %dma_start3A_1158] : memref<1000000x16xf32, #tpu.memory_space<hbm>> -> memref<8x16xf32, #tpu.memory_space<hbm>>
      tpu.enqueue_dma source(%dma_start3A_1159 : memref<8x16xf32, #tpu.memory_space<hbm>>) target(%dma_start3A_1157 : memref<8x16xf32, #tpu.memory_space<vmem>>) target_semaphore(%arg10 : memref<!tpu.dma_semaphore, #tpu.memory_space<semaphore_mem>>)
      %slice3A_1160 = vector.extract_strided_slice %get3A_907 {offsets = [14], sizes = [1], strides = [1]} : vector<16xi32> to vector<1xi32>
      %squeeze3A_1161 = vector.extract %slice3A_1160[0] : i32 from vector<1xi32>
      %and3A_1162 = arith.constant -8 : i32
      %and3A_1163 = arith.andi %squeeze3A_1161, %and3A_1162 : i32
      %multiple_of3A_1164 = tpu.assume_multiple %and3A_1163, 8 : i32
      %dma_start3A_1165 = arith.constant 14 : i32
      %dma_start3A_1166 = arith.constant 0 : i32
      %dma_start3A_1167 = arith.constant 0 : i32
      %dma_start3A_1168 = tpu.memref_slice %arg7[%dma_start3A_1165, %dma_start3A_1166, %dma_start3A_1167] : memref<48x8x16xf32, #tpu.memory_space<vmem>> -> memref<1x8x16xf32, #tpu.memory_space<vmem>>
      %dma_start3A_1169 = tpu.memref_squeeze %dma_start3A_1168 : memref<1x8x16xf32, #tpu.memory_space<vmem>> -> memref<8x16xf32, #tpu.memory_space<vmem>>
      %dma_start3A_1170 = arith.constant 0 : i32
      %dma_start3A_1171 = tpu.memref_slice %arg3[%multiple_of3A_1164, %dma_start3A_1170] : memref<1000000x16xf32, #tpu.memory_space<hbm>> -> memref<8x16xf32, #tpu.memory_space<hbm>>
      %dma_start3A_1172 = arith.constant 0 : i32
      %dma_start3A_1173 = arith.constant 0 : i32
      %dma_start3A_1174 = tpu.memref_slice %arg7[%dma_start3A_1165, %dma_start3A_1172, %dma_start3A_1173] : memref<48x8x16xf32, #tpu.memory_space<vmem>> -> memref<1x8x16xf32, #tpu.memory_space<vmem>>
      %dma_start3A_1175 = tpu.memref_squeeze %dma_start3A_1174 : memref<1x8x16xf32, #tpu.memory_space<vmem>> -> memref<8x16xf32, #tpu.memory_space<vmem>>
      %dma_start3A_1176 = arith.constant 0 : i32
      %dma_start3A_1177 = tpu.memref_slice %arg3[%multiple_of3A_1164, %dma_start3A_1176] : memref<1000000x16xf32, #tpu.memory_space<hbm>> -> memref<8x16xf32, #tpu.memory_space<hbm>>
      tpu.enqueue_dma source(%dma_start3A_1177 : memref<8x16xf32, #tpu.memory_space<hbm>>) target(%dma_start3A_1175 : memref<8x16xf32, #tpu.memory_space<vmem>>) target_semaphore(%arg10 : memref<!tpu.dma_semaphore, #tpu.memory_space<semaphore_mem>>)
      %slice3A_1178 = vector.extract_strided_slice %get3A_907 {offsets = [15], sizes = [1], strides = [1]} : vector<16xi32> to vector<1xi32>
      %squeeze3A_1179 = vector.extract %slice3A_1178[0] : i32 from vector<1xi32>
      %and3A_1180 = arith.constant -8 : i32
      %and3A_1181 = arith.andi %squeeze3A_1179, %and3A_1180 : i32
      %multiple_of3A_1182 = tpu.assume_multiple %and3A_1181, 8 : i32
      %dma_start3A_1183 = arith.constant 15 : i32
      %dma_start3A_1184 = arith.constant 0 : i32
      %dma_start3A_1185 = arith.constant 0 : i32
      %dma_start3A_1186 = tpu.memref_slice %arg7[%dma_start3A_1183, %dma_start3A_1184, %dma_start3A_1185] : memref<48x8x16xf32, #tpu.memory_space<vmem>> -> memref<1x8x16xf32, #tpu.memory_space<vmem>>
      %dma_start3A_1187 = tpu.memref_squeeze %dma_start3A_1186 : memref<1x8x16xf32, #tpu.memory_space<vmem>> -> memref<8x16xf32, #tpu.memory_space<vmem>>
      %dma_start3A_1188 = arith.constant 0 : i32
      %dma_start3A_1189 = tpu.memref_slice %arg3[%multiple_of3A_1182, %dma_start3A_1188] : memref<1000000x16xf32, #tpu.memory_space<hbm>> -> memref<8x16xf32, #tpu.memory_space<hbm>>
      %dma_start3A_1190 = arith.constant 0 : i32
      %dma_start3A_1191 = arith.constant 0 : i32
      %dma_start3A_1192 = tpu.memref_slice %arg7[%dma_start3A_1183, %dma_start3A_1190, %dma_start3A_1191] : memref<48x8x16xf32, #tpu.memory_space<vmem>> -> memref<1x8x16xf32, #tpu.memory_space<vmem>>
      %dma_start3A_1193 = tpu.memref_squeeze %dma_start3A_1192 : memref<1x8x16xf32, #tpu.memory_space<vmem>> -> memref<8x16xf32, #tpu.memory_space<vmem>>
      %dma_start3A_1194 = arith.constant 0 : i32
      %dma_start3A_1195 = tpu.memref_slice %arg3[%multiple_of3A_1182, %dma_start3A_1194] : memref<1000000x16xf32, #tpu.memory_space<hbm>> -> memref<8x16xf32, #tpu.memory_space<hbm>>
      tpu.enqueue_dma source(%dma_start3A_1195 : memref<8x16xf32, #tpu.memory_space<hbm>>) target(%dma_start3A_1193 : memref<8x16xf32, #tpu.memory_space<vmem>>) target_semaphore(%arg10 : memref<!tpu.dma_semaphore, #tpu.memory_space<semaphore_mem>>)
      %add3A_1196 = arith.constant 16 : i32
      %add3A_1197 = arith.addi %mul3A_898, %add3A_1196 : i32
      %shift_right_arithmetic3A_1198 = arith.constant 7 : i32
      %shift_right_arithmetic3A_1199 = arith.shrsi %add3A_1197, %shift_right_arithmetic3A_1198 : i32
      %and3A_1200 = arith.constant 127 : i32
      %and3A_1201 = arith.andi %add3A_1197, %and3A_1200 : i32
      %get3A_1202 = arith.index_cast %shift_right_arithmetic3A_1199 : i32 to index
      %get3A_1203 = arith.index_cast %and3A_1201 : i32 to index
      %get3A_1204 = tpu.vector_load %arg5[%get3A_1202, %get3A_1203] {strides = array<i32>} : memref<12x128xi32, #tpu.memory_space<vmem>>, vector<16xi32>,
      %slice3A_1205 = vector.extract_strided_slice %get3A_1204 {offsets = [0], sizes = [1], strides = [1]} : vector<16xi32> to vector<1xi32>
      %squeeze3A_1206 = vector.extract %slice3A_1205[0] : i32 from vector<1xi32>
      %and3A_1207 = arith.constant -8 : i32
      %and3A_1208 = arith.andi %squeeze3A_1206, %and3A_1207 : i32
      %multiple_of3A_1209 = tpu.assume_multiple %and3A_1208, 8 : i32
      %dma_start3A_1210 = arith.constant 16 : i32
      %dma_start3A_1211 = arith.constant 0 : i32
      %dma_start3A_1212 = arith.constant 0 : i32
      %dma_start3A_1213 = tpu.memref_slice %arg7[%dma_start3A_1210, %dma_start3A_1211, %dma_start3A_1212] : memref<48x8x16xf32, #tpu.memory_space<vmem>> -> memref<1x8x16xf32, #tpu.memory_space<vmem>>
      %dma_start3A_1214 = tpu.memref_squeeze %dma_start3A_1213 : memref<1x8x16xf32, #tpu.memory_space<vmem>> -> memref<8x16xf32, #tpu.memory_space<vmem>>
      %dma_start3A_1215 = arith.constant 0 : i32
      %dma_start3A_1216 = tpu.memref_slice %arg3[%multiple_of3A_1209, %dma_start3A_1215] : memref<1000000x16xf32, #tpu.memory_space<hbm>> -> memref<8x16xf32, #tpu.memory_space<hbm>>
      %dma_start3A_1217 = arith.constant 0 : i32
      %dma_start3A_1218 = arith.constant 0 : i32
      %dma_start3A_1219 = tpu.memref_slice %arg7[%dma_start3A_1210, %dma_start3A_1217, %dma_start3A_1218] : memref<48x8x16xf32, #tpu.memory_space<vmem>> -> memref<1x8x16xf32, #tpu.memory_space<vmem>>
      %dma_start3A_1220 = tpu.memref_squeeze %dma_start3A_1219 : memref<1x8x16xf32, #tpu.memory_space<vmem>> -> memref<8x16xf32, #tpu.memory_space<vmem>>
      %dma_start3A_1221 = arith.constant 0 : i32
      %dma_start3A_1222 = tpu.memref_slice %arg3[%multiple_of3A_1209, %dma_start3A_1221] : memref<1000000x16xf32, #tpu.memory_space<hbm>> -> memref<8x16xf32, #tpu.memory_space<hbm>>
      tpu.enqueue_dma source(%dma_start3A_1222 : memref<8x16xf32, #tpu.memory_space<hbm>>) target(%dma_start3A_1220 : memref<8x16xf32, #tpu.memory_space<vmem>>) target_semaphore(%arg10 : memref<!tpu.dma_semaphore, #tpu.memory_space<semaphore_mem>>)
      %slice3A_1223 = vector.extract_strided_slice %get3A_1204 {offsets = [1], sizes = [1], strides = [1]} : vector<16xi32> to vector<1xi32>
      %squeeze3A_1224 = vector.extract %slice3A_1223[0] : i32 from vector<1xi32>
      %and3A_1225 = arith.constant -8 : i32
      %and3A_1226 = arith.andi %squeeze3A_1224, %and3A_1225 : i32
      %multiple_of3A_1227 = tpu.assume_multiple %and3A_1226, 8 : i32
      %dma_start3A_1228 = arith.constant 17 : i32
      %dma_start3A_1229 = arith.constant 0 : i32
      %dma_start3A_1230 = arith.constant 0 : i32
      %dma_start3A_1231 = tpu.memref_slice %arg7[%dma_start3A_1228, %dma_start3A_1229, %dma_start3A_1230] : memref<48x8x16xf32, #tpu.memory_space<vmem>> -> memref<1x8x16xf32, #tpu.memory_space<vmem>>
      %dma_start3A_1232 = tpu.memref_squeeze %dma_start3A_1231 : memref<1x8x16xf32, #tpu.memory_space<vmem>> -> memref<8x16xf32, #tpu.memory_space<vmem>>
      %dma_start3A_1233 = arith.constant 0 : i32
      %dma_start3A_1234 = tpu.memref_slice %arg3[%multiple_of3A_1227, %dma_start3A_1233] : memref<1000000x16xf32, #tpu.memory_space<hbm>> -> memref<8x16xf32, #tpu.memory_space<hbm>>
      %dma_start3A_1235 = arith.constant 0 : i32
      %dma_start3A_1236 = arith.constant 0 : i32
      %dma_start3A_1237 = tpu.memref_slice %arg7[%dma_start3A_1228, %dma_start3A_1235, %dma_start3A_1236] : memref<48x8x16xf32, #tpu.memory_space<vmem>> -> memref<1x8x16xf32, #tpu.memory_space<vmem>>
      %dma_start3A_1238 = tpu.memref_squeeze %dma_start3A_1237 : memref<1x8x16xf32, #tpu.memory_space<vmem>> -> memref<8x16xf32, #tpu.memory_space<vmem>>
      %dma_start3A_1239 = arith.constant 0 : i32
      %dma_start3A_1240 = tpu.memref_slice %arg3[%multiple_of3A_1227, %dma_start3A_1239] : memref<1000000x16xf32, #tpu.memory_space<hbm>> -> memref<8x16xf32, #tpu.memory_space<hbm>>
      tpu.enqueue_dma source(%dma_start3A_1240 : memref<8x16xf32, #tpu.memory_space<hbm>>) target(%dma_start3A_1238 : memref<8x16xf32, #tpu.memory_space<vmem>>) target_semaphore(%arg10 : memref<!tpu.dma_semaphore, #tpu.memory_space<semaphore_mem>>)
      %slice3A_1241 = vector.extract_strided_slice %get3A_1204 {offsets = [2], sizes = [1], strides = [1]} : vector<16xi32> to vector<1xi32>
      %squeeze3A_1242 = vector.extract %slice3A_1241[0] : i32 from vector<1xi32>
      %and3A_1243 = arith.constant -8 : i32
      %and3A_1244 = arith.andi %squeeze3A_1242, %and3A_1243 : i32
      %multiple_of3A_1245 = tpu.assume_multiple %and3A_1244, 8 : i32
      %dma_start3A_1246 = arith.constant 18 : i32
      %dma_start3A_1247 = arith.constant 0 : i32
      %dma_start3A_1248 = arith.constant 0 : i32
      %dma_start3A_1249 = tpu.memref_slice %arg7[%dma_start3A_1246, %dma_start3A_1247, %dma_start3A_1248] : memref<48x8x16xf32, #tpu.memory_space<vmem>> -> memref<1x8x16xf32, #tpu.memory_space<vmem>>
      %dma_start3A_1250 = tpu.memref_squeeze %dma_start3A_1249 : memref<1x8x16xf32, #tpu.memory_space<vmem>> -> memref<8x16xf32, #tpu.memory_space<vmem>>
      %dma_start3A_1251 = arith.constant 0 : i32
      %dma_start3A_1252 = tpu.memref_slice %arg3[%multiple_of3A_1245, %dma_start3A_1251] : memref<1000000x16xf32, #tpu.memory_space<hbm>> -> memref<8x16xf32, #tpu.memory_space<hbm>>
      %dma_start3A_1253 = arith.constant 0 : i32
      %dma_start3A_1254 = arith.constant 0 : i32
      %dma_start3A_1255 = tpu.memref_slice %arg7[%dma_start3A_1246, %dma_start3A_1253, %dma_start3A_1254] : memref<48x8x16xf32, #tpu.memory_space<vmem>> -> memref<1x8x16xf32, #tpu.memory_space<vmem>>
      %dma_start3A_1256 = tpu.memref_squeeze %dma_start3A_1255 : memref<1x8x16xf32, #tpu.memory_space<vmem>> -> memref<8x16xf32, #tpu.memory_space<vmem>>
      %dma_start3A_1257 = arith.constant 0 : i32
      %dma_start3A_1258 = tpu.memref_slice %arg3[%multiple_of3A_1245, %dma_start3A_1257] : memref<1000000x16xf32, #tpu.memory_space<hbm>> -> memref<8x16xf32, #tpu.memory_space<hbm>>
      tpu.enqueue_dma source(%dma_start3A_1258 : memref<8x16xf32, #tpu.memory_space<hbm>>) target(%dma_start3A_1256 : memref<8x16xf32, #tpu.memory_space<vmem>>) target_semaphore(%arg10 : memref<!tpu.dma_semaphore, #tpu.memory_space<semaphore_mem>>)
      %slice3A_1259 = vector.extract_strided_slice %get3A_1204 {offsets = [3], sizes = [1], strides = [1]} : vector<16xi32> to vector<1xi32>
      %squeeze3A_1260 = vector.extract %slice3A_1259[0] : i32 from vector<1xi32>
      %and3A_1261 = arith.constant -8 : i32
      %and3A_1262 = arith.andi %squeeze3A_1260, %and3A_1261 : i32
      %multiple_of3A_1263 = tpu.assume_multiple %and3A_1262, 8 : i32
      %dma_start3A_1264 = arith.constant 19 : i32
      %dma_start3A_1265 = arith.constant 0 : i32
      %dma_start3A_1266 = arith.constant 0 : i32
      %dma_start3A_1267 = tpu.memref_slice %arg7[%dma_start3A_1264, %dma_start3A_1265, %dma_start3A_1266] : memref<48x8x16xf32, #tpu.memory_space<vmem>> -> memref<1x8x16xf32, #tpu.memory_space<vmem>>
      %dma_start3A_1268 = tpu.memref_squeeze %dma_start3A_1267 : memref<1x8x16xf32, #tpu.memory_space<vmem>> -> memref<8x16xf32, #tpu.memory_space<vmem>>
      %dma_start3A_1269 = arith.constant 0 : i32
      %dma_start3A_1270 = tpu.memref_slice %arg3[%multiple_of3A_1263, %dma_start3A_1269] : memref<1000000x16xf32, #tpu.memory_space<hbm>> -> memref<8x16xf32, #tpu.memory_space<hbm>>
      %dma_start3A_1271 = arith.constant 0 : i32
      %dma_start3A_1272 = arith.constant 0 : i32
      %dma_start3A_1273 = tpu.memref_slice %arg7[%dma_start3A_1264, %dma_start3A_1271, %dma_start3A_1272] : memref<48x8x16xf32, #tpu.memory_space<vmem>> -> memref<1x8x16xf32, #tpu.memory_space<vmem>>
      %dma_start3A_1274 = tpu.memref_squeeze %dma_start3A_1273 : memref<1x8x16xf32, #tpu.memory_space<vmem>> -> memref<8x16xf32, #tpu.memory_space<vmem>>
      %dma_start3A_1275 = arith.constant 0 : i32
      %dma_start3A_1276 = tpu.memref_slice %arg3[%multiple_of3A_1263, %dma_start3A_1275] : memref<1000000x16xf32, #tpu.memory_space<hbm>> -> memref<8x16xf32, #tpu.memory_space<hbm>>
      tpu.enqueue_dma source(%dma_start3A_1276 : memref<8x16xf32, #tpu.memory_space<hbm>>) target(%dma_start3A_1274 : memref<8x16xf32, #tpu.memory_space<vmem>>) target_semaphore(%arg10 : memref<!tpu.dma_semaphore, #tpu.memory_space<semaphore_mem>>)
      %slice3A_1277 = vector.extract_strided_slice %get3A_1204 {offsets = [4], sizes = [1], strides = [1]} : vector<16xi32> to vector<1xi32>
      %squeeze3A_1278 = vector.extract %slice3A_1277[0] : i32 from vector<1xi32>
      %and3A_1279 = arith.constant -8 : i32
      %and3A_1280 = arith.andi %squeeze3A_1278, %and3A_1279 : i32
      %multiple_of3A_1281 = tpu.assume_multiple %and3A_1280, 8 : i32
      %dma_start3A_1282 = arith.constant 20 : i32
      %dma_start3A_1283 = arith.constant 0 : i32
      %dma_start3A_1284 = arith.constant 0 : i32
      %dma_start3A_1285 = tpu.memref_slice %arg7[%dma_start3A_1282, %dma_start3A_1283, %dma_start3A_1284] : memref<48x8x16xf32, #tpu.memory_space<vmem>> -> memref<1x8x16xf32, #tpu.memory_space<vmem>>
      %dma_start3A_1286 = tpu.memref_squeeze %dma_start3A_1285 : memref<1x8x16xf32, #tpu.memory_space<vmem>> -> memref<8x16xf32, #tpu.memory_space<vmem>>
      %dma_start3A_1287 = arith.constant 0 : i32
      %dma_start3A_1288 = tpu.memref_slice %arg3[%multiple_of3A_1281, %dma_start3A_1287] : memref<1000000x16xf32, #tpu.memory_space<hbm>> -> memref<8x16xf32, #tpu.memory_space<hbm>>
      %dma_start3A_1289 = arith.constant 0 : i32
      %dma_start3A_1290 = arith.constant 0 : i32
      %dma_start3A_1291 = tpu.memref_slice %arg7[%dma_start3A_1282, %dma_start3A_1289, %dma_start3A_1290] : memref<48x8x16xf32, #tpu.memory_space<vmem>> -> memref<1x8x16xf32, #tpu.memory_space<vmem>>
      %dma_start3A_1292 = tpu.memref_squeeze %dma_start3A_1291 : memref<1x8x16xf32, #tpu.memory_space<vmem>> -> memref<8x16xf32, #tpu.memory_space<vmem>>
      %dma_start3A_1293 = arith.constant 0 : i32
      %dma_start3A_1294 = tpu.memref_slice %arg3[%multiple_of3A_1281, %dma_start3A_1293] : memref<1000000x16xf32, #tpu.memory_space<hbm>> -> memref<8x16xf32, #tpu.memory_space<hbm>>
      tpu.enqueue_dma source(%dma_start3A_1294 : memref<8x16xf32, #tpu.memory_space<hbm>>) target(%dma_start3A_1292 : memref<8x16xf32, #tpu.memory_space<vmem>>) target_semaphore(%arg10 : memref<!tpu.dma_semaphore, #tpu.memory_space<semaphore_mem>>)
      %slice3A_1295 = vector.extract_strided_slice %get3A_1204 {offsets = [5], sizes = [1], strides = [1]} : vector<16xi32> to vector<1xi32>
      %squeeze3A_1296 = vector.extract %slice3A_1295[0] : i32 from vector<1xi32>
      %and3A_1297 = arith.constant -8 : i32
      %and3A_1298 = arith.andi %squeeze3A_1296, %and3A_1297 : i32
      %multiple_of3A_1299 = tpu.assume_multiple %and3A_1298, 8 : i32
      %dma_start3A_1300 = arith.constant 21 : i32
      %dma_start3A_1301 = arith.constant 0 : i32
      %dma_start3A_1302 = arith.constant 0 : i32
      %dma_start3A_1303 = tpu.memref_slice %arg7[%dma_start3A_1300, %dma_start3A_1301, %dma_start3A_1302] : memref<48x8x16xf32, #tpu.memory_space<vmem>> -> memref<1x8x16xf32, #tpu.memory_space<vmem>>
      %dma_start3A_1304 = tpu.memref_squeeze %dma_start3A_1303 : memref<1x8x16xf32, #tpu.memory_space<vmem>> -> memref<8x16xf32, #tpu.memory_space<vmem>>
      %dma_start3A_1305 = arith.constant 0 : i32
      %dma_start3A_1306 = tpu.memref_slice %arg3[%multiple_of3A_1299, %dma_start3A_1305] : memref<1000000x16xf32, #tpu.memory_space<hbm>> -> memref<8x16xf32, #tpu.memory_space<hbm>>
      %dma_start3A_1307 = arith.constant 0 : i32
      %dma_start3A_1308 = arith.constant 0 : i32
      %dma_start3A_1309 = tpu.memref_slice %arg7[%dma_start3A_1300, %dma_start3A_1307, %dma_start3A_1308] : memref<48x8x16xf32, #tpu.memory_space<vmem>> -> memref<1x8x16xf32, #tpu.memory_space<vmem>>
      %dma_start3A_1310 = tpu.memref_squeeze %dma_start3A_1309 : memref<1x8x16xf32, #tpu.memory_space<vmem>> -> memref<8x16xf32, #tpu.memory_space<vmem>>
      %dma_start3A_1311 = arith.constant 0 : i32
      %dma_start3A_1312 = tpu.memref_slice %arg3[%multiple_of3A_1299, %dma_start3A_1311] : memref<1000000x16xf32, #tpu.memory_space<hbm>> -> memref<8x16xf32, #tpu.memory_space<hbm>>
      tpu.enqueue_dma source(%dma_start3A_1312 : memref<8x16xf32, #tpu.memory_space<hbm>>) target(%dma_start3A_1310 : memref<8x16xf32, #tpu.memory_space<vmem>>) target_semaphore(%arg10 : memref<!tpu.dma_semaphore, #tpu.memory_space<semaphore_mem>>)
      %slice3A_1313 = vector.extract_strided_slice %get3A_1204 {offsets = [6], sizes = [1], strides = [1]} : vector<16xi32> to vector<1xi32>
      %squeeze3A_1314 = vector.extract %slice3A_1313[0] : i32 from vector<1xi32>
      %and3A_1315 = arith.constant -8 : i32
      %and3A_1316 = arith.andi %squeeze3A_1314, %and3A_1315 : i32
      %multiple_of3A_1317 = tpu.assume_multiple %and3A_1316, 8 : i32
      %dma_start3A_1318 = arith.constant 22 : i32
      %dma_start3A_1319 = arith.constant 0 : i32
      %dma_start3A_1320 = arith.constant 0 : i32
      %dma_start3A_1321 = tpu.memref_slice %arg7[%dma_start3A_1318, %dma_start3A_1319, %dma_start3A_1320] : memref<48x8x16xf32, #tpu.memory_space<vmem>> -> memref<1x8x16xf32, #tpu.memory_space<vmem>>
      %dma_start3A_1322 = tpu.memref_squeeze %dma_start3A_1321 : memref<1x8x16xf32, #tpu.memory_space<vmem>> -> memref<8x16xf32, #tpu.memory_space<vmem>>
      %dma_start3A_1323 = arith.constant 0 : i32
      %dma_start3A_1324 = tpu.memref_slice %arg3[%multiple_of3A_1317, %dma_start3A_1323] : memref<1000000x16xf32, #tpu.memory_space<hbm>> -> memref<8x16xf32, #tpu.memory_space<hbm>>
      %dma_start3A_1325 = arith.constant 0 : i32
      %dma_start3A_1326 = arith.constant 0 : i32
      %dma_start3A_1327 = tpu.memref_slice %arg7[%dma_start3A_1318, %dma_start3A_1325, %dma_start3A_1326] : memref<48x8x16xf32, #tpu.memory_space<vmem>> -> memref<1x8x16xf32, #tpu.memory_space<vmem>>
      %dma_start3A_1328 = tpu.memref_squeeze %dma_start3A_1327 : memref<1x8x16xf32, #tpu.memory_space<vmem>> -> memref<8x16xf32, #tpu.memory_space<vmem>>
      %dma_start3A_1329 = arith.constant 0 : i32
      %dma_start3A_1330 = tpu.memref_slice %arg3[%multiple_of3A_1317, %dma_start3A_1329] : memref<1000000x16xf32, #tpu.memory_space<hbm>> -> memref<8x16xf32, #tpu.memory_space<hbm>>
      tpu.enqueue_dma source(%dma_start3A_1330 : memref<8x16xf32, #tpu.memory_space<hbm>>) target(%dma_start3A_1328 : memref<8x16xf32, #tpu.memory_space<vmem>>) target_semaphore(%arg10 : memref<!tpu.dma_semaphore, #tpu.memory_space<semaphore_mem>>)
      %slice3A_1331 = vector.extract_strided_slice %get3A_1204 {offsets = [7], sizes = [1], strides = [1]} : vector<16xi32> to vector<1xi32>
      %squeeze3A_1332 = vector.extract %slice3A_1331[0] : i32 from vector<1xi32>
      %and3A_1333 = arith.constant -8 : i32
      %and3A_1334 = arith.andi %squeeze3A_1332, %and3A_1333 : i32
      %multiple_of3A_1335 = tpu.assume_multiple %and3A_1334, 8 : i32
      %dma_start3A_1336 = arith.constant 23 : i32
      %dma_start3A_1337 = arith.constant 0 : i32
      %dma_start3A_1338 = arith.constant 0 : i32
      %dma_start3A_1339 = tpu.memref_slice %arg7[%dma_start3A_1336, %dma_start3A_1337, %dma_start3A_1338] : memref<48x8x16xf32, #tpu.memory_space<vmem>> -> memref<1x8x16xf32, #tpu.memory_space<vmem>>
      %dma_start3A_1340 = tpu.memref_squeeze %dma_start3A_1339 : memref<1x8x16xf32, #tpu.memory_space<vmem>> -> memref<8x16xf32, #tpu.memory_space<vmem>>
      %dma_start3A_1341 = arith.constant 0 : i32
      %dma_start3A_1342 = tpu.memref_slice %arg3[%multiple_of3A_1335, %dma_start3A_1341] : memref<1000000x16xf32, #tpu.memory_space<hbm>> -> memref<8x16xf32, #tpu.memory_space<hbm>>
      %dma_start3A_1343 = arith.constant 0 : i32
      %dma_start3A_1344 = arith.constant 0 : i32
      %dma_start3A_1345 = tpu.memref_slice %arg7[%dma_start3A_1336, %dma_start3A_1343, %dma_start3A_1344] : memref<48x8x16xf32, #tpu.memory_space<vmem>> -> memref<1x8x16xf32, #tpu.memory_space<vmem>>
      %dma_start3A_1346 = tpu.memref_squeeze %dma_start3A_1345 : memref<1x8x16xf32, #tpu.memory_space<vmem>> -> memref<8x16xf32, #tpu.memory_space<vmem>>
      %dma_start3A_1347 = arith.constant 0 : i32
      %dma_start3A_1348 = tpu.memref_slice %arg3[%multiple_of3A_1335, %dma_start3A_1347] : memref<1000000x16xf32, #tpu.memory_space<hbm>> -> memref<8x16xf32, #tpu.memory_space<hbm>>
      tpu.enqueue_dma source(%dma_start3A_1348 : memref<8x16xf32, #tpu.memory_space<hbm>>) target(%dma_start3A_1346 : memref<8x16xf32, #tpu.memory_space<vmem>>) target_semaphore(%arg10 : memref<!tpu.dma_semaphore, #tpu.memory_space<semaphore_mem>>)
      %slice3A_1349 = vector.extract_strided_slice %get3A_1204 {offsets = [8], sizes = [1], strides = [1]} : vector<16xi32> to vector<1xi32>
      %squeeze3A_1350 = vector.extract %slice3A_1349[0] : i32 from vector<1xi32>
      %and3A_1351 = arith.constant -8 : i32
      %and3A_1352 = arith.andi %squeeze3A_1350, %and3A_1351 : i32
      %multiple_of3A_1353 = tpu.assume_multiple %and3A_1352, 8 : i32
      %dma_start3A_1354 = arith.constant 24 : i32
      %dma_start3A_1355 = arith.constant 0 : i32
      %dma_start3A_1356 = arith.constant 0 : i32
      %dma_start3A_1357 = tpu.memref_slice %arg7[%dma_start3A_1354, %dma_start3A_1355, %dma_start3A_1356] : memref<48x8x16xf32, #tpu.memory_space<vmem>> -> memref<1x8x16xf32, #tpu.memory_space<vmem>>
      %dma_start3A_1358 = tpu.memref_squeeze %dma_start3A_1357 : memref<1x8x16xf32, #tpu.memory_space<vmem>> -> memref<8x16xf32, #tpu.memory_space<vmem>>
      %dma_start3A_1359 = arith.constant 0 : i32
      %dma_start3A_1360 = tpu.memref_slice %arg3[%multiple_of3A_1353, %dma_start3A_1359] : memref<1000000x16xf32, #tpu.memory_space<hbm>> -> memref<8x16xf32, #tpu.memory_space<hbm>>
      %dma_start3A_1361 = arith.constant 0 : i32
      %dma_start3A_1362 = arith.constant 0 : i32
      %dma_start3A_1363 = tpu.memref_slice %arg7[%dma_start3A_1354, %dma_start3A_1361, %dma_start3A_1362] : memref<48x8x16xf32, #tpu.memory_space<vmem>> -> memref<1x8x16xf32, #tpu.memory_space<vmem>>
      %dma_start3A_1364 = tpu.memref_squeeze %dma_start3A_1363 : memref<1x8x16xf32, #tpu.memory_space<vmem>> -> memref<8x16xf32, #tpu.memory_space<vmem>>
      %dma_start3A_1365 = arith.constant 0 : i32
      %dma_start3A_1366 = tpu.memref_slice %arg3[%multiple_of3A_1353, %dma_start3A_1365] : memref<1000000x16xf32, #tpu.memory_space<hbm>> -> memref<8x16xf32, #tpu.memory_space<hbm>>
      tpu.enqueue_dma source(%dma_start3A_1366 : memref<8x16xf32, #tpu.memory_space<hbm>>) target(%dma_start3A_1364 : memref<8x16xf32, #tpu.memory_space<vmem>>) target_semaphore(%arg10 : memref<!tpu.dma_semaphore, #tpu.memory_space<semaphore_mem>>)
      %slice3A_1367 = vector.extract_strided_slice %get3A_1204 {offsets = [9], sizes = [1], strides = [1]} : vector<16xi32> to vector<1xi32>
      %squeeze3A_1368 = vector.extract %slice3A_1367[0] : i32 from vector<1xi32>
      %and3A_1369 = arith.constant -8 : i32
      %and3A_1370 = arith.andi %squeeze3A_1368, %and3A_1369 : i32
      %multiple_of3A_1371 = tpu.assume_multiple %and3A_1370, 8 : i32
      %dma_start3A_1372 = arith.constant 25 : i32
      %dma_start3A_1373 = arith.constant 0 : i32
      %dma_start3A_1374 = arith.constant 0 : i32
      %dma_start3A_1375 = tpu.memref_slice %arg7[%dma_start3A_1372, %dma_start3A_1373, %dma_start3A_1374] : memref<48x8x16xf32, #tpu.memory_space<vmem>> -> memref<1x8x16xf32, #tpu.memory_space<vmem>>
      %dma_start3A_1376 = tpu.memref_squeeze %dma_start3A_1375 : memref<1x8x16xf32, #tpu.memory_space<vmem>> -> memref<8x16xf32, #tpu.memory_space<vmem>>
      %dma_start3A_1377 = arith.constant 0 : i32
      %dma_start3A_1378 = tpu.memref_slice %arg3[%multiple_of3A_1371, %dma_start3A_1377] : memref<1000000x16xf32, #tpu.memory_space<hbm>> -> memref<8x16xf32, #tpu.memory_space<hbm>>
      %dma_start3A_1379 = arith.constant 0 : i32
      %dma_start3A_1380 = arith.constant 0 : i32
      %dma_start3A_1381 = tpu.memref_slice %arg7[%dma_start3A_1372, %dma_start3A_1379, %dma_start3A_1380] : memref<48x8x16xf32, #tpu.memory_space<vmem>> -> memref<1x8x16xf32, #tpu.memory_space<vmem>>
      %dma_start3A_1382 = tpu.memref_squeeze %dma_start3A_1381 : memref<1x8x16xf32, #tpu.memory_space<vmem>> -> memref<8x16xf32, #tpu.memory_space<vmem>>
      %dma_start3A_1383 = arith.constant 0 : i32
      %dma_start3A_1384 = tpu.memref_slice %arg3[%multiple_of3A_1371, %dma_start3A_1383] : memref<1000000x16xf32, #tpu.memory_space<hbm>> -> memref<8x16xf32, #tpu.memory_space<hbm>>
      tpu.enqueue_dma source(%dma_start3A_1384 : memref<8x16xf32, #tpu.memory_space<hbm>>) target(%dma_start3A_1382 : memref<8x16xf32, #tpu.memory_space<vmem>>) target_semaphore(%arg10 : memref<!tpu.dma_semaphore, #tpu.memory_space<semaphore_mem>>)
      %slice3A_1385 = vector.extract_strided_slice %get3A_1204 {offsets = [10], sizes = [1], strides = [1]} : vector<16xi32> to vector<1xi32>
      %squeeze3A_1386 = vector.extract %slice3A_1385[0] : i32 from vector<1xi32>
      %and3A_1387 = arith.constant -8 : i32
      %and3A_1388 = arith.andi %squeeze3A_1386, %and3A_1387 : i32
      %multiple_of3A_1389 = tpu.assume_multiple %and3A_1388, 8 : i32
      %dma_start3A_1390 = arith.constant 26 : i32
      %dma_start3A_1391 = arith.constant 0 : i32
      %dma_start3A_1392 = arith.constant 0 : i32
      %dma_start3A_1393 = tpu.memref_slice %arg7[%dma_start3A_1390, %dma_start3A_1391, %dma_start3A_1392] : memref<48x8x16xf32, #tpu.memory_space<vmem>> -> memref<1x8x16xf32, #tpu.memory_space<vmem>>
      %dma_start3A_1394 = tpu.memref_squeeze %dma_start3A_1393 : memref<1x8x16xf32, #tpu.memory_space<vmem>> -> memref<8x16xf32, #tpu.memory_space<vmem>>
      %dma_start3A_1395 = arith.constant 0 : i32
      %dma_start3A_1396 = tpu.memref_slice %arg3[%multiple_of3A_1389, %dma_start3A_1395] : memref<1000000x16xf32, #tpu.memory_space<hbm>> -> memref<8x16xf32, #tpu.memory_space<hbm>>
      %dma_start3A_1397 = arith.constant 0 : i32
      %dma_start3A_1398 = arith.constant 0 : i32
      %dma_start3A_1399 = tpu.memref_slice %arg7[%dma_start3A_1390, %dma_start3A_1397, %dma_start3A_1398] : memref<48x8x16xf32, #tpu.memory_space<vmem>> -> memref<1x8x16xf32, #tpu.memory_space<vmem>>
      %dma_start3A_1400 = tpu.memref_squeeze %dma_start3A_1399 : memref<1x8x16xf32, #tpu.memory_space<vmem>> -> memref<8x16xf32, #tpu.memory_space<vmem>>
      %dma_start3A_1401 = arith.constant 0 : i32
      %dma_start3A_1402 = tpu.memref_slice %arg3[%multiple_of3A_1389, %dma_start3A_1401] : memref<1000000x16xf32, #tpu.memory_space<hbm>> -> memref<8x16xf32, #tpu.memory_space<hbm>>
      tpu.enqueue_dma source(%dma_start3A_1402 : memref<8x16xf32, #tpu.memory_space<hbm>>) target(%dma_start3A_1400 : memref<8x16xf32, #tpu.memory_space<vmem>>) target_semaphore(%arg10 : memref<!tpu.dma_semaphore, #tpu.memory_space<semaphore_mem>>)
      %slice3A_1403 = vector.extract_strided_slice %get3A_1204 {offsets = [11], sizes = [1], strides = [1]} : vector<16xi32> to vector<1xi32>
      %squeeze3A_1404 = vector.extract %slice3A_1403[0] : i32 from vector<1xi32>
      %and3A_1405 = arith.constant -8 : i32
      %and3A_1406 = arith.andi %squeeze3A_1404, %and3A_1405 : i32
      %multiple_of3A_1407 = tpu.assume_multiple %and3A_1406, 8 : i32
      %dma_start3A_1408 = arith.constant 27 : i32
      %dma_start3A_1409 = arith.constant 0 : i32
      %dma_start3A_1410 = arith.constant 0 : i32
      %dma_start3A_1411 = tpu.memref_slice %arg7[%dma_start3A_1408, %dma_start3A_1409, %dma_start3A_1410] : memref<48x8x16xf32, #tpu.memory_space<vmem>> -> memref<1x8x16xf32, #tpu.memory_space<vmem>>
      %dma_start3A_1412 = tpu.memref_squeeze %dma_start3A_1411 : memref<1x8x16xf32, #tpu.memory_space<vmem>> -> memref<8x16xf32, #tpu.memory_space<vmem>>
      %dma_start3A_1413 = arith.constant 0 : i32
      %dma_start3A_1414 = tpu.memref_slice %arg3[%multiple_of3A_1407, %dma_start3A_1413] : memref<1000000x16xf32, #tpu.memory_space<hbm>> -> memref<8x16xf32, #tpu.memory_space<hbm>>
      %dma_start3A_1415 = arith.constant 0 : i32
      %dma_start3A_1416 = arith.constant 0 : i32
      %dma_start3A_1417 = tpu.memref_slice %arg7[%dma_start3A_1408, %dma_start3A_1415, %dma_start3A_1416] : memref<48x8x16xf32, #tpu.memory_space<vmem>> -> memref<1x8x16xf32, #tpu.memory_space<vmem>>
      %dma_start3A_1418 = tpu.memref_squeeze %dma_start3A_1417 : memref<1x8x16xf32, #tpu.memory_space<vmem>> -> memref<8x16xf32, #tpu.memory_space<vmem>>
      %dma_start3A_1419 = arith.constant 0 : i32
      %dma_start3A_1420 = tpu.memref_slice %arg3[%multiple_of3A_1407, %dma_start3A_1419] : memref<1000000x16xf32, #tpu.memory_space<hbm>> -> memref<8x16xf32, #tpu.memory_space<hbm>>
      tpu.enqueue_dma source(%dma_start3A_1420 : memref<8x16xf32, #tpu.memory_space<hbm>>) target(%dma_start3A_1418 : memref<8x16xf32, #tpu.memory_space<vmem>>) target_semaphore(%arg10 : memref<!tpu.dma_semaphore, #tpu.memory_space<semaphore_mem>>)
      %slice3A_1421 = vector.extract_strided_slice %get3A_1204 {offsets = [12], sizes = [1], strides = [1]} : vector<16xi32> to vector<1xi32>
      %squeeze3A_1422 = vector.extract %slice3A_1421[0] : i32 from vector<1xi32>
      %and3A_1423 = arith.constant -8 : i32
      %and3A_1424 = arith.andi %squeeze3A_1422, %and3A_1423 : i32
      %multiple_of3A_1425 = tpu.assume_multiple %and3A_1424, 8 : i32
      %dma_start3A_1426 = arith.constant 28 : i32
      %dma_start3A_1427 = arith.constant 0 : i32
      %dma_start3A_1428 = arith.constant 0 : i32
      %dma_start3A_1429 = tpu.memref_slice %arg7[%dma_start3A_1426, %dma_start3A_1427, %dma_start3A_1428] : memref<48x8x16xf32, #tpu.memory_space<vmem>> -> memref<1x8x16xf32, #tpu.memory_space<vmem>>
      %dma_start3A_1430 = tpu.memref_squeeze %dma_start3A_1429 : memref<1x8x16xf32, #tpu.memory_space<vmem>> -> memref<8x16xf32, #tpu.memory_space<vmem>>
      %dma_start3A_1431 = arith.constant 0 : i32
      %dma_start3A_1432 = tpu.memref_slice %arg3[%multiple_of3A_1425, %dma_start3A_1431] : memref<1000000x16xf32, #tpu.memory_space<hbm>> -> memref<8x16xf32, #tpu.memory_space<hbm>>
      %dma_start3A_1433 = arith.constant 0 : i32
      %dma_start3A_1434 = arith.constant 0 : i32
      %dma_start3A_1435 = tpu.memref_slice %arg7[%dma_start3A_1426, %dma_start3A_1433, %dma_start3A_1434] : memref<48x8x16xf32, #tpu.memory_space<vmem>> -> memref<1x8x16xf32, #tpu.memory_space<vmem>>
      %dma_start3A_1436 = tpu.memref_squeeze %dma_start3A_1435 : memref<1x8x16xf32, #tpu.memory_space<vmem>> -> memref<8x16xf32, #tpu.memory_space<vmem>>
      %dma_start3A_1437 = arith.constant 0 : i32
      %dma_start3A_1438 = tpu.memref_slice %arg3[%multiple_of3A_1425, %dma_start3A_1437] : memref<1000000x16xf32, #tpu.memory_space<hbm>> -> memref<8x16xf32, #tpu.memory_space<hbm>>
      tpu.enqueue_dma source(%dma_start3A_1438 : memref<8x16xf32, #tpu.memory_space<hbm>>) target(%dma_start3A_1436 : memref<8x16xf32, #tpu.memory_space<vmem>>) target_semaphore(%arg10 : memref<!tpu.dma_semaphore, #tpu.memory_space<semaphore_mem>>)
      %slice3A_1439 = vector.extract_strided_slice %get3A_1204 {offsets = [13], sizes = [1], strides = [1]} : vector<16xi32> to vector<1xi32>
      %squeeze3A_1440 = vector.extract %slice3A_1439[0] : i32 from vector<1xi32>
      %and3A_1441 = arith.constant -8 : i32
      %and3A_1442 = arith.andi %squeeze3A_1440, %and3A_1441 : i32
      %multiple_of3A_1443 = tpu.assume_multiple %and3A_1442, 8 : i32
      %dma_start3A_1444 = arith.constant 29 : i32
      %dma_start3A_1445 = arith.constant 0 : i32
      %dma_start3A_1446 = arith.constant 0 : i32
      %dma_start3A_1447 = tpu.memref_slice %arg7[%dma_start3A_1444, %dma_start3A_1445, %dma_start3A_1446] : memref<48x8x16xf32, #tpu.memory_space<vmem>> -> memref<1x8x16xf32, #tpu.memory_space<vmem>>
      %dma_start3A_1448 = tpu.memref_squeeze %dma_start3A_1447 : memref<1x8x16xf32, #tpu.memory_space<vmem>> -> memref<8x16xf32, #tpu.memory_space<vmem>>
      %dma_start3A_1449 = arith.constant 0 : i32
      %dma_start3A_1450 = tpu.memref_slice %arg3[%multiple_of3A_1443, %dma_start3A_1449] : memref<1000000x16xf32, #tpu.memory_space<hbm>> -> memref<8x16xf32, #tpu.memory_space<hbm>>
      %dma_start3A_1451 = arith.constant 0 : i32
      %dma_start3A_1452 = arith.constant 0 : i32
      %dma_start3A_1453 = tpu.memref_slice %arg7[%dma_start3A_1444, %dma_start3A_1451, %dma_start3A_1452] : memref<48x8x16xf32, #tpu.memory_space<vmem>> -> memref<1x8x16xf32, #tpu.memory_space<vmem>>
      %dma_start3A_1454 = tpu.memref_squeeze %dma_start3A_1453 : memref<1x8x16xf32, #tpu.memory_space<vmem>> -> memref<8x16xf32, #tpu.memory_space<vmem>>
      %dma_start3A_1455 = arith.constant 0 : i32
      %dma_start3A_1456 = tpu.memref_slice %arg3[%multiple_of3A_1443, %dma_start3A_1455] : memref<1000000x16xf32, #tpu.memory_space<hbm>> -> memref<8x16xf32, #tpu.memory_space<hbm>>
      tpu.enqueue_dma source(%dma_start3A_1456 : memref<8x16xf32, #tpu.memory_space<hbm>>) target(%dma_start3A_1454 : memref<8x16xf32, #tpu.memory_space<vmem>>) target_semaphore(%arg10 : memref<!tpu.dma_semaphore, #tpu.memory_space<semaphore_mem>>)
      %slice3A_1457 = vector.extract_strided_slice %get3A_1204 {offsets = [14], sizes = [1], strides = [1]} : vector<16xi32> to vector<1xi32>
      %squeeze3A_1458 = vector.extract %slice3A_1457[0] : i32 from vector<1xi32>
      %and3A_1459 = arith.constant -8 : i32
      %and3A_1460 = arith.andi %squeeze3A_1458, %and3A_1459 : i32
      %multiple_of3A_1461 = tpu.assume_multiple %and3A_1460, 8 : i32
      %dma_start3A_1462 = arith.constant 30 : i32
      %dma_start3A_1463 = arith.constant 0 : i32
      %dma_start3A_1464 = arith.constant 0 : i32
      %dma_start3A_1465 = tpu.memref_slice %arg7[%dma_start3A_1462, %dma_start3A_1463, %dma_start3A_1464] : memref<48x8x16xf32, #tpu.memory_space<vmem>> -> memref<1x8x16xf32, #tpu.memory_space<vmem>>
      %dma_start3A_1466 = tpu.memref_squeeze %dma_start3A_1465 : memref<1x8x16xf32, #tpu.memory_space<vmem>> -> memref<8x16xf32, #tpu.memory_space<vmem>>
      %dma_start3A_1467 = arith.constant 0 : i32
      %dma_start3A_1468 = tpu.memref_slice %arg3[%multiple_of3A_1461, %dma_start3A_1467] : memref<1000000x16xf32, #tpu.memory_space<hbm>> -> memref<8x16xf32, #tpu.memory_space<hbm>>
      %dma_start3A_1469 = arith.constant 0 : i32
      %dma_start3A_1470 = arith.constant 0 : i32
      %dma_start3A_1471 = tpu.memref_slice %arg7[%dma_start3A_1462, %dma_start3A_1469, %dma_start3A_1470] : memref<48x8x16xf32, #tpu.memory_space<vmem>> -> memref<1x8x16xf32, #tpu.memory_space<vmem>>
      %dma_start3A_1472 = tpu.memref_squeeze %dma_start3A_1471 : memref<1x8x16xf32, #tpu.memory_space<vmem>> -> memref<8x16xf32, #tpu.memory_space<vmem>>
      %dma_start3A_1473 = arith.constant 0 : i32
      %dma_start3A_1474 = tpu.memref_slice %arg3[%multiple_of3A_1461, %dma_start3A_1473] : memref<1000000x16xf32, #tpu.memory_space<hbm>> -> memref<8x16xf32, #tpu.memory_space<hbm>>
      tpu.enqueue_dma source(%dma_start3A_1474 : memref<8x16xf32, #tpu.memory_space<hbm>>) target(%dma_start3A_1472 : memref<8x16xf32, #tpu.memory_space<vmem>>) target_semaphore(%arg10 : memref<!tpu.dma_semaphore, #tpu.memory_space<semaphore_mem>>)
      %slice3A_1475 = vector.extract_strided_slice %get3A_1204 {offsets = [15], sizes = [1], strides = [1]} : vector<16xi32> to vector<1xi32>
      %squeeze3A_1476 = vector.extract %slice3A_1475[0] : i32 from vector<1xi32>
      %and3A_1477 = arith.constant -8 : i32
      %and3A_1478 = arith.andi %squeeze3A_1476, %and3A_1477 : i32
      %multiple_of3A_1479 = tpu.assume_multiple %and3A_1478, 8 : i32
      %dma_start3A_1480 = arith.constant 31 : i32
      %dma_start3A_1481 = arith.constant 0 : i32
      %dma_start3A_1482 = arith.constant 0 : i32
      %dma_start3A_1483 = tpu.memref_slice %arg7[%dma_start3A_1480, %dma_start3A_1481, %dma_start3A_1482] : memref<48x8x16xf32, #tpu.memory_space<vmem>> -> memref<1x8x16xf32, #tpu.memory_space<vmem>>
      %dma_start3A_1484 = tpu.memref_squeeze %dma_start3A_1483 : memref<1x8x16xf32, #tpu.memory_space<vmem>> -> memref<8x16xf32, #tpu.memory_space<vmem>>
      %dma_start3A_1485 = arith.constant 0 : i32
      %dma_start3A_1486 = tpu.memref_slice %arg3[%multiple_of3A_1479, %dma_start3A_1485] : memref<1000000x16xf32, #tpu.memory_space<hbm>> -> memref<8x16xf32, #tpu.memory_space<hbm>>
      %dma_start3A_1487 = arith.constant 0 : i32
      %dma_start3A_1488 = arith.constant 0 : i32
      %dma_start3A_1489 = tpu.memref_slice %arg7[%dma_start3A_1480, %dma_start3A_1487, %dma_start3A_1488] : memref<48x8x16xf32, #tpu.memory_space<vmem>> -> memref<1x8x16xf32, #tpu.memory_space<vmem>>
      %dma_start3A_1490 = tpu.memref_squeeze %dma_start3A_1489 : memref<1x8x16xf32, #tpu.memory_space<vmem>> -> memref<8x16xf32, #tpu.memory_space<vmem>>
      %dma_start3A_1491 = arith.constant 0 : i32
      %dma_start3A_1492 = tpu.memref_slice %arg3[%multiple_of3A_1479, %dma_start3A_1491] : memref<1000000x16xf32, #tpu.memory_space<hbm>> -> memref<8x16xf32, #tpu.memory_space<hbm>>
      tpu.enqueue_dma source(%dma_start3A_1492 : memref<8x16xf32, #tpu.memory_space<hbm>>) target(%dma_start3A_1490 : memref<8x16xf32, #tpu.memory_space<vmem>>) target_semaphore(%arg10 : memref<!tpu.dma_semaphore, #tpu.memory_space<semaphore_mem>>)
      %add3A_1493 = arith.constant 32 : i32
      %add3A_1494 = arith.addi %mul3A_898, %add3A_1493 : i32
      %shift_right_arithmetic3A_1495 = arith.constant 7 : i32
      %shift_right_arithmetic3A_1496 = arith.shrsi %add3A_1494, %shift_right_arithmetic3A_1495 : i32
      %and3A_1497 = arith.constant 127 : i32
      %and3A_1498 = arith.andi %add3A_1494, %and3A_1497 : i32
      %get3A_1499 = arith.index_cast %shift_right_arithmetic3A_1496 : i32 to index
      %get3A_1500 = arith.index_cast %and3A_1498 : i32 to index
      %get3A_1501 = tpu.vector_load %arg5[%get3A_1499, %get3A_1500] {strides = array<i32>} : memref<12x128xi32, #tpu.memory_space<vmem>>, vector<16xi32>,
      %slice3A_1502 = vector.extract_strided_slice %get3A_1501 {offsets = [0], sizes = [1], strides = [1]} : vector<16xi32> to vector<1xi32>
      %squeeze3A_1503 = vector.extract %slice3A_1502[0] : i32 from vector<1xi32>
      %and3A_1504 = arith.constant -8 : i32
      %and3A_1505 = arith.andi %squeeze3A_1503, %and3A_1504 : i32
      %multiple_of3A_1506 = tpu.assume_multiple %and3A_1505, 8 : i32
      %dma_start3A_1507 = arith.constant 32 : i32
      %dma_start3A_1508 = arith.constant 0 : i32
      %dma_start3A_1509 = arith.constant 0 : i32
      %dma_start3A_1510 = tpu.memref_slice %arg7[%dma_start3A_1507, %dma_start3A_1508, %dma_start3A_1509] : memref<48x8x16xf32, #tpu.memory_space<vmem>> -> memref<1x8x16xf32, #tpu.memory_space<vmem>>
      %dma_start3A_1511 = tpu.memref_squeeze %dma_start3A_1510 : memref<1x8x16xf32, #tpu.memory_space<vmem>> -> memref<8x16xf32, #tpu.memory_space<vmem>>
      %dma_start3A_1512 = arith.constant 0 : i32
      %dma_start3A_1513 = tpu.memref_slice %arg3[%multiple_of3A_1506, %dma_start3A_1512] : memref<1000000x16xf32, #tpu.memory_space<hbm>> -> memref<8x16xf32, #tpu.memory_space<hbm>>
      %dma_start3A_1514 = arith.constant 0 : i32
      %dma_start3A_1515 = arith.constant 0 : i32
      %dma_start3A_1516 = tpu.memref_slice %arg7[%dma_start3A_1507, %dma_start3A_1514, %dma_start3A_1515] : memref<48x8x16xf32, #tpu.memory_space<vmem>> -> memref<1x8x16xf32, #tpu.memory_space<vmem>>
      %dma_start3A_1517 = tpu.memref_squeeze %dma_start3A_1516 : memref<1x8x16xf32, #tpu.memory_space<vmem>> -> memref<8x16xf32, #tpu.memory_space<vmem>>
      %dma_start3A_1518 = arith.constant 0 : i32
      %dma_start3A_1519 = tpu.memref_slice %arg3[%multiple_of3A_1506, %dma_start3A_1518] : memref<1000000x16xf32, #tpu.memory_space<hbm>> -> memref<8x16xf32, #tpu.memory_space<hbm>>
      tpu.enqueue_dma source(%dma_start3A_1519 : memref<8x16xf32, #tpu.memory_space<hbm>>) target(%dma_start3A_1517 : memref<8x16xf32, #tpu.memory_space<vmem>>) target_semaphore(%arg10 : memref<!tpu.dma_semaphore, #tpu.memory_space<semaphore_mem>>)
      %slice3A_1520 = vector.extract_strided_slice %get3A_1501 {offsets = [1], sizes = [1], strides = [1]} : vector<16xi32> to vector<1xi32>
      %squeeze3A_1521 = vector.extract %slice3A_1520[0] : i32 from vector<1xi32>
      %and3A_1522 = arith.constant -8 : i32
      %and3A_1523 = arith.andi %squeeze3A_1521, %and3A_1522 : i32
      %multiple_of3A_1524 = tpu.assume_multiple %and3A_1523, 8 : i32
      %dma_start3A_1525 = arith.constant 33 : i32
      %dma_start3A_1526 = arith.constant 0 : i32
      %dma_start3A_1527 = arith.constant 0 : i32
      %dma_start3A_1528 = tpu.memref_slice %arg7[%dma_start3A_1525, %dma_start3A_1526, %dma_start3A_1527] : memref<48x8x16xf32, #tpu.memory_space<vmem>> -> memref<1x8x16xf32, #tpu.memory_space<vmem>>
      %dma_start3A_1529 = tpu.memref_squeeze %dma_start3A_1528 : memref<1x8x16xf32, #tpu.memory_space<vmem>> -> memref<8x16xf32, #tpu.memory_space<vmem>>
      %dma_start3A_1530 = arith.constant 0 : i32
      %dma_start3A_1531 = tpu.memref_slice %arg3[%multiple_of3A_1524, %dma_start3A_1530] : memref<1000000x16xf32, #tpu.memory_space<hbm>> -> memref<8x16xf32, #tpu.memory_space<hbm>>
      %dma_start3A_1532 = arith.constant 0 : i32
      %dma_start3A_1533 = arith.constant 0 : i32
      %dma_start3A_1534 = tpu.memref_slice %arg7[%dma_start3A_1525, %dma_start3A_1532, %dma_start3A_1533] : memref<48x8x16xf32, #tpu.memory_space<vmem>> -> memref<1x8x16xf32, #tpu.memory_space<vmem>>
      %dma_start3A_1535 = tpu.memref_squeeze %dma_start3A_1534 : memref<1x8x16xf32, #tpu.memory_space<vmem>> -> memref<8x16xf32, #tpu.memory_space<vmem>>
      %dma_start3A_1536 = arith.constant 0 : i32
      %dma_start3A_1537 = tpu.memref_slice %arg3[%multiple_of3A_1524, %dma_start3A_1536] : memref<1000000x16xf32, #tpu.memory_space<hbm>> -> memref<8x16xf32, #tpu.memory_space<hbm>>
      tpu.enqueue_dma source(%dma_start3A_1537 : memref<8x16xf32, #tpu.memory_space<hbm>>) target(%dma_start3A_1535 : memref<8x16xf32, #tpu.memory_space<vmem>>) target_semaphore(%arg10 : memref<!tpu.dma_semaphore, #tpu.memory_space<semaphore_mem>>)
      %slice3A_1538 = vector.extract_strided_slice %get3A_1501 {offsets = [2], sizes = [1], strides = [1]} : vector<16xi32> to vector<1xi32>
      %squeeze3A_1539 = vector.extract %slice3A_1538[0] : i32 from vector<1xi32>
      %and3A_1540 = arith.constant -8 : i32
      %and3A_1541 = arith.andi %squeeze3A_1539, %and3A_1540 : i32
      %multiple_of3A_1542 = tpu.assume_multiple %and3A_1541, 8 : i32
      %dma_start3A_1543 = arith.constant 34 : i32
      %dma_start3A_1544 = arith.constant 0 : i32
      %dma_start3A_1545 = arith.constant 0 : i32
      %dma_start3A_1546 = tpu.memref_slice %arg7[%dma_start3A_1543, %dma_start3A_1544, %dma_start3A_1545] : memref<48x8x16xf32, #tpu.memory_space<vmem>> -> memref<1x8x16xf32, #tpu.memory_space<vmem>>
      %dma_start3A_1547 = tpu.memref_squeeze %dma_start3A_1546 : memref<1x8x16xf32, #tpu.memory_space<vmem>> -> memref<8x16xf32, #tpu.memory_space<vmem>>
      %dma_start3A_1548 = arith.constant 0 : i32
      %dma_start3A_1549 = tpu.memref_slice %arg3[%multiple_of3A_1542, %dma_start3A_1548] : memref<1000000x16xf32, #tpu.memory_space<hbm>> -> memref<8x16xf32, #tpu.memory_space<hbm>>
      %dma_start3A_1550 = arith.constant 0 : i32
      %dma_start3A_1551 = arith.constant 0 : i32
      %dma_start3A_1552 = tpu.memref_slice %arg7[%dma_start3A_1543, %dma_start3A_1550, %dma_start3A_1551] : memref<48x8x16xf32, #tpu.memory_space<vmem>> -> memref<1x8x16xf32, #tpu.memory_space<vmem>>
      %dma_start3A_1553 = tpu.memref_squeeze %dma_start3A_1552 : memref<1x8x16xf32, #tpu.memory_space<vmem>> -> memref<8x16xf32, #tpu.memory_space<vmem>>
      %dma_start3A_1554 = arith.constant 0 : i32
      %dma_start3A_1555 = tpu.memref_slice %arg3[%multiple_of3A_1542, %dma_start3A_1554] : memref<1000000x16xf32, #tpu.memory_space<hbm>> -> memref<8x16xf32, #tpu.memory_space<hbm>>
      tpu.enqueue_dma source(%dma_start3A_1555 : memref<8x16xf32, #tpu.memory_space<hbm>>) target(%dma_start3A_1553 : memref<8x16xf32, #tpu.memory_space<vmem>>) target_semaphore(%arg10 : memref<!tpu.dma_semaphore, #tpu.memory_space<semaphore_mem>>)
      %slice3A_1556 = vector.extract_strided_slice %get3A_1501 {offsets = [3], sizes = [1], strides = [1]} : vector<16xi32> to vector<1xi32>
      %squeeze3A_1557 = vector.extract %slice3A_1556[0] : i32 from vector<1xi32>
      %and3A_1558 = arith.constant -8 : i32
      %and3A_1559 = arith.andi %squeeze3A_1557, %and3A_1558 : i32
      %multiple_of3A_1560 = tpu.assume_multiple %and3A_1559, 8 : i32
      %dma_start3A_1561 = arith.constant 35 : i32
      %dma_start3A_1562 = arith.constant 0 : i32
      %dma_start3A_1563 = arith.constant 0 : i32
      %dma_start3A_1564 = tpu.memref_slice %arg7[%dma_start3A_1561, %dma_start3A_1562, %dma_start3A_1563] : memref<48x8x16xf32, #tpu.memory_space<vmem>> -> memref<1x8x16xf32, #tpu.memory_space<vmem>>
      %dma_start3A_1565 = tpu.memref_squeeze %dma_start3A_1564 : memref<1x8x16xf32, #tpu.memory_space<vmem>> -> memref<8x16xf32, #tpu.memory_space<vmem>>
      %dma_start3A_1566 = arith.constant 0 : i32
      %dma_start3A_1567 = tpu.memref_slice %arg3[%multiple_of3A_1560, %dma_start3A_1566] : memref<1000000x16xf32, #tpu.memory_space<hbm>> -> memref<8x16xf32, #tpu.memory_space<hbm>>
      %dma_start3A_1568 = arith.constant 0 : i32
      %dma_start3A_1569 = arith.constant 0 : i32
      %dma_start3A_1570 = tpu.memref_slice %arg7[%dma_start3A_1561, %dma_start3A_1568, %dma_start3A_1569] : memref<48x8x16xf32, #tpu.memory_space<vmem>> -> memref<1x8x16xf32, #tpu.memory_space<vmem>>
      %dma_start3A_1571 = tpu.memref_squeeze %dma_start3A_1570 : memref<1x8x16xf32, #tpu.memory_space<vmem>> -> memref<8x16xf32, #tpu.memory_space<vmem>>
      %dma_start3A_1572 = arith.constant 0 : i32
      %dma_start3A_1573 = tpu.memref_slice %arg3[%multiple_of3A_1560, %dma_start3A_1572] : memref<1000000x16xf32, #tpu.memory_space<hbm>> -> memref<8x16xf32, #tpu.memory_space<hbm>>
      tpu.enqueue_dma source(%dma_start3A_1573 : memref<8x16xf32, #tpu.memory_space<hbm>>) target(%dma_start3A_1571 : memref<8x16xf32, #tpu.memory_space<vmem>>) target_semaphore(%arg10 : memref<!tpu.dma_semaphore, #tpu.memory_space<semaphore_mem>>)
      %slice3A_1574 = vector.extract_strided_slice %get3A_1501 {offsets = [4], sizes = [1], strides = [1]} : vector<16xi32> to vector<1xi32>
      %squeeze3A_1575 = vector.extract %slice3A_1574[0] : i32 from vector<1xi32>
      %and3A_1576 = arith.constant -8 : i32
      %and3A_1577 = arith.andi %squeeze3A_1575, %and3A_1576 : i32
      %multiple_of3A_1578 = tpu.assume_multiple %and3A_1577, 8 : i32
      %dma_start3A_1579 = arith.constant 36 : i32
      %dma_start3A_1580 = arith.constant 0 : i32
      %dma_start3A_1581 = arith.constant 0 : i32
      %dma_start3A_1582 = tpu.memref_slice %arg7[%dma_start3A_1579, %dma_start3A_1580, %dma_start3A_1581] : memref<48x8x16xf32, #tpu.memory_space<vmem>> -> memref<1x8x16xf32, #tpu.memory_space<vmem>>
      %dma_start3A_1583 = tpu.memref_squeeze %dma_start3A_1582 : memref<1x8x16xf32, #tpu.memory_space<vmem>> -> memref<8x16xf32, #tpu.memory_space<vmem>>
      %dma_start3A_1584 = arith.constant 0 : i32
      %dma_start3A_1585 = tpu.memref_slice %arg3[%multiple_of3A_1578, %dma_start3A_1584] : memref<1000000x16xf32, #tpu.memory_space<hbm>> -> memref<8x16xf32, #tpu.memory_space<hbm>>
      %dma_start3A_1586 = arith.constant 0 : i32
      %dma_start3A_1587 = arith.constant 0 : i32
      %dma_start3A_1588 = tpu.memref_slice %arg7[%dma_start3A_1579, %dma_start3A_1586, %dma_start3A_1587] : memref<48x8x16xf32, #tpu.memory_space<vmem>> -> memref<1x8x16xf32, #tpu.memory_space<vmem>>
      %dma_start3A_1589 = tpu.memref_squeeze %dma_start3A_1588 : memref<1x8x16xf32, #tpu.memory_space<vmem>> -> memref<8x16xf32, #tpu.memory_space<vmem>>
      %dma_start3A_1590 = arith.constant 0 : i32
      %dma_start3A_1591 = tpu.memref_slice %arg3[%multiple_of3A_1578, %dma_start3A_1590] : memref<1000000x16xf32, #tpu.memory_space<hbm>> -> memref<8x16xf32, #tpu.memory_space<hbm>>
      tpu.enqueue_dma source(%dma_start3A_1591 : memref<8x16xf32, #tpu.memory_space<hbm>>) target(%dma_start3A_1589 : memref<8x16xf32, #tpu.memory_space<vmem>>) target_semaphore(%arg10 : memref<!tpu.dma_semaphore, #tpu.memory_space<semaphore_mem>>)
      %slice3A_1592 = vector.extract_strided_slice %get3A_1501 {offsets = [5], sizes = [1], strides = [1]} : vector<16xi32> to vector<1xi32>
      %squeeze3A_1593 = vector.extract %slice3A_1592[0] : i32 from vector<1xi32>
      %and3A_1594 = arith.constant -8 : i32
      %and3A_1595 = arith.andi %squeeze3A_1593, %and3A_1594 : i32
      %multiple_of3A_1596 = tpu.assume_multiple %and3A_1595, 8 : i32
      %dma_start3A_1597 = arith.constant 37 : i32
      %dma_start3A_1598 = arith.constant 0 : i32
      %dma_start3A_1599 = arith.constant 0 : i32
      %dma_start3A_1600 = tpu.memref_slice %arg7[%dma_start3A_1597, %dma_start3A_1598, %dma_start3A_1599] : memref<48x8x16xf32, #tpu.memory_space<vmem>> -> memref<1x8x16xf32, #tpu.memory_space<vmem>>
      %dma_start3A_1601 = tpu.memref_squeeze %dma_start3A_1600 : memref<1x8x16xf32, #tpu.memory_space<vmem>> -> memref<8x16xf32, #tpu.memory_space<vmem>>
      %dma_start3A_1602 = arith.constant 0 : i32
      %dma_start3A_1603 = tpu.memref_slice %arg3[%multiple_of3A_1596, %dma_start3A_1602] : memref<1000000x16xf32, #tpu.memory_space<hbm>> -> memref<8x16xf32, #tpu.memory_space<hbm>>
      %dma_start3A_1604 = arith.constant 0 : i32
      %dma_start3A_1605 = arith.constant 0 : i32
      %dma_start3A_1606 = tpu.memref_slice %arg7[%dma_start3A_1597, %dma_start3A_1604, %dma_start3A_1605] : memref<48x8x16xf32, #tpu.memory_space<vmem>> -> memref<1x8x16xf32, #tpu.memory_space<vmem>>
      %dma_start3A_1607 = tpu.memref_squeeze %dma_start3A_1606 : memref<1x8x16xf32, #tpu.memory_space<vmem>> -> memref<8x16xf32, #tpu.memory_space<vmem>>
      %dma_start3A_1608 = arith.constant 0 : i32
      %dma_start3A_1609 = tpu.memref_slice %arg3[%multiple_of3A_1596, %dma_start3A_1608] : memref<1000000x16xf32, #tpu.memory_space<hbm>> -> memref<8x16xf32, #tpu.memory_space<hbm>>
      tpu.enqueue_dma source(%dma_start3A_1609 : memref<8x16xf32, #tpu.memory_space<hbm>>) target(%dma_start3A_1607 : memref<8x16xf32, #tpu.memory_space<vmem>>) target_semaphore(%arg10 : memref<!tpu.dma_semaphore, #tpu.memory_space<semaphore_mem>>)
      %slice3A_1610 = vector.extract_strided_slice %get3A_1501 {offsets = [6], sizes = [1], strides = [1]} : vector<16xi32> to vector<1xi32>
      %squeeze3A_1611 = vector.extract %slice3A_1610[0] : i32 from vector<1xi32>
      %and3A_1612 = arith.constant -8 : i32
      %and3A_1613 = arith.andi %squeeze3A_1611, %and3A_1612 : i32
      %multiple_of3A_1614 = tpu.assume_multiple %and3A_1613, 8 : i32
      %dma_start3A_1615 = arith.constant 38 : i32
      %dma_start3A_1616 = arith.constant 0 : i32
      %dma_start3A_1617 = arith.constant 0 : i32
      %dma_start3A_1618 = tpu.memref_slice %arg7[%dma_start3A_1615, %dma_start3A_1616, %dma_start3A_1617] : memref<48x8x16xf32, #tpu.memory_space<vmem>> -> memref<1x8x16xf32, #tpu.memory_space<vmem>>
      %dma_start3A_1619 = tpu.memref_squeeze %dma_start3A_1618 : memref<1x8x16xf32, #tpu.memory_space<vmem>> -> memref<8x16xf32, #tpu.memory_space<vmem>>
      %dma_start3A_1620 = arith.constant 0 : i32
      %dma_start3A_1621 = tpu.memref_slice %arg3[%multiple_of3A_1614, %dma_start3A_1620] : memref<1000000x16xf32, #tpu.memory_space<hbm>> -> memref<8x16xf32, #tpu.memory_space<hbm>>
      %dma_start3A_1622 = arith.constant 0 : i32
      %dma_start3A_1623 = arith.constant 0 : i32
      %dma_start3A_1624 = tpu.memref_slice %arg7[%dma_start3A_1615, %dma_start3A_1622, %dma_start3A_1623] : memref<48x8x16xf32, #tpu.memory_space<vmem>> -> memref<1x8x16xf32, #tpu.memory_space<vmem>>
      %dma_start3A_1625 = tpu.memref_squeeze %dma_start3A_1624 : memref<1x8x16xf32, #tpu.memory_space<vmem>> -> memref<8x16xf32, #tpu.memory_space<vmem>>
      %dma_start3A_1626 = arith.constant 0 : i32
      %dma_start3A_1627 = tpu.memref_slice %arg3[%multiple_of3A_1614, %dma_start3A_1626] : memref<1000000x16xf32, #tpu.memory_space<hbm>> -> memref<8x16xf32, #tpu.memory_space<hbm>>
      tpu.enqueue_dma source(%dma_start3A_1627 : memref<8x16xf32, #tpu.memory_space<hbm>>) target(%dma_start3A_1625 : memref<8x16xf32, #tpu.memory_space<vmem>>) target_semaphore(%arg10 : memref<!tpu.dma_semaphore, #tpu.memory_space<semaphore_mem>>)
      %slice3A_1628 = vector.extract_strided_slice %get3A_1501 {offsets = [7], sizes = [1], strides = [1]} : vector<16xi32> to vector<1xi32>
      %squeeze3A_1629 = vector.extract %slice3A_1628[0] : i32 from vector<1xi32>
      %and3A_1630 = arith.constant -8 : i32
      %and3A_1631 = arith.andi %squeeze3A_1629, %and3A_1630 : i32
      %multiple_of3A_1632 = tpu.assume_multiple %and3A_1631, 8 : i32
      %dma_start3A_1633 = arith.constant 39 : i32
      %dma_start3A_1634 = arith.constant 0 : i32
      %dma_start3A_1635 = arith.constant 0 : i32
      %dma_start3A_1636 = tpu.memref_slice %arg7[%dma_start3A_1633, %dma_start3A_1634, %dma_start3A_1635] : memref<48x8x16xf32, #tpu.memory_space<vmem>> -> memref<1x8x16xf32, #tpu.memory_space<vmem>>
      %dma_start3A_1637 = tpu.memref_squeeze %dma_start3A_1636 : memref<1x8x16xf32, #tpu.memory_space<vmem>> -> memref<8x16xf32, #tpu.memory_space<vmem>>
      %dma_start3A_1638 = arith.constant 0 : i32
      %dma_start3A_1639 = tpu.memref_slice %arg3[%multiple_of3A_1632, %dma_start3A_1638] : memref<1000000x16xf32, #tpu.memory_space<hbm>> -> memref<8x16xf32, #tpu.memory_space<hbm>>
      %dma_start3A_1640 = arith.constant 0 : i32
      %dma_start3A_1641 = arith.constant 0 : i32
      %dma_start3A_1642 = tpu.memref_slice %arg7[%dma_start3A_1633, %dma_start3A_1640, %dma_start3A_1641] : memref<48x8x16xf32, #tpu.memory_space<vmem>> -> memref<1x8x16xf32, #tpu.memory_space<vmem>>
      %dma_start3A_1643 = tpu.memref_squeeze %dma_start3A_1642 : memref<1x8x16xf32, #tpu.memory_space<vmem>> -> memref<8x16xf32, #tpu.memory_space<vmem>>
      %dma_start3A_1644 = arith.constant 0 : i32
      %dma_start3A_1645 = tpu.memref_slice %arg3[%multiple_of3A_1632, %dma_start3A_1644] : memref<1000000x16xf32, #tpu.memory_space<hbm>> -> memref<8x16xf32, #tpu.memory_space<hbm>>
      tpu.enqueue_dma source(%dma_start3A_1645 : memref<8x16xf32, #tpu.memory_space<hbm>>) target(%dma_start3A_1643 : memref<8x16xf32, #tpu.memory_space<vmem>>) target_semaphore(%arg10 : memref<!tpu.dma_semaphore, #tpu.memory_space<semaphore_mem>>)
      %slice3A_1646 = vector.extract_strided_slice %get3A_1501 {offsets = [8], sizes = [1], strides = [1]} : vector<16xi32> to vector<1xi32>
      %squeeze3A_1647 = vector.extract %slice3A_1646[0] : i32 from vector<1xi32>
      %and3A_1648 = arith.constant -8 : i32
      %and3A_1649 = arith.andi %squeeze3A_1647, %and3A_1648 : i32
      %multiple_of3A_1650 = tpu.assume_multiple %and3A_1649, 8 : i32
      %dma_start3A_1651 = arith.constant 40 : i32
      %dma_start3A_1652 = arith.constant 0 : i32
      %dma_start3A_1653 = arith.constant 0 : i32
      %dma_start3A_1654 = tpu.memref_slice %arg7[%dma_start3A_1651, %dma_start3A_1652, %dma_start3A_1653] : memref<48x8x16xf32, #tpu.memory_space<vmem>> -> memref<1x8x16xf32, #tpu.memory_space<vmem>>
      %dma_start3A_1655 = tpu.memref_squeeze %dma_start3A_1654 : memref<1x8x16xf32, #tpu.memory_space<vmem>> -> memref<8x16xf32, #tpu.memory_space<vmem>>
      %dma_start3A_1656 = arith.constant 0 : i32
      %dma_start3A_1657 = tpu.memref_slice %arg3[%multiple_of3A_1650, %dma_start3A_1656] : memref<1000000x16xf32, #tpu.memory_space<hbm>> -> memref<8x16xf32, #tpu.memory_space<hbm>>
      %dma_start3A_1658 = arith.constant 0 : i32
      %dma_start3A_1659 = arith.constant 0 : i32
      %dma_start3A_1660 = tpu.memref_slice %arg7[%dma_start3A_1651, %dma_start3A_1658, %dma_start3A_1659] : memref<48x8x16xf32, #tpu.memory_space<vmem>> -> memref<1x8x16xf32, #tpu.memory_space<vmem>>
      %dma_start3A_1661 = tpu.memref_squeeze %dma_start3A_1660 : memref<1x8x16xf32, #tpu.memory_space<vmem>> -> memref<8x16xf32, #tpu.memory_space<vmem>>
      %dma_start3A_1662 = arith.constant 0 : i32
      %dma_start3A_1663 = tpu.memref_slice %arg3[%multiple_of3A_1650, %dma_start3A_1662] : memref<1000000x16xf32, #tpu.memory_space<hbm>> -> memref<8x16xf32, #tpu.memory_space<hbm>>
      tpu.enqueue_dma source(%dma_start3A_1663 : memref<8x16xf32, #tpu.memory_space<hbm>>) target(%dma_start3A_1661 : memref<8x16xf32, #tpu.memory_space<vmem>>) target_semaphore(%arg10 : memref<!tpu.dma_semaphore, #tpu.memory_space<semaphore_mem>>)
      %slice3A_1664 = vector.extract_strided_slice %get3A_1501 {offsets = [9], sizes = [1], strides = [1]} : vector<16xi32> to vector<1xi32>
      %squeeze3A_1665 = vector.extract %slice3A_1664[0] : i32 from vector<1xi32>
      %and3A_1666 = arith.constant -8 : i32
      %and3A_1667 = arith.andi %squeeze3A_1665, %and3A_1666 : i32
      %multiple_of3A_1668 = tpu.assume_multiple %and3A_1667, 8 : i32
      %dma_start3A_1669 = arith.constant 41 : i32
      %dma_start3A_1670 = arith.constant 0 : i32
      %dma_start3A_1671 = arith.constant 0 : i32
      %dma_start3A_1672 = tpu.memref_slice %arg7[%dma_start3A_1669, %dma_start3A_1670, %dma_start3A_1671] : memref<48x8x16xf32, #tpu.memory_space<vmem>> -> memref<1x8x16xf32, #tpu.memory_space<vmem>>
      %dma_start3A_1673 = tpu.memref_squeeze %dma_start3A_1672 : memref<1x8x16xf32, #tpu.memory_space<vmem>> -> memref<8x16xf32, #tpu.memory_space<vmem>>
      %dma_start3A_1674 = arith.constant 0 : i32
      %dma_start3A_1675 = tpu.memref_slice %arg3[%multiple_of3A_1668, %dma_start3A_1674] : memref<1000000x16xf32, #tpu.memory_space<hbm>> -> memref<8x16xf32, #tpu.memory_space<hbm>>
      %dma_start3A_1676 = arith.constant 0 : i32
      %dma_start3A_1677 = arith.constant 0 : i32
      %dma_start3A_1678 = tpu.memref_slice %arg7[%dma_start3A_1669, %dma_start3A_1676, %dma_start3A_1677] : memref<48x8x16xf32, #tpu.memory_space<vmem>> -> memref<1x8x16xf32, #tpu.memory_space<vmem>>
      %dma_start3A_1679 = tpu.memref_squeeze %dma_start3A_1678 : memref<1x8x16xf32, #tpu.memory_space<vmem>> -> memref<8x16xf32, #tpu.memory_space<vmem>>
      %dma_start3A_1680 = arith.constant 0 : i32
      %dma_start3A_1681 = tpu.memref_slice %arg3[%multiple_of3A_1668, %dma_start3A_1680] : memref<1000000x16xf32, #tpu.memory_space<hbm>> -> memref<8x16xf32, #tpu.memory_space<hbm>>
      tpu.enqueue_dma source(%dma_start3A_1681 : memref<8x16xf32, #tpu.memory_space<hbm>>) target(%dma_start3A_1679 : memref<8x16xf32, #tpu.memory_space<vmem>>) target_semaphore(%arg10 : memref<!tpu.dma_semaphore, #tpu.memory_space<semaphore_mem>>)
      %slice3A_1682 = vector.extract_strided_slice %get3A_1501 {offsets = [10], sizes = [1], strides = [1]} : vector<16xi32> to vector<1xi32>
      %squeeze3A_1683 = vector.extract %slice3A_1682[0] : i32 from vector<1xi32>
      %and3A_1684 = arith.constant -8 : i32
      %and3A_1685 = arith.andi %squeeze3A_1683, %and3A_1684 : i32
      %multiple_of3A_1686 = tpu.assume_multiple %and3A_1685, 8 : i32
      %dma_start3A_1687 = arith.constant 42 : i32
      %dma_start3A_1688 = arith.constant 0 : i32
      %dma_start3A_1689 = arith.constant 0 : i32
      %dma_start3A_1690 = tpu.memref_slice %arg7[%dma_start3A_1687, %dma_start3A_1688, %dma_start3A_1689] : memref<48x8x16xf32, #tpu.memory_space<vmem>> -> memref<1x8x16xf32, #tpu.memory_space<vmem>>
      %dma_start3A_1691 = tpu.memref_squeeze %dma_start3A_1690 : memref<1x8x16xf32, #tpu.memory_space<vmem>> -> memref<8x16xf32, #tpu.memory_space<vmem>>
      %dma_start3A_1692 = arith.constant 0 : i32
      %dma_start3A_1693 = tpu.memref_slice %arg3[%multiple_of3A_1686, %dma_start3A_1692] : memref<1000000x16xf32, #tpu.memory_space<hbm>> -> memref<8x16xf32, #tpu.memory_space<hbm>>
      %dma_start3A_1694 = arith.constant 0 : i32
      %dma_start3A_1695 = arith.constant 0 : i32
      %dma_start3A_1696 = tpu.memref_slice %arg7[%dma_start3A_1687, %dma_start3A_1694, %dma_start3A_1695] : memref<48x8x16xf32, #tpu.memory_space<vmem>> -> memref<1x8x16xf32, #tpu.memory_space<vmem>>
      %dma_start3A_1697 = tpu.memref_squeeze %dma_start3A_1696 : memref<1x8x16xf32, #tpu.memory_space<vmem>> -> memref<8x16xf32, #tpu.memory_space<vmem>>
      %dma_start3A_1698 = arith.constant 0 : i32
      %dma_start3A_1699 = tpu.memref_slice %arg3[%multiple_of3A_1686, %dma_start3A_1698] : memref<1000000x16xf32, #tpu.memory_space<hbm>> -> memref<8x16xf32, #tpu.memory_space<hbm>>
      tpu.enqueue_dma source(%dma_start3A_1699 : memref<8x16xf32, #tpu.memory_space<hbm>>) target(%dma_start3A_1697 : memref<8x16xf32, #tpu.memory_space<vmem>>) target_semaphore(%arg10 : memref<!tpu.dma_semaphore, #tpu.memory_space<semaphore_mem>>)
      %slice3A_1700 = vector.extract_strided_slice %get3A_1501 {offsets = [11], sizes = [1], strides = [1]} : vector<16xi32> to vector<1xi32>
      %squeeze3A_1701 = vector.extract %slice3A_1700[0] : i32 from vector<1xi32>
      %and3A_1702 = arith.constant -8 : i32
      %and3A_1703 = arith.andi %squeeze3A_1701, %and3A_1702 : i32
      %multiple_of3A_1704 = tpu.assume_multiple %and3A_1703, 8 : i32
      %dma_start3A_1705 = arith.constant 43 : i32
      %dma_start3A_1706 = arith.constant 0 : i32
      %dma_start3A_1707 = arith.constant 0 : i32
      %dma_start3A_1708 = tpu.memref_slice %arg7[%dma_start3A_1705, %dma_start3A_1706, %dma_start3A_1707] : memref<48x8x16xf32, #tpu.memory_space<vmem>> -> memref<1x8x16xf32, #tpu.memory_space<vmem>>
      %dma_start3A_1709 = tpu.memref_squeeze %dma_start3A_1708 : memref<1x8x16xf32, #tpu.memory_space<vmem>> -> memref<8x16xf32, #tpu.memory_space<vmem>>
      %dma_start3A_1710 = arith.constant 0 : i32
      %dma_start3A_1711 = tpu.memref_slice %arg3[%multiple_of3A_1704, %dma_start3A_1710] : memref<1000000x16xf32, #tpu.memory_space<hbm>> -> memref<8x16xf32, #tpu.memory_space<hbm>>
      %dma_start3A_1712 = arith.constant 0 : i32
      %dma_start3A_1713 = arith.constant 0 : i32
      %dma_start3A_1714 = tpu.memref_slice %arg7[%dma_start3A_1705, %dma_start3A_1712, %dma_start3A_1713] : memref<48x8x16xf32, #tpu.memory_space<vmem>> -> memref<1x8x16xf32, #tpu.memory_space<vmem>>
      %dma_start3A_1715 = tpu.memref_squeeze %dma_start3A_1714 : memref<1x8x16xf32, #tpu.memory_space<vmem>> -> memref<8x16xf32, #tpu.memory_space<vmem>>
      %dma_start3A_1716 = arith.constant 0 : i32
      %dma_start3A_1717 = tpu.memref_slice %arg3[%multiple_of3A_1704, %dma_start3A_1716] : memref<1000000x16xf32, #tpu.memory_space<hbm>> -> memref<8x16xf32, #tpu.memory_space<hbm>>
      tpu.enqueue_dma source(%dma_start3A_1717 : memref<8x16xf32, #tpu.memory_space<hbm>>) target(%dma_start3A_1715 : memref<8x16xf32, #tpu.memory_space<vmem>>) target_semaphore(%arg10 : memref<!tpu.dma_semaphore, #tpu.memory_space<semaphore_mem>>)
      %slice3A_1718 = vector.extract_strided_slice %get3A_1501 {offsets = [12], sizes = [1], strides = [1]} : vector<16xi32> to vector<1xi32>
      %squeeze3A_1719 = vector.extract %slice3A_1718[0] : i32 from vector<1xi32>
      %and3A_1720 = arith.constant -8 : i32
      %and3A_1721 = arith.andi %squeeze3A_1719, %and3A_1720 : i32
      %multiple_of3A_1722 = tpu.assume_multiple %and3A_1721, 8 : i32
      %dma_start3A_1723 = arith.constant 44 : i32
      %dma_start3A_1724 = arith.constant 0 : i32
      %dma_start3A_1725 = arith.constant 0 : i32
      %dma_start3A_1726 = tpu.memref_slice %arg7[%dma_start3A_1723, %dma_start3A_1724, %dma_start3A_1725] : memref<48x8x16xf32, #tpu.memory_space<vmem>> -> memref<1x8x16xf32, #tpu.memory_space<vmem>>
      %dma_start3A_1727 = tpu.memref_squeeze %dma_start3A_1726 : memref<1x8x16xf32, #tpu.memory_space<vmem>> -> memref<8x16xf32, #tpu.memory_space<vmem>>
      %dma_start3A_1728 = arith.constant 0 : i32
      %dma_start3A_1729 = tpu.memref_slice %arg3[%multiple_of3A_1722, %dma_start3A_1728] : memref<1000000x16xf32, #tpu.memory_space<hbm>> -> memref<8x16xf32, #tpu.memory_space<hbm>>
      %dma_start3A_1730 = arith.constant 0 : i32
      %dma_start3A_1731 = arith.constant 0 : i32
      %dma_start3A_1732 = tpu.memref_slice %arg7[%dma_start3A_1723, %dma_start3A_1730, %dma_start3A_1731] : memref<48x8x16xf32, #tpu.memory_space<vmem>> -> memref<1x8x16xf32, #tpu.memory_space<vmem>>
      %dma_start3A_1733 = tpu.memref_squeeze %dma_start3A_1732 : memref<1x8x16xf32, #tpu.memory_space<vmem>> -> memref<8x16xf32, #tpu.memory_space<vmem>>
      %dma_start3A_1734 = arith.constant 0 : i32
      %dma_start3A_1735 = tpu.memref_slice %arg3[%multiple_of3A_1722, %dma_start3A_1734] : memref<1000000x16xf32, #tpu.memory_space<hbm>> -> memref<8x16xf32, #tpu.memory_space<hbm>>
      tpu.enqueue_dma source(%dma_start3A_1735 : memref<8x16xf32, #tpu.memory_space<hbm>>) target(%dma_start3A_1733 : memref<8x16xf32, #tpu.memory_space<vmem>>) target_semaphore(%arg10 : memref<!tpu.dma_semaphore, #tpu.memory_space<semaphore_mem>>)
      %slice3A_1736 = vector.extract_strided_slice %get3A_1501 {offsets = [13], sizes = [1], strides = [1]} : vector<16xi32> to vector<1xi32>
      %squeeze3A_1737 = vector.extract %slice3A_1736[0] : i32 from vector<1xi32>
      %and3A_1738 = arith.constant -8 : i32
      %and3A_1739 = arith.andi %squeeze3A_1737, %and3A_1738 : i32
      %multiple_of3A_1740 = tpu.assume_multiple %and3A_1739, 8 : i32
      %dma_start3A_1741 = arith.constant 45 : i32
      %dma_start3A_1742 = arith.constant 0 : i32
      %dma_start3A_1743 = arith.constant 0 : i32
      %dma_start3A_1744 = tpu.memref_slice %arg7[%dma_start3A_1741, %dma_start3A_1742, %dma_start3A_1743] : memref<48x8x16xf32, #tpu.memory_space<vmem>> -> memref<1x8x16xf32, #tpu.memory_space<vmem>>
      %dma_start3A_1745 = tpu.memref_squeeze %dma_start3A_1744 : memref<1x8x16xf32, #tpu.memory_space<vmem>> -> memref<8x16xf32, #tpu.memory_space<vmem>>
      %dma_start3A_1746 = arith.constant 0 : i32
      %dma_start3A_1747 = tpu.memref_slice %arg3[%multiple_of3A_1740, %dma_start3A_1746] : memref<1000000x16xf32, #tpu.memory_space<hbm>> -> memref<8x16xf32, #tpu.memory_space<hbm>>
      %dma_start3A_1748 = arith.constant 0 : i32
      %dma_start3A_1749 = arith.constant 0 : i32
      %dma_start3A_1750 = tpu.memref_slice %arg7[%dma_start3A_1741, %dma_start3A_1748, %dma_start3A_1749] : memref<48x8x16xf32, #tpu.memory_space<vmem>> -> memref<1x8x16xf32, #tpu.memory_space<vmem>>
      %dma_start3A_1751 = tpu.memref_squeeze %dma_start3A_1750 : memref<1x8x16xf32, #tpu.memory_space<vmem>> -> memref<8x16xf32, #tpu.memory_space<vmem>>
      %dma_start3A_1752 = arith.constant 0 : i32
      %dma_start3A_1753 = tpu.memref_slice %arg3[%multiple_of3A_1740, %dma_start3A_1752] : memref<1000000x16xf32, #tpu.memory_space<hbm>> -> memref<8x16xf32, #tpu.memory_space<hbm>>
      tpu.enqueue_dma source(%dma_start3A_1753 : memref<8x16xf32, #tpu.memory_space<hbm>>) target(%dma_start3A_1751 : memref<8x16xf32, #tpu.memory_space<vmem>>) target_semaphore(%arg10 : memref<!tpu.dma_semaphore, #tpu.memory_space<semaphore_mem>>)
      %slice3A_1754 = vector.extract_strided_slice %get3A_1501 {offsets = [14], sizes = [1], strides = [1]} : vector<16xi32> to vector<1xi32>
      %squeeze3A_1755 = vector.extract %slice3A_1754[0] : i32 from vector<1xi32>
      %and3A_1756 = arith.constant -8 : i32
      %and3A_1757 = arith.andi %squeeze3A_1755, %and3A_1756 : i32
      %multiple_of3A_1758 = tpu.assume_multiple %and3A_1757, 8 : i32
      %dma_start3A_1759 = arith.constant 46 : i32
      %dma_start3A_1760 = arith.constant 0 : i32
      %dma_start3A_1761 = arith.constant 0 : i32
      %dma_start3A_1762 = tpu.memref_slice %arg7[%dma_start3A_1759, %dma_start3A_1760, %dma_start3A_1761] : memref<48x8x16xf32, #tpu.memory_space<vmem>> -> memref<1x8x16xf32, #tpu.memory_space<vmem>>
      %dma_start3A_1763 = tpu.memref_squeeze %dma_start3A_1762 : memref<1x8x16xf32, #tpu.memory_space<vmem>> -> memref<8x16xf32, #tpu.memory_space<vmem>>
      %dma_start3A_1764 = arith.constant 0 : i32
      %dma_start3A_1765 = tpu.memref_slice %arg3[%multiple_of3A_1758, %dma_start3A_1764] : memref<1000000x16xf32, #tpu.memory_space<hbm>> -> memref<8x16xf32, #tpu.memory_space<hbm>>
      %dma_start3A_1766 = arith.constant 0 : i32
      %dma_start3A_1767 = arith.constant 0 : i32
      %dma_start3A_1768 = tpu.memref_slice %arg7[%dma_start3A_1759, %dma_start3A_1766, %dma_start3A_1767] : memref<48x8x16xf32, #tpu.memory_space<vmem>> -> memref<1x8x16xf32, #tpu.memory_space<vmem>>
      %dma_start3A_1769 = tpu.memref_squeeze %dma_start3A_1768 : memref<1x8x16xf32, #tpu.memory_space<vmem>> -> memref<8x16xf32, #tpu.memory_space<vmem>>
      %dma_start3A_1770 = arith.constant 0 : i32
      %dma_start3A_1771 = tpu.memref_slice %arg3[%multiple_of3A_1758, %dma_start3A_1770] : memref<1000000x16xf32, #tpu.memory_space<hbm>> -> memref<8x16xf32, #tpu.memory_space<hbm>>
      tpu.enqueue_dma source(%dma_start3A_1771 : memref<8x16xf32, #tpu.memory_space<hbm>>) target(%dma_start3A_1769 : memref<8x16xf32, #tpu.memory_space<vmem>>) target_semaphore(%arg10 : memref<!tpu.dma_semaphore, #tpu.memory_space<semaphore_mem>>)
      %slice3A_1772 = vector.extract_strided_slice %get3A_1501 {offsets = [15], sizes = [1], strides = [1]} : vector<16xi32> to vector<1xi32>
      %squeeze3A_1773 = vector.extract %slice3A_1772[0] : i32 from vector<1xi32>
      %and3A_1774 = arith.constant -8 : i32
      %and3A_1775 = arith.andi %squeeze3A_1773, %and3A_1774 : i32
      %multiple_of3A_1776 = tpu.assume_multiple %and3A_1775, 8 : i32
      %dma_start3A_1777 = arith.constant 47 : i32
      %dma_start3A_1778 = arith.constant 0 : i32
      %dma_start3A_1779 = arith.constant 0 : i32
      %dma_start3A_1780 = tpu.memref_slice %arg7[%dma_start3A_1777, %dma_start3A_1778, %dma_start3A_1779] : memref<48x8x16xf32, #tpu.memory_space<vmem>> -> memref<1x8x16xf32, #tpu.memory_space<vmem>>
      %dma_start3A_1781 = tpu.memref_squeeze %dma_start3A_1780 : memref<1x8x16xf32, #tpu.memory_space<vmem>> -> memref<8x16xf32, #tpu.memory_space<vmem>>
      %dma_start3A_1782 = arith.constant 0 : i32
      %dma_start3A_1783 = tpu.memref_slice %arg3[%multiple_of3A_1776, %dma_start3A_1782] : memref<1000000x16xf32, #tpu.memory_space<hbm>> -> memref<8x16xf32, #tpu.memory_space<hbm>>
      %dma_start3A_1784 = arith.constant 0 : i32
      %dma_start3A_1785 = arith.constant 0 : i32
      %dma_start3A_1786 = tpu.memref_slice %arg7[%dma_start3A_1777, %dma_start3A_1784, %dma_start3A_1785] : memref<48x8x16xf32, #tpu.memory_space<vmem>> -> memref<1x8x16xf32, #tpu.memory_space<vmem>>
      %dma_start3A_1787 = tpu.memref_squeeze %dma_start3A_1786 : memref<1x8x16xf32, #tpu.memory_space<vmem>> -> memref<8x16xf32, #tpu.memory_space<vmem>>
      %dma_start3A_1788 = arith.constant 0 : i32
      %dma_start3A_1789 = tpu.memref_slice %arg3[%multiple_of3A_1776, %dma_start3A_1788] : memref<1000000x16xf32, #tpu.memory_space<hbm>> -> memref<8x16xf32, #tpu.memory_space<hbm>>
      tpu.enqueue_dma source(%dma_start3A_1789 : memref<8x16xf32, #tpu.memory_space<hbm>>) target(%dma_start3A_1787 : memref<8x16xf32, #tpu.memory_space<vmem>>) target_semaphore(%arg10 : memref<!tpu.dma_semaphore, #tpu.memory_space<semaphore_mem>>)
      %dma_wait3A = tpu.memref_reshape %arg3 : memref<1000000x16xf32, #tpu.memory_space<hbm>> -> memref<125000x8x16xf32, #tpu.memory_space<hbm>>
      %dma_wait3A_1790 = arith.constant 0 : i32
      %dma_wait3A_1791 = arith.constant 0 : i32
      %dma_wait3A_1792 = arith.constant 0 : i32
      %dma_wait3A_1793 = tpu.memref_slice %dma_wait3A[%dma_wait3A_1790, %dma_wait3A_1791, %dma_wait3A_1792] : memref<125000x8x16xf32, #tpu.memory_space<hbm>> -> memref<48x8x16xf32, #tpu.memory_space<hbm>>
      %dma_wait3A_1794 = tpu.memref_reshape %arg3 : memref<1000000x16xf32, #tpu.memory_space<hbm>> -> memref<125000x8x16xf32, #tpu.memory_space<hbm>>
      %dma_wait3A_1795 = arith.constant 0 : i32
      %dma_wait3A_1796 = arith.constant 0 : i32
      %dma_wait3A_1797 = arith.constant 0 : i32
      %dma_wait3A_1798 = tpu.memref_slice %dma_wait3A_1794[%dma_wait3A_1795, %dma_wait3A_1796, %dma_wait3A_1797] : memref<125000x8x16xf32, #tpu.memory_space<hbm>> -> memref<48x8x16xf32, #tpu.memory_space<hbm>>
      tpu.wait_dma2 semaphore(%arg9 : memref<!tpu.dma_semaphore, #tpu.memory_space<semaphore_mem>>) src(%dma_wait3A_1798 : memref<48x8x16xf32, #tpu.memory_space<hbm>>) dst(%arg6 : memref<48x8x16xf32, #tpu.memory_space<vmem>>)
      %mul3A_1799 = arith.constant 2 : i32
      %mul3A_1800 = arith.muli %mul3A_1799, %scan3A_892 : i32
      %mul3A_1801 = arith.constant 48 : i32
      %mul3A_1802 = arith.muli %mul3A_1800, %mul3A_1801 : i32
      %broadcast_in_dim3A = arith.constant 0.000000e+00 : f32
      %broadcast_in_dim3A_1803 = vector.broadcast %broadcast_in_dim3A : f32 to vector<16xf32>
      %add3A_1804 = arith.constant 0 : i32
      %add3A_1805 = arith.addi %mul3A_1802, %add3A_1804 : i32
      %shift_right_arithmetic3A_1806 = arith.constant 7 : i32
      %shift_right_arithmetic3A_1807 = arith.shrsi %add3A_1805, %shift_right_arithmetic3A_1806 : i32
      %and3A_1808 = arith.constant 127 : i32
      %and3A_1809 = arith.andi %add3A_1805, %and3A_1808 : i32
      %get3A_1810 = arith.index_cast %shift_right_arithmetic3A_1807 : i32 to index
      %get3A_1811 = arith.index_cast %and3A_1809 : i32 to index
      %get3A_1812 = tpu.vector_load %arg5[%get3A_1810, %get3A_1811] {strides = array<i32>} : memref<12x128xi32, #tpu.memory_space<vmem>>, vector<16xi32>,
      %add3A_1813 = arith.constant 16 : i32
      %add3A_1814 = arith.addi %mul3A_1802, %add3A_1813 : i32
      %shift_right_arithmetic3A_1815 = arith.constant 7 : i32
      %shift_right_arithmetic3A_1816 = arith.shrsi %add3A_1814, %shift_right_arithmetic3A_1815 : i32
      %and3A_1817 = arith.constant 127 : i32
      %and3A_1818 = arith.andi %add3A_1814, %and3A_1817 : i32
      %get3A_1819 = arith.index_cast %shift_right_arithmetic3A_1816 : i32 to index
      %get3A_1820 = arith.index_cast %and3A_1818 : i32 to index
      %get3A_1821 = tpu.vector_load %arg5[%get3A_1819, %get3A_1820] {strides = array<i32>} : memref<12x128xi32, #tpu.memory_space<vmem>>, vector<16xi32>,
      %add3A_1822 = arith.constant 32 : i32
      %add3A_1823 = arith.addi %mul3A_1802, %add3A_1822 : i32
      %shift_right_arithmetic3A_1824 = arith.constant 7 : i32
      %shift_right_arithmetic3A_1825 = arith.shrsi %add3A_1823, %shift_right_arithmetic3A_1824 : i32
      %and3A_1826 = arith.constant 127 : i32
      %and3A_1827 = arith.andi %add3A_1823, %and3A_1826 : i32
      %get3A_1828 = arith.index_cast %shift_right_arithmetic3A_1825 : i32 to index
      %get3A_1829 = arith.index_cast %and3A_1827 : i32 to index
      %get3A_1830 = tpu.vector_load %arg5[%get3A_1828, %get3A_1829] {strides = array<i32>} : memref<12x128xi32, #tpu.memory_space<vmem>>, vector<16xi32>,
      %slice3A_1831 = vector.extract_strided_slice %get3A_1812 {offsets = [0], sizes = [1], strides = [1]} : vector<16xi32> to vector<1xi32>
      %squeeze3A_1832 = vector.extract %slice3A_1831[0] : i32 from vector<1xi32>
      %and3A_1833 = arith.constant 7 : i32
      %and3A_1834 = arith.andi %squeeze3A_1832, %and3A_1833 : i32
      %get3A_1835 = arith.constant 0 : i32
      %get3A_1836 = arith.index_cast %get3A_1835 : i32 to index
      %get3A_1837 = arith.index_cast %and3A_1834 : i32 to index
      %get3A_1838 = arith.constant 0 : index
      %get3A_1839 = tpu.vector_load %arg6[%get3A_1836, %get3A_1837, %get3A_1838] {strides = array<i32>} : memref<48x8x16xf32, #tpu.memory_space<vmem>>, vector<16xf32>,
      %slice3A_1840 = vector.extract_strided_slice %get3A_1812 {offsets = [1], sizes = [1], strides = [1]} : vector<16xi32> to vector<1xi32>
      %squeeze3A_1841 = vector.extract %slice3A_1840[0] : i32 from vector<1xi32>
      %and3A_1842 = arith.constant 7 : i32
      %and3A_1843 = arith.andi %squeeze3A_1841, %and3A_1842 : i32
      %get3A_1844 = arith.constant 1 : i32
      %get3A_1845 = arith.index_cast %get3A_1844 : i32 to index
      %get3A_1846 = arith.index_cast %and3A_1843 : i32 to index
      %get3A_1847 = arith.constant 0 : index
      %get3A_1848 = tpu.vector_load %arg6[%get3A_1845, %get3A_1846, %get3A_1847] {strides = array<i32>} : memref<48x8x16xf32, #tpu.memory_space<vmem>>, vector<16xf32>,
      %slice3A_1849 = vector.extract_strided_slice %get3A_1812 {offsets = [2], sizes = [1], strides = [1]} : vector<16xi32> to vector<1xi32>
      %squeeze3A_1850 = vector.extract %slice3A_1849[0] : i32 from vector<1xi32>
      %and3A_1851 = arith.constant 7 : i32
      %and3A_1852 = arith.andi %squeeze3A_1850, %and3A_1851 : i32
      %get3A_1853 = arith.constant 2 : i32
      %get3A_1854 = arith.index_cast %get3A_1853 : i32 to index
      %get3A_1855 = arith.index_cast %and3A_1852 : i32 to index
      %get3A_1856 = arith.constant 0 : index
      %get3A_1857 = tpu.vector_load %arg6[%get3A_1854, %get3A_1855, %get3A_1856] {strides = array<i32>} : memref<48x8x16xf32, #tpu.memory_space<vmem>>, vector<16xf32>,
      %sub3A = arith.subf %get3A_1839, %get3A_1848 : vector<16xf32>
      %sub3A_1858 = arith.subf %get3A_1839, %get3A_1857 : vector<16xf32>
      %mul3A_1859 = arith.mulf %sub3A, %sub3A : vector<16xf32>
      %mul3A_1860 = arith.mulf %sub3A_1858, %sub3A_1858 : vector<16xf32>
      %sub3A_1861 = arith.subf %mul3A_1859, %mul3A_1860 : vector<16xf32>
      %eq3A = arith.constant 0 : i32
      %eq3A_1862 = vector.broadcast %eq3A : i32 to vector<16xi32>
      %eq3A_1863 = arith.cmpi eq, %iota3A, %eq3A_1862 : vector<16xi32>
      %reduce_sum3A = arith.constant true
      %reduce_sum3A_1864 = vector.broadcast %reduce_sum3A : i1 to vector<16xi1>
      %reduce_sum3A_1865 = tpu.scan <sum>, %sub3A_1861 masked %reduce_sum3A_1864 : vector<16xf32>, vector<16xi1> -> vector<16xf32>
      %reduce_sum3A_1866 = vector.extract %reduce_sum3A_1865[15] : f32 from vector<16xf32>
      %broadcast_in_dim3A_1867 = vector.broadcast %reduce_sum3A_1866 : f32 to vector<16xf32>
      %select_n3A = arith.select %eq3A_1863, %broadcast_in_dim3A_1867, %broadcast_in_dim3A_1803 : vector<16xi1>, vector<16xf32>
      %slice3A_1868 = vector.extract_strided_slice %get3A_1812 {offsets = [3], sizes = [1], strides = [1]} : vector<16xi32> to vector<1xi32>
      %squeeze3A_1869 = vector.extract %slice3A_1868[0] : i32 from vector<1xi32>
      %and3A_1870 = arith.constant 7 : i32
      %and3A_1871 = arith.andi %squeeze3A_1869, %and3A_1870 : i32
      %get3A_1872 = arith.constant 3 : i32
      %get3A_1873 = arith.index_cast %get3A_1872 : i32 to index
      %get3A_1874 = arith.index_cast %and3A_1871 : i32 to index
      %get3A_1875 = arith.constant 0 : index
      %get3A_1876 = tpu.vector_load %arg6[%get3A_1873, %get3A_1874, %get3A_1875] {strides = array<i32>} : memref<48x8x16xf32, #tpu.memory_space<vmem>>, vector<16xf32>,
      %slice3A_1877 = vector.extract_strided_slice %get3A_1812 {offsets = [4], sizes = [1], strides = [1]} : vector<16xi32> to vector<1xi32>
      %squeeze3A_1878 = vector.extract %slice3A_1877[0] : i32 from vector<1xi32>
      %and3A_1879 = arith.constant 7 : i32
      %and3A_1880 = arith.andi %squeeze3A_1878, %and3A_1879 : i32
      %get3A_1881 = arith.constant 4 : i32
      %get3A_1882 = arith.index_cast %get3A_1881 : i32 to index
      %get3A_1883 = arith.index_cast %and3A_1880 : i32 to index
      %get3A_1884 = arith.constant 0 : index
      %get3A_1885 = tpu.vector_load %arg6[%get3A_1882, %get3A_1883, %get3A_1884] {strides = array<i32>} : memref<48x8x16xf32, #tpu.memory_space<vmem>>, vector<16xf32>,
      %slice3A_1886 = vector.extract_strided_slice %get3A_1812 {offsets = [5], sizes = [1], strides = [1]} : vector<16xi32> to vector<1xi32>
      %squeeze3A_1887 = vector.extract %slice3A_1886[0] : i32 from vector<1xi32>
      %and3A_1888 = arith.constant 7 : i32
      %and3A_1889 = arith.andi %squeeze3A_1887, %and3A_1888 : i32
      %get3A_1890 = arith.constant 5 : i32
      %get3A_1891 = arith.index_cast %get3A_1890 : i32 to index
      %get3A_1892 = arith.index_cast %and3A_1889 : i32 to index
      %get3A_1893 = arith.constant 0 : index
      %get3A_1894 = tpu.vector_load %arg6[%get3A_1891, %get3A_1892, %get3A_1893] {strides = array<i32>} : memref<48x8x16xf32, #tpu.memory_space<vmem>>, vector<16xf32>,
      %sub3A_1895 = arith.subf %get3A_1876, %get3A_1885 : vector<16xf32>
      %sub3A_1896 = arith.subf %get3A_1876, %get3A_1894 : vector<16xf32>
      %mul3A_1897 = arith.mulf %sub3A_1895, %sub3A_1895 : vector<16xf32>
      %mul3A_1898 = arith.mulf %sub3A_1896, %sub3A_1896 : vector<16xf32>
      %sub3A_1899 = arith.subf %mul3A_1897, %mul3A_1898 : vector<16xf32>
      %eq3A_1900 = arith.constant 1 : i32
      %eq3A_1901 = vector.broadcast %eq3A_1900 : i32 to vector<16xi32>
      %eq3A_1902 = arith.cmpi eq, %iota3A, %eq3A_1901 : vector<16xi32>
      %reduce_sum3A_1903 = arith.constant true
      %reduce_sum3A_1904 = vector.broadcast %reduce_sum3A_1903 : i1 to vector<16xi1>
      %reduce_sum3A_1905 = tpu.scan <sum>, %sub3A_1899 masked %reduce_sum3A_1904 : vector<16xf32>, vector<16xi1> -> vector<16xf32>
      %reduce_sum3A_1906 = vector.extract %reduce_sum3A_1905[15] : f32 from vector<16xf32>
      %broadcast_in_dim3A_1907 = vector.broadcast %reduce_sum3A_1906 : f32 to vector<16xf32>
      %select_n3A_1908 = arith.select %eq3A_1902, %broadcast_in_dim3A_1907, %select_n3A : vector<16xi1>, vector<16xf32>
      %slice3A_1909 = vector.extract_strided_slice %get3A_1812 {offsets = [6], sizes = [1], strides = [1]} : vector<16xi32> to vector<1xi32>
      %squeeze3A_1910 = vector.extract %slice3A_1909[0] : i32 from vector<1xi32>
      %and3A_1911 = arith.constant 7 : i32
      %and3A_1912 = arith.andi %squeeze3A_1910, %and3A_1911 : i32
      %get3A_1913 = arith.constant 6 : i32
      %get3A_1914 = arith.index_cast %get3A_1913 : i32 to index
      %get3A_1915 = arith.index_cast %and3A_1912 : i32 to index
      %get3A_1916 = arith.constant 0 : index
      %get3A_1917 = tpu.vector_load %arg6[%get3A_1914, %get3A_1915, %get3A_1916] {strides = array<i32>} : memref<48x8x16xf32, #tpu.memory_space<vmem>>, vector<16xf32>,
      %slice3A_1918 = vector.extract_strided_slice %get3A_1812 {offsets = [7], sizes = [1], strides = [1]} : vector<16xi32> to vector<1xi32>
      %squeeze3A_1919 = vector.extract %slice3A_1918[0] : i32 from vector<1xi32>
      %and3A_1920 = arith.constant 7 : i32
      %and3A_1921 = arith.andi %squeeze3A_1919, %and3A_1920 : i32
      %get3A_1922 = arith.constant 7 : i32
      %get3A_1923 = arith.index_cast %get3A_1922 : i32 to index
      %get3A_1924 = arith.index_cast %and3A_1921 : i32 to index
      %get3A_1925 = arith.constant 0 : index
      %get3A_1926 = tpu.vector_load %arg6[%get3A_1923, %get3A_1924, %get3A_1925] {strides = array<i32>} : memref<48x8x16xf32, #tpu.memory_space<vmem>>, vector<16xf32>,
      %slice3A_1927 = vector.extract_strided_slice %get3A_1812 {offsets = [8], sizes = [1], strides = [1]} : vector<16xi32> to vector<1xi32>
      %squeeze3A_1928 = vector.extract %slice3A_1927[0] : i32 from vector<1xi32>
      %and3A_1929 = arith.constant 7 : i32
      %and3A_1930 = arith.andi %squeeze3A_1928, %and3A_1929 : i32
      %get3A_1931 = arith.constant 8 : i32
      %get3A_1932 = arith.index_cast %get3A_1931 : i32 to index
      %get3A_1933 = arith.index_cast %and3A_1930 : i32 to index
      %get3A_1934 = arith.constant 0 : index
      %get3A_1935 = tpu.vector_load %arg6[%get3A_1932, %get3A_1933, %get3A_1934] {strides = array<i32>} : memref<48x8x16xf32, #tpu.memory_space<vmem>>, vector<16xf32>,
      %sub3A_1936 = arith.subf %get3A_1917, %get3A_1926 : vector<16xf32>
      %sub3A_1937 = arith.subf %get3A_1917, %get3A_1935 : vector<16xf32>
      %mul3A_1938 = arith.mulf %sub3A_1936, %sub3A_1936 : vector<16xf32>
      %mul3A_1939 = arith.mulf %sub3A_1937, %sub3A_1937 : vector<16xf32>
      %sub3A_1940 = arith.subf %mul3A_1938, %mul3A_1939 : vector<16xf32>
      %eq3A_1941 = arith.constant 2 : i32
      %eq3A_1942 = vector.broadcast %eq3A_1941 : i32 to vector<16xi32>
      %eq3A_1943 = arith.cmpi eq, %iota3A, %eq3A_1942 : vector<16xi32>
      %reduce_sum3A_1944 = arith.constant true
      %reduce_sum3A_1945 = vector.broadcast %reduce_sum3A_1944 : i1 to vector<16xi1>
      %reduce_sum3A_1946 = tpu.scan <sum>, %sub3A_1940 masked %reduce_sum3A_1945 : vector<16xf32>, vector<16xi1> -> vector<16xf32>
      %reduce_sum3A_1947 = vector.extract %reduce_sum3A_1946[15] : f32 from vector<16xf32>
      %broadcast_in_dim3A_1948 = vector.broadcast %reduce_sum3A_1947 : f32 to vector<16xf32>
      %select_n3A_1949 = arith.select %eq3A_1943, %broadcast_in_dim3A_1948, %select_n3A_1908 : vector<16xi1>, vector<16xf32>
      %slice3A_1950 = vector.extract_strided_slice %get3A_1812 {offsets = [9], sizes = [1], strides = [1]} : vector<16xi32> to vector<1xi32>
      %squeeze3A_1951 = vector.extract %slice3A_1950[0] : i32 from vector<1xi32>
      %and3A_1952 = arith.constant 7 : i32
      %and3A_1953 = arith.andi %squeeze3A_1951, %and3A_1952 : i32
      %get3A_1954 = arith.constant 9 : i32
      %get3A_1955 = arith.index_cast %get3A_1954 : i32 to index
      %get3A_1956 = arith.index_cast %and3A_1953 : i32 to index
      %get3A_1957 = arith.constant 0 : index
      %get3A_1958 = tpu.vector_load %arg6[%get3A_1955, %get3A_1956, %get3A_1957] {strides = array<i32>} : memref<48x8x16xf32, #tpu.memory_space<vmem>>, vector<16xf32>,
      %slice3A_1959 = vector.extract_strided_slice %get3A_1812 {offsets = [10], sizes = [1], strides = [1]} : vector<16xi32> to vector<1xi32>
      %squeeze3A_1960 = vector.extract %slice3A_1959[0] : i32 from vector<1xi32>
      %and3A_1961 = arith.constant 7 : i32
      %and3A_1962 = arith.andi %squeeze3A_1960, %and3A_1961 : i32
      %get3A_1963 = arith.constant 10 : i32
      %get3A_1964 = arith.index_cast %get3A_1963 : i32 to index
      %get3A_1965 = arith.index_cast %and3A_1962 : i32 to index
      %get3A_1966 = arith.constant 0 : index
      %get3A_1967 = tpu.vector_load %arg6[%get3A_1964, %get3A_1965, %get3A_1966] {strides = array<i32>} : memref<48x8x16xf32, #tpu.memory_space<vmem>>, vector<16xf32>,
      %slice3A_1968 = vector.extract_strided_slice %get3A_1812 {offsets = [11], sizes = [1], strides = [1]} : vector<16xi32> to vector<1xi32>
      %squeeze3A_1969 = vector.extract %slice3A_1968[0] : i32 from vector<1xi32>
      %and3A_1970 = arith.constant 7 : i32
      %and3A_1971 = arith.andi %squeeze3A_1969, %and3A_1970 : i32
      %get3A_1972 = arith.constant 11 : i32
      %get3A_1973 = arith.index_cast %get3A_1972 : i32 to index
      %get3A_1974 = arith.index_cast %and3A_1971 : i32 to index
      %get3A_1975 = arith.constant 0 : index
      %get3A_1976 = tpu.vector_load %arg6[%get3A_1973, %get3A_1974, %get3A_1975] {strides = array<i32>} : memref<48x8x16xf32, #tpu.memory_space<vmem>>, vector<16xf32>,
      %sub3A_1977 = arith.subf %get3A_1958, %get3A_1967 : vector<16xf32>
      %sub3A_1978 = arith.subf %get3A_1958, %get3A_1976 : vector<16xf32>
      %mul3A_1979 = arith.mulf %sub3A_1977, %sub3A_1977 : vector<16xf32>
      %mul3A_1980 = arith.mulf %sub3A_1978, %sub3A_1978 : vector<16xf32>
      %sub3A_1981 = arith.subf %mul3A_1979, %mul3A_1980 : vector<16xf32>
      %eq3A_1982 = arith.constant 3 : i32
      %eq3A_1983 = vector.broadcast %eq3A_1982 : i32 to vector<16xi32>
      %eq3A_1984 = arith.cmpi eq, %iota3A, %eq3A_1983 : vector<16xi32>
      %reduce_sum3A_1985 = arith.constant true
      %reduce_sum3A_1986 = vector.broadcast %reduce_sum3A_1985 : i1 to vector<16xi1>
      %reduce_sum3A_1987 = tpu.scan <sum>, %sub3A_1981 masked %reduce_sum3A_1986 : vector<16xf32>, vector<16xi1> -> vector<16xf32>
      %reduce_sum3A_1988 = vector.extract %reduce_sum3A_1987[15] : f32 from vector<16xf32>
      %broadcast_in_dim3A_1989 = vector.broadcast %reduce_sum3A_1988 : f32 to vector<16xf32>
      %select_n3A_1990 = arith.select %eq3A_1984, %broadcast_in_dim3A_1989, %select_n3A_1949 : vector<16xi1>, vector<16xf32>
      %slice3A_1991 = vector.extract_strided_slice %get3A_1812 {offsets = [12], sizes = [1], strides = [1]} : vector<16xi32> to vector<1xi32>
      %squeeze3A_1992 = vector.extract %slice3A_1991[0] : i32 from vector<1xi32>
      %and3A_1993 = arith.constant 7 : i32
      %and3A_1994 = arith.andi %squeeze3A_1992, %and3A_1993 : i32
      %get3A_1995 = arith.constant 12 : i32
      %get3A_1996 = arith.index_cast %get3A_1995 : i32 to index
      %get3A_1997 = arith.index_cast %and3A_1994 : i32 to index
      %get3A_1998 = arith.constant 0 : index
      %get3A_1999 = tpu.vector_load %arg6[%get3A_1996, %get3A_1997, %get3A_1998] {strides = array<i32>} : memref<48x8x16xf32, #tpu.memory_space<vmem>>, vector<16xf32>,
      %slice3A_2000 = vector.extract_strided_slice %get3A_1812 {offsets = [13], sizes = [1], strides = [1]} : vector<16xi32> to vector<1xi32>
      %squeeze3A_2001 = vector.extract %slice3A_2000[0] : i32 from vector<1xi32>
      %and3A_2002 = arith.constant 7 : i32
      %and3A_2003 = arith.andi %squeeze3A_2001, %and3A_2002 : i32
      %get3A_2004 = arith.constant 13 : i32
      %get3A_2005 = arith.index_cast %get3A_2004 : i32 to index
      %get3A_2006 = arith.index_cast %and3A_2003 : i32 to index
      %get3A_2007 = arith.constant 0 : index
      %get3A_2008 = tpu.vector_load %arg6[%get3A_2005, %get3A_2006, %get3A_2007] {strides = array<i32>} : memref<48x8x16xf32, #tpu.memory_space<vmem>>, vector<16xf32>,
      %slice3A_2009 = vector.extract_strided_slice %get3A_1812 {offsets = [14], sizes = [1], strides = [1]} : vector<16xi32> to vector<1xi32>
      %squeeze3A_2010 = vector.extract %slice3A_2009[0] : i32 from vector<1xi32>
      %and3A_2011 = arith.constant 7 : i32
      %and3A_2012 = arith.andi %squeeze3A_2010, %and3A_2011 : i32
      %get3A_2013 = arith.constant 14 : i32
      %get3A_2014 = arith.index_cast %get3A_2013 : i32 to index
      %get3A_2015 = arith.index_cast %and3A_2012 : i32 to index
      %get3A_2016 = arith.constant 0 : index
      %get3A_2017 = tpu.vector_load %arg6[%get3A_2014, %get3A_2015, %get3A_2016] {strides = array<i32>} : memref<48x8x16xf32, #tpu.memory_space<vmem>>, vector<16xf32>,
      %sub3A_2018 = arith.subf %get3A_1999, %get3A_2008 : vector<16xf32>
      %sub3A_2019 = arith.subf %get3A_1999, %get3A_2017 : vector<16xf32>
      %mul3A_2020 = arith.mulf %sub3A_2018, %sub3A_2018 : vector<16xf32>
      %mul3A_2021 = arith.mulf %sub3A_2019, %sub3A_2019 : vector<16xf32>
      %sub3A_2022 = arith.subf %mul3A_2020, %mul3A_2021 : vector<16xf32>
      %eq3A_2023 = arith.constant 4 : i32
      %eq3A_2024 = vector.broadcast %eq3A_2023 : i32 to vector<16xi32>
      %eq3A_2025 = arith.cmpi eq, %iota3A, %eq3A_2024 : vector<16xi32>
      %reduce_sum3A_2026 = arith.constant true
      %reduce_sum3A_2027 = vector.broadcast %reduce_sum3A_2026 : i1 to vector<16xi1>
      %reduce_sum3A_2028 = tpu.scan <sum>, %sub3A_2022 masked %reduce_sum3A_2027 : vector<16xf32>, vector<16xi1> -> vector<16xf32>
      %reduce_sum3A_2029 = vector.extract %reduce_sum3A_2028[15] : f32 from vector<16xf32>
      %broadcast_in_dim3A_2030 = vector.broadcast %reduce_sum3A_2029 : f32 to vector<16xf32>
      %select_n3A_2031 = arith.select %eq3A_2025, %broadcast_in_dim3A_2030, %select_n3A_1990 : vector<16xi1>, vector<16xf32>
      %slice3A_2032 = vector.extract_strided_slice %get3A_1812 {offsets = [15], sizes = [1], strides = [1]} : vector<16xi32> to vector<1xi32>
      %squeeze3A_2033 = vector.extract %slice3A_2032[0] : i32 from vector<1xi32>
      %and3A_2034 = arith.constant 7 : i32
      %and3A_2035 = arith.andi %squeeze3A_2033, %and3A_2034 : i32
      %get3A_2036 = arith.constant 15 : i32
      %get3A_2037 = arith.index_cast %get3A_2036 : i32 to index
      %get3A_2038 = arith.index_cast %and3A_2035 : i32 to index
      %get3A_2039 = arith.constant 0 : index
      %get3A_2040 = tpu.vector_load %arg6[%get3A_2037, %get3A_2038, %get3A_2039] {strides = array<i32>} : memref<48x8x16xf32, #tpu.memory_space<vmem>>, vector<16xf32>,
      %slice3A_2041 = vector.extract_strided_slice %get3A_1821 {offsets = [0], sizes = [1], strides = [1]} : vector<16xi32> to vector<1xi32>
      %squeeze3A_2042 = vector.extract %slice3A_2041[0] : i32 from vector<1xi32>
      %and3A_2043 = arith.constant 7 : i32
      %and3A_2044 = arith.andi %squeeze3A_2042, %and3A_2043 : i32
      %get3A_2045 = arith.constant 16 : i32
      %get3A_2046 = arith.index_cast %get3A_2045 : i32 to index
      %get3A_2047 = arith.index_cast %and3A_2044 : i32 to index
      %get3A_2048 = arith.constant 0 : index
      %get3A_2049 = tpu.vector_load %arg6[%get3A_2046, %get3A_2047, %get3A_2048] {strides = array<i32>} : memref<48x8x16xf32, #tpu.memory_space<vmem>>, vector<16xf32>,
      %slice3A_2050 = vector.extract_strided_slice %get3A_1821 {offsets = [1], sizes = [1], strides = [1]} : vector<16xi32> to vector<1xi32>
      %squeeze3A_2051 = vector.extract %slice3A_2050[0] : i32 from vector<1xi32>
      %and3A_2052 = arith.constant 7 : i32
      %and3A_2053 = arith.andi %squeeze3A_2051, %and3A_2052 : i32
      %get3A_2054 = arith.constant 17 : i32
      %get3A_2055 = arith.index_cast %get3A_2054 : i32 to index
      %get3A_2056 = arith.index_cast %and3A_2053 : i32 to index
      %get3A_2057 = arith.constant 0 : index
      %get3A_2058 = tpu.vector_load %arg6[%get3A_2055, %get3A_2056, %get3A_2057] {strides = array<i32>} : memref<48x8x16xf32, #tpu.memory_space<vmem>>, vector<16xf32>,
      %sub3A_2059 = arith.subf %get3A_2040, %get3A_2049 : vector<16xf32>
      %sub3A_2060 = arith.subf %get3A_2040, %get3A_2058 : vector<16xf32>
      %mul3A_2061 = arith.mulf %sub3A_2059, %sub3A_2059 : vector<16xf32>
      %mul3A_2062 = arith.mulf %sub3A_2060, %sub3A_2060 : vector<16xf32>
      %sub3A_2063 = arith.subf %mul3A_2061, %mul3A_2062 : vector<16xf32>
      %eq3A_2064 = arith.constant 5 : i32
      %eq3A_2065 = vector.broadcast %eq3A_2064 : i32 to vector<16xi32>
      %eq3A_2066 = arith.cmpi eq, %iota3A, %eq3A_2065 : vector<16xi32>
      %reduce_sum3A_2067 = arith.constant true
      %reduce_sum3A_2068 = vector.broadcast %reduce_sum3A_2067 : i1 to vector<16xi1>
      %reduce_sum3A_2069 = tpu.scan <sum>, %sub3A_2063 masked %reduce_sum3A_2068 : vector<16xf32>, vector<16xi1> -> vector<16xf32>
      %reduce_sum3A_2070 = vector.extract %reduce_sum3A_2069[15] : f32 from vector<16xf32>
      %broadcast_in_dim3A_2071 = vector.broadcast %reduce_sum3A_2070 : f32 to vector<16xf32>
      %select_n3A_2072 = arith.select %eq3A_2066, %broadcast_in_dim3A_2071, %select_n3A_2031 : vector<16xi1>, vector<16xf32>
      %slice3A_2073 = vector.extract_strided_slice %get3A_1821 {offsets = [2], sizes = [1], strides = [1]} : vector<16xi32> to vector<1xi32>
      %squeeze3A_2074 = vector.extract %slice3A_2073[0] : i32 from vector<1xi32>
      %and3A_2075 = arith.constant 7 : i32
      %and3A_2076 = arith.andi %squeeze3A_2074, %and3A_2075 : i32
      %get3A_2077 = arith.constant 18 : i32
      %get3A_2078 = arith.index_cast %get3A_2077 : i32 to index
      %get3A_2079 = arith.index_cast %and3A_2076 : i32 to index
      %get3A_2080 = arith.constant 0 : index
      %get3A_2081 = tpu.vector_load %arg6[%get3A_2078, %get3A_2079, %get3A_2080] {strides = array<i32>} : memref<48x8x16xf32, #tpu.memory_space<vmem>>, vector<16xf32>,
      %slice3A_2082 = vector.extract_strided_slice %get3A_1821 {offsets = [3], sizes = [1], strides = [1]} : vector<16xi32> to vector<1xi32>
      %squeeze3A_2083 = vector.extract %slice3A_2082[0] : i32 from vector<1xi32>
      %and3A_2084 = arith.constant 7 : i32
      %and3A_2085 = arith.andi %squeeze3A_2083, %and3A_2084 : i32
      %get3A_2086 = arith.constant 19 : i32
      %get3A_2087 = arith.index_cast %get3A_2086 : i32 to index
      %get3A_2088 = arith.index_cast %and3A_2085 : i32 to index
      %get3A_2089 = arith.constant 0 : index
      %get3A_2090 = tpu.vector_load %arg6[%get3A_2087, %get3A_2088, %get3A_2089] {strides = array<i32>} : memref<48x8x16xf32, #tpu.memory_space<vmem>>, vector<16xf32>,
      %slice3A_2091 = vector.extract_strided_slice %get3A_1821 {offsets = [4], sizes = [1], strides = [1]} : vector<16xi32> to vector<1xi32>
      %squeeze3A_2092 = vector.extract %slice3A_2091[0] : i32 from vector<1xi32>
      %and3A_2093 = arith.constant 7 : i32
      %and3A_2094 = arith.andi %squeeze3A_2092, %and3A_2093 : i32
      %get3A_2095 = arith.constant 20 : i32
      %get3A_2096 = arith.index_cast %get3A_2095 : i32 to index
      %get3A_2097 = arith.index_cast %and3A_2094 : i32 to index
      %get3A_2098 = arith.constant 0 : index
      %get3A_2099 = tpu.vector_load %arg6[%get3A_2096, %get3A_2097, %get3A_2098] {strides = array<i32>} : memref<48x8x16xf32, #tpu.memory_space<vmem>>, vector<16xf32>,
      %sub3A_2100 = arith.subf %get3A_2081, %get3A_2090 : vector<16xf32>
      %sub3A_2101 = arith.subf %get3A_2081, %get3A_2099 : vector<16xf32>
      %mul3A_2102 = arith.mulf %sub3A_2100, %sub3A_2100 : vector<16xf32>
      %mul3A_2103 = arith.mulf %sub3A_2101, %sub3A_2101 : vector<16xf32>
      %sub3A_2104 = arith.subf %mul3A_2102, %mul3A_2103 : vector<16xf32>
      %eq3A_2105 = arith.constant 6 : i32
      %eq3A_2106 = vector.broadcast %eq3A_2105 : i32 to vector<16xi32>
      %eq3A_2107 = arith.cmpi eq, %iota3A, %eq3A_2106 : vector<16xi32>
      %reduce_sum3A_2108 = arith.constant true
      %reduce_sum3A_2109 = vector.broadcast %reduce_sum3A_2108 : i1 to vector<16xi1>
      %reduce_sum3A_2110 = tpu.scan <sum>, %sub3A_2104 masked %reduce_sum3A_2109 : vector<16xf32>, vector<16xi1> -> vector<16xf32>
      %reduce_sum3A_2111 = vector.extract %reduce_sum3A_2110[15] : f32 from vector<16xf32>
      %broadcast_in_dim3A_2112 = vector.broadcast %reduce_sum3A_2111 : f32 to vector<16xf32>
      %select_n3A_2113 = arith.select %eq3A_2107, %broadcast_in_dim3A_2112, %select_n3A_2072 : vector<16xi1>, vector<16xf32>
      %slice3A_2114 = vector.extract_strided_slice %get3A_1821 {offsets = [5], sizes = [1], strides = [1]} : vector<16xi32> to vector<1xi32>
      %squeeze3A_2115 = vector.extract %slice3A_2114[0] : i32 from vector<1xi32>
      %and3A_2116 = arith.constant 7 : i32
      %and3A_2117 = arith.andi %squeeze3A_2115, %and3A_2116 : i32
      %get3A_2118 = arith.constant 21 : i32
      %get3A_2119 = arith.index_cast %get3A_2118 : i32 to index
      %get3A_2120 = arith.index_cast %and3A_2117 : i32 to index
      %get3A_2121 = arith.constant 0 : index
      %get3A_2122 = tpu.vector_load %arg6[%get3A_2119, %get3A_2120, %get3A_2121] {strides = array<i32>} : memref<48x8x16xf32, #tpu.memory_space<vmem>>, vector<16xf32>,
      %slice3A_2123 = vector.extract_strided_slice %get3A_1821 {offsets = [6], sizes = [1], strides = [1]} : vector<16xi32> to vector<1xi32>
      %squeeze3A_2124 = vector.extract %slice3A_2123[0] : i32 from vector<1xi32>
      %and3A_2125 = arith.constant 7 : i32
      %and3A_2126 = arith.andi %squeeze3A_2124, %and3A_2125 : i32
      %get3A_2127 = arith.constant 22 : i32
      %get3A_2128 = arith.index_cast %get3A_2127 : i32 to index
      %get3A_2129 = arith.index_cast %and3A_2126 : i32 to index
      %get3A_2130 = arith.constant 0 : index
      %get3A_2131 = tpu.vector_load %arg6[%get3A_2128, %get3A_2129, %get3A_2130] {strides = array<i32>} : memref<48x8x16xf32, #tpu.memory_space<vmem>>, vector<16xf32>,
      %slice3A_2132 = vector.extract_strided_slice %get3A_1821 {offsets = [7], sizes = [1], strides = [1]} : vector<16xi32> to vector<1xi32>
      %squeeze3A_2133 = vector.extract %slice3A_2132[0] : i32 from vector<1xi32>
      %and3A_2134 = arith.constant 7 : i32
      %and3A_2135 = arith.andi %squeeze3A_2133, %and3A_2134 : i32
      %get3A_2136 = arith.constant 23 : i32
      %get3A_2137 = arith.index_cast %get3A_2136 : i32 to index
      %get3A_2138 = arith.index_cast %and3A_2135 : i32 to index
      %get3A_2139 = arith.constant 0 : index
      %get3A_2140 = tpu.vector_load %arg6[%get3A_2137, %get3A_2138, %get3A_2139] {strides = array<i32>} : memref<48x8x16xf32, #tpu.memory_space<vmem>>, vector<16xf32>,
      %sub3A_2141 = arith.subf %get3A_2122, %get3A_2131 : vector<16xf32>
      %sub3A_2142 = arith.subf %get3A_2122, %get3A_2140 : vector<16xf32>
      %mul3A_2143 = arith.mulf %sub3A_2141, %sub3A_2141 : vector<16xf32>
      %mul3A_2144 = arith.mulf %sub3A_2142, %sub3A_2142 : vector<16xf32>
      %sub3A_2145 = arith.subf %mul3A_2143, %mul3A_2144 : vector<16xf32>
      %eq3A_2146 = arith.constant 7 : i32
      %eq3A_2147 = vector.broadcast %eq3A_2146 : i32 to vector<16xi32>
      %eq3A_2148 = arith.cmpi eq, %iota3A, %eq3A_2147 : vector<16xi32>
      %reduce_sum3A_2149 = arith.constant true
      %reduce_sum3A_2150 = vector.broadcast %reduce_sum3A_2149 : i1 to vector<16xi1>
      %reduce_sum3A_2151 = tpu.scan <sum>, %sub3A_2145 masked %reduce_sum3A_2150 : vector<16xf32>, vector<16xi1> -> vector<16xf32>
      %reduce_sum3A_2152 = vector.extract %reduce_sum3A_2151[15] : f32 from vector<16xf32>
      %broadcast_in_dim3A_2153 = vector.broadcast %reduce_sum3A_2152 : f32 to vector<16xf32>
      %select_n3A_2154 = arith.select %eq3A_2148, %broadcast_in_dim3A_2153, %select_n3A_2113 : vector<16xi1>, vector<16xf32>
      %slice3A_2155 = vector.extract_strided_slice %get3A_1821 {offsets = [8], sizes = [1], strides = [1]} : vector<16xi32> to vector<1xi32>
      %squeeze3A_2156 = vector.extract %slice3A_2155[0] : i32 from vector<1xi32>
      %and3A_2157 = arith.constant 7 : i32
      %and3A_2158 = arith.andi %squeeze3A_2156, %and3A_2157 : i32
      %get3A_2159 = arith.constant 24 : i32
      %get3A_2160 = arith.index_cast %get3A_2159 : i32 to index
      %get3A_2161 = arith.index_cast %and3A_2158 : i32 to index
      %get3A_2162 = arith.constant 0 : index
      %get3A_2163 = tpu.vector_load %arg6[%get3A_2160, %get3A_2161, %get3A_2162] {strides = array<i32>} : memref<48x8x16xf32, #tpu.memory_space<vmem>>, vector<16xf32>,
      %slice3A_2164 = vector.extract_strided_slice %get3A_1821 {offsets = [9], sizes = [1], strides = [1]} : vector<16xi32> to vector<1xi32>
      %squeeze3A_2165 = vector.extract %slice3A_2164[0] : i32 from vector<1xi32>
      %and3A_2166 = arith.constant 7 : i32
      %and3A_2167 = arith.andi %squeeze3A_2165, %and3A_2166 : i32
      %get3A_2168 = arith.constant 25 : i32
      %get3A_2169 = arith.index_cast %get3A_2168 : i32 to index
      %get3A_2170 = arith.index_cast %and3A_2167 : i32 to index
      %get3A_2171 = arith.constant 0 : index
      %get3A_2172 = tpu.vector_load %arg6[%get3A_2169, %get3A_2170, %get3A_2171] {strides = array<i32>} : memref<48x8x16xf32, #tpu.memory_space<vmem>>, vector<16xf32>,
      %slice3A_2173 = vector.extract_strided_slice %get3A_1821 {offsets = [10], sizes = [1], strides = [1]} : vector<16xi32> to vector<1xi32>
      %squeeze3A_2174 = vector.extract %slice3A_2173[0] : i32 from vector<1xi32>
      %and3A_2175 = arith.constant 7 : i32
      %and3A_2176 = arith.andi %squeeze3A_2174, %and3A_2175 : i32
      %get3A_2177 = arith.constant 26 : i32
      %get3A_2178 = arith.index_cast %get3A_2177 : i32 to index
      %get3A_2179 = arith.index_cast %and3A_2176 : i32 to index
      %get3A_2180 = arith.constant 0 : index
      %get3A_2181 = tpu.vector_load %arg6[%get3A_2178, %get3A_2179, %get3A_2180] {strides = array<i32>} : memref<48x8x16xf32, #tpu.memory_space<vmem>>, vector<16xf32>,
      %sub3A_2182 = arith.subf %get3A_2163, %get3A_2172 : vector<16xf32>
      %sub3A_2183 = arith.subf %get3A_2163, %get3A_2181 : vector<16xf32>
      %mul3A_2184 = arith.mulf %sub3A_2182, %sub3A_2182 : vector<16xf32>
      %mul3A_2185 = arith.mulf %sub3A_2183, %sub3A_2183 : vector<16xf32>
      %sub3A_2186 = arith.subf %mul3A_2184, %mul3A_2185 : vector<16xf32>
      %eq3A_2187 = arith.constant 8 : i32
      %eq3A_2188 = vector.broadcast %eq3A_2187 : i32 to vector<16xi32>
      %eq3A_2189 = arith.cmpi eq, %iota3A, %eq3A_2188 : vector<16xi32>
      %reduce_sum3A_2190 = arith.constant true
      %reduce_sum3A_2191 = vector.broadcast %reduce_sum3A_2190 : i1 to vector<16xi1>
      %reduce_sum3A_2192 = tpu.scan <sum>, %sub3A_2186 masked %reduce_sum3A_2191 : vector<16xf32>, vector<16xi1> -> vector<16xf32>
      %reduce_sum3A_2193 = vector.extract %reduce_sum3A_2192[15] : f32 from vector<16xf32>
      %broadcast_in_dim3A_2194 = vector.broadcast %reduce_sum3A_2193 : f32 to vector<16xf32>
      %select_n3A_2195 = arith.select %eq3A_2189, %broadcast_in_dim3A_2194, %select_n3A_2154 : vector<16xi1>, vector<16xf32>
      %slice3A_2196 = vector.extract_strided_slice %get3A_1821 {offsets = [11], sizes = [1], strides = [1]} : vector<16xi32> to vector<1xi32>
      %squeeze3A_2197 = vector.extract %slice3A_2196[0] : i32 from vector<1xi32>
      %and3A_2198 = arith.constant 7 : i32
      %and3A_2199 = arith.andi %squeeze3A_2197, %and3A_2198 : i32
      %get3A_2200 = arith.constant 27 : i32
      %get3A_2201 = arith.index_cast %get3A_2200 : i32 to index
      %get3A_2202 = arith.index_cast %and3A_2199 : i32 to index
      %get3A_2203 = arith.constant 0 : index
      %get3A_2204 = tpu.vector_load %arg6[%get3A_2201, %get3A_2202, %get3A_2203] {strides = array<i32>} : memref<48x8x16xf32, #tpu.memory_space<vmem>>, vector<16xf32>,
      %slice3A_2205 = vector.extract_strided_slice %get3A_1821 {offsets = [12], sizes = [1], strides = [1]} : vector<16xi32> to vector<1xi32>
      %squeeze3A_2206 = vector.extract %slice3A_2205[0] : i32 from vector<1xi32>
      %and3A_2207 = arith.constant 7 : i32
      %and3A_2208 = arith.andi %squeeze3A_2206, %and3A_2207 : i32
      %get3A_2209 = arith.constant 28 : i32
      %get3A_2210 = arith.index_cast %get3A_2209 : i32 to index
      %get3A_2211 = arith.index_cast %and3A_2208 : i32 to index
      %get3A_2212 = arith.constant 0 : index
      %get3A_2213 = tpu.vector_load %arg6[%get3A_2210, %get3A_2211, %get3A_2212] {strides = array<i32>} : memref<48x8x16xf32, #tpu.memory_space<vmem>>, vector<16xf32>,
      %slice3A_2214 = vector.extract_strided_slice %get3A_1821 {offsets = [13], sizes = [1], strides = [1]} : vector<16xi32> to vector<1xi32>
      %squeeze3A_2215 = vector.extract %slice3A_2214[0] : i32 from vector<1xi32>
      %and3A_2216 = arith.constant 7 : i32
      %and3A_2217 = arith.andi %squeeze3A_2215, %and3A_2216 : i32
      %get3A_2218 = arith.constant 29 : i32
      %get3A_2219 = arith.index_cast %get3A_2218 : i32 to index
      %get3A_2220 = arith.index_cast %and3A_2217 : i32 to index
      %get3A_2221 = arith.constant 0 : index
      %get3A_2222 = tpu.vector_load %arg6[%get3A_2219, %get3A_2220, %get3A_2221] {strides = array<i32>} : memref<48x8x16xf32, #tpu.memory_space<vmem>>, vector<16xf32>,
      %sub3A_2223 = arith.subf %get3A_2204, %get3A_2213 : vector<16xf32>
      %sub3A_2224 = arith.subf %get3A_2204, %get3A_2222 : vector<16xf32>
      %mul3A_2225 = arith.mulf %sub3A_2223, %sub3A_2223 : vector<16xf32>
      %mul3A_2226 = arith.mulf %sub3A_2224, %sub3A_2224 : vector<16xf32>
      %sub3A_2227 = arith.subf %mul3A_2225, %mul3A_2226 : vector<16xf32>
      %eq3A_2228 = arith.constant 9 : i32
      %eq3A_2229 = vector.broadcast %eq3A_2228 : i32 to vector<16xi32>
      %eq3A_2230 = arith.cmpi eq, %iota3A, %eq3A_2229 : vector<16xi32>
      %reduce_sum3A_2231 = arith.constant true
      %reduce_sum3A_2232 = vector.broadcast %reduce_sum3A_2231 : i1 to vector<16xi1>
      %reduce_sum3A_2233 = tpu.scan <sum>, %sub3A_2227 masked %reduce_sum3A_2232 : vector<16xf32>, vector<16xi1> -> vector<16xf32>
      %reduce_sum3A_2234 = vector.extract %reduce_sum3A_2233[15] : f32 from vector<16xf32>
      %broadcast_in_dim3A_2235 = vector.broadcast %reduce_sum3A_2234 : f32 to vector<16xf32>
      %select_n3A_2236 = arith.select %eq3A_2230, %broadcast_in_dim3A_2235, %select_n3A_2195 : vector<16xi1>, vector<16xf32>
      %slice3A_2237 = vector.extract_strided_slice %get3A_1821 {offsets = [14], sizes = [1], strides = [1]} : vector<16xi32> to vector<1xi32>
      %squeeze3A_2238 = vector.extract %slice3A_2237[0] : i32 from vector<1xi32>
      %and3A_2239 = arith.constant 7 : i32
      %and3A_2240 = arith.andi %squeeze3A_2238, %and3A_2239 : i32
      %get3A_2241 = arith.constant 30 : i32
      %get3A_2242 = arith.index_cast %get3A_2241 : i32 to index
      %get3A_2243 = arith.index_cast %and3A_2240 : i32 to index
      %get3A_2244 = arith.constant 0 : index
      %get3A_2245 = tpu.vector_load %arg6[%get3A_2242, %get3A_2243, %get3A_2244] {strides = array<i32>} : memref<48x8x16xf32, #tpu.memory_space<vmem>>, vector<16xf32>,
      %slice3A_2246 = vector.extract_strided_slice %get3A_1821 {offsets = [15], sizes = [1], strides = [1]} : vector<16xi32> to vector<1xi32>
      %squeeze3A_2247 = vector.extract %slice3A_2246[0] : i32 from vector<1xi32>
      %and3A_2248 = arith.constant 7 : i32
      %and3A_2249 = arith.andi %squeeze3A_2247, %and3A_2248 : i32
      %get3A_2250 = arith.constant 31 : i32
      %get3A_2251 = arith.index_cast %get3A_2250 : i32 to index
      %get3A_2252 = arith.index_cast %and3A_2249 : i32 to index
      %get3A_2253 = arith.constant 0 : index
      %get3A_2254 = tpu.vector_load %arg6[%get3A_2251, %get3A_2252, %get3A_2253] {strides = array<i32>} : memref<48x8x16xf32, #tpu.memory_space<vmem>>, vector<16xf32>,
      %slice3A_2255 = vector.extract_strided_slice %get3A_1830 {offsets = [0], sizes = [1], strides = [1]} : vector<16xi32> to vector<1xi32>
      %squeeze3A_2256 = vector.extract %slice3A_2255[0] : i32 from vector<1xi32>
      %and3A_2257 = arith.constant 7 : i32
      %and3A_2258 = arith.andi %squeeze3A_2256, %and3A_2257 : i32
      %get3A_2259 = arith.constant 32 : i32
      %get3A_2260 = arith.index_cast %get3A_2259 : i32 to index
      %get3A_2261 = arith.index_cast %and3A_2258 : i32 to index
      %get3A_2262 = arith.constant 0 : index
      %get3A_2263 = tpu.vector_load %arg6[%get3A_2260, %get3A_2261, %get3A_2262] {strides = array<i32>} : memref<48x8x16xf32, #tpu.memory_space<vmem>>, vector<16xf32>,
      %sub3A_2264 = arith.subf %get3A_2245, %get3A_2254 : vector<16xf32>
      %sub3A_2265 = arith.subf %get3A_2245, %get3A_2263 : vector<16xf32>
      %mul3A_2266 = arith.mulf %sub3A_2264, %sub3A_2264 : vector<16xf32>
      %mul3A_2267 = arith.mulf %sub3A_2265, %sub3A_2265 : vector<16xf32>
      %sub3A_2268 = arith.subf %mul3A_2266, %mul3A_2267 : vector<16xf32>
      %eq3A_2269 = arith.constant 10 : i32
      %eq3A_2270 = vector.broadcast %eq3A_2269 : i32 to vector<16xi32>
      %eq3A_2271 = arith.cmpi eq, %iota3A, %eq3A_2270 : vector<16xi32>
      %reduce_sum3A_2272 = arith.constant true
      %reduce_sum3A_2273 = vector.broadcast %reduce_sum3A_2272 : i1 to vector<16xi1>
      %reduce_sum3A_2274 = tpu.scan <sum>, %sub3A_2268 masked %reduce_sum3A_2273 : vector<16xf32>, vector<16xi1> -> vector<16xf32>
      %reduce_sum3A_2275 = vector.extract %reduce_sum3A_2274[15] : f32 from vector<16xf32>
      %broadcast_in_dim3A_2276 = vector.broadcast %reduce_sum3A_2275 : f32 to vector<16xf32>
      %select_n3A_2277 = arith.select %eq3A_2271, %broadcast_in_dim3A_2276, %select_n3A_2236 : vector<16xi1>, vector<16xf32>
      %slice3A_2278 = vector.extract_strided_slice %get3A_1830 {offsets = [1], sizes = [1], strides = [1]} : vector<16xi32> to vector<1xi32>
      %squeeze3A_2279 = vector.extract %slice3A_2278[0] : i32 from vector<1xi32>
      %and3A_2280 = arith.constant 7 : i32
      %and3A_2281 = arith.andi %squeeze3A_2279, %and3A_2280 : i32
      %get3A_2282 = arith.constant 33 : i32
      %get3A_2283 = arith.index_cast %get3A_2282 : i32 to index
      %get3A_2284 = arith.index_cast %and3A_2281 : i32 to index
      %get3A_2285 = arith.constant 0 : index
      %get3A_2286 = tpu.vector_load %arg6[%get3A_2283, %get3A_2284, %get3A_2285] {strides = array<i32>} : memref<48x8x16xf32, #tpu.memory_space<vmem>>, vector<16xf32>,
      %slice3A_2287 = vector.extract_strided_slice %get3A_1830 {offsets = [2], sizes = [1], strides = [1]} : vector<16xi32> to vector<1xi32>
      %squeeze3A_2288 = vector.extract %slice3A_2287[0] : i32 from vector<1xi32>
      %and3A_2289 = arith.constant 7 : i32
      %and3A_2290 = arith.andi %squeeze3A_2288, %and3A_2289 : i32
      %get3A_2291 = arith.constant 34 : i32
      %get3A_2292 = arith.index_cast %get3A_2291 : i32 to index
      %get3A_2293 = arith.index_cast %and3A_2290 : i32 to index
      %get3A_2294 = arith.constant 0 : index
      %get3A_2295 = tpu.vector_load %arg6[%get3A_2292, %get3A_2293, %get3A_2294] {strides = array<i32>} : memref<48x8x16xf32, #tpu.memory_space<vmem>>, vector<16xf32>,
      %slice3A_2296 = vector.extract_strided_slice %get3A_1830 {offsets = [3], sizes = [1], strides = [1]} : vector<16xi32> to vector<1xi32>
      %squeeze3A_2297 = vector.extract %slice3A_2296[0] : i32 from vector<1xi32>
      %and3A_2298 = arith.constant 7 : i32
      %and3A_2299 = arith.andi %squeeze3A_2297, %and3A_2298 : i32
      %get3A_2300 = arith.constant 35 : i32
      %get3A_2301 = arith.index_cast %get3A_2300 : i32 to index
      %get3A_2302 = arith.index_cast %and3A_2299 : i32 to index
      %get3A_2303 = arith.constant 0 : index
      %get3A_2304 = tpu.vector_load %arg6[%get3A_2301, %get3A_2302, %get3A_2303] {strides = array<i32>} : memref<48x8x16xf32, #tpu.memory_space<vmem>>, vector<16xf32>,
      %sub3A_2305 = arith.subf %get3A_2286, %get3A_2295 : vector<16xf32>
      %sub3A_2306 = arith.subf %get3A_2286, %get3A_2304 : vector<16xf32>
      %mul3A_2307 = arith.mulf %sub3A_2305, %sub3A_2305 : vector<16xf32>
      %mul3A_2308 = arith.mulf %sub3A_2306, %sub3A_2306 : vector<16xf32>
      %sub3A_2309 = arith.subf %mul3A_2307, %mul3A_2308 : vector<16xf32>
      %eq3A_2310 = arith.constant 11 : i32
      %eq3A_2311 = vector.broadcast %eq3A_2310 : i32 to vector<16xi32>
      %eq3A_2312 = arith.cmpi eq, %iota3A, %eq3A_2311 : vector<16xi32>
      %reduce_sum3A_2313 = arith.constant true
      %reduce_sum3A_2314 = vector.broadcast %reduce_sum3A_2313 : i1 to vector<16xi1>
      %reduce_sum3A_2315 = tpu.scan <sum>, %sub3A_2309 masked %reduce_sum3A_2314 : vector<16xf32>, vector<16xi1> -> vector<16xf32>
      %reduce_sum3A_2316 = vector.extract %reduce_sum3A_2315[15] : f32 from vector<16xf32>
      %broadcast_in_dim3A_2317 = vector.broadcast %reduce_sum3A_2316 : f32 to vector<16xf32>
      %select_n3A_2318 = arith.select %eq3A_2312, %broadcast_in_dim3A_2317, %select_n3A_2277 : vector<16xi1>, vector<16xf32>
      %slice3A_2319 = vector.extract_strided_slice %get3A_1830 {offsets = [4], sizes = [1], strides = [1]} : vector<16xi32> to vector<1xi32>
      %squeeze3A_2320 = vector.extract %slice3A_2319[0] : i32 from vector<1xi32>
      %and3A_2321 = arith.constant 7 : i32
      %and3A_2322 = arith.andi %squeeze3A_2320, %and3A_2321 : i32
      %get3A_2323 = arith.constant 36 : i32
      %get3A_2324 = arith.index_cast %get3A_2323 : i32 to index
      %get3A_2325 = arith.index_cast %and3A_2322 : i32 to index
      %get3A_2326 = arith.constant 0 : index
      %get3A_2327 = tpu.vector_load %arg6[%get3A_2324, %get3A_2325, %get3A_2326] {strides = array<i32>} : memref<48x8x16xf32, #tpu.memory_space<vmem>>, vector<16xf32>,
      %slice3A_2328 = vector.extract_strided_slice %get3A_1830 {offsets = [5], sizes = [1], strides = [1]} : vector<16xi32> to vector<1xi32>
      %squeeze3A_2329 = vector.extract %slice3A_2328[0] : i32 from vector<1xi32>
      %and3A_2330 = arith.constant 7 : i32
      %and3A_2331 = arith.andi %squeeze3A_2329, %and3A_2330 : i32
      %get3A_2332 = arith.constant 37 : i32
      %get3A_2333 = arith.index_cast %get3A_2332 : i32 to index
      %get3A_2334 = arith.index_cast %and3A_2331 : i32 to index
      %get3A_2335 = arith.constant 0 : index
      %get3A_2336 = tpu.vector_load %arg6[%get3A_2333, %get3A_2334, %get3A_2335] {strides = array<i32>} : memref<48x8x16xf32, #tpu.memory_space<vmem>>, vector<16xf32>,
      %slice3A_2337 = vector.extract_strided_slice %get3A_1830 {offsets = [6], sizes = [1], strides = [1]} : vector<16xi32> to vector<1xi32>
      %squeeze3A_2338 = vector.extract %slice3A_2337[0] : i32 from vector<1xi32>
      %and3A_2339 = arith.constant 7 : i32
      %and3A_2340 = arith.andi %squeeze3A_2338, %and3A_2339 : i32
      %get3A_2341 = arith.constant 38 : i32
      %get3A_2342 = arith.index_cast %get3A_2341 : i32 to index
      %get3A_2343 = arith.index_cast %and3A_2340 : i32 to index
      %get3A_2344 = arith.constant 0 : index
      %get3A_2345 = tpu.vector_load %arg6[%get3A_2342, %get3A_2343, %get3A_2344] {strides = array<i32>} : memref<48x8x16xf32, #tpu.memory_space<vmem>>, vector<16xf32>,
      %sub3A_2346 = arith.subf %get3A_2327, %get3A_2336 : vector<16xf32>
      %sub3A_2347 = arith.subf %get3A_2327, %get3A_2345 : vector<16xf32>
      %mul3A_2348 = arith.mulf %sub3A_2346, %sub3A_2346 : vector<16xf32>
      %mul3A_2349 = arith.mulf %sub3A_2347, %sub3A_2347 : vector<16xf32>
      %sub3A_2350 = arith.subf %mul3A_2348, %mul3A_2349 : vector<16xf32>
      %eq3A_2351 = arith.constant 12 : i32
      %eq3A_2352 = vector.broadcast %eq3A_2351 : i32 to vector<16xi32>
      %eq3A_2353 = arith.cmpi eq, %iota3A, %eq3A_2352 : vector<16xi32>
      %reduce_sum3A_2354 = arith.constant true
      %reduce_sum3A_2355 = vector.broadcast %reduce_sum3A_2354 : i1 to vector<16xi1>
      %reduce_sum3A_2356 = tpu.scan <sum>, %sub3A_2350 masked %reduce_sum3A_2355 : vector<16xf32>, vector<16xi1> -> vector<16xf32>
      %reduce_sum3A_2357 = vector.extract %reduce_sum3A_2356[15] : f32 from vector<16xf32>
      %broadcast_in_dim3A_2358 = vector.broadcast %reduce_sum3A_2357 : f32 to vector<16xf32>
      %select_n3A_2359 = arith.select %eq3A_2353, %broadcast_in_dim3A_2358, %select_n3A_2318 : vector<16xi1>, vector<16xf32>
      %slice3A_2360 = vector.extract_strided_slice %get3A_1830 {offsets = [7], sizes = [1], strides = [1]} : vector<16xi32> to vector<1xi32>
      %squeeze3A_2361 = vector.extract %slice3A_2360[0] : i32 from vector<1xi32>
      %and3A_2362 = arith.constant 7 : i32
      %and3A_2363 = arith.andi %squeeze3A_2361, %and3A_2362 : i32
      %get3A_2364 = arith.constant 39 : i32
      %get3A_2365 = arith.index_cast %get3A_2364 : i32 to index
      %get3A_2366 = arith.index_cast %and3A_2363 : i32 to index
      %get3A_2367 = arith.constant 0 : index
      %get3A_2368 = tpu.vector_load %arg6[%get3A_2365, %get3A_2366, %get3A_2367] {strides = array<i32>} : memref<48x8x16xf32, #tpu.memory_space<vmem>>, vector<16xf32>,
      %slice3A_2369 = vector.extract_strided_slice %get3A_1830 {offsets = [8], sizes = [1], strides = [1]} : vector<16xi32> to vector<1xi32>
      %squeeze3A_2370 = vector.extract %slice3A_2369[0] : i32 from vector<1xi32>
      %and3A_2371 = arith.constant 7 : i32
      %and3A_2372 = arith.andi %squeeze3A_2370, %and3A_2371 : i32
      %get3A_2373 = arith.constant 40 : i32
      %get3A_2374 = arith.index_cast %get3A_2373 : i32 to index
      %get3A_2375 = arith.index_cast %and3A_2372 : i32 to index
      %get3A_2376 = arith.constant 0 : index
      %get3A_2377 = tpu.vector_load %arg6[%get3A_2374, %get3A_2375, %get3A_2376] {strides = array<i32>} : memref<48x8x16xf32, #tpu.memory_space<vmem>>, vector<16xf32>,
      %slice3A_2378 = vector.extract_strided_slice %get3A_1830 {offsets = [9], sizes = [1], strides = [1]} : vector<16xi32> to vector<1xi32>
      %squeeze3A_2379 = vector.extract %slice3A_2378[0] : i32 from vector<1xi32>
      %and3A_2380 = arith.constant 7 : i32
      %and3A_2381 = arith.andi %squeeze3A_2379, %and3A_2380 : i32
      %get3A_2382 = arith.constant 41 : i32
      %get3A_2383 = arith.index_cast %get3A_2382 : i32 to index
      %get3A_2384 = arith.index_cast %and3A_2381 : i32 to index
      %get3A_2385 = arith.constant 0 : index
      %get3A_2386 = tpu.vector_load %arg6[%get3A_2383, %get3A_2384, %get3A_2385] {strides = array<i32>} : memref<48x8x16xf32, #tpu.memory_space<vmem>>, vector<16xf32>,
      %sub3A_2387 = arith.subf %get3A_2368, %get3A_2377 : vector<16xf32>
      %sub3A_2388 = arith.subf %get3A_2368, %get3A_2386 : vector<16xf32>
      %mul3A_2389 = arith.mulf %sub3A_2387, %sub3A_2387 : vector<16xf32>
      %mul3A_2390 = arith.mulf %sub3A_2388, %sub3A_2388 : vector<16xf32>
      %sub3A_2391 = arith.subf %mul3A_2389, %mul3A_2390 : vector<16xf32>
      %eq3A_2392 = arith.constant 13 : i32
      %eq3A_2393 = vector.broadcast %eq3A_2392 : i32 to vector<16xi32>
      %eq3A_2394 = arith.cmpi eq, %iota3A, %eq3A_2393 : vector<16xi32>
      %reduce_sum3A_2395 = arith.constant true
      %reduce_sum3A_2396 = vector.broadcast %reduce_sum3A_2395 : i1 to vector<16xi1>
      %reduce_sum3A_2397 = tpu.scan <sum>, %sub3A_2391 masked %reduce_sum3A_2396 : vector<16xf32>, vector<16xi1> -> vector<16xf32>
      %reduce_sum3A_2398 = vector.extract %reduce_sum3A_2397[15] : f32 from vector<16xf32>
      %broadcast_in_dim3A_2399 = vector.broadcast %reduce_sum3A_2398 : f32 to vector<16xf32>
      %select_n3A_2400 = arith.select %eq3A_2394, %broadcast_in_dim3A_2399, %select_n3A_2359 : vector<16xi1>, vector<16xf32>
      %slice3A_2401 = vector.extract_strided_slice %get3A_1830 {offsets = [10], sizes = [1], strides = [1]} : vector<16xi32> to vector<1xi32>
      %squeeze3A_2402 = vector.extract %slice3A_2401[0] : i32 from vector<1xi32>
      %and3A_2403 = arith.constant 7 : i32
      %and3A_2404 = arith.andi %squeeze3A_2402, %and3A_2403 : i32
      %get3A_2405 = arith.constant 42 : i32
      %get3A_2406 = arith.index_cast %get3A_2405 : i32 to index
      %get3A_2407 = arith.index_cast %and3A_2404 : i32 to index
      %get3A_2408 = arith.constant 0 : index
      %get3A_2409 = tpu.vector_load %arg6[%get3A_2406, %get3A_2407, %get3A_2408] {strides = array<i32>} : memref<48x8x16xf32, #tpu.memory_space<vmem>>, vector<16xf32>,
      %slice3A_2410 = vector.extract_strided_slice %get3A_1830 {offsets = [11], sizes = [1], strides = [1]} : vector<16xi32> to vector<1xi32>
      %squeeze3A_2411 = vector.extract %slice3A_2410[0] : i32 from vector<1xi32>
      %and3A_2412 = arith.constant 7 : i32
      %and3A_2413 = arith.andi %squeeze3A_2411, %and3A_2412 : i32
      %get3A_2414 = arith.constant 43 : i32
      %get3A_2415 = arith.index_cast %get3A_2414 : i32 to index
      %get3A_2416 = arith.index_cast %and3A_2413 : i32 to index
      %get3A_2417 = arith.constant 0 : index
      %get3A_2418 = tpu.vector_load %arg6[%get3A_2415, %get3A_2416, %get3A_2417] {strides = array<i32>} : memref<48x8x16xf32, #tpu.memory_space<vmem>>, vector<16xf32>,
      %slice3A_2419 = vector.extract_strided_slice %get3A_1830 {offsets = [12], sizes = [1], strides = [1]} : vector<16xi32> to vector<1xi32>
      %squeeze3A_2420 = vector.extract %slice3A_2419[0] : i32 from vector<1xi32>
      %and3A_2421 = arith.constant 7 : i32
      %and3A_2422 = arith.andi %squeeze3A_2420, %and3A_2421 : i32
      %get3A_2423 = arith.constant 44 : i32
      %get3A_2424 = arith.index_cast %get3A_2423 : i32 to index
      %get3A_2425 = arith.index_cast %and3A_2422 : i32 to index
      %get3A_2426 = arith.constant 0 : index
      %get3A_2427 = tpu.vector_load %arg6[%get3A_2424, %get3A_2425, %get3A_2426] {strides = array<i32>} : memref<48x8x16xf32, #tpu.memory_space<vmem>>, vector<16xf32>,
      %sub3A_2428 = arith.subf %get3A_2409, %get3A_2418 : vector<16xf32>
      %sub3A_2429 = arith.subf %get3A_2409, %get3A_2427 : vector<16xf32>
      %mul3A_2430 = arith.mulf %sub3A_2428, %sub3A_2428 : vector<16xf32>
      %mul3A_2431 = arith.mulf %sub3A_2429, %sub3A_2429 : vector<16xf32>
      %sub3A_2432 = arith.subf %mul3A_2430, %mul3A_2431 : vector<16xf32>
      %eq3A_2433 = arith.constant 14 : i32
      %eq3A_2434 = vector.broadcast %eq3A_2433 : i32 to vector<16xi32>
      %eq3A_2435 = arith.cmpi eq, %iota3A, %eq3A_2434 : vector<16xi32>
      %reduce_sum3A_2436 = arith.constant true
      %reduce_sum3A_2437 = vector.broadcast %reduce_sum3A_2436 : i1 to vector<16xi1>
      %reduce_sum3A_2438 = tpu.scan <sum>, %sub3A_2432 masked %reduce_sum3A_2437 : vector<16xf32>, vector<16xi1> -> vector<16xf32>
      %reduce_sum3A_2439 = vector.extract %reduce_sum3A_2438[15] : f32 from vector<16xf32>
      %broadcast_in_dim3A_2440 = vector.broadcast %reduce_sum3A_2439 : f32 to vector<16xf32>
      %select_n3A_2441 = arith.select %eq3A_2435, %broadcast_in_dim3A_2440, %select_n3A_2400 : vector<16xi1>, vector<16xf32>
      %slice3A_2442 = vector.extract_strided_slice %get3A_1830 {offsets = [13], sizes = [1], strides = [1]} : vector<16xi32> to vector<1xi32>
      %squeeze3A_2443 = vector.extract %slice3A_2442[0] : i32 from vector<1xi32>
      %and3A_2444 = arith.constant 7 : i32
      %and3A_2445 = arith.andi %squeeze3A_2443, %and3A_2444 : i32
      %get3A_2446 = arith.constant 45 : i32
      %get3A_2447 = arith.index_cast %get3A_2446 : i32 to index
      %get3A_2448 = arith.index_cast %and3A_2445 : i32 to index
      %get3A_2449 = arith.constant 0 : index
      %get3A_2450 = tpu.vector_load %arg6[%get3A_2447, %get3A_2448, %get3A_2449] {strides = array<i32>} : memref<48x8x16xf32, #tpu.memory_space<vmem>>, vector<16xf32>,
      %slice3A_2451 = vector.extract_strided_slice %get3A_1830 {offsets = [14], sizes = [1], strides = [1]} : vector<16xi32> to vector<1xi32>
      %squeeze3A_2452 = vector.extract %slice3A_2451[0] : i32 from vector<1xi32>
      %and3A_2453 = arith.constant 7 : i32
      %and3A_2454 = arith.andi %squeeze3A_2452, %and3A_2453 : i32
      %get3A_2455 = arith.constant 46 : i32
      %get3A_2456 = arith.index_cast %get3A_2455 : i32 to index
      %get3A_2457 = arith.index_cast %and3A_2454 : i32 to index
      %get3A_2458 = arith.constant 0 : index
      %get3A_2459 = tpu.vector_load %arg6[%get3A_2456, %get3A_2457, %get3A_2458] {strides = array<i32>} : memref<48x8x16xf32, #tpu.memory_space<vmem>>, vector<16xf32>,
      %slice3A_2460 = vector.extract_strided_slice %get3A_1830 {offsets = [15], sizes = [1], strides = [1]} : vector<16xi32> to vector<1xi32>
      %squeeze3A_2461 = vector.extract %slice3A_2460[0] : i32 from vector<1xi32>
      %and3A_2462 = arith.constant 7 : i32
      %and3A_2463 = arith.andi %squeeze3A_2461, %and3A_2462 : i32
      %get3A_2464 = arith.constant 47 : i32
      %get3A_2465 = arith.index_cast %get3A_2464 : i32 to index
      %get3A_2466 = arith.index_cast %and3A_2463 : i32 to index
      %get3A_2467 = arith.constant 0 : index
      %get3A_2468 = tpu.vector_load %arg6[%get3A_2465, %get3A_2466, %get3A_2467] {strides = array<i32>} : memref<48x8x16xf32, #tpu.memory_space<vmem>>, vector<16xf32>,
      %sub3A_2469 = arith.subf %get3A_2450, %get3A_2459 : vector<16xf32>
      %sub3A_2470 = arith.subf %get3A_2450, %get3A_2468 : vector<16xf32>
      %mul3A_2471 = arith.mulf %sub3A_2469, %sub3A_2469 : vector<16xf32>
      %mul3A_2472 = arith.mulf %sub3A_2470, %sub3A_2470 : vector<16xf32>
      %sub3A_2473 = arith.subf %mul3A_2471, %mul3A_2472 : vector<16xf32>
      %eq3A_2474 = arith.constant 15 : i32
      %eq3A_2475 = vector.broadcast %eq3A_2474 : i32 to vector<16xi32>
      %eq3A_2476 = arith.cmpi eq, %iota3A, %eq3A_2475 : vector<16xi32>
      %reduce_sum3A_2477 = arith.constant true
      %reduce_sum3A_2478 = vector.broadcast %reduce_sum3A_2477 : i1 to vector<16xi1>
      %reduce_sum3A_2479 = tpu.scan <sum>, %sub3A_2473 masked %reduce_sum3A_2478 : vector<16xf32>, vector<16xi1> -> vector<16xf32>
      %reduce_sum3A_2480 = vector.extract %reduce_sum3A_2479[15] : f32 from vector<16xf32>
      %broadcast_in_dim3A_2481 = vector.broadcast %reduce_sum3A_2480 : f32 to vector<16xf32>
      %select_n3A_2482 = arith.select %eq3A_2476, %broadcast_in_dim3A_2481, %select_n3A_2441 : vector<16xi1>, vector<16xf32>
      %exp3A = math.exp %select_n3A_2482 : vector<16xf32>
      %add3A_2483 = arith.constant 1.000000e+00 : f32
      %add3A_2484 = vector.broadcast %add3A_2483 : f32 to vector<16xf32>
      %add3A_2485 = arith.addf %add3A_2484, %exp3A : vector<16xf32>
      %bitcast_convert_type3A = tpu.bitcast %add3A_2485 : vector<16xf32> -> vector<16xi32>
      %shift_right_arithmetic3A_2486 = arith.constant 23 : i32
      %shift_right_arithmetic3A_2487 = vector.broadcast %shift_right_arithmetic3A_2486 : i32 to vector<16xi32>
      %shift_right_arithmetic3A_2488 = arith.shrsi %bitcast_convert_type3A, %shift_right_arithmetic3A_2487 : vector<16xi32>
      %sub3A_2489 = arith.constant 127 : i32
      %sub3A_2490 = vector.broadcast %sub3A_2489 : i32 to vector<16xi32>
      %sub3A_2491 = arith.subi %shift_right_arithmetic3A_2488, %sub3A_2490 : vector<16xi32>
      %and3A_2492 = arith.constant 8388607 : i32
      %and3A_2493 = vector.broadcast %and3A_2492 : i32 to vector<16xi32>
      %and3A_2494 = arith.andi %bitcast_convert_type3A, %and3A_2493 : vector<16xi32>
      %or3A = arith.constant 1065353216 : i32
      %or3A_2495 = vector.broadcast %or3A : i32 to vector<16xi32>
      %or3A_2496 = arith.ori %and3A_2494, %or3A_2495 : vector<16xi32>
      %bitcast_convert_type3A_2497 = tpu.bitcast %or3A_2496 : vector<16xi32> -> vector<16xf32>
      %sub3A_2498 = arith.constant 1.000000e+00 : f32
      %sub3A_2499 = vector.broadcast %sub3A_2498 : f32 to vector<16xf32>
      %sub3A_2500 = arith.subf %bitcast_convert_type3A_2497, %sub3A_2499 : vector<16xf32>
      %mul3A_2501 = arith.constant -0.0248256065 : f32
      %mul3A_2502 = vector.broadcast %mul3A_2501 : f32 to vector<16xf32>
      %mul3A_2503 = arith.mulf %mul3A_2502, %sub3A_2500 : vector<16xf32>
      %add3A_2504 = arith.constant 0.117905185 : f32
      %add3A_2505 = vector.broadcast %add3A_2504 : f32 to vector<16xf32>
      %add3A_2506 = arith.addf %mul3A_2503, %add3A_2505 : vector<16xf32>
      %mul3A_2507 = arith.mulf %add3A_2506, %sub3A_2500 : vector<16xf32>
      %add3A_2508 = arith.constant -0.272353172 : f32
      %add3A_2509 = vector.broadcast %add3A_2508 : f32 to vector<16xf32>
      %add3A_2510 = arith.addf %mul3A_2507, %add3A_2509 : vector<16xf32>
      %mul3A_2511 = arith.mulf %add3A_2510, %sub3A_2500 : vector<16xf32>
      %add3A_2512 = arith.constant 0.45385623 : f32
      %add3A_2513 = vector.broadcast %add3A_2512 : f32 to vector<16xf32>
      %add3A_2514 = arith.addf %mul3A_2511, %add3A_2513 : vector<16xf32>
      %mul3A_2515 = arith.mulf %add3A_2514, %sub3A_2500 : vector<16xf32>
      %add3A_2516 = arith.constant -0.716986895 : f32
      %add3A_2517 = vector.broadcast %add3A_2516 : f32 to vector<16xf32>
      %add3A_2518 = arith.addf %mul3A_2515, %add3A_2517 : vector<16xf32>
      %mul3A_2519 = arith.mulf %add3A_2518, %sub3A_2500 : vector<16xf32>
      %add3A_2520 = arith.constant 1.44239545 : f32
      %add3A_2521 = vector.broadcast %add3A_2520 : f32 to vector<16xf32>
      %add3A_2522 = arith.addf %mul3A_2519, %add3A_2521 : vector<16xf32>
      %mul3A_2523 = arith.mulf %add3A_2522, %sub3A_2500 : vector<16xf32>
      %add3A_2524 = arith.constant 5.06533297E-6 : f32
      %add3A_2525 = vector.broadcast %add3A_2524 : f32 to vector<16xf32>
      %add3A_2526 = arith.addf %mul3A_2523, %add3A_2525 : vector<16xf32>
      %convert_element_type3A = arith.sitofp %sub3A_2491 : vector<16xi32> to vector<16xf32>
      %add3A_2527 = arith.addf %convert_element_type3A, %add3A_2526 : vector<16xf32>
      %mul3A_2528 = arith.constant 0.693147182 : f32
      %mul3A_2529 = vector.broadcast %mul3A_2528 : f32 to vector<16xf32>
      %mul3A_2530 = arith.mulf %add3A_2527, %mul3A_2529 : vector<16xf32>
      %mul3A_2531 = arith.constant 16 : i32
      %mul3A_2532 = arith.muli %mul3A_1800, %mul3A_2531 : i32
      %swap3A = arith.index_cast %mul3A_2532 : i32 to index
      %swap3A_2533 = tpu.vector_load %arg8[%swap3A] {strides = array<i32>} : memref<512xf32, #tpu.memory_space<vmem>>, vector<16xf32>,
      tpu.vector_store %arg8[%swap3A], %mul3A_2530 {strides = array<i32>} : memref<512xf32, #tpu.memory_space<vmem>>, vector<16xf32>,
      %lt3A = arith.constant 15 : i32
      %lt3A_2534 = arith.cmpi slt, %scan3A_892, %lt3A : i32
      %convert_element_type3A_2535 = arith.extui %lt3A_2534 : i1 to i32
      %cond3A = arith.constant 0 : i32
      %cond3A_2536 = arith.cmpi ne, %convert_element_type3A_2535, %cond3A : i32
      scf.if %cond3A_2536 {
        %mul3A_3294 = arith.constant 2 : i32
        %mul3A_3295 = arith.muli %mul3A_3294, %scan3A_892 : i32
        %add3A_3296 = arith.constant 2 : i32
        %add3A_3297 = arith.addi %mul3A_3295, %add3A_3296 : i32
        %mul3A_3298 = arith.constant 48 : i32
        %mul3A_3299 = arith.muli %add3A_3297, %mul3A_3298 : i32
        %add3A_3300 = arith.constant 0 : i32
        %add3A_3301 = arith.addi %mul3A_3299, %add3A_3300 : i32
        %shift_right_arithmetic3A_3302 = arith.constant 7 : i32
        %shift_right_arithmetic3A_3303 = arith.shrsi %add3A_3301, %shift_right_arithmetic3A_3302 : i32
        %and3A_3304 = arith.constant 127 : i32
        %and3A_3305 = arith.andi %add3A_3301, %and3A_3304 : i32
        %get3A_3306 = arith.index_cast %shift_right_arithmetic3A_3303 : i32 to index
        %get3A_3307 = arith.index_cast %and3A_3305 : i32 to index
        %get3A_3308 = tpu.vector_load %arg5[%get3A_3306, %get3A_3307] {strides = array<i32>} : memref<12x128xi32, #tpu.memory_space<vmem>>, vector<16xi32>,
        %slice3A_3309 = vector.extract_strided_slice %get3A_3308 {offsets = [0], sizes = [1], strides = [1]} : vector<16xi32> to vector<1xi32>
        %squeeze3A_3310 = vector.extract %slice3A_3309[0] : i32 from vector<1xi32>
        %and3A_3311 = arith.constant -8 : i32
        %and3A_3312 = arith.andi %squeeze3A_3310, %and3A_3311 : i32
        %multiple_of3A_3313 = tpu.assume_multiple %and3A_3312, 8 : i32
        %dma_start3A_3314 = arith.constant 0 : i32
        %dma_start3A_3315 = arith.constant 0 : i32
        %dma_start3A_3316 = arith.constant 0 : i32
        %dma_start3A_3317 = tpu.memref_slice %arg6[%dma_start3A_3314, %dma_start3A_3315, %dma_start3A_3316] : memref<48x8x16xf32, #tpu.memory_space<vmem>> -> memref<1x8x16xf32, #tpu.memory_space<vmem>>
        %dma_start3A_3318 = tpu.memref_squeeze %dma_start3A_3317 : memref<1x8x16xf32, #tpu.memory_space<vmem>> -> memref<8x16xf32, #tpu.memory_space<vmem>>
        %dma_start3A_3319 = arith.constant 0 : i32
        %dma_start3A_3320 = tpu.memref_slice %arg3[%multiple_of3A_3313, %dma_start3A_3319] : memref<1000000x16xf32, #tpu.memory_space<hbm>> -> memref<8x16xf32, #tpu.memory_space<hbm>>
        %dma_start3A_3321 = arith.constant 0 : i32
        %dma_start3A_3322 = arith.constant 0 : i32
        %dma_start3A_3323 = tpu.memref_slice %arg6[%dma_start3A_3314, %dma_start3A_3321, %dma_start3A_3322] : memref<48x8x16xf32, #tpu.memory_space<vmem>> -> memref<1x8x16xf32, #tpu.memory_space<vmem>>
        %dma_start3A_3324 = tpu.memref_squeeze %dma_start3A_3323 : memref<1x8x16xf32, #tpu.memory_space<vmem>> -> memref<8x16xf32, #tpu.memory_space<vmem>>
        %dma_start3A_3325 = arith.constant 0 : i32
        %dma_start3A_3326 = tpu.memref_slice %arg3[%multiple_of3A_3313, %dma_start3A_3325] : memref<1000000x16xf32, #tpu.memory_space<hbm>> -> memref<8x16xf32, #tpu.memory_space<hbm>>
        tpu.enqueue_dma source(%dma_start3A_3326 : memref<8x16xf32, #tpu.memory_space<hbm>>) target(%dma_start3A_3324 : memref<8x16xf32, #tpu.memory_space<vmem>>) target_semaphore(%arg9 : memref<!tpu.dma_semaphore, #tpu.memory_space<semaphore_mem>>)
        %slice3A_3327 = vector.extract_strided_slice %get3A_3308 {offsets = [1], sizes = [1], strides = [1]} : vector<16xi32> to vector<1xi32>
        %squeeze3A_3328 = vector.extract %slice3A_3327[0] : i32 from vector<1xi32>
        %and3A_3329 = arith.constant -8 : i32
        %and3A_3330 = arith.andi %squeeze3A_3328, %and3A_3329 : i32
        %multiple_of3A_3331 = tpu.assume_multiple %and3A_3330, 8 : i32
        %dma_start3A_3332 = arith.constant 1 : i32
        %dma_start3A_3333 = arith.constant 0 : i32
        %dma_start3A_3334 = arith.constant 0 : i32
        %dma_start3A_3335 = tpu.memref_slice %arg6[%dma_start3A_3332, %dma_start3A_3333, %dma_start3A_3334] : memref<48x8x16xf32, #tpu.memory_space<vmem>> -> memref<1x8x16xf32, #tpu.memory_space<vmem>>
        %dma_start3A_3336 = tpu.memref_squeeze %dma_start3A_3335 : memref<1x8x16xf32, #tpu.memory_space<vmem>> -> memref<8x16xf32, #tpu.memory_space<vmem>>
        %dma_start3A_3337 = arith.constant 0 : i32
        %dma_start3A_3338 = tpu.memref_slice %arg3[%multiple_of3A_3331, %dma_start3A_3337] : memref<1000000x16xf32, #tpu.memory_space<hbm>> -> memref<8x16xf32, #tpu.memory_space<hbm>>
        %dma_start3A_3339 = arith.constant 0 : i32
        %dma_start3A_3340 = arith.constant 0 : i32
        %dma_start3A_3341 = tpu.memref_slice %arg6[%dma_start3A_3332, %dma_start3A_3339, %dma_start3A_3340] : memref<48x8x16xf32, #tpu.memory_space<vmem>> -> memref<1x8x16xf32, #tpu.memory_space<vmem>>
        %dma_start3A_3342 = tpu.memref_squeeze %dma_start3A_3341 : memref<1x8x16xf32, #tpu.memory_space<vmem>> -> memref<8x16xf32, #tpu.memory_space<vmem>>
        %dma_start3A_3343 = arith.constant 0 : i32
        %dma_start3A_3344 = tpu.memref_slice %arg3[%multiple_of3A_3331, %dma_start3A_3343] : memref<1000000x16xf32, #tpu.memory_space<hbm>> -> memref<8x16xf32, #tpu.memory_space<hbm>>
        tpu.enqueue_dma source(%dma_start3A_3344 : memref<8x16xf32, #tpu.memory_space<hbm>>) target(%dma_start3A_3342 : memref<8x16xf32, #tpu.memory_space<vmem>>) target_semaphore(%arg9 : memref<!tpu.dma_semaphore, #tpu.memory_space<semaphore_mem>>)
        %slice3A_3345 = vector.extract_strided_slice %get3A_3308 {offsets = [2], sizes = [1], strides = [1]} : vector<16xi32> to vector<1xi32>
        %squeeze3A_3346 = vector.extract %slice3A_3345[0] : i32 from vector<1xi32>
        %and3A_3347 = arith.constant -8 : i32
        %and3A_3348 = arith.andi %squeeze3A_3346, %and3A_3347 : i32
        %multiple_of3A_3349 = tpu.assume_multiple %and3A_3348, 8 : i32
        %dma_start3A_3350 = arith.constant 2 : i32
        %dma_start3A_3351 = arith.constant 0 : i32
        %dma_start3A_3352 = arith.constant 0 : i32
        %dma_start3A_3353 = tpu.memref_slice %arg6[%dma_start3A_3350, %dma_start3A_3351, %dma_start3A_3352] : memref<48x8x16xf32, #tpu.memory_space<vmem>> -> memref<1x8x16xf32, #tpu.memory_space<vmem>>
        %dma_start3A_3354 = tpu.memref_squeeze %dma_start3A_3353 : memref<1x8x16xf32, #tpu.memory_space<vmem>> -> memref<8x16xf32, #tpu.memory_space<vmem>>
        %dma_start3A_3355 = arith.constant 0 : i32
        %dma_start3A_3356 = tpu.memref_slice %arg3[%multiple_of3A_3349, %dma_start3A_3355] : memref<1000000x16xf32, #tpu.memory_space<hbm>> -> memref<8x16xf32, #tpu.memory_space<hbm>>
        %dma_start3A_3357 = arith.constant 0 : i32
        %dma_start3A_3358 = arith.constant 0 : i32
        %dma_start3A_3359 = tpu.memref_slice %arg6[%dma_start3A_3350, %dma_start3A_3357, %dma_start3A_3358] : memref<48x8x16xf32, #tpu.memory_space<vmem>> -> memref<1x8x16xf32, #tpu.memory_space<vmem>>
        %dma_start3A_3360 = tpu.memref_squeeze %dma_start3A_3359 : memref<1x8x16xf32, #tpu.memory_space<vmem>> -> memref<8x16xf32, #tpu.memory_space<vmem>>
        %dma_start3A_3361 = arith.constant 0 : i32
        %dma_start3A_3362 = tpu.memref_slice %arg3[%multiple_of3A_3349, %dma_start3A_3361] : memref<1000000x16xf32, #tpu.memory_space<hbm>> -> memref<8x16xf32, #tpu.memory_space<hbm>>
        tpu.enqueue_dma source(%dma_start3A_3362 : memref<8x16xf32, #tpu.memory_space<hbm>>) target(%dma_start3A_3360 : memref<8x16xf32, #tpu.memory_space<vmem>>) target_semaphore(%arg9 : memref<!tpu.dma_semaphore, #tpu.memory_space<semaphore_mem>>)
        %slice3A_3363 = vector.extract_strided_slice %get3A_3308 {offsets = [3], sizes = [1], strides = [1]} : vector<16xi32> to vector<1xi32>
        %squeeze3A_3364 = vector.extract %slice3A_3363[0] : i32 from vector<1xi32>
        %and3A_3365 = arith.constant -8 : i32
        %and3A_3366 = arith.andi %squeeze3A_3364, %and3A_3365 : i32
        %multiple_of3A_3367 = tpu.assume_multiple %and3A_3366, 8 : i32
        %dma_start3A_3368 = arith.constant 3 : i32
        %dma_start3A_3369 = arith.constant 0 : i32
        %dma_start3A_3370 = arith.constant 0 : i32
        %dma_start3A_3371 = tpu.memref_slice %arg6[%dma_start3A_3368, %dma_start3A_3369, %dma_start3A_3370] : memref<48x8x16xf32, #tpu.memory_space<vmem>> -> memref<1x8x16xf32, #tpu.memory_space<vmem>>
        %dma_start3A_3372 = tpu.memref_squeeze %dma_start3A_3371 : memref<1x8x16xf32, #tpu.memory_space<vmem>> -> memref<8x16xf32, #tpu.memory_space<vmem>>
        %dma_start3A_3373 = arith.constant 0 : i32
        %dma_start3A_3374 = tpu.memref_slice %arg3[%multiple_of3A_3367, %dma_start3A_3373] : memref<1000000x16xf32, #tpu.memory_space<hbm>> -> memref<8x16xf32, #tpu.memory_space<hbm>>
        %dma_start3A_3375 = arith.constant 0 : i32
        %dma_start3A_3376 = arith.constant 0 : i32
        %dma_start3A_3377 = tpu.memref_slice %arg6[%dma_start3A_3368, %dma_start3A_3375, %dma_start3A_3376] : memref<48x8x16xf32, #tpu.memory_space<vmem>> -> memref<1x8x16xf32, #tpu.memory_space<vmem>>
        %dma_start3A_3378 = tpu.memref_squeeze %dma_start3A_3377 : memref<1x8x16xf32, #tpu.memory_space<vmem>> -> memref<8x16xf32, #tpu.memory_space<vmem>>
        %dma_start3A_3379 = arith.constant 0 : i32
        %dma_start3A_3380 = tpu.memref_slice %arg3[%multiple_of3A_3367, %dma_start3A_3379] : memref<1000000x16xf32, #tpu.memory_space<hbm>> -> memref<8x16xf32, #tpu.memory_space<hbm>>
        tpu.enqueue_dma source(%dma_start3A_3380 : memref<8x16xf32, #tpu.memory_space<hbm>>) target(%dma_start3A_3378 : memref<8x16xf32, #tpu.memory_space<vmem>>) target_semaphore(%arg9 : memref<!tpu.dma_semaphore, #tpu.memory_space<semaphore_mem>>)
        %slice3A_3381 = vector.extract_strided_slice %get3A_3308 {offsets = [4], sizes = [1], strides = [1]} : vector<16xi32> to vector<1xi32>
        %squeeze3A_3382 = vector.extract %slice3A_3381[0] : i32 from vector<1xi32>
        %and3A_3383 = arith.constant -8 : i32
        %and3A_3384 = arith.andi %squeeze3A_3382, %and3A_3383 : i32
        %multiple_of3A_3385 = tpu.assume_multiple %and3A_3384, 8 : i32
        %dma_start3A_3386 = arith.constant 4 : i32
        %dma_start3A_3387 = arith.constant 0 : i32
        %dma_start3A_3388 = arith.constant 0 : i32
        %dma_start3A_3389 = tpu.memref_slice %arg6[%dma_start3A_3386, %dma_start3A_3387, %dma_start3A_3388] : memref<48x8x16xf32, #tpu.memory_space<vmem>> -> memref<1x8x16xf32, #tpu.memory_space<vmem>>
        %dma_start3A_3390 = tpu.memref_squeeze %dma_start3A_3389 : memref<1x8x16xf32, #tpu.memory_space<vmem>> -> memref<8x16xf32, #tpu.memory_space<vmem>>
        %dma_start3A_3391 = arith.constant 0 : i32
        %dma_start3A_3392 = tpu.memref_slice %arg3[%multiple_of3A_3385, %dma_start3A_3391] : memref<1000000x16xf32, #tpu.memory_space<hbm>> -> memref<8x16xf32, #tpu.memory_space<hbm>>
        %dma_start3A_3393 = arith.constant 0 : i32
        %dma_start3A_3394 = arith.constant 0 : i32
        %dma_start3A_3395 = tpu.memref_slice %arg6[%dma_start3A_3386, %dma_start3A_3393, %dma_start3A_3394] : memref<48x8x16xf32, #tpu.memory_space<vmem>> -> memref<1x8x16xf32, #tpu.memory_space<vmem>>
        %dma_start3A_3396 = tpu.memref_squeeze %dma_start3A_3395 : memref<1x8x16xf32, #tpu.memory_space<vmem>> -> memref<8x16xf32, #tpu.memory_space<vmem>>
        %dma_start3A_3397 = arith.constant 0 : i32
        %dma_start3A_3398 = tpu.memref_slice %arg3[%multiple_of3A_3385, %dma_start3A_3397] : memref<1000000x16xf32, #tpu.memory_space<hbm>> -> memref<8x16xf32, #tpu.memory_space<hbm>>
        tpu.enqueue_dma source(%dma_start3A_3398 : memref<8x16xf32, #tpu.memory_space<hbm>>) target(%dma_start3A_3396 : memref<8x16xf32, #tpu.memory_space<vmem>>) target_semaphore(%arg9 : memref<!tpu.dma_semaphore, #tpu.memory_space<semaphore_mem>>)
        %slice3A_3399 = vector.extract_strided_slice %get3A_3308 {offsets = [5], sizes = [1], strides = [1]} : vector<16xi32> to vector<1xi32>
        %squeeze3A_3400 = vector.extract %slice3A_3399[0] : i32 from vector<1xi32>
        %and3A_3401 = arith.constant -8 : i32
        %and3A_3402 = arith.andi %squeeze3A_3400, %and3A_3401 : i32
        %multiple_of3A_3403 = tpu.assume_multiple %and3A_3402, 8 : i32
        %dma_start3A_3404 = arith.constant 5 : i32
        %dma_start3A_3405 = arith.constant 0 : i32
        %dma_start3A_3406 = arith.constant 0 : i32
        %dma_start3A_3407 = tpu.memref_slice %arg6[%dma_start3A_3404, %dma_start3A_3405, %dma_start3A_3406] : memref<48x8x16xf32, #tpu.memory_space<vmem>> -> memref<1x8x16xf32, #tpu.memory_space<vmem>>
        %dma_start3A_3408 = tpu.memref_squeeze %dma_start3A_3407 : memref<1x8x16xf32, #tpu.memory_space<vmem>> -> memref<8x16xf32, #tpu.memory_space<vmem>>
        %dma_start3A_3409 = arith.constant 0 : i32
        %dma_start3A_3410 = tpu.memref_slice %arg3[%multiple_of3A_3403, %dma_start3A_3409] : memref<1000000x16xf32, #tpu.memory_space<hbm>> -> memref<8x16xf32, #tpu.memory_space<hbm>>
        %dma_start3A_3411 = arith.constant 0 : i32
        %dma_start3A_3412 = arith.constant 0 : i32
        %dma_start3A_3413 = tpu.memref_slice %arg6[%dma_start3A_3404, %dma_start3A_3411, %dma_start3A_3412] : memref<48x8x16xf32, #tpu.memory_space<vmem>> -> memref<1x8x16xf32, #tpu.memory_space<vmem>>
        %dma_start3A_3414 = tpu.memref_squeeze %dma_start3A_3413 : memref<1x8x16xf32, #tpu.memory_space<vmem>> -> memref<8x16xf32, #tpu.memory_space<vmem>>
        %dma_start3A_3415 = arith.constant 0 : i32
        %dma_start3A_3416 = tpu.memref_slice %arg3[%multiple_of3A_3403, %dma_start3A_3415] : memref<1000000x16xf32, #tpu.memory_space<hbm>> -> memref<8x16xf32, #tpu.memory_space<hbm>>
        tpu.enqueue_dma source(%dma_start3A_3416 : memref<8x16xf32, #tpu.memory_space<hbm>>) target(%dma_start3A_3414 : memref<8x16xf32, #tpu.memory_space<vmem>>) target_semaphore(%arg9 : memref<!tpu.dma_semaphore, #tpu.memory_space<semaphore_mem>>)
        %slice3A_3417 = vector.extract_strided_slice %get3A_3308 {offsets = [6], sizes = [1], strides = [1]} : vector<16xi32> to vector<1xi32>
        %squeeze3A_3418 = vector.extract %slice3A_3417[0] : i32 from vector<1xi32>
        %and3A_3419 = arith.constant -8 : i32
        %and3A_3420 = arith.andi %squeeze3A_3418, %and3A_3419 : i32
        %multiple_of3A_3421 = tpu.assume_multiple %and3A_3420, 8 : i32
        %dma_start3A_3422 = arith.constant 6 : i32
        %dma_start3A_3423 = arith.constant 0 : i32
        %dma_start3A_3424 = arith.constant 0 : i32
        %dma_start3A_3425 = tpu.memref_slice %arg6[%dma_start3A_3422, %dma_start3A_3423, %dma_start3A_3424] : memref<48x8x16xf32, #tpu.memory_space<vmem>> -> memref<1x8x16xf32, #tpu.memory_space<vmem>>
        %dma_start3A_3426 = tpu.memref_squeeze %dma_start3A_3425 : memref<1x8x16xf32, #tpu.memory_space<vmem>> -> memref<8x16xf32, #tpu.memory_space<vmem>>
        %dma_start3A_3427 = arith.constant 0 : i32
        %dma_start3A_3428 = tpu.memref_slice %arg3[%multiple_of3A_3421, %dma_start3A_3427] : memref<1000000x16xf32, #tpu.memory_space<hbm>> -> memref<8x16xf32, #tpu.memory_space<hbm>>
        %dma_start3A_3429 = arith.constant 0 : i32
        %dma_start3A_3430 = arith.constant 0 : i32
        %dma_start3A_3431 = tpu.memref_slice %arg6[%dma_start3A_3422, %dma_start3A_3429, %dma_start3A_3430] : memref<48x8x16xf32, #tpu.memory_space<vmem>> -> memref<1x8x16xf32, #tpu.memory_space<vmem>>
        %dma_start3A_3432 = tpu.memref_squeeze %dma_start3A_3431 : memref<1x8x16xf32, #tpu.memory_space<vmem>> -> memref<8x16xf32, #tpu.memory_space<vmem>>
        %dma_start3A_3433 = arith.constant 0 : i32
        %dma_start3A_3434 = tpu.memref_slice %arg3[%multiple_of3A_3421, %dma_start3A_3433] : memref<1000000x16xf32, #tpu.memory_space<hbm>> -> memref<8x16xf32, #tpu.memory_space<hbm>>
        tpu.enqueue_dma source(%dma_start3A_3434 : memref<8x16xf32, #tpu.memory_space<hbm>>) target(%dma_start3A_3432 : memref<8x16xf32, #tpu.memory_space<vmem>>) target_semaphore(%arg9 : memref<!tpu.dma_semaphore, #tpu.memory_space<semaphore_mem>>)
        %slice3A_3435 = vector.extract_strided_slice %get3A_3308 {offsets = [7], sizes = [1], strides = [1]} : vector<16xi32> to vector<1xi32>
        %squeeze3A_3436 = vector.extract %slice3A_3435[0] : i32 from vector<1xi32>
        %and3A_3437 = arith.constant -8 : i32
        %and3A_3438 = arith.andi %squeeze3A_3436, %and3A_3437 : i32
        %multiple_of3A_3439 = tpu.assume_multiple %and3A_3438, 8 : i32
        %dma_start3A_3440 = arith.constant 7 : i32
        %dma_start3A_3441 = arith.constant 0 : i32
        %dma_start3A_3442 = arith.constant 0 : i32
        %dma_start3A_3443 = tpu.memref_slice %arg6[%dma_start3A_3440, %dma_start3A_3441, %dma_start3A_3442] : memref<48x8x16xf32, #tpu.memory_space<vmem>> -> memref<1x8x16xf32, #tpu.memory_space<vmem>>
        %dma_start3A_3444 = tpu.memref_squeeze %dma_start3A_3443 : memref<1x8x16xf32, #tpu.memory_space<vmem>> -> memref<8x16xf32, #tpu.memory_space<vmem>>
        %dma_start3A_3445 = arith.constant 0 : i32
        %dma_start3A_3446 = tpu.memref_slice %arg3[%multiple_of3A_3439, %dma_start3A_3445] : memref<1000000x16xf32, #tpu.memory_space<hbm>> -> memref<8x16xf32, #tpu.memory_space<hbm>>
        %dma_start3A_3447 = arith.constant 0 : i32
        %dma_start3A_3448 = arith.constant 0 : i32
        %dma_start3A_3449 = tpu.memref_slice %arg6[%dma_start3A_3440, %dma_start3A_3447, %dma_start3A_3448] : memref<48x8x16xf32, #tpu.memory_space<vmem>> -> memref<1x8x16xf32, #tpu.memory_space<vmem>>
        %dma_start3A_3450 = tpu.memref_squeeze %dma_start3A_3449 : memref<1x8x16xf32, #tpu.memory_space<vmem>> -> memref<8x16xf32, #tpu.memory_space<vmem>>
        %dma_start3A_3451 = arith.constant 0 : i32
        %dma_start3A_3452 = tpu.memref_slice %arg3[%multiple_of3A_3439, %dma_start3A_3451] : memref<1000000x16xf32, #tpu.memory_space<hbm>> -> memref<8x16xf32, #tpu.memory_space<hbm>>
        tpu.enqueue_dma source(%dma_start3A_3452 : memref<8x16xf32, #tpu.memory_space<hbm>>) target(%dma_start3A_3450 : memref<8x16xf32, #tpu.memory_space<vmem>>) target_semaphore(%arg9 : memref<!tpu.dma_semaphore, #tpu.memory_space<semaphore_mem>>)
        %slice3A_3453 = vector.extract_strided_slice %get3A_3308 {offsets = [8], sizes = [1], strides = [1]} : vector<16xi32> to vector<1xi32>
        %squeeze3A_3454 = vector.extract %slice3A_3453[0] : i32 from vector<1xi32>
        %and3A_3455 = arith.constant -8 : i32
        %and3A_3456 = arith.andi %squeeze3A_3454, %and3A_3455 : i32
        %multiple_of3A_3457 = tpu.assume_multiple %and3A_3456, 8 : i32
        %dma_start3A_3458 = arith.constant 8 : i32
        %dma_start3A_3459 = arith.constant 0 : i32
        %dma_start3A_3460 = arith.constant 0 : i32
        %dma_start3A_3461 = tpu.memref_slice %arg6[%dma_start3A_3458, %dma_start3A_3459, %dma_start3A_3460] : memref<48x8x16xf32, #tpu.memory_space<vmem>> -> memref<1x8x16xf32, #tpu.memory_space<vmem>>
        %dma_start3A_3462 = tpu.memref_squeeze %dma_start3A_3461 : memref<1x8x16xf32, #tpu.memory_space<vmem>> -> memref<8x16xf32, #tpu.memory_space<vmem>>
        %dma_start3A_3463 = arith.constant 0 : i32
        %dma_start3A_3464 = tpu.memref_slice %arg3[%multiple_of3A_3457, %dma_start3A_3463] : memref<1000000x16xf32, #tpu.memory_space<hbm>> -> memref<8x16xf32, #tpu.memory_space<hbm>>
        %dma_start3A_3465 = arith.constant 0 : i32
        %dma_start3A_3466 = arith.constant 0 : i32
        %dma_start3A_3467 = tpu.memref_slice %arg6[%dma_start3A_3458, %dma_start3A_3465, %dma_start3A_3466] : memref<48x8x16xf32, #tpu.memory_space<vmem>> -> memref<1x8x16xf32, #tpu.memory_space<vmem>>
        %dma_start3A_3468 = tpu.memref_squeeze %dma_start3A_3467 : memref<1x8x16xf32, #tpu.memory_space<vmem>> -> memref<8x16xf32, #tpu.memory_space<vmem>>
        %dma_start3A_3469 = arith.constant 0 : i32
        %dma_start3A_3470 = tpu.memref_slice %arg3[%multiple_of3A_3457, %dma_start3A_3469] : memref<1000000x16xf32, #tpu.memory_space<hbm>> -> memref<8x16xf32, #tpu.memory_space<hbm>>
        tpu.enqueue_dma source(%dma_start3A_3470 : memref<8x16xf32, #tpu.memory_space<hbm>>) target(%dma_start3A_3468 : memref<8x16xf32, #tpu.memory_space<vmem>>) target_semaphore(%arg9 : memref<!tpu.dma_semaphore, #tpu.memory_space<semaphore_mem>>)
        %slice3A_3471 = vector.extract_strided_slice %get3A_3308 {offsets = [9], sizes = [1], strides = [1]} : vector<16xi32> to vector<1xi32>
        %squeeze3A_3472 = vector.extract %slice3A_3471[0] : i32 from vector<1xi32>
        %and3A_3473 = arith.constant -8 : i32
        %and3A_3474 = arith.andi %squeeze3A_3472, %and3A_3473 : i32
        %multiple_of3A_3475 = tpu.assume_multiple %and3A_3474, 8 : i32
        %dma_start3A_3476 = arith.constant 9 : i32
        %dma_start3A_3477 = arith.constant 0 : i32
        %dma_start3A_3478 = arith.constant 0 : i32
        %dma_start3A_3479 = tpu.memref_slice %arg6[%dma_start3A_3476, %dma_start3A_3477, %dma_start3A_3478] : memref<48x8x16xf32, #tpu.memory_space<vmem>> -> memref<1x8x16xf32, #tpu.memory_space<vmem>>
        %dma_start3A_3480 = tpu.memref_squeeze %dma_start3A_3479 : memref<1x8x16xf32, #tpu.memory_space<vmem>> -> memref<8x16xf32, #tpu.memory_space<vmem>>
        %dma_start3A_3481 = arith.constant 0 : i32
        %dma_start3A_3482 = tpu.memref_slice %arg3[%multiple_of3A_3475, %dma_start3A_3481] : memref<1000000x16xf32, #tpu.memory_space<hbm>> -> memref<8x16xf32, #tpu.memory_space<hbm>>
        %dma_start3A_3483 = arith.constant 0 : i32
        %dma_start3A_3484 = arith.constant 0 : i32
        %dma_start3A_3485 = tpu.memref_slice %arg6[%dma_start3A_3476, %dma_start3A_3483, %dma_start3A_3484] : memref<48x8x16xf32, #tpu.memory_space<vmem>> -> memref<1x8x16xf32, #tpu.memory_space<vmem>>
        %dma_start3A_3486 = tpu.memref_squeeze %dma_start3A_3485 : memref<1x8x16xf32, #tpu.memory_space<vmem>> -> memref<8x16xf32, #tpu.memory_space<vmem>>
        %dma_start3A_3487 = arith.constant 0 : i32
        %dma_start3A_3488 = tpu.memref_slice %arg3[%multiple_of3A_3475, %dma_start3A_3487] : memref<1000000x16xf32, #tpu.memory_space<hbm>> -> memref<8x16xf32, #tpu.memory_space<hbm>>
        tpu.enqueue_dma source(%dma_start3A_3488 : memref<8x16xf32, #tpu.memory_space<hbm>>) target(%dma_start3A_3486 : memref<8x16xf32, #tpu.memory_space<vmem>>) target_semaphore(%arg9 : memref<!tpu.dma_semaphore, #tpu.memory_space<semaphore_mem>>)
        %slice3A_3489 = vector.extract_strided_slice %get3A_3308 {offsets = [10], sizes = [1], strides = [1]} : vector<16xi32> to vector<1xi32>
        %squeeze3A_3490 = vector.extract %slice3A_3489[0] : i32 from vector<1xi32>
        %and3A_3491 = arith.constant -8 : i32
        %and3A_3492 = arith.andi %squeeze3A_3490, %and3A_3491 : i32
        %multiple_of3A_3493 = tpu.assume_multiple %and3A_3492, 8 : i32
        %dma_start3A_3494 = arith.constant 10 : i32
        %dma_start3A_3495 = arith.constant 0 : i32
        %dma_start3A_3496 = arith.constant 0 : i32
        %dma_start3A_3497 = tpu.memref_slice %arg6[%dma_start3A_3494, %dma_start3A_3495, %dma_start3A_3496] : memref<48x8x16xf32, #tpu.memory_space<vmem>> -> memref<1x8x16xf32, #tpu.memory_space<vmem>>
        %dma_start3A_3498 = tpu.memref_squeeze %dma_start3A_3497 : memref<1x8x16xf32, #tpu.memory_space<vmem>> -> memref<8x16xf32, #tpu.memory_space<vmem>>
        %dma_start3A_3499 = arith.constant 0 : i32
        %dma_start3A_3500 = tpu.memref_slice %arg3[%multiple_of3A_3493, %dma_start3A_3499] : memref<1000000x16xf32, #tpu.memory_space<hbm>> -> memref<8x16xf32, #tpu.memory_space<hbm>>
        %dma_start3A_3501 = arith.constant 0 : i32
        %dma_start3A_3502 = arith.constant 0 : i32
        %dma_start3A_3503 = tpu.memref_slice %arg6[%dma_start3A_3494, %dma_start3A_3501, %dma_start3A_3502] : memref<48x8x16xf32, #tpu.memory_space<vmem>> -> memref<1x8x16xf32, #tpu.memory_space<vmem>>
        %dma_start3A_3504 = tpu.memref_squeeze %dma_start3A_3503 : memref<1x8x16xf32, #tpu.memory_space<vmem>> -> memref<8x16xf32, #tpu.memory_space<vmem>>
        %dma_start3A_3505 = arith.constant 0 : i32
        %dma_start3A_3506 = tpu.memref_slice %arg3[%multiple_of3A_3493, %dma_start3A_3505] : memref<1000000x16xf32, #tpu.memory_space<hbm>> -> memref<8x16xf32, #tpu.memory_space<hbm>>
        tpu.enqueue_dma source(%dma_start3A_3506 : memref<8x16xf32, #tpu.memory_space<hbm>>) target(%dma_start3A_3504 : memref<8x16xf32, #tpu.memory_space<vmem>>) target_semaphore(%arg9 : memref<!tpu.dma_semaphore, #tpu.memory_space<semaphore_mem>>)
        %slice3A_3507 = vector.extract_strided_slice %get3A_3308 {offsets = [11], sizes = [1], strides = [1]} : vector<16xi32> to vector<1xi32>
        %squeeze3A_3508 = vector.extract %slice3A_3507[0] : i32 from vector<1xi32>
        %and3A_3509 = arith.constant -8 : i32
        %and3A_3510 = arith.andi %squeeze3A_3508, %and3A_3509 : i32
        %multiple_of3A_3511 = tpu.assume_multiple %and3A_3510, 8 : i32
        %dma_start3A_3512 = arith.constant 11 : i32
        %dma_start3A_3513 = arith.constant 0 : i32
        %dma_start3A_3514 = arith.constant 0 : i32
        %dma_start3A_3515 = tpu.memref_slice %arg6[%dma_start3A_3512, %dma_start3A_3513, %dma_start3A_3514] : memref<48x8x16xf32, #tpu.memory_space<vmem>> -> memref<1x8x16xf32, #tpu.memory_space<vmem>>
        %dma_start3A_3516 = tpu.memref_squeeze %dma_start3A_3515 : memref<1x8x16xf32, #tpu.memory_space<vmem>> -> memref<8x16xf32, #tpu.memory_space<vmem>>
        %dma_start3A_3517 = arith.constant 0 : i32
        %dma_start3A_3518 = tpu.memref_slice %arg3[%multiple_of3A_3511, %dma_start3A_3517] : memref<1000000x16xf32, #tpu.memory_space<hbm>> -> memref<8x16xf32, #tpu.memory_space<hbm>>
        %dma_start3A_3519 = arith.constant 0 : i32
        %dma_start3A_3520 = arith.constant 0 : i32
        %dma_start3A_3521 = tpu.memref_slice %arg6[%dma_start3A_3512, %dma_start3A_3519, %dma_start3A_3520] : memref<48x8x16xf32, #tpu.memory_space<vmem>> -> memref<1x8x16xf32, #tpu.memory_space<vmem>>
        %dma_start3A_3522 = tpu.memref_squeeze %dma_start3A_3521 : memref<1x8x16xf32, #tpu.memory_space<vmem>> -> memref<8x16xf32, #tpu.memory_space<vmem>>
        %dma_start3A_3523 = arith.constant 0 : i32
        %dma_start3A_3524 = tpu.memref_slice %arg3[%multiple_of3A_3511, %dma_start3A_3523] : memref<1000000x16xf32, #tpu.memory_space<hbm>> -> memref<8x16xf32, #tpu.memory_space<hbm>>
        tpu.enqueue_dma source(%dma_start3A_3524 : memref<8x16xf32, #tpu.memory_space<hbm>>) target(%dma_start3A_3522 : memref<8x16xf32, #tpu.memory_space<vmem>>) target_semaphore(%arg9 : memref<!tpu.dma_semaphore, #tpu.memory_space<semaphore_mem>>)
        %slice3A_3525 = vector.extract_strided_slice %get3A_3308 {offsets = [12], sizes = [1], strides = [1]} : vector<16xi32> to vector<1xi32>
        %squeeze3A_3526 = vector.extract %slice3A_3525[0] : i32 from vector<1xi32>
        %and3A_3527 = arith.constant -8 : i32
        %and3A_3528 = arith.andi %squeeze3A_3526, %and3A_3527 : i32
        %multiple_of3A_3529 = tpu.assume_multiple %and3A_3528, 8 : i32
        %dma_start3A_3530 = arith.constant 12 : i32
        %dma_start3A_3531 = arith.constant 0 : i32
        %dma_start3A_3532 = arith.constant 0 : i32
        %dma_start3A_3533 = tpu.memref_slice %arg6[%dma_start3A_3530, %dma_start3A_3531, %dma_start3A_3532] : memref<48x8x16xf32, #tpu.memory_space<vmem>> -> memref<1x8x16xf32, #tpu.memory_space<vmem>>
        %dma_start3A_3534 = tpu.memref_squeeze %dma_start3A_3533 : memref<1x8x16xf32, #tpu.memory_space<vmem>> -> memref<8x16xf32, #tpu.memory_space<vmem>>
        %dma_start3A_3535 = arith.constant 0 : i32
        %dma_start3A_3536 = tpu.memref_slice %arg3[%multiple_of3A_3529, %dma_start3A_3535] : memref<1000000x16xf32, #tpu.memory_space<hbm>> -> memref<8x16xf32, #tpu.memory_space<hbm>>
        %dma_start3A_3537 = arith.constant 0 : i32
        %dma_start3A_3538 = arith.constant 0 : i32
        %dma_start3A_3539 = tpu.memref_slice %arg6[%dma_start3A_3530, %dma_start3A_3537, %dma_start3A_3538] : memref<48x8x16xf32, #tpu.memory_space<vmem>> -> memref<1x8x16xf32, #tpu.memory_space<vmem>>
        %dma_start3A_3540 = tpu.memref_squeeze %dma_start3A_3539 : memref<1x8x16xf32, #tpu.memory_space<vmem>> -> memref<8x16xf32, #tpu.memory_space<vmem>>
        %dma_start3A_3541 = arith.constant 0 : i32
        %dma_start3A_3542 = tpu.memref_slice %arg3[%multiple_of3A_3529, %dma_start3A_3541] : memref<1000000x16xf32, #tpu.memory_space<hbm>> -> memref<8x16xf32, #tpu.memory_space<hbm>>
        tpu.enqueue_dma source(%dma_start3A_3542 : memref<8x16xf32, #tpu.memory_space<hbm>>) target(%dma_start3A_3540 : memref<8x16xf32, #tpu.memory_space<vmem>>) target_semaphore(%arg9 : memref<!tpu.dma_semaphore, #tpu.memory_space<semaphore_mem>>)
        %slice3A_3543 = vector.extract_strided_slice %get3A_3308 {offsets = [13], sizes = [1], strides = [1]} : vector<16xi32> to vector<1xi32>
        %squeeze3A_3544 = vector.extract %slice3A_3543[0] : i32 from vector<1xi32>
        %and3A_3545 = arith.constant -8 : i32
        %and3A_3546 = arith.andi %squeeze3A_3544, %and3A_3545 : i32
        %multiple_of3A_3547 = tpu.assume_multiple %and3A_3546, 8 : i32
        %dma_start3A_3548 = arith.constant 13 : i32
        %dma_start3A_3549 = arith.constant 0 : i32
        %dma_start3A_3550 = arith.constant 0 : i32
        %dma_start3A_3551 = tpu.memref_slice %arg6[%dma_start3A_3548, %dma_start3A_3549, %dma_start3A_3550] : memref<48x8x16xf32, #tpu.memory_space<vmem>> -> memref<1x8x16xf32, #tpu.memory_space<vmem>>
        %dma_start3A_3552 = tpu.memref_squeeze %dma_start3A_3551 : memref<1x8x16xf32, #tpu.memory_space<vmem>> -> memref<8x16xf32, #tpu.memory_space<vmem>>
        %dma_start3A_3553 = arith.constant 0 : i32
        %dma_start3A_3554 = tpu.memref_slice %arg3[%multiple_of3A_3547, %dma_start3A_3553] : memref<1000000x16xf32, #tpu.memory_space<hbm>> -> memref<8x16xf32, #tpu.memory_space<hbm>>
        %dma_start3A_3555 = arith.constant 0 : i32
        %dma_start3A_3556 = arith.constant 0 : i32
        %dma_start3A_3557 = tpu.memref_slice %arg6[%dma_start3A_3548, %dma_start3A_3555, %dma_start3A_3556] : memref<48x8x16xf32, #tpu.memory_space<vmem>> -> memref<1x8x16xf32, #tpu.memory_space<vmem>>
        %dma_start3A_3558 = tpu.memref_squeeze %dma_start3A_3557 : memref<1x8x16xf32, #tpu.memory_space<vmem>> -> memref<8x16xf32, #tpu.memory_space<vmem>>
        %dma_start3A_3559 = arith.constant 0 : i32
        %dma_start3A_3560 = tpu.memref_slice %arg3[%multiple_of3A_3547, %dma_start3A_3559] : memref<1000000x16xf32, #tpu.memory_space<hbm>> -> memref<8x16xf32, #tpu.memory_space<hbm>>
        tpu.enqueue_dma source(%dma_start3A_3560 : memref<8x16xf32, #tpu.memory_space<hbm>>) target(%dma_start3A_3558 : memref<8x16xf32, #tpu.memory_space<vmem>>) target_semaphore(%arg9 : memref<!tpu.dma_semaphore, #tpu.memory_space<semaphore_mem>>)
        %slice3A_3561 = vector.extract_strided_slice %get3A_3308 {offsets = [14], sizes = [1], strides = [1]} : vector<16xi32> to vector<1xi32>
        %squeeze3A_3562 = vector.extract %slice3A_3561[0] : i32 from vector<1xi32>
        %and3A_3563 = arith.constant -8 : i32
        %and3A_3564 = arith.andi %squeeze3A_3562, %and3A_3563 : i32
        %multiple_of3A_3565 = tpu.assume_multiple %and3A_3564, 8 : i32
        %dma_start3A_3566 = arith.constant 14 : i32
        %dma_start3A_3567 = arith.constant 0 : i32
        %dma_start3A_3568 = arith.constant 0 : i32
        %dma_start3A_3569 = tpu.memref_slice %arg6[%dma_start3A_3566, %dma_start3A_3567, %dma_start3A_3568] : memref<48x8x16xf32, #tpu.memory_space<vmem>> -> memref<1x8x16xf32, #tpu.memory_space<vmem>>
        %dma_start3A_3570 = tpu.memref_squeeze %dma_start3A_3569 : memref<1x8x16xf32, #tpu.memory_space<vmem>> -> memref<8x16xf32, #tpu.memory_space<vmem>>
        %dma_start3A_3571 = arith.constant 0 : i32
        %dma_start3A_3572 = tpu.memref_slice %arg3[%multiple_of3A_3565, %dma_start3A_3571] : memref<1000000x16xf32, #tpu.memory_space<hbm>> -> memref<8x16xf32, #tpu.memory_space<hbm>>
        %dma_start3A_3573 = arith.constant 0 : i32
        %dma_start3A_3574 = arith.constant 0 : i32
        %dma_start3A_3575 = tpu.memref_slice %arg6[%dma_start3A_3566, %dma_start3A_3573, %dma_start3A_3574] : memref<48x8x16xf32, #tpu.memory_space<vmem>> -> memref<1x8x16xf32, #tpu.memory_space<vmem>>
        %dma_start3A_3576 = tpu.memref_squeeze %dma_start3A_3575 : memref<1x8x16xf32, #tpu.memory_space<vmem>> -> memref<8x16xf32, #tpu.memory_space<vmem>>
        %dma_start3A_3577 = arith.constant 0 : i32
        %dma_start3A_3578 = tpu.memref_slice %arg3[%multiple_of3A_3565, %dma_start3A_3577] : memref<1000000x16xf32, #tpu.memory_space<hbm>> -> memref<8x16xf32, #tpu.memory_space<hbm>>
        tpu.enqueue_dma source(%dma_start3A_3578 : memref<8x16xf32, #tpu.memory_space<hbm>>) target(%dma_start3A_3576 : memref<8x16xf32, #tpu.memory_space<vmem>>) target_semaphore(%arg9 : memref<!tpu.dma_semaphore, #tpu.memory_space<semaphore_mem>>)
        %slice3A_3579 = vector.extract_strided_slice %get3A_3308 {offsets = [15], sizes = [1], strides = [1]} : vector<16xi32> to vector<1xi32>
        %squeeze3A_3580 = vector.extract %slice3A_3579[0] : i32 from vector<1xi32>
        %and3A_3581 = arith.constant -8 : i32
        %and3A_3582 = arith.andi %squeeze3A_3580, %and3A_3581 : i32
        %multiple_of3A_3583 = tpu.assume_multiple %and3A_3582, 8 : i32
        %dma_start3A_3584 = arith.constant 15 : i32
        %dma_start3A_3585 = arith.constant 0 : i32
        %dma_start3A_3586 = arith.constant 0 : i32
        %dma_start3A_3587 = tpu.memref_slice %arg6[%dma_start3A_3584, %dma_start3A_3585, %dma_start3A_3586] : memref<48x8x16xf32, #tpu.memory_space<vmem>> -> memref<1x8x16xf32, #tpu.memory_space<vmem>>
        %dma_start3A_3588 = tpu.memref_squeeze %dma_start3A_3587 : memref<1x8x16xf32, #tpu.memory_space<vmem>> -> memref<8x16xf32, #tpu.memory_space<vmem>>
        %dma_start3A_3589 = arith.constant 0 : i32
        %dma_start3A_3590 = tpu.memref_slice %arg3[%multiple_of3A_3583, %dma_start3A_3589] : memref<1000000x16xf32, #tpu.memory_space<hbm>> -> memref<8x16xf32, #tpu.memory_space<hbm>>
        %dma_start3A_3591 = arith.constant 0 : i32
        %dma_start3A_3592 = arith.constant 0 : i32
        %dma_start3A_3593 = tpu.memref_slice %arg6[%dma_start3A_3584, %dma_start3A_3591, %dma_start3A_3592] : memref<48x8x16xf32, #tpu.memory_space<vmem>> -> memref<1x8x16xf32, #tpu.memory_space<vmem>>
        %dma_start3A_3594 = tpu.memref_squeeze %dma_start3A_3593 : memref<1x8x16xf32, #tpu.memory_space<vmem>> -> memref<8x16xf32, #tpu.memory_space<vmem>>
        %dma_start3A_3595 = arith.constant 0 : i32
        %dma_start3A_3596 = tpu.memref_slice %arg3[%multiple_of3A_3583, %dma_start3A_3595] : memref<1000000x16xf32, #tpu.memory_space<hbm>> -> memref<8x16xf32, #tpu.memory_space<hbm>>
        tpu.enqueue_dma source(%dma_start3A_3596 : memref<8x16xf32, #tpu.memory_space<hbm>>) target(%dma_start3A_3594 : memref<8x16xf32, #tpu.memory_space<vmem>>) target_semaphore(%arg9 : memref<!tpu.dma_semaphore, #tpu.memory_space<semaphore_mem>>)
        %add3A_3597 = arith.constant 16 : i32
        %add3A_3598 = arith.addi %mul3A_3299, %add3A_3597 : i32
        %shift_right_arithmetic3A_3599 = arith.constant 7 : i32
        %shift_right_arithmetic3A_3600 = arith.shrsi %add3A_3598, %shift_right_arithmetic3A_3599 : i32
        %and3A_3601 = arith.constant 127 : i32
        %and3A_3602 = arith.andi %add3A_3598, %and3A_3601 : i32
        %get3A_3603 = arith.index_cast %shift_right_arithmetic3A_3600 : i32 to index
        %get3A_3604 = arith.index_cast %and3A_3602 : i32 to index
        %get3A_3605 = tpu.vector_load %arg5[%get3A_3603, %get3A_3604] {strides = array<i32>} : memref<12x128xi32, #tpu.memory_space<vmem>>, vector<16xi32>,
        %slice3A_3606 = vector.extract_strided_slice %get3A_3605 {offsets = [0], sizes = [1], strides = [1]} : vector<16xi32> to vector<1xi32>
        %squeeze3A_3607 = vector.extract %slice3A_3606[0] : i32 from vector<1xi32>
        %and3A_3608 = arith.constant -8 : i32
        %and3A_3609 = arith.andi %squeeze3A_3607, %and3A_3608 : i32
        %multiple_of3A_3610 = tpu.assume_multiple %and3A_3609, 8 : i32
        %dma_start3A_3611 = arith.constant 16 : i32
        %dma_start3A_3612 = arith.constant 0 : i32
        %dma_start3A_3613 = arith.constant 0 : i32
        %dma_start3A_3614 = tpu.memref_slice %arg6[%dma_start3A_3611, %dma_start3A_3612, %dma_start3A_3613] : memref<48x8x16xf32, #tpu.memory_space<vmem>> -> memref<1x8x16xf32, #tpu.memory_space<vmem>>
        %dma_start3A_3615 = tpu.memref_squeeze %dma_start3A_3614 : memref<1x8x16xf32, #tpu.memory_space<vmem>> -> memref<8x16xf32, #tpu.memory_space<vmem>>
        %dma_start3A_3616 = arith.constant 0 : i32
        %dma_start3A_3617 = tpu.memref_slice %arg3[%multiple_of3A_3610, %dma_start3A_3616] : memref<1000000x16xf32, #tpu.memory_space<hbm>> -> memref<8x16xf32, #tpu.memory_space<hbm>>
        %dma_start3A_3618 = arith.constant 0 : i32
        %dma_start3A_3619 = arith.constant 0 : i32
        %dma_start3A_3620 = tpu.memref_slice %arg6[%dma_start3A_3611, %dma_start3A_3618, %dma_start3A_3619] : memref<48x8x16xf32, #tpu.memory_space<vmem>> -> memref<1x8x16xf32, #tpu.memory_space<vmem>>
        %dma_start3A_3621 = tpu.memref_squeeze %dma_start3A_3620 : memref<1x8x16xf32, #tpu.memory_space<vmem>> -> memref<8x16xf32, #tpu.memory_space<vmem>>
        %dma_start3A_3622 = arith.constant 0 : i32
        %dma_start3A_3623 = tpu.memref_slice %arg3[%multiple_of3A_3610, %dma_start3A_3622] : memref<1000000x16xf32, #tpu.memory_space<hbm>> -> memref<8x16xf32, #tpu.memory_space<hbm>>
        tpu.enqueue_dma source(%dma_start3A_3623 : memref<8x16xf32, #tpu.memory_space<hbm>>) target(%dma_start3A_3621 : memref<8x16xf32, #tpu.memory_space<vmem>>) target_semaphore(%arg9 : memref<!tpu.dma_semaphore, #tpu.memory_space<semaphore_mem>>)
        %slice3A_3624 = vector.extract_strided_slice %get3A_3605 {offsets = [1], sizes = [1], strides = [1]} : vector<16xi32> to vector<1xi32>
        %squeeze3A_3625 = vector.extract %slice3A_3624[0] : i32 from vector<1xi32>
        %and3A_3626 = arith.constant -8 : i32
        %and3A_3627 = arith.andi %squeeze3A_3625, %and3A_3626 : i32
        %multiple_of3A_3628 = tpu.assume_multiple %and3A_3627, 8 : i32
        %dma_start3A_3629 = arith.constant 17 : i32
        %dma_start3A_3630 = arith.constant 0 : i32
        %dma_start3A_3631 = arith.constant 0 : i32
        %dma_start3A_3632 = tpu.memref_slice %arg6[%dma_start3A_3629, %dma_start3A_3630, %dma_start3A_3631] : memref<48x8x16xf32, #tpu.memory_space<vmem>> -> memref<1x8x16xf32, #tpu.memory_space<vmem>>
        %dma_start3A_3633 = tpu.memref_squeeze %dma_start3A_3632 : memref<1x8x16xf32, #tpu.memory_space<vmem>> -> memref<8x16xf32, #tpu.memory_space<vmem>>
        %dma_start3A_3634 = arith.constant 0 : i32
        %dma_start3A_3635 = tpu.memref_slice %arg3[%multiple_of3A_3628, %dma_start3A_3634] : memref<1000000x16xf32, #tpu.memory_space<hbm>> -> memref<8x16xf32, #tpu.memory_space<hbm>>
        %dma_start3A_3636 = arith.constant 0 : i32
        %dma_start3A_3637 = arith.constant 0 : i32
        %dma_start3A_3638 = tpu.memref_slice %arg6[%dma_start3A_3629, %dma_start3A_3636, %dma_start3A_3637] : memref<48x8x16xf32, #tpu.memory_space<vmem>> -> memref<1x8x16xf32, #tpu.memory_space<vmem>>
        %dma_start3A_3639 = tpu.memref_squeeze %dma_start3A_3638 : memref<1x8x16xf32, #tpu.memory_space<vmem>> -> memref<8x16xf32, #tpu.memory_space<vmem>>
        %dma_start3A_3640 = arith.constant 0 : i32
        %dma_start3A_3641 = tpu.memref_slice %arg3[%multiple_of3A_3628, %dma_start3A_3640] : memref<1000000x16xf32, #tpu.memory_space<hbm>> -> memref<8x16xf32, #tpu.memory_space<hbm>>
        tpu.enqueue_dma source(%dma_start3A_3641 : memref<8x16xf32, #tpu.memory_space<hbm>>) target(%dma_start3A_3639 : memref<8x16xf32, #tpu.memory_space<vmem>>) target_semaphore(%arg9 : memref<!tpu.dma_semaphore, #tpu.memory_space<semaphore_mem>>)
        %slice3A_3642 = vector.extract_strided_slice %get3A_3605 {offsets = [2], sizes = [1], strides = [1]} : vector<16xi32> to vector<1xi32>
        %squeeze3A_3643 = vector.extract %slice3A_3642[0] : i32 from vector<1xi32>
        %and3A_3644 = arith.constant -8 : i32
        %and3A_3645 = arith.andi %squeeze3A_3643, %and3A_3644 : i32
        %multiple_of3A_3646 = tpu.assume_multiple %and3A_3645, 8 : i32
        %dma_start3A_3647 = arith.constant 18 : i32
        %dma_start3A_3648 = arith.constant 0 : i32
        %dma_start3A_3649 = arith.constant 0 : i32
        %dma_start3A_3650 = tpu.memref_slice %arg6[%dma_start3A_3647, %dma_start3A_3648, %dma_start3A_3649] : memref<48x8x16xf32, #tpu.memory_space<vmem>> -> memref<1x8x16xf32, #tpu.memory_space<vmem>>
        %dma_start3A_3651 = tpu.memref_squeeze %dma_start3A_3650 : memref<1x8x16xf32, #tpu.memory_space<vmem>> -> memref<8x16xf32, #tpu.memory_space<vmem>>
        %dma_start3A_3652 = arith.constant 0 : i32
        %dma_start3A_3653 = tpu.memref_slice %arg3[%multiple_of3A_3646, %dma_start3A_3652] : memref<1000000x16xf32, #tpu.memory_space<hbm>> -> memref<8x16xf32, #tpu.memory_space<hbm>>
        %dma_start3A_3654 = arith.constant 0 : i32
        %dma_start3A_3655 = arith.constant 0 : i32
        %dma_start3A_3656 = tpu.memref_slice %arg6[%dma_start3A_3647, %dma_start3A_3654, %dma_start3A_3655] : memref<48x8x16xf32, #tpu.memory_space<vmem>> -> memref<1x8x16xf32, #tpu.memory_space<vmem>>
        %dma_start3A_3657 = tpu.memref_squeeze %dma_start3A_3656 : memref<1x8x16xf32, #tpu.memory_space<vmem>> -> memref<8x16xf32, #tpu.memory_space<vmem>>
        %dma_start3A_3658 = arith.constant 0 : i32
        %dma_start3A_3659 = tpu.memref_slice %arg3[%multiple_of3A_3646, %dma_start3A_3658] : memref<1000000x16xf32, #tpu.memory_space<hbm>> -> memref<8x16xf32, #tpu.memory_space<hbm>>
        tpu.enqueue_dma source(%dma_start3A_3659 : memref<8x16xf32, #tpu.memory_space<hbm>>) target(%dma_start3A_3657 : memref<8x16xf32, #tpu.memory_space<vmem>>) target_semaphore(%arg9 : memref<!tpu.dma_semaphore, #tpu.memory_space<semaphore_mem>>)
        %slice3A_3660 = vector.extract_strided_slice %get3A_3605 {offsets = [3], sizes = [1], strides = [1]} : vector<16xi32> to vector<1xi32>
        %squeeze3A_3661 = vector.extract %slice3A_3660[0] : i32 from vector<1xi32>
        %and3A_3662 = arith.constant -8 : i32
        %and3A_3663 = arith.andi %squeeze3A_3661, %and3A_3662 : i32
        %multiple_of3A_3664 = tpu.assume_multiple %and3A_3663, 8 : i32
        %dma_start3A_3665 = arith.constant 19 : i32
        %dma_start3A_3666 = arith.constant 0 : i32
        %dma_start3A_3667 = arith.constant 0 : i32
        %dma_start3A_3668 = tpu.memref_slice %arg6[%dma_start3A_3665, %dma_start3A_3666, %dma_start3A_3667] : memref<48x8x16xf32, #tpu.memory_space<vmem>> -> memref<1x8x16xf32, #tpu.memory_space<vmem>>
        %dma_start3A_3669 = tpu.memref_squeeze %dma_start3A_3668 : memref<1x8x16xf32, #tpu.memory_space<vmem>> -> memref<8x16xf32, #tpu.memory_space<vmem>>
        %dma_start3A_3670 = arith.constant 0 : i32
        %dma_start3A_3671 = tpu.memref_slice %arg3[%multiple_of3A_3664, %dma_start3A_3670] : memref<1000000x16xf32, #tpu.memory_space<hbm>> -> memref<8x16xf32, #tpu.memory_space<hbm>>
        %dma_start3A_3672 = arith.constant 0 : i32
        %dma_start3A_3673 = arith.constant 0 : i32
        %dma_start3A_3674 = tpu.memref_slice %arg6[%dma_start3A_3665, %dma_start3A_3672, %dma_start3A_3673] : memref<48x8x16xf32, #tpu.memory_space<vmem>> -> memref<1x8x16xf32, #tpu.memory_space<vmem>>
        %dma_start3A_3675 = tpu.memref_squeeze %dma_start3A_3674 : memref<1x8x16xf32, #tpu.memory_space<vmem>> -> memref<8x16xf32, #tpu.memory_space<vmem>>
        %dma_start3A_3676 = arith.constant 0 : i32
        %dma_start3A_3677 = tpu.memref_slice %arg3[%multiple_of3A_3664, %dma_start3A_3676] : memref<1000000x16xf32, #tpu.memory_space<hbm>> -> memref<8x16xf32, #tpu.memory_space<hbm>>
        tpu.enqueue_dma source(%dma_start3A_3677 : memref<8x16xf32, #tpu.memory_space<hbm>>) target(%dma_start3A_3675 : memref<8x16xf32, #tpu.memory_space<vmem>>) target_semaphore(%arg9 : memref<!tpu.dma_semaphore, #tpu.memory_space<semaphore_mem>>)
        %slice3A_3678 = vector.extract_strided_slice %get3A_3605 {offsets = [4], sizes = [1], strides = [1]} : vector<16xi32> to vector<1xi32>
        %squeeze3A_3679 = vector.extract %slice3A_3678[0] : i32 from vector<1xi32>
        %and3A_3680 = arith.constant -8 : i32
        %and3A_3681 = arith.andi %squeeze3A_3679, %and3A_3680 : i32
        %multiple_of3A_3682 = tpu.assume_multiple %and3A_3681, 8 : i32
        %dma_start3A_3683 = arith.constant 20 : i32
        %dma_start3A_3684 = arith.constant 0 : i32
        %dma_start3A_3685 = arith.constant 0 : i32
        %dma_start3A_3686 = tpu.memref_slice %arg6[%dma_start3A_3683, %dma_start3A_3684, %dma_start3A_3685] : memref<48x8x16xf32, #tpu.memory_space<vmem>> -> memref<1x8x16xf32, #tpu.memory_space<vmem>>
        %dma_start3A_3687 = tpu.memref_squeeze %dma_start3A_3686 : memref<1x8x16xf32, #tpu.memory_space<vmem>> -> memref<8x16xf32, #tpu.memory_space<vmem>>
        %dma_start3A_3688 = arith.constant 0 : i32
        %dma_start3A_3689 = tpu.memref_slice %arg3[%multiple_of3A_3682, %dma_start3A_3688] : memref<1000000x16xf32, #tpu.memory_space<hbm>> -> memref<8x16xf32, #tpu.memory_space<hbm>>
        %dma_start3A_3690 = arith.constant 0 : i32
        %dma_start3A_3691 = arith.constant 0 : i32
        %dma_start3A_3692 = tpu.memref_slice %arg6[%dma_start3A_3683, %dma_start3A_3690, %dma_start3A_3691] : memref<48x8x16xf32, #tpu.memory_space<vmem>> -> memref<1x8x16xf32, #tpu.memory_space<vmem>>
        %dma_start3A_3693 = tpu.memref_squeeze %dma_start3A_3692 : memref<1x8x16xf32, #tpu.memory_space<vmem>> -> memref<8x16xf32, #tpu.memory_space<vmem>>
        %dma_start3A_3694 = arith.constant 0 : i32
        %dma_start3A_3695 = tpu.memref_slice %arg3[%multiple_of3A_3682, %dma_start3A_3694] : memref<1000000x16xf32, #tpu.memory_space<hbm>> -> memref<8x16xf32, #tpu.memory_space<hbm>>
        tpu.enqueue_dma source(%dma_start3A_3695 : memref<8x16xf32, #tpu.memory_space<hbm>>) target(%dma_start3A_3693 : memref<8x16xf32, #tpu.memory_space<vmem>>) target_semaphore(%arg9 : memref<!tpu.dma_semaphore, #tpu.memory_space<semaphore_mem>>)
        %slice3A_3696 = vector.extract_strided_slice %get3A_3605 {offsets = [5], sizes = [1], strides = [1]} : vector<16xi32> to vector<1xi32>
        %squeeze3A_3697 = vector.extract %slice3A_3696[0] : i32 from vector<1xi32>
        %and3A_3698 = arith.constant -8 : i32
        %and3A_3699 = arith.andi %squeeze3A_3697, %and3A_3698 : i32
        %multiple_of3A_3700 = tpu.assume_multiple %and3A_3699, 8 : i32
        %dma_start3A_3701 = arith.constant 21 : i32
        %dma_start3A_3702 = arith.constant 0 : i32
        %dma_start3A_3703 = arith.constant 0 : i32
        %dma_start3A_3704 = tpu.memref_slice %arg6[%dma_start3A_3701, %dma_start3A_3702, %dma_start3A_3703] : memref<48x8x16xf32, #tpu.memory_space<vmem>> -> memref<1x8x16xf32, #tpu.memory_space<vmem>>
        %dma_start3A_3705 = tpu.memref_squeeze %dma_start3A_3704 : memref<1x8x16xf32, #tpu.memory_space<vmem>> -> memref<8x16xf32, #tpu.memory_space<vmem>>
        %dma_start3A_3706 = arith.constant 0 : i32
        %dma_start3A_3707 = tpu.memref_slice %arg3[%multiple_of3A_3700, %dma_start3A_3706] : memref<1000000x16xf32, #tpu.memory_space<hbm>> -> memref<8x16xf32, #tpu.memory_space<hbm>>
        %dma_start3A_3708 = arith.constant 0 : i32
        %dma_start3A_3709 = arith.constant 0 : i32
        %dma_start3A_3710 = tpu.memref_slice %arg6[%dma_start3A_3701, %dma_start3A_3708, %dma_start3A_3709] : memref<48x8x16xf32, #tpu.memory_space<vmem>> -> memref<1x8x16xf32, #tpu.memory_space<vmem>>
        %dma_start3A_3711 = tpu.memref_squeeze %dma_start3A_3710 : memref<1x8x16xf32, #tpu.memory_space<vmem>> -> memref<8x16xf32, #tpu.memory_space<vmem>>
        %dma_start3A_3712 = arith.constant 0 : i32
        %dma_start3A_3713 = tpu.memref_slice %arg3[%multiple_of3A_3700, %dma_start3A_3712] : memref<1000000x16xf32, #tpu.memory_space<hbm>> -> memref<8x16xf32, #tpu.memory_space<hbm>>
        tpu.enqueue_dma source(%dma_start3A_3713 : memref<8x16xf32, #tpu.memory_space<hbm>>) target(%dma_start3A_3711 : memref<8x16xf32, #tpu.memory_space<vmem>>) target_semaphore(%arg9 : memref<!tpu.dma_semaphore, #tpu.memory_space<semaphore_mem>>)
        %slice3A_3714 = vector.extract_strided_slice %get3A_3605 {offsets = [6], sizes = [1], strides = [1]} : vector<16xi32> to vector<1xi32>
        %squeeze3A_3715 = vector.extract %slice3A_3714[0] : i32 from vector<1xi32>
        %and3A_3716 = arith.constant -8 : i32
        %and3A_3717 = arith.andi %squeeze3A_3715, %and3A_3716 : i32
        %multiple_of3A_3718 = tpu.assume_multiple %and3A_3717, 8 : i32
        %dma_start3A_3719 = arith.constant 22 : i32
        %dma_start3A_3720 = arith.constant 0 : i32
        %dma_start3A_3721 = arith.constant 0 : i32
        %dma_start3A_3722 = tpu.memref_slice %arg6[%dma_start3A_3719, %dma_start3A_3720, %dma_start3A_3721] : memref<48x8x16xf32, #tpu.memory_space<vmem>> -> memref<1x8x16xf32, #tpu.memory_space<vmem>>
        %dma_start3A_3723 = tpu.memref_squeeze %dma_start3A_3722 : memref<1x8x16xf32, #tpu.memory_space<vmem>> -> memref<8x16xf32, #tpu.memory_space<vmem>>
        %dma_start3A_3724 = arith.constant 0 : i32
        %dma_start3A_3725 = tpu.memref_slice %arg3[%multiple_of3A_3718, %dma_start3A_3724] : memref<1000000x16xf32, #tpu.memory_space<hbm>> -> memref<8x16xf32, #tpu.memory_space<hbm>>
        %dma_start3A_3726 = arith.constant 0 : i32
        %dma_start3A_3727 = arith.constant 0 : i32
        %dma_start3A_3728 = tpu.memref_slice %arg6[%dma_start3A_3719, %dma_start3A_3726, %dma_start3A_3727] : memref<48x8x16xf32, #tpu.memory_space<vmem>> -> memref<1x8x16xf32, #tpu.memory_space<vmem>>
        %dma_start3A_3729 = tpu.memref_squeeze %dma_start3A_3728 : memref<1x8x16xf32, #tpu.memory_space<vmem>> -> memref<8x16xf32, #tpu.memory_space<vmem>>
        %dma_start3A_3730 = arith.constant 0 : i32
        %dma_start3A_3731 = tpu.memref_slice %arg3[%multiple_of3A_3718, %dma_start3A_3730] : memref<1000000x16xf32, #tpu.memory_space<hbm>> -> memref<8x16xf32, #tpu.memory_space<hbm>>
        tpu.enqueue_dma source(%dma_start3A_3731 : memref<8x16xf32, #tpu.memory_space<hbm>>) target(%dma_start3A_3729 : memref<8x16xf32, #tpu.memory_space<vmem>>) target_semaphore(%arg9 : memref<!tpu.dma_semaphore, #tpu.memory_space<semaphore_mem>>)
        %slice3A_3732 = vector.extract_strided_slice %get3A_3605 {offsets = [7], sizes = [1], strides = [1]} : vector<16xi32> to vector<1xi32>
        %squeeze3A_3733 = vector.extract %slice3A_3732[0] : i32 from vector<1xi32>
        %and3A_3734 = arith.constant -8 : i32
        %and3A_3735 = arith.andi %squeeze3A_3733, %and3A_3734 : i32
        %multiple_of3A_3736 = tpu.assume_multiple %and3A_3735, 8 : i32
        %dma_start3A_3737 = arith.constant 23 : i32
        %dma_start3A_3738 = arith.constant 0 : i32
        %dma_start3A_3739 = arith.constant 0 : i32
        %dma_start3A_3740 = tpu.memref_slice %arg6[%dma_start3A_3737, %dma_start3A_3738, %dma_start3A_3739] : memref<48x8x16xf32, #tpu.memory_space<vmem>> -> memref<1x8x16xf32, #tpu.memory_space<vmem>>
        %dma_start3A_3741 = tpu.memref_squeeze %dma_start3A_3740 : memref<1x8x16xf32, #tpu.memory_space<vmem>> -> memref<8x16xf32, #tpu.memory_space<vmem>>
        %dma_start3A_3742 = arith.constant 0 : i32
        %dma_start3A_3743 = tpu.memref_slice %arg3[%multiple_of3A_3736, %dma_start3A_3742] : memref<1000000x16xf32, #tpu.memory_space<hbm>> -> memref<8x16xf32, #tpu.memory_space<hbm>>
        %dma_start3A_3744 = arith.constant 0 : i32
        %dma_start3A_3745 = arith.constant 0 : i32
        %dma_start3A_3746 = tpu.memref_slice %arg6[%dma_start3A_3737, %dma_start3A_3744, %dma_start3A_3745] : memref<48x8x16xf32, #tpu.memory_space<vmem>> -> memref<1x8x16xf32, #tpu.memory_space<vmem>>
        %dma_start3A_3747 = tpu.memref_squeeze %dma_start3A_3746 : memref<1x8x16xf32, #tpu.memory_space<vmem>> -> memref<8x16xf32, #tpu.memory_space<vmem>>
        %dma_start3A_3748 = arith.constant 0 : i32
        %dma_start3A_3749 = tpu.memref_slice %arg3[%multiple_of3A_3736, %dma_start3A_3748] : memref<1000000x16xf32, #tpu.memory_space<hbm>> -> memref<8x16xf32, #tpu.memory_space<hbm>>
        tpu.enqueue_dma source(%dma_start3A_3749 : memref<8x16xf32, #tpu.memory_space<hbm>>) target(%dma_start3A_3747 : memref<8x16xf32, #tpu.memory_space<vmem>>) target_semaphore(%arg9 : memref<!tpu.dma_semaphore, #tpu.memory_space<semaphore_mem>>)
        %slice3A_3750 = vector.extract_strided_slice %get3A_3605 {offsets = [8], sizes = [1], strides = [1]} : vector<16xi32> to vector<1xi32>
        %squeeze3A_3751 = vector.extract %slice3A_3750[0] : i32 from vector<1xi32>
        %and3A_3752 = arith.constant -8 : i32
        %and3A_3753 = arith.andi %squeeze3A_3751, %and3A_3752 : i32
        %multiple_of3A_3754 = tpu.assume_multiple %and3A_3753, 8 : i32
        %dma_start3A_3755 = arith.constant 24 : i32
        %dma_start3A_3756 = arith.constant 0 : i32
        %dma_start3A_3757 = arith.constant 0 : i32
        %dma_start3A_3758 = tpu.memref_slice %arg6[%dma_start3A_3755, %dma_start3A_3756, %dma_start3A_3757] : memref<48x8x16xf32, #tpu.memory_space<vmem>> -> memref<1x8x16xf32, #tpu.memory_space<vmem>>
        %dma_start3A_3759 = tpu.memref_squeeze %dma_start3A_3758 : memref<1x8x16xf32, #tpu.memory_space<vmem>> -> memref<8x16xf32, #tpu.memory_space<vmem>>
        %dma_start3A_3760 = arith.constant 0 : i32
        %dma_start3A_3761 = tpu.memref_slice %arg3[%multiple_of3A_3754, %dma_start3A_3760] : memref<1000000x16xf32, #tpu.memory_space<hbm>> -> memref<8x16xf32, #tpu.memory_space<hbm>>
        %dma_start3A_3762 = arith.constant 0 : i32
        %dma_start3A_3763 = arith.constant 0 : i32
        %dma_start3A_3764 = tpu.memref_slice %arg6[%dma_start3A_3755, %dma_start3A_3762, %dma_start3A_3763] : memref<48x8x16xf32, #tpu.memory_space<vmem>> -> memref<1x8x16xf32, #tpu.memory_space<vmem>>
        %dma_start3A_3765 = tpu.memref_squeeze %dma_start3A_3764 : memref<1x8x16xf32, #tpu.memory_space<vmem>> -> memref<8x16xf32, #tpu.memory_space<vmem>>
        %dma_start3A_3766 = arith.constant 0 : i32
        %dma_start3A_3767 = tpu.memref_slice %arg3[%multiple_of3A_3754, %dma_start3A_3766] : memref<1000000x16xf32, #tpu.memory_space<hbm>> -> memref<8x16xf32, #tpu.memory_space<hbm>>
        tpu.enqueue_dma source(%dma_start3A_3767 : memref<8x16xf32, #tpu.memory_space<hbm>>) target(%dma_start3A_3765 : memref<8x16xf32, #tpu.memory_space<vmem>>) target_semaphore(%arg9 : memref<!tpu.dma_semaphore, #tpu.memory_space<semaphore_mem>>)
        %slice3A_3768 = vector.extract_strided_slice %get3A_3605 {offsets = [9], sizes = [1], strides = [1]} : vector<16xi32> to vector<1xi32>
        %squeeze3A_3769 = vector.extract %slice3A_3768[0] : i32 from vector<1xi32>
        %and3A_3770 = arith.constant -8 : i32
        %and3A_3771 = arith.andi %squeeze3A_3769, %and3A_3770 : i32
        %multiple_of3A_3772 = tpu.assume_multiple %and3A_3771, 8 : i32
        %dma_start3A_3773 = arith.constant 25 : i32
        %dma_start3A_3774 = arith.constant 0 : i32
        %dma_start3A_3775 = arith.constant 0 : i32
        %dma_start3A_3776 = tpu.memref_slice %arg6[%dma_start3A_3773, %dma_start3A_3774, %dma_start3A_3775] : memref<48x8x16xf32, #tpu.memory_space<vmem>> -> memref<1x8x16xf32, #tpu.memory_space<vmem>>
        %dma_start3A_3777 = tpu.memref_squeeze %dma_start3A_3776 : memref<1x8x16xf32, #tpu.memory_space<vmem>> -> memref<8x16xf32, #tpu.memory_space<vmem>>
        %dma_start3A_3778 = arith.constant 0 : i32
        %dma_start3A_3779 = tpu.memref_slice %arg3[%multiple_of3A_3772, %dma_start3A_3778] : memref<1000000x16xf32, #tpu.memory_space<hbm>> -> memref<8x16xf32, #tpu.memory_space<hbm>>
        %dma_start3A_3780 = arith.constant 0 : i32
        %dma_start3A_3781 = arith.constant 0 : i32
        %dma_start3A_3782 = tpu.memref_slice %arg6[%dma_start3A_3773, %dma_start3A_3780, %dma_start3A_3781] : memref<48x8x16xf32, #tpu.memory_space<vmem>> -> memref<1x8x16xf32, #tpu.memory_space<vmem>>
        %dma_start3A_3783 = tpu.memref_squeeze %dma_start3A_3782 : memref<1x8x16xf32, #tpu.memory_space<vmem>> -> memref<8x16xf32, #tpu.memory_space<vmem>>
        %dma_start3A_3784 = arith.constant 0 : i32
        %dma_start3A_3785 = tpu.memref_slice %arg3[%multiple_of3A_3772, %dma_start3A_3784] : memref<1000000x16xf32, #tpu.memory_space<hbm>> -> memref<8x16xf32, #tpu.memory_space<hbm>>
        tpu.enqueue_dma source(%dma_start3A_3785 : memref<8x16xf32, #tpu.memory_space<hbm>>) target(%dma_start3A_3783 : memref<8x16xf32, #tpu.memory_space<vmem>>) target_semaphore(%arg9 : memref<!tpu.dma_semaphore, #tpu.memory_space<semaphore_mem>>)
        %slice3A_3786 = vector.extract_strided_slice %get3A_3605 {offsets = [10], sizes = [1], strides = [1]} : vector<16xi32> to vector<1xi32>
        %squeeze3A_3787 = vector.extract %slice3A_3786[0] : i32 from vector<1xi32>
        %and3A_3788 = arith.constant -8 : i32
        %and3A_3789 = arith.andi %squeeze3A_3787, %and3A_3788 : i32
        %multiple_of3A_3790 = tpu.assume_multiple %and3A_3789, 8 : i32
        %dma_start3A_3791 = arith.constant 26 : i32
        %dma_start3A_3792 = arith.constant 0 : i32
        %dma_start3A_3793 = arith.constant 0 : i32
        %dma_start3A_3794 = tpu.memref_slice %arg6[%dma_start3A_3791, %dma_start3A_3792, %dma_start3A_3793] : memref<48x8x16xf32, #tpu.memory_space<vmem>> -> memref<1x8x16xf32, #tpu.memory_space<vmem>>
        %dma_start3A_3795 = tpu.memref_squeeze %dma_start3A_3794 : memref<1x8x16xf32, #tpu.memory_space<vmem>> -> memref<8x16xf32, #tpu.memory_space<vmem>>
        %dma_start3A_3796 = arith.constant 0 : i32
        %dma_start3A_3797 = tpu.memref_slice %arg3[%multiple_of3A_3790, %dma_start3A_3796] : memref<1000000x16xf32, #tpu.memory_space<hbm>> -> memref<8x16xf32, #tpu.memory_space<hbm>>
        %dma_start3A_3798 = arith.constant 0 : i32
        %dma_start3A_3799 = arith.constant 0 : i32
        %dma_start3A_3800 = tpu.memref_slice %arg6[%dma_start3A_3791, %dma_start3A_3798, %dma_start3A_3799] : memref<48x8x16xf32, #tpu.memory_space<vmem>> -> memref<1x8x16xf32, #tpu.memory_space<vmem>>
        %dma_start3A_3801 = tpu.memref_squeeze %dma_start3A_3800 : memref<1x8x16xf32, #tpu.memory_space<vmem>> -> memref<8x16xf32, #tpu.memory_space<vmem>>
        %dma_start3A_3802 = arith.constant 0 : i32
        %dma_start3A_3803 = tpu.memref_slice %arg3[%multiple_of3A_3790, %dma_start3A_3802] : memref<1000000x16xf32, #tpu.memory_space<hbm>> -> memref<8x16xf32, #tpu.memory_space<hbm>>
        tpu.enqueue_dma source(%dma_start3A_3803 : memref<8x16xf32, #tpu.memory_space<hbm>>) target(%dma_start3A_3801 : memref<8x16xf32, #tpu.memory_space<vmem>>) target_semaphore(%arg9 : memref<!tpu.dma_semaphore, #tpu.memory_space<semaphore_mem>>)
        %slice3A_3804 = vector.extract_strided_slice %get3A_3605 {offsets = [11], sizes = [1], strides = [1]} : vector<16xi32> to vector<1xi32>
        %squeeze3A_3805 = vector.extract %slice3A_3804[0] : i32 from vector<1xi32>
        %and3A_3806 = arith.constant -8 : i32
        %and3A_3807 = arith.andi %squeeze3A_3805, %and3A_3806 : i32
        %multiple_of3A_3808 = tpu.assume_multiple %and3A_3807, 8 : i32
        %dma_start3A_3809 = arith.constant 27 : i32
        %dma_start3A_3810 = arith.constant 0 : i32
        %dma_start3A_3811 = arith.constant 0 : i32
        %dma_start3A_3812 = tpu.memref_slice %arg6[%dma_start3A_3809, %dma_start3A_3810, %dma_start3A_3811] : memref<48x8x16xf32, #tpu.memory_space<vmem>> -> memref<1x8x16xf32, #tpu.memory_space<vmem>>
        %dma_start3A_3813 = tpu.memref_squeeze %dma_start3A_3812 : memref<1x8x16xf32, #tpu.memory_space<vmem>> -> memref<8x16xf32, #tpu.memory_space<vmem>>
        %dma_start3A_3814 = arith.constant 0 : i32
        %dma_start3A_3815 = tpu.memref_slice %arg3[%multiple_of3A_3808, %dma_start3A_3814] : memref<1000000x16xf32, #tpu.memory_space<hbm>> -> memref<8x16xf32, #tpu.memory_space<hbm>>
        %dma_start3A_3816 = arith.constant 0 : i32
        %dma_start3A_3817 = arith.constant 0 : i32
        %dma_start3A_3818 = tpu.memref_slice %arg6[%dma_start3A_3809, %dma_start3A_3816, %dma_start3A_3817] : memref<48x8x16xf32, #tpu.memory_space<vmem>> -> memref<1x8x16xf32, #tpu.memory_space<vmem>>
        %dma_start3A_3819 = tpu.memref_squeeze %dma_start3A_3818 : memref<1x8x16xf32, #tpu.memory_space<vmem>> -> memref<8x16xf32, #tpu.memory_space<vmem>>
        %dma_start3A_3820 = arith.constant 0 : i32
        %dma_start3A_3821 = tpu.memref_slice %arg3[%multiple_of3A_3808, %dma_start3A_3820] : memref<1000000x16xf32, #tpu.memory_space<hbm>> -> memref<8x16xf32, #tpu.memory_space<hbm>>
        tpu.enqueue_dma source(%dma_start3A_3821 : memref<8x16xf32, #tpu.memory_space<hbm>>) target(%dma_start3A_3819 : memref<8x16xf32, #tpu.memory_space<vmem>>) target_semaphore(%arg9 : memref<!tpu.dma_semaphore, #tpu.memory_space<semaphore_mem>>)
        %slice3A_3822 = vector.extract_strided_slice %get3A_3605 {offsets = [12], sizes = [1], strides = [1]} : vector<16xi32> to vector<1xi32>
        %squeeze3A_3823 = vector.extract %slice3A_3822[0] : i32 from vector<1xi32>
        %and3A_3824 = arith.constant -8 : i32
        %and3A_3825 = arith.andi %squeeze3A_3823, %and3A_3824 : i32
        %multiple_of3A_3826 = tpu.assume_multiple %and3A_3825, 8 : i32
        %dma_start3A_3827 = arith.constant 28 : i32
        %dma_start3A_3828 = arith.constant 0 : i32
        %dma_start3A_3829 = arith.constant 0 : i32
        %dma_start3A_3830 = tpu.memref_slice %arg6[%dma_start3A_3827, %dma_start3A_3828, %dma_start3A_3829] : memref<48x8x16xf32, #tpu.memory_space<vmem>> -> memref<1x8x16xf32, #tpu.memory_space<vmem>>
        %dma_start3A_3831 = tpu.memref_squeeze %dma_start3A_3830 : memref<1x8x16xf32, #tpu.memory_space<vmem>> -> memref<8x16xf32, #tpu.memory_space<vmem>>
        %dma_start3A_3832 = arith.constant 0 : i32
        %dma_start3A_3833 = tpu.memref_slice %arg3[%multiple_of3A_3826, %dma_start3A_3832] : memref<1000000x16xf32, #tpu.memory_space<hbm>> -> memref<8x16xf32, #tpu.memory_space<hbm>>
        %dma_start3A_3834 = arith.constant 0 : i32
        %dma_start3A_3835 = arith.constant 0 : i32
        %dma_start3A_3836 = tpu.memref_slice %arg6[%dma_start3A_3827, %dma_start3A_3834, %dma_start3A_3835] : memref<48x8x16xf32, #tpu.memory_space<vmem>> -> memref<1x8x16xf32, #tpu.memory_space<vmem>>
        %dma_start3A_3837 = tpu.memref_squeeze %dma_start3A_3836 : memref<1x8x16xf32, #tpu.memory_space<vmem>> -> memref<8x16xf32, #tpu.memory_space<vmem>>
        %dma_start3A_3838 = arith.constant 0 : i32
        %dma_start3A_3839 = tpu.memref_slice %arg3[%multiple_of3A_3826, %dma_start3A_3838] : memref<1000000x16xf32, #tpu.memory_space<hbm>> -> memref<8x16xf32, #tpu.memory_space<hbm>>
        tpu.enqueue_dma source(%dma_start3A_3839 : memref<8x16xf32, #tpu.memory_space<hbm>>) target(%dma_start3A_3837 : memref<8x16xf32, #tpu.memory_space<vmem>>) target_semaphore(%arg9 : memref<!tpu.dma_semaphore, #tpu.memory_space<semaphore_mem>>)
        %slice3A_3840 = vector.extract_strided_slice %get3A_3605 {offsets = [13], sizes = [1], strides = [1]} : vector<16xi32> to vector<1xi32>
        %squeeze3A_3841 = vector.extract %slice3A_3840[0] : i32 from vector<1xi32>
        %and3A_3842 = arith.constant -8 : i32
        %and3A_3843 = arith.andi %squeeze3A_3841, %and3A_3842 : i32
        %multiple_of3A_3844 = tpu.assume_multiple %and3A_3843, 8 : i32
        %dma_start3A_3845 = arith.constant 29 : i32
        %dma_start3A_3846 = arith.constant 0 : i32
        %dma_start3A_3847 = arith.constant 0 : i32
        %dma_start3A_3848 = tpu.memref_slice %arg6[%dma_start3A_3845, %dma_start3A_3846, %dma_start3A_3847] : memref<48x8x16xf32, #tpu.memory_space<vmem>> -> memref<1x8x16xf32, #tpu.memory_space<vmem>>
        %dma_start3A_3849 = tpu.memref_squeeze %dma_start3A_3848 : memref<1x8x16xf32, #tpu.memory_space<vmem>> -> memref<8x16xf32, #tpu.memory_space<vmem>>
        %dma_start3A_3850 = arith.constant 0 : i32
        %dma_start3A_3851 = tpu.memref_slice %arg3[%multiple_of3A_3844, %dma_start3A_3850] : memref<1000000x16xf32, #tpu.memory_space<hbm>> -> memref<8x16xf32, #tpu.memory_space<hbm>>
        %dma_start3A_3852 = arith.constant 0 : i32
        %dma_start3A_3853 = arith.constant 0 : i32
        %dma_start3A_3854 = tpu.memref_slice %arg6[%dma_start3A_3845, %dma_start3A_3852, %dma_start3A_3853] : memref<48x8x16xf32, #tpu.memory_space<vmem>> -> memref<1x8x16xf32, #tpu.memory_space<vmem>>
        %dma_start3A_3855 = tpu.memref_squeeze %dma_start3A_3854 : memref<1x8x16xf32, #tpu.memory_space<vmem>> -> memref<8x16xf32, #tpu.memory_space<vmem>>
        %dma_start3A_3856 = arith.constant 0 : i32
        %dma_start3A_3857 = tpu.memref_slice %arg3[%multiple_of3A_3844, %dma_start3A_3856] : memref<1000000x16xf32, #tpu.memory_space<hbm>> -> memref<8x16xf32, #tpu.memory_space<hbm>>
        tpu.enqueue_dma source(%dma_start3A_3857 : memref<8x16xf32, #tpu.memory_space<hbm>>) target(%dma_start3A_3855 : memref<8x16xf32, #tpu.memory_space<vmem>>) target_semaphore(%arg9 : memref<!tpu.dma_semaphore, #tpu.memory_space<semaphore_mem>>)
        %slice3A_3858 = vector.extract_strided_slice %get3A_3605 {offsets = [14], sizes = [1], strides = [1]} : vector<16xi32> to vector<1xi32>
        %squeeze3A_3859 = vector.extract %slice3A_3858[0] : i32 from vector<1xi32>
        %and3A_3860 = arith.constant -8 : i32
        %and3A_3861 = arith.andi %squeeze3A_3859, %and3A_3860 : i32
        %multiple_of3A_3862 = tpu.assume_multiple %and3A_3861, 8 : i32
        %dma_start3A_3863 = arith.constant 30 : i32
        %dma_start3A_3864 = arith.constant 0 : i32
        %dma_start3A_3865 = arith.constant 0 : i32
        %dma_start3A_3866 = tpu.memref_slice %arg6[%dma_start3A_3863, %dma_start3A_3864, %dma_start3A_3865] : memref<48x8x16xf32, #tpu.memory_space<vmem>> -> memref<1x8x16xf32, #tpu.memory_space<vmem>>
        %dma_start3A_3867 = tpu.memref_squeeze %dma_start3A_3866 : memref<1x8x16xf32, #tpu.memory_space<vmem>> -> memref<8x16xf32, #tpu.memory_space<vmem>>
        %dma_start3A_3868 = arith.constant 0 : i32
        %dma_start3A_3869 = tpu.memref_slice %arg3[%multiple_of3A_3862, %dma_start3A_3868] : memref<1000000x16xf32, #tpu.memory_space<hbm>> -> memref<8x16xf32, #tpu.memory_space<hbm>>
        %dma_start3A_3870 = arith.constant 0 : i32
        %dma_start3A_3871 = arith.constant 0 : i32
        %dma_start3A_3872 = tpu.memref_slice %arg6[%dma_start3A_3863, %dma_start3A_3870, %dma_start3A_3871] : memref<48x8x16xf32, #tpu.memory_space<vmem>> -> memref<1x8x16xf32, #tpu.memory_space<vmem>>
        %dma_start3A_3873 = tpu.memref_squeeze %dma_start3A_3872 : memref<1x8x16xf32, #tpu.memory_space<vmem>> -> memref<8x16xf32, #tpu.memory_space<vmem>>
        %dma_start3A_3874 = arith.constant 0 : i32
        %dma_start3A_3875 = tpu.memref_slice %arg3[%multiple_of3A_3862, %dma_start3A_3874] : memref<1000000x16xf32, #tpu.memory_space<hbm>> -> memref<8x16xf32, #tpu.memory_space<hbm>>
        tpu.enqueue_dma source(%dma_start3A_3875 : memref<8x16xf32, #tpu.memory_space<hbm>>) target(%dma_start3A_3873 : memref<8x16xf32, #tpu.memory_space<vmem>>) target_semaphore(%arg9 : memref<!tpu.dma_semaphore, #tpu.memory_space<semaphore_mem>>)
        %slice3A_3876 = vector.extract_strided_slice %get3A_3605 {offsets = [15], sizes = [1], strides = [1]} : vector<16xi32> to vector<1xi32>
        %squeeze3A_3877 = vector.extract %slice3A_3876[0] : i32 from vector<1xi32>
        %and3A_3878 = arith.constant -8 : i32
        %and3A_3879 = arith.andi %squeeze3A_3877, %and3A_3878 : i32
        %multiple_of3A_3880 = tpu.assume_multiple %and3A_3879, 8 : i32
        %dma_start3A_3881 = arith.constant 31 : i32
        %dma_start3A_3882 = arith.constant 0 : i32
        %dma_start3A_3883 = arith.constant 0 : i32
        %dma_start3A_3884 = tpu.memref_slice %arg6[%dma_start3A_3881, %dma_start3A_3882, %dma_start3A_3883] : memref<48x8x16xf32, #tpu.memory_space<vmem>> -> memref<1x8x16xf32, #tpu.memory_space<vmem>>
        %dma_start3A_3885 = tpu.memref_squeeze %dma_start3A_3884 : memref<1x8x16xf32, #tpu.memory_space<vmem>> -> memref<8x16xf32, #tpu.memory_space<vmem>>
        %dma_start3A_3886 = arith.constant 0 : i32
        %dma_start3A_3887 = tpu.memref_slice %arg3[%multiple_of3A_3880, %dma_start3A_3886] : memref<1000000x16xf32, #tpu.memory_space<hbm>> -> memref<8x16xf32, #tpu.memory_space<hbm>>
        %dma_start3A_3888 = arith.constant 0 : i32
        %dma_start3A_3889 = arith.constant 0 : i32
        %dma_start3A_3890 = tpu.memref_slice %arg6[%dma_start3A_3881, %dma_start3A_3888, %dma_start3A_3889] : memref<48x8x16xf32, #tpu.memory_space<vmem>> -> memref<1x8x16xf32, #tpu.memory_space<vmem>>
        %dma_start3A_3891 = tpu.memref_squeeze %dma_start3A_3890 : memref<1x8x16xf32, #tpu.memory_space<vmem>> -> memref<8x16xf32, #tpu.memory_space<vmem>>
        %dma_start3A_3892 = arith.constant 0 : i32
        %dma_start3A_3893 = tpu.memref_slice %arg3[%multiple_of3A_3880, %dma_start3A_3892] : memref<1000000x16xf32, #tpu.memory_space<hbm>> -> memref<8x16xf32, #tpu.memory_space<hbm>>
        tpu.enqueue_dma source(%dma_start3A_3893 : memref<8x16xf32, #tpu.memory_space<hbm>>) target(%dma_start3A_3891 : memref<8x16xf32, #tpu.memory_space<vmem>>) target_semaphore(%arg9 : memref<!tpu.dma_semaphore, #tpu.memory_space<semaphore_mem>>)
        %add3A_3894 = arith.constant 32 : i32
        %add3A_3895 = arith.addi %mul3A_3299, %add3A_3894 : i32
        %shift_right_arithmetic3A_3896 = arith.constant 7 : i32
        %shift_right_arithmetic3A_3897 = arith.shrsi %add3A_3895, %shift_right_arithmetic3A_3896 : i32
        %and3A_3898 = arith.constant 127 : i32
        %and3A_3899 = arith.andi %add3A_3895, %and3A_3898 : i32
        %get3A_3900 = arith.index_cast %shift_right_arithmetic3A_3897 : i32 to index
        %get3A_3901 = arith.index_cast %and3A_3899 : i32 to index
        %get3A_3902 = tpu.vector_load %arg5[%get3A_3900, %get3A_3901] {strides = array<i32>} : memref<12x128xi32, #tpu.memory_space<vmem>>, vector<16xi32>,
        %slice3A_3903 = vector.extract_strided_slice %get3A_3902 {offsets = [0], sizes = [1], strides = [1]} : vector<16xi32> to vector<1xi32>
        %squeeze3A_3904 = vector.extract %slice3A_3903[0] : i32 from vector<1xi32>
        %and3A_3905 = arith.constant -8 : i32
        %and3A_3906 = arith.andi %squeeze3A_3904, %and3A_3905 : i32
        %multiple_of3A_3907 = tpu.assume_multiple %and3A_3906, 8 : i32
        %dma_start3A_3908 = arith.constant 32 : i32
        %dma_start3A_3909 = arith.constant 0 : i32
        %dma_start3A_3910 = arith.constant 0 : i32
        %dma_start3A_3911 = tpu.memref_slice %arg6[%dma_start3A_3908, %dma_start3A_3909, %dma_start3A_3910] : memref<48x8x16xf32, #tpu.memory_space<vmem>> -> memref<1x8x16xf32, #tpu.memory_space<vmem>>
        %dma_start3A_3912 = tpu.memref_squeeze %dma_start3A_3911 : memref<1x8x16xf32, #tpu.memory_space<vmem>> -> memref<8x16xf32, #tpu.memory_space<vmem>>
        %dma_start3A_3913 = arith.constant 0 : i32
        %dma_start3A_3914 = tpu.memref_slice %arg3[%multiple_of3A_3907, %dma_start3A_3913] : memref<1000000x16xf32, #tpu.memory_space<hbm>> -> memref<8x16xf32, #tpu.memory_space<hbm>>
        %dma_start3A_3915 = arith.constant 0 : i32
        %dma_start3A_3916 = arith.constant 0 : i32
        %dma_start3A_3917 = tpu.memref_slice %arg6[%dma_start3A_3908, %dma_start3A_3915, %dma_start3A_3916] : memref<48x8x16xf32, #tpu.memory_space<vmem>> -> memref<1x8x16xf32, #tpu.memory_space<vmem>>
        %dma_start3A_3918 = tpu.memref_squeeze %dma_start3A_3917 : memref<1x8x16xf32, #tpu.memory_space<vmem>> -> memref<8x16xf32, #tpu.memory_space<vmem>>
        %dma_start3A_3919 = arith.constant 0 : i32
        %dma_start3A_3920 = tpu.memref_slice %arg3[%multiple_of3A_3907, %dma_start3A_3919] : memref<1000000x16xf32, #tpu.memory_space<hbm>> -> memref<8x16xf32, #tpu.memory_space<hbm>>
        tpu.enqueue_dma source(%dma_start3A_3920 : memref<8x16xf32, #tpu.memory_space<hbm>>) target(%dma_start3A_3918 : memref<8x16xf32, #tpu.memory_space<vmem>>) target_semaphore(%arg9 : memref<!tpu.dma_semaphore, #tpu.memory_space<semaphore_mem>>)
        %slice3A_3921 = vector.extract_strided_slice %get3A_3902 {offsets = [1], sizes = [1], strides = [1]} : vector<16xi32> to vector<1xi32>
        %squeeze3A_3922 = vector.extract %slice3A_3921[0] : i32 from vector<1xi32>
        %and3A_3923 = arith.constant -8 : i32
        %and3A_3924 = arith.andi %squeeze3A_3922, %and3A_3923 : i32
        %multiple_of3A_3925 = tpu.assume_multiple %and3A_3924, 8 : i32
        %dma_start3A_3926 = arith.constant 33 : i32
        %dma_start3A_3927 = arith.constant 0 : i32
        %dma_start3A_3928 = arith.constant 0 : i32
        %dma_start3A_3929 = tpu.memref_slice %arg6[%dma_start3A_3926, %dma_start3A_3927, %dma_start3A_3928] : memref<48x8x16xf32, #tpu.memory_space<vmem>> -> memref<1x8x16xf32, #tpu.memory_space<vmem>>
        %dma_start3A_3930 = tpu.memref_squeeze %dma_start3A_3929 : memref<1x8x16xf32, #tpu.memory_space<vmem>> -> memref<8x16xf32, #tpu.memory_space<vmem>>
        %dma_start3A_3931 = arith.constant 0 : i32
        %dma_start3A_3932 = tpu.memref_slice %arg3[%multiple_of3A_3925, %dma_start3A_3931] : memref<1000000x16xf32, #tpu.memory_space<hbm>> -> memref<8x16xf32, #tpu.memory_space<hbm>>
        %dma_start3A_3933 = arith.constant 0 : i32
        %dma_start3A_3934 = arith.constant 0 : i32
        %dma_start3A_3935 = tpu.memref_slice %arg6[%dma_start3A_3926, %dma_start3A_3933, %dma_start3A_3934] : memref<48x8x16xf32, #tpu.memory_space<vmem>> -> memref<1x8x16xf32, #tpu.memory_space<vmem>>
        %dma_start3A_3936 = tpu.memref_squeeze %dma_start3A_3935 : memref<1x8x16xf32, #tpu.memory_space<vmem>> -> memref<8x16xf32, #tpu.memory_space<vmem>>
        %dma_start3A_3937 = arith.constant 0 : i32
        %dma_start3A_3938 = tpu.memref_slice %arg3[%multiple_of3A_3925, %dma_start3A_3937] : memref<1000000x16xf32, #tpu.memory_space<hbm>> -> memref<8x16xf32, #tpu.memory_space<hbm>>
        tpu.enqueue_dma source(%dma_start3A_3938 : memref<8x16xf32, #tpu.memory_space<hbm>>) target(%dma_start3A_3936 : memref<8x16xf32, #tpu.memory_space<vmem>>) target_semaphore(%arg9 : memref<!tpu.dma_semaphore, #tpu.memory_space<semaphore_mem>>)
        %slice3A_3939 = vector.extract_strided_slice %get3A_3902 {offsets = [2], sizes = [1], strides = [1]} : vector<16xi32> to vector<1xi32>
        %squeeze3A_3940 = vector.extract %slice3A_3939[0] : i32 from vector<1xi32>
        %and3A_3941 = arith.constant -8 : i32
        %and3A_3942 = arith.andi %squeeze3A_3940, %and3A_3941 : i32
        %multiple_of3A_3943 = tpu.assume_multiple %and3A_3942, 8 : i32
        %dma_start3A_3944 = arith.constant 34 : i32
        %dma_start3A_3945 = arith.constant 0 : i32
        %dma_start3A_3946 = arith.constant 0 : i32
        %dma_start3A_3947 = tpu.memref_slice %arg6[%dma_start3A_3944, %dma_start3A_3945, %dma_start3A_3946] : memref<48x8x16xf32, #tpu.memory_space<vmem>> -> memref<1x8x16xf32, #tpu.memory_space<vmem>>
        %dma_start3A_3948 = tpu.memref_squeeze %dma_start3A_3947 : memref<1x8x16xf32, #tpu.memory_space<vmem>> -> memref<8x16xf32, #tpu.memory_space<vmem>>
        %dma_start3A_3949 = arith.constant 0 : i32
        %dma_start3A_3950 = tpu.memref_slice %arg3[%multiple_of3A_3943, %dma_start3A_3949] : memref<1000000x16xf32, #tpu.memory_space<hbm>> -> memref<8x16xf32, #tpu.memory_space<hbm>>
        %dma_start3A_3951 = arith.constant 0 : i32
        %dma_start3A_3952 = arith.constant 0 : i32
        %dma_start3A_3953 = tpu.memref_slice %arg6[%dma_start3A_3944, %dma_start3A_3951, %dma_start3A_3952] : memref<48x8x16xf32, #tpu.memory_space<vmem>> -> memref<1x8x16xf32, #tpu.memory_space<vmem>>
        %dma_start3A_3954 = tpu.memref_squeeze %dma_start3A_3953 : memref<1x8x16xf32, #tpu.memory_space<vmem>> -> memref<8x16xf32, #tpu.memory_space<vmem>>
        %dma_start3A_3955 = arith.constant 0 : i32
        %dma_start3A_3956 = tpu.memref_slice %arg3[%multiple_of3A_3943, %dma_start3A_3955] : memref<1000000x16xf32, #tpu.memory_space<hbm>> -> memref<8x16xf32, #tpu.memory_space<hbm>>
        tpu.enqueue_dma source(%dma_start3A_3956 : memref<8x16xf32, #tpu.memory_space<hbm>>) target(%dma_start3A_3954 : memref<8x16xf32, #tpu.memory_space<vmem>>) target_semaphore(%arg9 : memref<!tpu.dma_semaphore, #tpu.memory_space<semaphore_mem>>)
        %slice3A_3957 = vector.extract_strided_slice %get3A_3902 {offsets = [3], sizes = [1], strides = [1]} : vector<16xi32> to vector<1xi32>
        %squeeze3A_3958 = vector.extract %slice3A_3957[0] : i32 from vector<1xi32>
        %and3A_3959 = arith.constant -8 : i32
        %and3A_3960 = arith.andi %squeeze3A_3958, %and3A_3959 : i32
        %multiple_of3A_3961 = tpu.assume_multiple %and3A_3960, 8 : i32
        %dma_start3A_3962 = arith.constant 35 : i32
        %dma_start3A_3963 = arith.constant 0 : i32
        %dma_start3A_3964 = arith.constant 0 : i32
        %dma_start3A_3965 = tpu.memref_slice %arg6[%dma_start3A_3962, %dma_start3A_3963, %dma_start3A_3964] : memref<48x8x16xf32, #tpu.memory_space<vmem>> -> memref<1x8x16xf32, #tpu.memory_space<vmem>>
        %dma_start3A_3966 = tpu.memref_squeeze %dma_start3A_3965 : memref<1x8x16xf32, #tpu.memory_space<vmem>> -> memref<8x16xf32, #tpu.memory_space<vmem>>
        %dma_start3A_3967 = arith.constant 0 : i32
        %dma_start3A_3968 = tpu.memref_slice %arg3[%multiple_of3A_3961, %dma_start3A_3967] : memref<1000000x16xf32, #tpu.memory_space<hbm>> -> memref<8x16xf32, #tpu.memory_space<hbm>>
        %dma_start3A_3969 = arith.constant 0 : i32
        %dma_start3A_3970 = arith.constant 0 : i32
        %dma_start3A_3971 = tpu.memref_slice %arg6[%dma_start3A_3962, %dma_start3A_3969, %dma_start3A_3970] : memref<48x8x16xf32, #tpu.memory_space<vmem>> -> memref<1x8x16xf32, #tpu.memory_space<vmem>>
        %dma_start3A_3972 = tpu.memref_squeeze %dma_start3A_3971 : memref<1x8x16xf32, #tpu.memory_space<vmem>> -> memref<8x16xf32, #tpu.memory_space<vmem>>
        %dma_start3A_3973 = arith.constant 0 : i32
        %dma_start3A_3974 = tpu.memref_slice %arg3[%multiple_of3A_3961, %dma_start3A_3973] : memref<1000000x16xf32, #tpu.memory_space<hbm>> -> memref<8x16xf32, #tpu.memory_space<hbm>>
        tpu.enqueue_dma source(%dma_start3A_3974 : memref<8x16xf32, #tpu.memory_space<hbm>>) target(%dma_start3A_3972 : memref<8x16xf32, #tpu.memory_space<vmem>>) target_semaphore(%arg9 : memref<!tpu.dma_semaphore, #tpu.memory_space<semaphore_mem>>)
        %slice3A_3975 = vector.extract_strided_slice %get3A_3902 {offsets = [4], sizes = [1], strides = [1]} : vector<16xi32> to vector<1xi32>
        %squeeze3A_3976 = vector.extract %slice3A_3975[0] : i32 from vector<1xi32>
        %and3A_3977 = arith.constant -8 : i32
        %and3A_3978 = arith.andi %squeeze3A_3976, %and3A_3977 : i32
        %multiple_of3A_3979 = tpu.assume_multiple %and3A_3978, 8 : i32
        %dma_start3A_3980 = arith.constant 36 : i32
        %dma_start3A_3981 = arith.constant 0 : i32
        %dma_start3A_3982 = arith.constant 0 : i32
        %dma_start3A_3983 = tpu.memref_slice %arg6[%dma_start3A_3980, %dma_start3A_3981, %dma_start3A_3982] : memref<48x8x16xf32, #tpu.memory_space<vmem>> -> memref<1x8x16xf32, #tpu.memory_space<vmem>>
        %dma_start3A_3984 = tpu.memref_squeeze %dma_start3A_3983 : memref<1x8x16xf32, #tpu.memory_space<vmem>> -> memref<8x16xf32, #tpu.memory_space<vmem>>
        %dma_start3A_3985 = arith.constant 0 : i32
        %dma_start3A_3986 = tpu.memref_slice %arg3[%multiple_of3A_3979, %dma_start3A_3985] : memref<1000000x16xf32, #tpu.memory_space<hbm>> -> memref<8x16xf32, #tpu.memory_space<hbm>>
        %dma_start3A_3987 = arith.constant 0 : i32
        %dma_start3A_3988 = arith.constant 0 : i32
        %dma_start3A_3989 = tpu.memref_slice %arg6[%dma_start3A_3980, %dma_start3A_3987, %dma_start3A_3988] : memref<48x8x16xf32, #tpu.memory_space<vmem>> -> memref<1x8x16xf32, #tpu.memory_space<vmem>>
        %dma_start3A_3990 = tpu.memref_squeeze %dma_start3A_3989 : memref<1x8x16xf32, #tpu.memory_space<vmem>> -> memref<8x16xf32, #tpu.memory_space<vmem>>
        %dma_start3A_3991 = arith.constant 0 : i32
        %dma_start3A_3992 = tpu.memref_slice %arg3[%multiple_of3A_3979, %dma_start3A_3991] : memref<1000000x16xf32, #tpu.memory_space<hbm>> -> memref<8x16xf32, #tpu.memory_space<hbm>>
        tpu.enqueue_dma source(%dma_start3A_3992 : memref<8x16xf32, #tpu.memory_space<hbm>>) target(%dma_start3A_3990 : memref<8x16xf32, #tpu.memory_space<vmem>>) target_semaphore(%arg9 : memref<!tpu.dma_semaphore, #tpu.memory_space<semaphore_mem>>)
        %slice3A_3993 = vector.extract_strided_slice %get3A_3902 {offsets = [5], sizes = [1], strides = [1]} : vector<16xi32> to vector<1xi32>
        %squeeze3A_3994 = vector.extract %slice3A_3993[0] : i32 from vector<1xi32>
        %and3A_3995 = arith.constant -8 : i32
        %and3A_3996 = arith.andi %squeeze3A_3994, %and3A_3995 : i32
        %multiple_of3A_3997 = tpu.assume_multiple %and3A_3996, 8 : i32
        %dma_start3A_3998 = arith.constant 37 : i32
        %dma_start3A_3999 = arith.constant 0 : i32
        %dma_start3A_4000 = arith.constant 0 : i32
        %dma_start3A_4001 = tpu.memref_slice %arg6[%dma_start3A_3998, %dma_start3A_3999, %dma_start3A_4000] : memref<48x8x16xf32, #tpu.memory_space<vmem>> -> memref<1x8x16xf32, #tpu.memory_space<vmem>>
        %dma_start3A_4002 = tpu.memref_squeeze %dma_start3A_4001 : memref<1x8x16xf32, #tpu.memory_space<vmem>> -> memref<8x16xf32, #tpu.memory_space<vmem>>
        %dma_start3A_4003 = arith.constant 0 : i32
        %dma_start3A_4004 = tpu.memref_slice %arg3[%multiple_of3A_3997, %dma_start3A_4003] : memref<1000000x16xf32, #tpu.memory_space<hbm>> -> memref<8x16xf32, #tpu.memory_space<hbm>>
        %dma_start3A_4005 = arith.constant 0 : i32
        %dma_start3A_4006 = arith.constant 0 : i32
        %dma_start3A_4007 = tpu.memref_slice %arg6[%dma_start3A_3998, %dma_start3A_4005, %dma_start3A_4006] : memref<48x8x16xf32, #tpu.memory_space<vmem>> -> memref<1x8x16xf32, #tpu.memory_space<vmem>>
        %dma_start3A_4008 = tpu.memref_squeeze %dma_start3A_4007 : memref<1x8x16xf32, #tpu.memory_space<vmem>> -> memref<8x16xf32, #tpu.memory_space<vmem>>
        %dma_start3A_4009 = arith.constant 0 : i32
        %dma_start3A_4010 = tpu.memref_slice %arg3[%multiple_of3A_3997, %dma_start3A_4009] : memref<1000000x16xf32, #tpu.memory_space<hbm>> -> memref<8x16xf32, #tpu.memory_space<hbm>>
        tpu.enqueue_dma source(%dma_start3A_4010 : memref<8x16xf32, #tpu.memory_space<hbm>>) target(%dma_start3A_4008 : memref<8x16xf32, #tpu.memory_space<vmem>>) target_semaphore(%arg9 : memref<!tpu.dma_semaphore, #tpu.memory_space<semaphore_mem>>)
        %slice3A_4011 = vector.extract_strided_slice %get3A_3902 {offsets = [6], sizes = [1], strides = [1]} : vector<16xi32> to vector<1xi32>
        %squeeze3A_4012 = vector.extract %slice3A_4011[0] : i32 from vector<1xi32>
        %and3A_4013 = arith.constant -8 : i32
        %and3A_4014 = arith.andi %squeeze3A_4012, %and3A_4013 : i32
        %multiple_of3A_4015 = tpu.assume_multiple %and3A_4014, 8 : i32
        %dma_start3A_4016 = arith.constant 38 : i32
        %dma_start3A_4017 = arith.constant 0 : i32
        %dma_start3A_4018 = arith.constant 0 : i32
        %dma_start3A_4019 = tpu.memref_slice %arg6[%dma_start3A_4016, %dma_start3A_4017, %dma_start3A_4018] : memref<48x8x16xf32, #tpu.memory_space<vmem>> -> memref<1x8x16xf32, #tpu.memory_space<vmem>>
        %dma_start3A_4020 = tpu.memref_squeeze %dma_start3A_4019 : memref<1x8x16xf32, #tpu.memory_space<vmem>> -> memref<8x16xf32, #tpu.memory_space<vmem>>
        %dma_start3A_4021 = arith.constant 0 : i32
        %dma_start3A_4022 = tpu.memref_slice %arg3[%multiple_of3A_4015, %dma_start3A_4021] : memref<1000000x16xf32, #tpu.memory_space<hbm>> -> memref<8x16xf32, #tpu.memory_space<hbm>>
        %dma_start3A_4023 = arith.constant 0 : i32
        %dma_start3A_4024 = arith.constant 0 : i32
        %dma_start3A_4025 = tpu.memref_slice %arg6[%dma_start3A_4016, %dma_start3A_4023, %dma_start3A_4024] : memref<48x8x16xf32, #tpu.memory_space<vmem>> -> memref<1x8x16xf32, #tpu.memory_space<vmem>>
        %dma_start3A_4026 = tpu.memref_squeeze %dma_start3A_4025 : memref<1x8x16xf32, #tpu.memory_space<vmem>> -> memref<8x16xf32, #tpu.memory_space<vmem>>
        %dma_start3A_4027 = arith.constant 0 : i32
        %dma_start3A_4028 = tpu.memref_slice %arg3[%multiple_of3A_4015, %dma_start3A_4027] : memref<1000000x16xf32, #tpu.memory_space<hbm>> -> memref<8x16xf32, #tpu.memory_space<hbm>>
        tpu.enqueue_dma source(%dma_start3A_4028 : memref<8x16xf32, #tpu.memory_space<hbm>>) target(%dma_start3A_4026 : memref<8x16xf32, #tpu.memory_space<vmem>>) target_semaphore(%arg9 : memref<!tpu.dma_semaphore, #tpu.memory_space<semaphore_mem>>)
        %slice3A_4029 = vector.extract_strided_slice %get3A_3902 {offsets = [7], sizes = [1], strides = [1]} : vector<16xi32> to vector<1xi32>
        %squeeze3A_4030 = vector.extract %slice3A_4029[0] : i32 from vector<1xi32>
        %and3A_4031 = arith.constant -8 : i32
        %and3A_4032 = arith.andi %squeeze3A_4030, %and3A_4031 : i32
        %multiple_of3A_4033 = tpu.assume_multiple %and3A_4032, 8 : i32
        %dma_start3A_4034 = arith.constant 39 : i32
        %dma_start3A_4035 = arith.constant 0 : i32
        %dma_start3A_4036 = arith.constant 0 : i32
        %dma_start3A_4037 = tpu.memref_slice %arg6[%dma_start3A_4034, %dma_start3A_4035, %dma_start3A_4036] : memref<48x8x16xf32, #tpu.memory_space<vmem>> -> memref<1x8x16xf32, #tpu.memory_space<vmem>>
        %dma_start3A_4038 = tpu.memref_squeeze %dma_start3A_4037 : memref<1x8x16xf32, #tpu.memory_space<vmem>> -> memref<8x16xf32, #tpu.memory_space<vmem>>
        %dma_start3A_4039 = arith.constant 0 : i32
        %dma_start3A_4040 = tpu.memref_slice %arg3[%multiple_of3A_4033, %dma_start3A_4039] : memref<1000000x16xf32, #tpu.memory_space<hbm>> -> memref<8x16xf32, #tpu.memory_space<hbm>>
        %dma_start3A_4041 = arith.constant 0 : i32
        %dma_start3A_4042 = arith.constant 0 : i32
        %dma_start3A_4043 = tpu.memref_slice %arg6[%dma_start3A_4034, %dma_start3A_4041, %dma_start3A_4042] : memref<48x8x16xf32, #tpu.memory_space<vmem>> -> memref<1x8x16xf32, #tpu.memory_space<vmem>>
        %dma_start3A_4044 = tpu.memref_squeeze %dma_start3A_4043 : memref<1x8x16xf32, #tpu.memory_space<vmem>> -> memref<8x16xf32, #tpu.memory_space<vmem>>
        %dma_start3A_4045 = arith.constant 0 : i32
        %dma_start3A_4046 = tpu.memref_slice %arg3[%multiple_of3A_4033, %dma_start3A_4045] : memref<1000000x16xf32, #tpu.memory_space<hbm>> -> memref<8x16xf32, #tpu.memory_space<hbm>>
        tpu.enqueue_dma source(%dma_start3A_4046 : memref<8x16xf32, #tpu.memory_space<hbm>>) target(%dma_start3A_4044 : memref<8x16xf32, #tpu.memory_space<vmem>>) target_semaphore(%arg9 : memref<!tpu.dma_semaphore, #tpu.memory_space<semaphore_mem>>)
        %slice3A_4047 = vector.extract_strided_slice %get3A_3902 {offsets = [8], sizes = [1], strides = [1]} : vector<16xi32> to vector<1xi32>
        %squeeze3A_4048 = vector.extract %slice3A_4047[0] : i32 from vector<1xi32>
        %and3A_4049 = arith.constant -8 : i32
        %and3A_4050 = arith.andi %squeeze3A_4048, %and3A_4049 : i32
        %multiple_of3A_4051 = tpu.assume_multiple %and3A_4050, 8 : i32
        %dma_start3A_4052 = arith.constant 40 : i32
        %dma_start3A_4053 = arith.constant 0 : i32
        %dma_start3A_4054 = arith.constant 0 : i32
        %dma_start3A_4055 = tpu.memref_slice %arg6[%dma_start3A_4052, %dma_start3A_4053, %dma_start3A_4054] : memref<48x8x16xf32, #tpu.memory_space<vmem>> -> memref<1x8x16xf32, #tpu.memory_space<vmem>>
        %dma_start3A_4056 = tpu.memref_squeeze %dma_start3A_4055 : memref<1x8x16xf32, #tpu.memory_space<vmem>> -> memref<8x16xf32, #tpu.memory_space<vmem>>
        %dma_start3A_4057 = arith.constant 0 : i32
        %dma_start3A_4058 = tpu.memref_slice %arg3[%multiple_of3A_4051, %dma_start3A_4057] : memref<1000000x16xf32, #tpu.memory_space<hbm>> -> memref<8x16xf32, #tpu.memory_space<hbm>>
        %dma_start3A_4059 = arith.constant 0 : i32
        %dma_start3A_4060 = arith.constant 0 : i32
        %dma_start3A_4061 = tpu.memref_slice %arg6[%dma_start3A_4052, %dma_start3A_4059, %dma_start3A_4060] : memref<48x8x16xf32, #tpu.memory_space<vmem>> -> memref<1x8x16xf32, #tpu.memory_space<vmem>>
        %dma_start3A_4062 = tpu.memref_squeeze %dma_start3A_4061 : memref<1x8x16xf32, #tpu.memory_space<vmem>> -> memref<8x16xf32, #tpu.memory_space<vmem>>
        %dma_start3A_4063 = arith.constant 0 : i32
        %dma_start3A_4064 = tpu.memref_slice %arg3[%multiple_of3A_4051, %dma_start3A_4063] : memref<1000000x16xf32, #tpu.memory_space<hbm>> -> memref<8x16xf32, #tpu.memory_space<hbm>>
        tpu.enqueue_dma source(%dma_start3A_4064 : memref<8x16xf32, #tpu.memory_space<hbm>>) target(%dma_start3A_4062 : memref<8x16xf32, #tpu.memory_space<vmem>>) target_semaphore(%arg9 : memref<!tpu.dma_semaphore, #tpu.memory_space<semaphore_mem>>)
        %slice3A_4065 = vector.extract_strided_slice %get3A_3902 {offsets = [9], sizes = [1], strides = [1]} : vector<16xi32> to vector<1xi32>
        %squeeze3A_4066 = vector.extract %slice3A_4065[0] : i32 from vector<1xi32>
        %and3A_4067 = arith.constant -8 : i32
        %and3A_4068 = arith.andi %squeeze3A_4066, %and3A_4067 : i32
        %multiple_of3A_4069 = tpu.assume_multiple %and3A_4068, 8 : i32
        %dma_start3A_4070 = arith.constant 41 : i32
        %dma_start3A_4071 = arith.constant 0 : i32
        %dma_start3A_4072 = arith.constant 0 : i32
        %dma_start3A_4073 = tpu.memref_slice %arg6[%dma_start3A_4070, %dma_start3A_4071, %dma_start3A_4072] : memref<48x8x16xf32, #tpu.memory_space<vmem>> -> memref<1x8x16xf32, #tpu.memory_space<vmem>>
        %dma_start3A_4074 = tpu.memref_squeeze %dma_start3A_4073 : memref<1x8x16xf32, #tpu.memory_space<vmem>> -> memref<8x16xf32, #tpu.memory_space<vmem>>
        %dma_start3A_4075 = arith.constant 0 : i32
        %dma_start3A_4076 = tpu.memref_slice %arg3[%multiple_of3A_4069, %dma_start3A_4075] : memref<1000000x16xf32, #tpu.memory_space<hbm>> -> memref<8x16xf32, #tpu.memory_space<hbm>>
        %dma_start3A_4077 = arith.constant 0 : i32
        %dma_start3A_4078 = arith.constant 0 : i32
        %dma_start3A_4079 = tpu.memref_slice %arg6[%dma_start3A_4070, %dma_start3A_4077, %dma_start3A_4078] : memref<48x8x16xf32, #tpu.memory_space<vmem>> -> memref<1x8x16xf32, #tpu.memory_space<vmem>>
        %dma_start3A_4080 = tpu.memref_squeeze %dma_start3A_4079 : memref<1x8x16xf32, #tpu.memory_space<vmem>> -> memref<8x16xf32, #tpu.memory_space<vmem>>
        %dma_start3A_4081 = arith.constant 0 : i32
        %dma_start3A_4082 = tpu.memref_slice %arg3[%multiple_of3A_4069, %dma_start3A_4081] : memref<1000000x16xf32, #tpu.memory_space<hbm>> -> memref<8x16xf32, #tpu.memory_space<hbm>>
        tpu.enqueue_dma source(%dma_start3A_4082 : memref<8x16xf32, #tpu.memory_space<hbm>>) target(%dma_start3A_4080 : memref<8x16xf32, #tpu.memory_space<vmem>>) target_semaphore(%arg9 : memref<!tpu.dma_semaphore, #tpu.memory_space<semaphore_mem>>)
        %slice3A_4083 = vector.extract_strided_slice %get3A_3902 {offsets = [10], sizes = [1], strides = [1]} : vector<16xi32> to vector<1xi32>
        %squeeze3A_4084 = vector.extract %slice3A_4083[0] : i32 from vector<1xi32>
        %and3A_4085 = arith.constant -8 : i32
        %and3A_4086 = arith.andi %squeeze3A_4084, %and3A_4085 : i32
        %multiple_of3A_4087 = tpu.assume_multiple %and3A_4086, 8 : i32
        %dma_start3A_4088 = arith.constant 42 : i32
        %dma_start3A_4089 = arith.constant 0 : i32
        %dma_start3A_4090 = arith.constant 0 : i32
        %dma_start3A_4091 = tpu.memref_slice %arg6[%dma_start3A_4088, %dma_start3A_4089, %dma_start3A_4090] : memref<48x8x16xf32, #tpu.memory_space<vmem>> -> memref<1x8x16xf32, #tpu.memory_space<vmem>>
        %dma_start3A_4092 = tpu.memref_squeeze %dma_start3A_4091 : memref<1x8x16xf32, #tpu.memory_space<vmem>> -> memref<8x16xf32, #tpu.memory_space<vmem>>
        %dma_start3A_4093 = arith.constant 0 : i32
        %dma_start3A_4094 = tpu.memref_slice %arg3[%multiple_of3A_4087, %dma_start3A_4093] : memref<1000000x16xf32, #tpu.memory_space<hbm>> -> memref<8x16xf32, #tpu.memory_space<hbm>>
        %dma_start3A_4095 = arith.constant 0 : i32
        %dma_start3A_4096 = arith.constant 0 : i32
        %dma_start3A_4097 = tpu.memref_slice %arg6[%dma_start3A_4088, %dma_start3A_4095, %dma_start3A_4096] : memref<48x8x16xf32, #tpu.memory_space<vmem>> -> memref<1x8x16xf32, #tpu.memory_space<vmem>>
        %dma_start3A_4098 = tpu.memref_squeeze %dma_start3A_4097 : memref<1x8x16xf32, #tpu.memory_space<vmem>> -> memref<8x16xf32, #tpu.memory_space<vmem>>
        %dma_start3A_4099 = arith.constant 0 : i32
        %dma_start3A_4100 = tpu.memref_slice %arg3[%multiple_of3A_4087, %dma_start3A_4099] : memref<1000000x16xf32, #tpu.memory_space<hbm>> -> memref<8x16xf32, #tpu.memory_space<hbm>>
        tpu.enqueue_dma source(%dma_start3A_4100 : memref<8x16xf32, #tpu.memory_space<hbm>>) target(%dma_start3A_4098 : memref<8x16xf32, #tpu.memory_space<vmem>>) target_semaphore(%arg9 : memref<!tpu.dma_semaphore, #tpu.memory_space<semaphore_mem>>)
        %slice3A_4101 = vector.extract_strided_slice %get3A_3902 {offsets = [11], sizes = [1], strides = [1]} : vector<16xi32> to vector<1xi32>
        %squeeze3A_4102 = vector.extract %slice3A_4101[0] : i32 from vector<1xi32>
        %and3A_4103 = arith.constant -8 : i32
        %and3A_4104 = arith.andi %squeeze3A_4102, %and3A_4103 : i32
        %multiple_of3A_4105 = tpu.assume_multiple %and3A_4104, 8 : i32
        %dma_start3A_4106 = arith.constant 43 : i32
        %dma_start3A_4107 = arith.constant 0 : i32
        %dma_start3A_4108 = arith.constant 0 : i32
        %dma_start3A_4109 = tpu.memref_slice %arg6[%dma_start3A_4106, %dma_start3A_4107, %dma_start3A_4108] : memref<48x8x16xf32, #tpu.memory_space<vmem>> -> memref<1x8x16xf32, #tpu.memory_space<vmem>>
        %dma_start3A_4110 = tpu.memref_squeeze %dma_start3A_4109 : memref<1x8x16xf32, #tpu.memory_space<vmem>> -> memref<8x16xf32, #tpu.memory_space<vmem>>
        %dma_start3A_4111 = arith.constant 0 : i32
        %dma_start3A_4112 = tpu.memref_slice %arg3[%multiple_of3A_4105, %dma_start3A_4111] : memref<1000000x16xf32, #tpu.memory_space<hbm>> -> memref<8x16xf32, #tpu.memory_space<hbm>>
        %dma_start3A_4113 = arith.constant 0 : i32
        %dma_start3A_4114 = arith.constant 0 : i32
        %dma_start3A_4115 = tpu.memref_slice %arg6[%dma_start3A_4106, %dma_start3A_4113, %dma_start3A_4114] : memref<48x8x16xf32, #tpu.memory_space<vmem>> -> memref<1x8x16xf32, #tpu.memory_space<vmem>>
        %dma_start3A_4116 = tpu.memref_squeeze %dma_start3A_4115 : memref<1x8x16xf32, #tpu.memory_space<vmem>> -> memref<8x16xf32, #tpu.memory_space<vmem>>
        %dma_start3A_4117 = arith.constant 0 : i32
        %dma_start3A_4118 = tpu.memref_slice %arg3[%multiple_of3A_4105, %dma_start3A_4117] : memref<1000000x16xf32, #tpu.memory_space<hbm>> -> memref<8x16xf32, #tpu.memory_space<hbm>>
        tpu.enqueue_dma source(%dma_start3A_4118 : memref<8x16xf32, #tpu.memory_space<hbm>>) target(%dma_start3A_4116 : memref<8x16xf32, #tpu.memory_space<vmem>>) target_semaphore(%arg9 : memref<!tpu.dma_semaphore, #tpu.memory_space<semaphore_mem>>)
        %slice3A_4119 = vector.extract_strided_slice %get3A_3902 {offsets = [12], sizes = [1], strides = [1]} : vector<16xi32> to vector<1xi32>
        %squeeze3A_4120 = vector.extract %slice3A_4119[0] : i32 from vector<1xi32>
        %and3A_4121 = arith.constant -8 : i32
        %and3A_4122 = arith.andi %squeeze3A_4120, %and3A_4121 : i32
        %multiple_of3A_4123 = tpu.assume_multiple %and3A_4122, 8 : i32
        %dma_start3A_4124 = arith.constant 44 : i32
        %dma_start3A_4125 = arith.constant 0 : i32
        %dma_start3A_4126 = arith.constant 0 : i32
        %dma_start3A_4127 = tpu.memref_slice %arg6[%dma_start3A_4124, %dma_start3A_4125, %dma_start3A_4126] : memref<48x8x16xf32, #tpu.memory_space<vmem>> -> memref<1x8x16xf32, #tpu.memory_space<vmem>>
        %dma_start3A_4128 = tpu.memref_squeeze %dma_start3A_4127 : memref<1x8x16xf32, #tpu.memory_space<vmem>> -> memref<8x16xf32, #tpu.memory_space<vmem>>
        %dma_start3A_4129 = arith.constant 0 : i32
        %dma_start3A_4130 = tpu.memref_slice %arg3[%multiple_of3A_4123, %dma_start3A_4129] : memref<1000000x16xf32, #tpu.memory_space<hbm>> -> memref<8x16xf32, #tpu.memory_space<hbm>>
        %dma_start3A_4131 = arith.constant 0 : i32
        %dma_start3A_4132 = arith.constant 0 : i32
        %dma_start3A_4133 = tpu.memref_slice %arg6[%dma_start3A_4124, %dma_start3A_4131, %dma_start3A_4132] : memref<48x8x16xf32, #tpu.memory_space<vmem>> -> memref<1x8x16xf32, #tpu.memory_space<vmem>>
        %dma_start3A_4134 = tpu.memref_squeeze %dma_start3A_4133 : memref<1x8x16xf32, #tpu.memory_space<vmem>> -> memref<8x16xf32, #tpu.memory_space<vmem>>
        %dma_start3A_4135 = arith.constant 0 : i32
        %dma_start3A_4136 = tpu.memref_slice %arg3[%multiple_of3A_4123, %dma_start3A_4135] : memref<1000000x16xf32, #tpu.memory_space<hbm>> -> memref<8x16xf32, #tpu.memory_space<hbm>>
        tpu.enqueue_dma source(%dma_start3A_4136 : memref<8x16xf32, #tpu.memory_space<hbm>>) target(%dma_start3A_4134 : memref<8x16xf32, #tpu.memory_space<vmem>>) target_semaphore(%arg9 : memref<!tpu.dma_semaphore, #tpu.memory_space<semaphore_mem>>)
        %slice3A_4137 = vector.extract_strided_slice %get3A_3902 {offsets = [13], sizes = [1], strides = [1]} : vector<16xi32> to vector<1xi32>
        %squeeze3A_4138 = vector.extract %slice3A_4137[0] : i32 from vector<1xi32>
        %and3A_4139 = arith.constant -8 : i32
        %and3A_4140 = arith.andi %squeeze3A_4138, %and3A_4139 : i32
        %multiple_of3A_4141 = tpu.assume_multiple %and3A_4140, 8 : i32
        %dma_start3A_4142 = arith.constant 45 : i32
        %dma_start3A_4143 = arith.constant 0 : i32
        %dma_start3A_4144 = arith.constant 0 : i32
        %dma_start3A_4145 = tpu.memref_slice %arg6[%dma_start3A_4142, %dma_start3A_4143, %dma_start3A_4144] : memref<48x8x16xf32, #tpu.memory_space<vmem>> -> memref<1x8x16xf32, #tpu.memory_space<vmem>>
        %dma_start3A_4146 = tpu.memref_squeeze %dma_start3A_4145 : memref<1x8x16xf32, #tpu.memory_space<vmem>> -> memref<8x16xf32, #tpu.memory_space<vmem>>
        %dma_start3A_4147 = arith.constant 0 : i32
        %dma_start3A_4148 = tpu.memref_slice %arg3[%multiple_of3A_4141, %dma_start3A_4147] : memref<1000000x16xf32, #tpu.memory_space<hbm>> -> memref<8x16xf32, #tpu.memory_space<hbm>>
        %dma_start3A_4149 = arith.constant 0 : i32
        %dma_start3A_4150 = arith.constant 0 : i32
        %dma_start3A_4151 = tpu.memref_slice %arg6[%dma_start3A_4142, %dma_start3A_4149, %dma_start3A_4150] : memref<48x8x16xf32, #tpu.memory_space<vmem>> -> memref<1x8x16xf32, #tpu.memory_space<vmem>>
        %dma_start3A_4152 = tpu.memref_squeeze %dma_start3A_4151 : memref<1x8x16xf32, #tpu.memory_space<vmem>> -> memref<8x16xf32, #tpu.memory_space<vmem>>
        %dma_start3A_4153 = arith.constant 0 : i32
        %dma_start3A_4154 = tpu.memref_slice %arg3[%multiple_of3A_4141, %dma_start3A_4153] : memref<1000000x16xf32, #tpu.memory_space<hbm>> -> memref<8x16xf32, #tpu.memory_space<hbm>>
        tpu.enqueue_dma source(%dma_start3A_4154 : memref<8x16xf32, #tpu.memory_space<hbm>>) target(%dma_start3A_4152 : memref<8x16xf32, #tpu.memory_space<vmem>>) target_semaphore(%arg9 : memref<!tpu.dma_semaphore, #tpu.memory_space<semaphore_mem>>)
        %slice3A_4155 = vector.extract_strided_slice %get3A_3902 {offsets = [14], sizes = [1], strides = [1]} : vector<16xi32> to vector<1xi32>
        %squeeze3A_4156 = vector.extract %slice3A_4155[0] : i32 from vector<1xi32>
        %and3A_4157 = arith.constant -8 : i32
        %and3A_4158 = arith.andi %squeeze3A_4156, %and3A_4157 : i32
        %multiple_of3A_4159 = tpu.assume_multiple %and3A_4158, 8 : i32
        %dma_start3A_4160 = arith.constant 46 : i32
        %dma_start3A_4161 = arith.constant 0 : i32
        %dma_start3A_4162 = arith.constant 0 : i32
        %dma_start3A_4163 = tpu.memref_slice %arg6[%dma_start3A_4160, %dma_start3A_4161, %dma_start3A_4162] : memref<48x8x16xf32, #tpu.memory_space<vmem>> -> memref<1x8x16xf32, #tpu.memory_space<vmem>>
        %dma_start3A_4164 = tpu.memref_squeeze %dma_start3A_4163 : memref<1x8x16xf32, #tpu.memory_space<vmem>> -> memref<8x16xf32, #tpu.memory_space<vmem>>
        %dma_start3A_4165 = arith.constant 0 : i32
        %dma_start3A_4166 = tpu.memref_slice %arg3[%multiple_of3A_4159, %dma_start3A_4165] : memref<1000000x16xf32, #tpu.memory_space<hbm>> -> memref<8x16xf32, #tpu.memory_space<hbm>>
        %dma_start3A_4167 = arith.constant 0 : i32
        %dma_start3A_4168 = arith.constant 0 : i32
        %dma_start3A_4169 = tpu.memref_slice %arg6[%dma_start3A_4160, %dma_start3A_4167, %dma_start3A_4168] : memref<48x8x16xf32, #tpu.memory_space<vmem>> -> memref<1x8x16xf32, #tpu.memory_space<vmem>>
        %dma_start3A_4170 = tpu.memref_squeeze %dma_start3A_4169 : memref<1x8x16xf32, #tpu.memory_space<vmem>> -> memref<8x16xf32, #tpu.memory_space<vmem>>
        %dma_start3A_4171 = arith.constant 0 : i32
        %dma_start3A_4172 = tpu.memref_slice %arg3[%multiple_of3A_4159, %dma_start3A_4171] : memref<1000000x16xf32, #tpu.memory_space<hbm>> -> memref<8x16xf32, #tpu.memory_space<hbm>>
        tpu.enqueue_dma source(%dma_start3A_4172 : memref<8x16xf32, #tpu.memory_space<hbm>>) target(%dma_start3A_4170 : memref<8x16xf32, #tpu.memory_space<vmem>>) target_semaphore(%arg9 : memref<!tpu.dma_semaphore, #tpu.memory_space<semaphore_mem>>)
        %slice3A_4173 = vector.extract_strided_slice %get3A_3902 {offsets = [15], sizes = [1], strides = [1]} : vector<16xi32> to vector<1xi32>
        %squeeze3A_4174 = vector.extract %slice3A_4173[0] : i32 from vector<1xi32>
        %and3A_4175 = arith.constant -8 : i32
        %and3A_4176 = arith.andi %squeeze3A_4174, %and3A_4175 : i32
        %multiple_of3A_4177 = tpu.assume_multiple %and3A_4176, 8 : i32
        %dma_start3A_4178 = arith.constant 47 : i32
        %dma_start3A_4179 = arith.constant 0 : i32
        %dma_start3A_4180 = arith.constant 0 : i32
        %dma_start3A_4181 = tpu.memref_slice %arg6[%dma_start3A_4178, %dma_start3A_4179, %dma_start3A_4180] : memref<48x8x16xf32, #tpu.memory_space<vmem>> -> memref<1x8x16xf32, #tpu.memory_space<vmem>>
        %dma_start3A_4182 = tpu.memref_squeeze %dma_start3A_4181 : memref<1x8x16xf32, #tpu.memory_space<vmem>> -> memref<8x16xf32, #tpu.memory_space<vmem>>
        %dma_start3A_4183 = arith.constant 0 : i32
        %dma_start3A_4184 = tpu.memref_slice %arg3[%multiple_of3A_4177, %dma_start3A_4183] : memref<1000000x16xf32, #tpu.memory_space<hbm>> -> memref<8x16xf32, #tpu.memory_space<hbm>>
        %dma_start3A_4185 = arith.constant 0 : i32
        %dma_start3A_4186 = arith.constant 0 : i32
        %dma_start3A_4187 = tpu.memref_slice %arg6[%dma_start3A_4178, %dma_start3A_4185, %dma_start3A_4186] : memref<48x8x16xf32, #tpu.memory_space<vmem>> -> memref<1x8x16xf32, #tpu.memory_space<vmem>>
        %dma_start3A_4188 = tpu.memref_squeeze %dma_start3A_4187 : memref<1x8x16xf32, #tpu.memory_space<vmem>> -> memref<8x16xf32, #tpu.memory_space<vmem>>
        %dma_start3A_4189 = arith.constant 0 : i32
        %dma_start3A_4190 = tpu.memref_slice %arg3[%multiple_of3A_4177, %dma_start3A_4189] : memref<1000000x16xf32, #tpu.memory_space<hbm>> -> memref<8x16xf32, #tpu.memory_space<hbm>>
        tpu.enqueue_dma source(%dma_start3A_4190 : memref<8x16xf32, #tpu.memory_space<hbm>>) target(%dma_start3A_4188 : memref<8x16xf32, #tpu.memory_space<vmem>>) target_semaphore(%arg9 : memref<!tpu.dma_semaphore, #tpu.memory_space<semaphore_mem>>)
      } else {
      }
      %dma_wait3A_2537 = tpu.memref_reshape %arg3 : memref<1000000x16xf32, #tpu.memory_space<hbm>> -> memref<125000x8x16xf32, #tpu.memory_space<hbm>>
      %dma_wait3A_2538 = arith.constant 0 : i32
      %dma_wait3A_2539 = arith.constant 0 : i32
      %dma_wait3A_2540 = arith.constant 0 : i32
      %dma_wait3A_2541 = tpu.memref_slice %dma_wait3A_2537[%dma_wait3A_2538, %dma_wait3A_2539, %dma_wait3A_2540] : memref<125000x8x16xf32, #tpu.memory_space<hbm>> -> memref<48x8x16xf32, #tpu.memory_space<hbm>>
      %dma_wait3A_2542 = tpu.memref_reshape %arg3 : memref<1000000x16xf32, #tpu.memory_space<hbm>> -> memref<125000x8x16xf32, #tpu.memory_space<hbm>>
      %dma_wait3A_2543 = arith.constant 0 : i32
      %dma_wait3A_2544 = arith.constant 0 : i32
      %dma_wait3A_2545 = arith.constant 0 : i32
      %dma_wait3A_2546 = tpu.memref_slice %dma_wait3A_2542[%dma_wait3A_2543, %dma_wait3A_2544, %dma_wait3A_2545] : memref<125000x8x16xf32, #tpu.memory_space<hbm>> -> memref<48x8x16xf32, #tpu.memory_space<hbm>>
      tpu.wait_dma2 semaphore(%arg10 : memref<!tpu.dma_semaphore, #tpu.memory_space<semaphore_mem>>) src(%dma_wait3A_2546 : memref<48x8x16xf32, #tpu.memory_space<hbm>>) dst(%arg7 : memref<48x8x16xf32, #tpu.memory_space<vmem>>)
      %mul3A_2547 = arith.constant 2 : i32
      %mul3A_2548 = arith.muli %mul3A_2547, %scan3A_892 : i32
      %add3A_2549 = arith.constant 1 : i32
      %add3A_2550 = arith.addi %mul3A_2548, %add3A_2549 : i32
      %mul3A_2551 = arith.constant 48 : i32
      %mul3A_2552 = arith.muli %add3A_2550, %mul3A_2551 : i32
      %broadcast_in_dim3A_2553 = arith.constant 0.000000e+00 : f32
      %broadcast_in_dim3A_2554 = vector.broadcast %broadcast_in_dim3A_2553 : f32 to vector<16xf32>
      %add3A_2555 = arith.constant 0 : i32
      %add3A_2556 = arith.addi %mul3A_2552, %add3A_2555 : i32
      %shift_right_arithmetic3A_2557 = arith.constant 7 : i32
      %shift_right_arithmetic3A_2558 = arith.shrsi %add3A_2556, %shift_right_arithmetic3A_2557 : i32
      %and3A_2559 = arith.constant 127 : i32
      %and3A_2560 = arith.andi %add3A_2556, %and3A_2559 : i32
      %get3A_2561 = arith.index_cast %shift_right_arithmetic3A_2558 : i32 to index
      %get3A_2562 = arith.index_cast %and3A_2560 : i32 to index
      %get3A_2563 = tpu.vector_load %arg5[%get3A_2561, %get3A_2562] {strides = array<i32>} : memref<12x128xi32, #tpu.memory_space<vmem>>, vector<16xi32>,
      %add3A_2564 = arith.constant 16 : i32
      %add3A_2565 = arith.addi %mul3A_2552, %add3A_2564 : i32
      %shift_right_arithmetic3A_2566 = arith.constant 7 : i32
      %shift_right_arithmetic3A_2567 = arith.shrsi %add3A_2565, %shift_right_arithmetic3A_2566 : i32
      %and3A_2568 = arith.constant 127 : i32
      %and3A_2569 = arith.andi %add3A_2565, %and3A_2568 : i32
      %get3A_2570 = arith.index_cast %shift_right_arithmetic3A_2567 : i32 to index
      %get3A_2571 = arith.index_cast %and3A_2569 : i32 to index
      %get3A_2572 = tpu.vector_load %arg5[%get3A_2570, %get3A_2571] {strides = array<i32>} : memref<12x128xi32, #tpu.memory_space<vmem>>, vector<16xi32>,
      %add3A_2573 = arith.constant 32 : i32
      %add3A_2574 = arith.addi %mul3A_2552, %add3A_2573 : i32
      %shift_right_arithmetic3A_2575 = arith.constant 7 : i32
      %shift_right_arithmetic3A_2576 = arith.shrsi %add3A_2574, %shift_right_arithmetic3A_2575 : i32
      %and3A_2577 = arith.constant 127 : i32
      %and3A_2578 = arith.andi %add3A_2574, %and3A_2577 : i32
      %get3A_2579 = arith.index_cast %shift_right_arithmetic3A_2576 : i32 to index
      %get3A_2580 = arith.index_cast %and3A_2578 : i32 to index
      %get3A_2581 = tpu.vector_load %arg5[%get3A_2579, %get3A_2580] {strides = array<i32>} : memref<12x128xi32, #tpu.memory_space<vmem>>, vector<16xi32>,
      %slice3A_2582 = vector.extract_strided_slice %get3A_2563 {offsets = [0], sizes = [1], strides = [1]} : vector<16xi32> to vector<1xi32>
      %squeeze3A_2583 = vector.extract %slice3A_2582[0] : i32 from vector<1xi32>
      %and3A_2584 = arith.constant 7 : i32
      %and3A_2585 = arith.andi %squeeze3A_2583, %and3A_2584 : i32
      %get3A_2586 = arith.constant 0 : i32
      %get3A_2587 = arith.index_cast %get3A_2586 : i32 to index
      %get3A_2588 = arith.index_cast %and3A_2585 : i32 to index
      %get3A_2589 = arith.constant 0 : index
      %get3A_2590 = tpu.vector_load %arg7[%get3A_2587, %get3A_2588, %get3A_2589] {strides = array<i32>} : memref<48x8x16xf32, #tpu.memory_space<vmem>>, vector<16xf32>,
      %slice3A_2591 = vector.extract_strided_slice %get3A_2563 {offsets = [1], sizes = [1], strides = [1]} : vector<16xi32> to vector<1xi32>
      %squeeze3A_2592 = vector.extract %slice3A_2591[0] : i32 from vector<1xi32>
      %and3A_2593 = arith.constant 7 : i32
      %and3A_2594 = arith.andi %squeeze3A_2592, %and3A_2593 : i32
      %get3A_2595 = arith.constant 1 : i32
      %get3A_2596 = arith.index_cast %get3A_2595 : i32 to index
      %get3A_2597 = arith.index_cast %and3A_2594 : i32 to index
      %get3A_2598 = arith.constant 0 : index
      %get3A_2599 = tpu.vector_load %arg7[%get3A_2596, %get3A_2597, %get3A_2598] {strides = array<i32>} : memref<48x8x16xf32, #tpu.memory_space<vmem>>, vector<16xf32>,
      %slice3A_2600 = vector.extract_strided_slice %get3A_2563 {offsets = [2], sizes = [1], strides = [1]} : vector<16xi32> to vector<1xi32>
      %squeeze3A_2601 = vector.extract %slice3A_2600[0] : i32 from vector<1xi32>
      %and3A_2602 = arith.constant 7 : i32
      %and3A_2603 = arith.andi %squeeze3A_2601, %and3A_2602 : i32
      %get3A_2604 = arith.constant 2 : i32
      %get3A_2605 = arith.index_cast %get3A_2604 : i32 to index
      %get3A_2606 = arith.index_cast %and3A_2603 : i32 to index
      %get3A_2607 = arith.constant 0 : index
      %get3A_2608 = tpu.vector_load %arg7[%get3A_2605, %get3A_2606, %get3A_2607] {strides = array<i32>} : memref<48x8x16xf32, #tpu.memory_space<vmem>>, vector<16xf32>,
      %sub3A_2609 = arith.subf %get3A_2590, %get3A_2599 : vector<16xf32>
      %sub3A_2610 = arith.subf %get3A_2590, %get3A_2608 : vector<16xf32>
      %mul3A_2611 = arith.mulf %sub3A_2609, %sub3A_2609 : vector<16xf32>
      %mul3A_2612 = arith.mulf %sub3A_2610, %sub3A_2610 : vector<16xf32>
      %sub3A_2613 = arith.subf %mul3A_2611, %mul3A_2612 : vector<16xf32>
      %eq3A_2614 = arith.constant 0 : i32
      %eq3A_2615 = vector.broadcast %eq3A_2614 : i32 to vector<16xi32>
      %eq3A_2616 = arith.cmpi eq, %iota3A, %eq3A_2615 : vector<16xi32>
      %reduce_sum3A_2617 = arith.constant true
      %reduce_sum3A_2618 = vector.broadcast %reduce_sum3A_2617 : i1 to vector<16xi1>
      %reduce_sum3A_2619 = tpu.scan <sum>, %sub3A_2613 masked %reduce_sum3A_2618 : vector<16xf32>, vector<16xi1> -> vector<16xf32>
      %reduce_sum3A_2620 = vector.extract %reduce_sum3A_2619[15] : f32 from vector<16xf32>
      %broadcast_in_dim3A_2621 = vector.broadcast %reduce_sum3A_2620 : f32 to vector<16xf32>
      %select_n3A_2622 = arith.select %eq3A_2616, %broadcast_in_dim3A_2621, %broadcast_in_dim3A_2554 : vector<16xi1>, vector<16xf32>
      %slice3A_2623 = vector.extract_strided_slice %get3A_2563 {offsets = [3], sizes = [1], strides = [1]} : vector<16xi32> to vector<1xi32>
      %squeeze3A_2624 = vector.extract %slice3A_2623[0] : i32 from vector<1xi32>
      %and3A_2625 = arith.constant 7 : i32
      %and3A_2626 = arith.andi %squeeze3A_2624, %and3A_2625 : i32
      %get3A_2627 = arith.constant 3 : i32
      %get3A_2628 = arith.index_cast %get3A_2627 : i32 to index
      %get3A_2629 = arith.index_cast %and3A_2626 : i32 to index
      %get3A_2630 = arith.constant 0 : index
      %get3A_2631 = tpu.vector_load %arg7[%get3A_2628, %get3A_2629, %get3A_2630] {strides = array<i32>} : memref<48x8x16xf32, #tpu.memory_space<vmem>>, vector<16xf32>,
      %slice3A_2632 = vector.extract_strided_slice %get3A_2563 {offsets = [4], sizes = [1], strides = [1]} : vector<16xi32> to vector<1xi32>
      %squeeze3A_2633 = vector.extract %slice3A_2632[0] : i32 from vector<1xi32>
      %and3A_2634 = arith.constant 7 : i32
      %and3A_2635 = arith.andi %squeeze3A_2633, %and3A_2634 : i32
      %get3A_2636 = arith.constant 4 : i32
      %get3A_2637 = arith.index_cast %get3A_2636 : i32 to index
      %get3A_2638 = arith.index_cast %and3A_2635 : i32 to index
      %get3A_2639 = arith.constant 0 : index
      %get3A_2640 = tpu.vector_load %arg7[%get3A_2637, %get3A_2638, %get3A_2639] {strides = array<i32>} : memref<48x8x16xf32, #tpu.memory_space<vmem>>, vector<16xf32>,
      %slice3A_2641 = vector.extract_strided_slice %get3A_2563 {offsets = [5], sizes = [1], strides = [1]} : vector<16xi32> to vector<1xi32>
      %squeeze3A_2642 = vector.extract %slice3A_2641[0] : i32 from vector<1xi32>
      %and3A_2643 = arith.constant 7 : i32
      %and3A_2644 = arith.andi %squeeze3A_2642, %and3A_2643 : i32
      %get3A_2645 = arith.constant 5 : i32
      %get3A_2646 = arith.index_cast %get3A_2645 : i32 to index
      %get3A_2647 = arith.index_cast %and3A_2644 : i32 to index
      %get3A_2648 = arith.constant 0 : index
      %get3A_2649 = tpu.vector_load %arg7[%get3A_2646, %get3A_2647, %get3A_2648] {strides = array<i32>} : memref<48x8x16xf32, #tpu.memory_space<vmem>>, vector<16xf32>,
      %sub3A_2650 = arith.subf %get3A_2631, %get3A_2640 : vector<16xf32>
      %sub3A_2651 = arith.subf %get3A_2631, %get3A_2649 : vector<16xf32>
      %mul3A_2652 = arith.mulf %sub3A_2650, %sub3A_2650 : vector<16xf32>
      %mul3A_2653 = arith.mulf %sub3A_2651, %sub3A_2651 : vector<16xf32>
      %sub3A_2654 = arith.subf %mul3A_2652, %mul3A_2653 : vector<16xf32>
      %eq3A_2655 = arith.constant 1 : i32
      %eq3A_2656 = vector.broadcast %eq3A_2655 : i32 to vector<16xi32>
      %eq3A_2657 = arith.cmpi eq, %iota3A, %eq3A_2656 : vector<16xi32>
      %reduce_sum3A_2658 = arith.constant true
      %reduce_sum3A_2659 = vector.broadcast %reduce_sum3A_2658 : i1 to vector<16xi1>
      %reduce_sum3A_2660 = tpu.scan <sum>, %sub3A_2654 masked %reduce_sum3A_2659 : vector<16xf32>, vector<16xi1> -> vector<16xf32>
      %reduce_sum3A_2661 = vector.extract %reduce_sum3A_2660[15] : f32 from vector<16xf32>
      %broadcast_in_dim3A_2662 = vector.broadcast %reduce_sum3A_2661 : f32 to vector<16xf32>
      %select_n3A_2663 = arith.select %eq3A_2657, %broadcast_in_dim3A_2662, %select_n3A_2622 : vector<16xi1>, vector<16xf32>
      %slice3A_2664 = vector.extract_strided_slice %get3A_2563 {offsets = [6], sizes = [1], strides = [1]} : vector<16xi32> to vector<1xi32>
      %squeeze3A_2665 = vector.extract %slice3A_2664[0] : i32 from vector<1xi32>
      %and3A_2666 = arith.constant 7 : i32
      %and3A_2667 = arith.andi %squeeze3A_2665, %and3A_2666 : i32
      %get3A_2668 = arith.constant 6 : i32
      %get3A_2669 = arith.index_cast %get3A_2668 : i32 to index
      %get3A_2670 = arith.index_cast %and3A_2667 : i32 to index
      %get3A_2671 = arith.constant 0 : index
      %get3A_2672 = tpu.vector_load %arg7[%get3A_2669, %get3A_2670, %get3A_2671] {strides = array<i32>} : memref<48x8x16xf32, #tpu.memory_space<vmem>>, vector<16xf32>,
      %slice3A_2673 = vector.extract_strided_slice %get3A_2563 {offsets = [7], sizes = [1], strides = [1]} : vector<16xi32> to vector<1xi32>
      %squeeze3A_2674 = vector.extract %slice3A_2673[0] : i32 from vector<1xi32>
      %and3A_2675 = arith.constant 7 : i32
      %and3A_2676 = arith.andi %squeeze3A_2674, %and3A_2675 : i32
      %get3A_2677 = arith.constant 7 : i32
      %get3A_2678 = arith.index_cast %get3A_2677 : i32 to index
      %get3A_2679 = arith.index_cast %and3A_2676 : i32 to index
      %get3A_2680 = arith.constant 0 : index
      %get3A_2681 = tpu.vector_load %arg7[%get3A_2678, %get3A_2679, %get3A_2680] {strides = array<i32>} : memref<48x8x16xf32, #tpu.memory_space<vmem>>, vector<16xf32>,
      %slice3A_2682 = vector.extract_strided_slice %get3A_2563 {offsets = [8], sizes = [1], strides = [1]} : vector<16xi32> to vector<1xi32>
      %squeeze3A_2683 = vector.extract %slice3A_2682[0] : i32 from vector<1xi32>
      %and3A_2684 = arith.constant 7 : i32
      %and3A_2685 = arith.andi %squeeze3A_2683, %and3A_2684 : i32
      %get3A_2686 = arith.constant 8 : i32
      %get3A_2687 = arith.index_cast %get3A_2686 : i32 to index
      %get3A_2688 = arith.index_cast %and3A_2685 : i32 to index
      %get3A_2689 = arith.constant 0 : index
      %get3A_2690 = tpu.vector_load %arg7[%get3A_2687, %get3A_2688, %get3A_2689] {strides = array<i32>} : memref<48x8x16xf32, #tpu.memory_space<vmem>>, vector<16xf32>,
      %sub3A_2691 = arith.subf %get3A_2672, %get3A_2681 : vector<16xf32>
      %sub3A_2692 = arith.subf %get3A_2672, %get3A_2690 : vector<16xf32>
      %mul3A_2693 = arith.mulf %sub3A_2691, %sub3A_2691 : vector<16xf32>
      %mul3A_2694 = arith.mulf %sub3A_2692, %sub3A_2692 : vector<16xf32>
      %sub3A_2695 = arith.subf %mul3A_2693, %mul3A_2694 : vector<16xf32>
      %eq3A_2696 = arith.constant 2 : i32
      %eq3A_2697 = vector.broadcast %eq3A_2696 : i32 to vector<16xi32>
      %eq3A_2698 = arith.cmpi eq, %iota3A, %eq3A_2697 : vector<16xi32>
      %reduce_sum3A_2699 = arith.constant true
      %reduce_sum3A_2700 = vector.broadcast %reduce_sum3A_2699 : i1 to vector<16xi1>
      %reduce_sum3A_2701 = tpu.scan <sum>, %sub3A_2695 masked %reduce_sum3A_2700 : vector<16xf32>, vector<16xi1> -> vector<16xf32>
      %reduce_sum3A_2702 = vector.extract %reduce_sum3A_2701[15] : f32 from vector<16xf32>
      %broadcast_in_dim3A_2703 = vector.broadcast %reduce_sum3A_2702 : f32 to vector<16xf32>
      %select_n3A_2704 = arith.select %eq3A_2698, %broadcast_in_dim3A_2703, %select_n3A_2663 : vector<16xi1>, vector<16xf32>
      %slice3A_2705 = vector.extract_strided_slice %get3A_2563 {offsets = [9], sizes = [1], strides = [1]} : vector<16xi32> to vector<1xi32>
      %squeeze3A_2706 = vector.extract %slice3A_2705[0] : i32 from vector<1xi32>
      %and3A_2707 = arith.constant 7 : i32
      %and3A_2708 = arith.andi %squeeze3A_2706, %and3A_2707 : i32
      %get3A_2709 = arith.constant 9 : i32
      %get3A_2710 = arith.index_cast %get3A_2709 : i32 to index
      %get3A_2711 = arith.index_cast %and3A_2708 : i32 to index
      %get3A_2712 = arith.constant 0 : index
      %get3A_2713 = tpu.vector_load %arg7[%get3A_2710, %get3A_2711, %get3A_2712] {strides = array<i32>} : memref<48x8x16xf32, #tpu.memory_space<vmem>>, vector<16xf32>,
      %slice3A_2714 = vector.extract_strided_slice %get3A_2563 {offsets = [10], sizes = [1], strides = [1]} : vector<16xi32> to vector<1xi32>
      %squeeze3A_2715 = vector.extract %slice3A_2714[0] : i32 from vector<1xi32>
      %and3A_2716 = arith.constant 7 : i32
      %and3A_2717 = arith.andi %squeeze3A_2715, %and3A_2716 : i32
      %get3A_2718 = arith.constant 10 : i32
      %get3A_2719 = arith.index_cast %get3A_2718 : i32 to index
      %get3A_2720 = arith.index_cast %and3A_2717 : i32 to index
      %get3A_2721 = arith.constant 0 : index
      %get3A_2722 = tpu.vector_load %arg7[%get3A_2719, %get3A_2720, %get3A_2721] {strides = array<i32>} : memref<48x8x16xf32, #tpu.memory_space<vmem>>, vector<16xf32>,
      %slice3A_2723 = vector.extract_strided_slice %get3A_2563 {offsets = [11], sizes = [1], strides = [1]} : vector<16xi32> to vector<1xi32>
      %squeeze3A_2724 = vector.extract %slice3A_2723[0] : i32 from vector<1xi32>
      %and3A_2725 = arith.constant 7 : i32
      %and3A_2726 = arith.andi %squeeze3A_2724, %and3A_2725 : i32
      %get3A_2727 = arith.constant 11 : i32
      %get3A_2728 = arith.index_cast %get3A_2727 : i32 to index
      %get3A_2729 = arith.index_cast %and3A_2726 : i32 to index
      %get3A_2730 = arith.constant 0 : index
      %get3A_2731 = tpu.vector_load %arg7[%get3A_2728, %get3A_2729, %get3A_2730] {strides = array<i32>} : memref<48x8x16xf32, #tpu.memory_space<vmem>>, vector<16xf32>,
      %sub3A_2732 = arith.subf %get3A_2713, %get3A_2722 : vector<16xf32>
      %sub3A_2733 = arith.subf %get3A_2713, %get3A_2731 : vector<16xf32>
      %mul3A_2734 = arith.mulf %sub3A_2732, %sub3A_2732 : vector<16xf32>
      %mul3A_2735 = arith.mulf %sub3A_2733, %sub3A_2733 : vector<16xf32>
      %sub3A_2736 = arith.subf %mul3A_2734, %mul3A_2735 : vector<16xf32>
      %eq3A_2737 = arith.constant 3 : i32
      %eq3A_2738 = vector.broadcast %eq3A_2737 : i32 to vector<16xi32>
      %eq3A_2739 = arith.cmpi eq, %iota3A, %eq3A_2738 : vector<16xi32>
      %reduce_sum3A_2740 = arith.constant true
      %reduce_sum3A_2741 = vector.broadcast %reduce_sum3A_2740 : i1 to vector<16xi1>
      %reduce_sum3A_2742 = tpu.scan <sum>, %sub3A_2736 masked %reduce_sum3A_2741 : vector<16xf32>, vector<16xi1> -> vector<16xf32>
      %reduce_sum3A_2743 = vector.extract %reduce_sum3A_2742[15] : f32 from vector<16xf32>
      %broadcast_in_dim3A_2744 = vector.broadcast %reduce_sum3A_2743 : f32 to vector<16xf32>
      %select_n3A_2745 = arith.select %eq3A_2739, %broadcast_in_dim3A_2744, %select_n3A_2704 : vector<16xi1>, vector<16xf32>
      %slice3A_2746 = vector.extract_strided_slice %get3A_2563 {offsets = [12], sizes = [1], strides = [1]} : vector<16xi32> to vector<1xi32>
      %squeeze3A_2747 = vector.extract %slice3A_2746[0] : i32 from vector<1xi32>
      %and3A_2748 = arith.constant 7 : i32
      %and3A_2749 = arith.andi %squeeze3A_2747, %and3A_2748 : i32
      %get3A_2750 = arith.constant 12 : i32
      %get3A_2751 = arith.index_cast %get3A_2750 : i32 to index
      %get3A_2752 = arith.index_cast %and3A_2749 : i32 to index
      %get3A_2753 = arith.constant 0 : index
      %get3A_2754 = tpu.vector_load %arg7[%get3A_2751, %get3A_2752, %get3A_2753] {strides = array<i32>} : memref<48x8x16xf32, #tpu.memory_space<vmem>>, vector<16xf32>,
      %slice3A_2755 = vector.extract_strided_slice %get3A_2563 {offsets = [13], sizes = [1], strides = [1]} : vector<16xi32> to vector<1xi32>
      %squeeze3A_2756 = vector.extract %slice3A_2755[0] : i32 from vector<1xi32>
      %and3A_2757 = arith.constant 7 : i32
      %and3A_2758 = arith.andi %squeeze3A_2756, %and3A_2757 : i32
      %get3A_2759 = arith.constant 13 : i32
      %get3A_2760 = arith.index_cast %get3A_2759 : i32 to index
      %get3A_2761 = arith.index_cast %and3A_2758 : i32 to index
      %get3A_2762 = arith.constant 0 : index
      %get3A_2763 = tpu.vector_load %arg7[%get3A_2760, %get3A_2761, %get3A_2762] {strides = array<i32>} : memref<48x8x16xf32, #tpu.memory_space<vmem>>, vector<16xf32>,
      %slice3A_2764 = vector.extract_strided_slice %get3A_2563 {offsets = [14], sizes = [1], strides = [1]} : vector<16xi32> to vector<1xi32>
      %squeeze3A_2765 = vector.extract %slice3A_2764[0] : i32 from vector<1xi32>
      %and3A_2766 = arith.constant 7 : i32
      %and3A_2767 = arith.andi %squeeze3A_2765, %and3A_2766 : i32
      %get3A_2768 = arith.constant 14 : i32
      %get3A_2769 = arith.index_cast %get3A_2768 : i32 to index
      %get3A_2770 = arith.index_cast %and3A_2767 : i32 to index
      %get3A_2771 = arith.constant 0 : index
      %get3A_2772 = tpu.vector_load %arg7[%get3A_2769, %get3A_2770, %get3A_2771] {strides = array<i32>} : memref<48x8x16xf32, #tpu.memory_space<vmem>>, vector<16xf32>,
      %sub3A_2773 = arith.subf %get3A_2754, %get3A_2763 : vector<16xf32>
      %sub3A_2774 = arith.subf %get3A_2754, %get3A_2772 : vector<16xf32>
      %mul3A_2775 = arith.mulf %sub3A_2773, %sub3A_2773 : vector<16xf32>
      %mul3A_2776 = arith.mulf %sub3A_2774, %sub3A_2774 : vector<16xf32>
      %sub3A_2777 = arith.subf %mul3A_2775, %mul3A_2776 : vector<16xf32>
      %eq3A_2778 = arith.constant 4 : i32
      %eq3A_2779 = vector.broadcast %eq3A_2778 : i32 to vector<16xi32>
      %eq3A_2780 = arith.cmpi eq, %iota3A, %eq3A_2779 : vector<16xi32>
      %reduce_sum3A_2781 = arith.constant true
      %reduce_sum3A_2782 = vector.broadcast %reduce_sum3A_2781 : i1 to vector<16xi1>
      %reduce_sum3A_2783 = tpu.scan <sum>, %sub3A_2777 masked %reduce_sum3A_2782 : vector<16xf32>, vector<16xi1> -> vector<16xf32>
      %reduce_sum3A_2784 = vector.extract %reduce_sum3A_2783[15] : f32 from vector<16xf32>
      %broadcast_in_dim3A_2785 = vector.broadcast %reduce_sum3A_2784 : f32 to vector<16xf32>
      %select_n3A_2786 = arith.select %eq3A_2780, %broadcast_in_dim3A_2785, %select_n3A_2745 : vector<16xi1>, vector<16xf32>
      %slice3A_2787 = vector.extract_strided_slice %get3A_2563 {offsets = [15], sizes = [1], strides = [1]} : vector<16xi32> to vector<1xi32>
      %squeeze3A_2788 = vector.extract %slice3A_2787[0] : i32 from vector<1xi32>
      %and3A_2789 = arith.constant 7 : i32
      %and3A_2790 = arith.andi %squeeze3A_2788, %and3A_2789 : i32
      %get3A_2791 = arith.constant 15 : i32
      %get3A_2792 = arith.index_cast %get3A_2791 : i32 to index
      %get3A_2793 = arith.index_cast %and3A_2790 : i32 to index
      %get3A_2794 = arith.constant 0 : index
      %get3A_2795 = tpu.vector_load %arg7[%get3A_2792, %get3A_2793, %get3A_2794] {strides = array<i32>} : memref<48x8x16xf32, #tpu.memory_space<vmem>>, vector<16xf32>,
      %slice3A_2796 = vector.extract_strided_slice %get3A_2572 {offsets = [0], sizes = [1], strides = [1]} : vector<16xi32> to vector<1xi32>
      %squeeze3A_2797 = vector.extract %slice3A_2796[0] : i32 from vector<1xi32>
      %and3A_2798 = arith.constant 7 : i32
      %and3A_2799 = arith.andi %squeeze3A_2797, %and3A_2798 : i32
      %get3A_2800 = arith.constant 16 : i32
      %get3A_2801 = arith.index_cast %get3A_2800 : i32 to index
      %get3A_2802 = arith.index_cast %and3A_2799 : i32 to index
      %get3A_2803 = arith.constant 0 : index
      %get3A_2804 = tpu.vector_load %arg7[%get3A_2801, %get3A_2802, %get3A_2803] {strides = array<i32>} : memref<48x8x16xf32, #tpu.memory_space<vmem>>, vector<16xf32>,
      %slice3A_2805 = vector.extract_strided_slice %get3A_2572 {offsets = [1], sizes = [1], strides = [1]} : vector<16xi32> to vector<1xi32>
      %squeeze3A_2806 = vector.extract %slice3A_2805[0] : i32 from vector<1xi32>
      %and3A_2807 = arith.constant 7 : i32
      %and3A_2808 = arith.andi %squeeze3A_2806, %and3A_2807 : i32
      %get3A_2809 = arith.constant 17 : i32
      %get3A_2810 = arith.index_cast %get3A_2809 : i32 to index
      %get3A_2811 = arith.index_cast %and3A_2808 : i32 to index
      %get3A_2812 = arith.constant 0 : index
      %get3A_2813 = tpu.vector_load %arg7[%get3A_2810, %get3A_2811, %get3A_2812] {strides = array<i32>} : memref<48x8x16xf32, #tpu.memory_space<vmem>>, vector<16xf32>,
      %sub3A_2814 = arith.subf %get3A_2795, %get3A_2804 : vector<16xf32>
      %sub3A_2815 = arith.subf %get3A_2795, %get3A_2813 : vector<16xf32>
      %mul3A_2816 = arith.mulf %sub3A_2814, %sub3A_2814 : vector<16xf32>
      %mul3A_2817 = arith.mulf %sub3A_2815, %sub3A_2815 : vector<16xf32>
      %sub3A_2818 = arith.subf %mul3A_2816, %mul3A_2817 : vector<16xf32>
      %eq3A_2819 = arith.constant 5 : i32
      %eq3A_2820 = vector.broadcast %eq3A_2819 : i32 to vector<16xi32>
      %eq3A_2821 = arith.cmpi eq, %iota3A, %eq3A_2820 : vector<16xi32>
      %reduce_sum3A_2822 = arith.constant true
      %reduce_sum3A_2823 = vector.broadcast %reduce_sum3A_2822 : i1 to vector<16xi1>
      %reduce_sum3A_2824 = tpu.scan <sum>, %sub3A_2818 masked %reduce_sum3A_2823 : vector<16xf32>, vector<16xi1> -> vector<16xf32>
      %reduce_sum3A_2825 = vector.extract %reduce_sum3A_2824[15] : f32 from vector<16xf32>
      %broadcast_in_dim3A_2826 = vector.broadcast %reduce_sum3A_2825 : f32 to vector<16xf32>
      %select_n3A_2827 = arith.select %eq3A_2821, %broadcast_in_dim3A_2826, %select_n3A_2786 : vector<16xi1>, vector<16xf32>
      %slice3A_2828 = vector.extract_strided_slice %get3A_2572 {offsets = [2], sizes = [1], strides = [1]} : vector<16xi32> to vector<1xi32>
      %squeeze3A_2829 = vector.extract %slice3A_2828[0] : i32 from vector<1xi32>
      %and3A_2830 = arith.constant 7 : i32
      %and3A_2831 = arith.andi %squeeze3A_2829, %and3A_2830 : i32
      %get3A_2832 = arith.constant 18 : i32
      %get3A_2833 = arith.index_cast %get3A_2832 : i32 to index
      %get3A_2834 = arith.index_cast %and3A_2831 : i32 to index
      %get3A_2835 = arith.constant 0 : index
      %get3A_2836 = tpu.vector_load %arg7[%get3A_2833, %get3A_2834, %get3A_2835] {strides = array<i32>} : memref<48x8x16xf32, #tpu.memory_space<vmem>>, vector<16xf32>,
      %slice3A_2837 = vector.extract_strided_slice %get3A_2572 {offsets = [3], sizes = [1], strides = [1]} : vector<16xi32> to vector<1xi32>
      %squeeze3A_2838 = vector.extract %slice3A_2837[0] : i32 from vector<1xi32>
      %and3A_2839 = arith.constant 7 : i32
      %and3A_2840 = arith.andi %squeeze3A_2838, %and3A_2839 : i32
      %get3A_2841 = arith.constant 19 : i32
      %get3A_2842 = arith.index_cast %get3A_2841 : i32 to index
      %get3A_2843 = arith.index_cast %and3A_2840 : i32 to index
      %get3A_2844 = arith.constant 0 : index
      %get3A_2845 = tpu.vector_load %arg7[%get3A_2842, %get3A_2843, %get3A_2844] {strides = array<i32>} : memref<48x8x16xf32, #tpu.memory_space<vmem>>, vector<16xf32>,
      %slice3A_2846 = vector.extract_strided_slice %get3A_2572 {offsets = [4], sizes = [1], strides = [1]} : vector<16xi32> to vector<1xi32>
      %squeeze3A_2847 = vector.extract %slice3A_2846[0] : i32 from vector<1xi32>
      %and3A_2848 = arith.constant 7 : i32
      %and3A_2849 = arith.andi %squeeze3A_2847, %and3A_2848 : i32
      %get3A_2850 = arith.constant 20 : i32
      %get3A_2851 = arith.index_cast %get3A_2850 : i32 to index
      %get3A_2852 = arith.index_cast %and3A_2849 : i32 to index
      %get3A_2853 = arith.constant 0 : index
      %get3A_2854 = tpu.vector_load %arg7[%get3A_2851, %get3A_2852, %get3A_2853] {strides = array<i32>} : memref<48x8x16xf32, #tpu.memory_space<vmem>>, vector<16xf32>,
      %sub3A_2855 = arith.subf %get3A_2836, %get3A_2845 : vector<16xf32>
      %sub3A_2856 = arith.subf %get3A_2836, %get3A_2854 : vector<16xf32>
      %mul3A_2857 = arith.mulf %sub3A_2855, %sub3A_2855 : vector<16xf32>
      %mul3A_2858 = arith.mulf %sub3A_2856, %sub3A_2856 : vector<16xf32>
      %sub3A_2859 = arith.subf %mul3A_2857, %mul3A_2858 : vector<16xf32>
      %eq3A_2860 = arith.constant 6 : i32
      %eq3A_2861 = vector.broadcast %eq3A_2860 : i32 to vector<16xi32>
      %eq3A_2862 = arith.cmpi eq, %iota3A, %eq3A_2861 : vector<16xi32>
      %reduce_sum3A_2863 = arith.constant true
      %reduce_sum3A_2864 = vector.broadcast %reduce_sum3A_2863 : i1 to vector<16xi1>
      %reduce_sum3A_2865 = tpu.scan <sum>, %sub3A_2859 masked %reduce_sum3A_2864 : vector<16xf32>, vector<16xi1> -> vector<16xf32>
      %reduce_sum3A_2866 = vector.extract %reduce_sum3A_2865[15] : f32 from vector<16xf32>
      %broadcast_in_dim3A_2867 = vector.broadcast %reduce_sum3A_2866 : f32 to vector<16xf32>
      %select_n3A_2868 = arith.select %eq3A_2862, %broadcast_in_dim3A_2867, %select_n3A_2827 : vector<16xi1>, vector<16xf32>
      %slice3A_2869 = vector.extract_strided_slice %get3A_2572 {offsets = [5], sizes = [1], strides = [1]} : vector<16xi32> to vector<1xi32>
      %squeeze3A_2870 = vector.extract %slice3A_2869[0] : i32 from vector<1xi32>
      %and3A_2871 = arith.constant 7 : i32
      %and3A_2872 = arith.andi %squeeze3A_2870, %and3A_2871 : i32
      %get3A_2873 = arith.constant 21 : i32
      %get3A_2874 = arith.index_cast %get3A_2873 : i32 to index
      %get3A_2875 = arith.index_cast %and3A_2872 : i32 to index
      %get3A_2876 = arith.constant 0 : index
      %get3A_2877 = tpu.vector_load %arg7[%get3A_2874, %get3A_2875, %get3A_2876] {strides = array<i32>} : memref<48x8x16xf32, #tpu.memory_space<vmem>>, vector<16xf32>,
      %slice3A_2878 = vector.extract_strided_slice %get3A_2572 {offsets = [6], sizes = [1], strides = [1]} : vector<16xi32> to vector<1xi32>
      %squeeze3A_2879 = vector.extract %slice3A_2878[0] : i32 from vector<1xi32>
      %and3A_2880 = arith.constant 7 : i32
      %and3A_2881 = arith.andi %squeeze3A_2879, %and3A_2880 : i32
      %get3A_2882 = arith.constant 22 : i32
      %get3A_2883 = arith.index_cast %get3A_2882 : i32 to index
      %get3A_2884 = arith.index_cast %and3A_2881 : i32 to index
      %get3A_2885 = arith.constant 0 : index
      %get3A_2886 = tpu.vector_load %arg7[%get3A_2883, %get3A_2884, %get3A_2885] {strides = array<i32>} : memref<48x8x16xf32, #tpu.memory_space<vmem>>, vector<16xf32>,
      %slice3A_2887 = vector.extract_strided_slice %get3A_2572 {offsets = [7], sizes = [1], strides = [1]} : vector<16xi32> to vector<1xi32>
      %squeeze3A_2888 = vector.extract %slice3A_2887[0] : i32 from vector<1xi32>
      %and3A_2889 = arith.constant 7 : i32
      %and3A_2890 = arith.andi %squeeze3A_2888, %and3A_2889 : i32
      %get3A_2891 = arith.constant 23 : i32
      %get3A_2892 = arith.index_cast %get3A_2891 : i32 to index
      %get3A_2893 = arith.index_cast %and3A_2890 : i32 to index
      %get3A_2894 = arith.constant 0 : index
      %get3A_2895 = tpu.vector_load %arg7[%get3A_2892, %get3A_2893, %get3A_2894] {strides = array<i32>} : memref<48x8x16xf32, #tpu.memory_space<vmem>>, vector<16xf32>,
      %sub3A_2896 = arith.subf %get3A_2877, %get3A_2886 : vector<16xf32>
      %sub3A_2897 = arith.subf %get3A_2877, %get3A_2895 : vector<16xf32>
      %mul3A_2898 = arith.mulf %sub3A_2896, %sub3A_2896 : vector<16xf32>
      %mul3A_2899 = arith.mulf %sub3A_2897, %sub3A_2897 : vector<16xf32>
      %sub3A_2900 = arith.subf %mul3A_2898, %mul3A_2899 : vector<16xf32>
      %eq3A_2901 = arith.constant 7 : i32
      %eq3A_2902 = vector.broadcast %eq3A_2901 : i32 to vector<16xi32>
      %eq3A_2903 = arith.cmpi eq, %iota3A, %eq3A_2902 : vector<16xi32>
      %reduce_sum3A_2904 = arith.constant true
      %reduce_sum3A_2905 = vector.broadcast %reduce_sum3A_2904 : i1 to vector<16xi1>
      %reduce_sum3A_2906 = tpu.scan <sum>, %sub3A_2900 masked %reduce_sum3A_2905 : vector<16xf32>, vector<16xi1> -> vector<16xf32>
      %reduce_sum3A_2907 = vector.extract %reduce_sum3A_2906[15] : f32 from vector<16xf32>
      %broadcast_in_dim3A_2908 = vector.broadcast %reduce_sum3A_2907 : f32 to vector<16xf32>
      %select_n3A_2909 = arith.select %eq3A_2903, %broadcast_in_dim3A_2908, %select_n3A_2868 : vector<16xi1>, vector<16xf32>
      %slice3A_2910 = vector.extract_strided_slice %get3A_2572 {offsets = [8], sizes = [1], strides = [1]} : vector<16xi32> to vector<1xi32>
      %squeeze3A_2911 = vector.extract %slice3A_2910[0] : i32 from vector<1xi32>
      %and3A_2912 = arith.constant 7 : i32
      %and3A_2913 = arith.andi %squeeze3A_2911, %and3A_2912 : i32
      %get3A_2914 = arith.constant 24 : i32
      %get3A_2915 = arith.index_cast %get3A_2914 : i32 to index
      %get3A_2916 = arith.index_cast %and3A_2913 : i32 to index
      %get3A_2917 = arith.constant 0 : index
      %get3A_2918 = tpu.vector_load %arg7[%get3A_2915, %get3A_2916, %get3A_2917] {strides = array<i32>} : memref<48x8x16xf32, #tpu.memory_space<vmem>>, vector<16xf32>,
      %slice3A_2919 = vector.extract_strided_slice %get3A_2572 {offsets = [9], sizes = [1], strides = [1]} : vector<16xi32> to vector<1xi32>
      %squeeze3A_2920 = vector.extract %slice3A_2919[0] : i32 from vector<1xi32>
      %and3A_2921 = arith.constant 7 : i32
      %and3A_2922 = arith.andi %squeeze3A_2920, %and3A_2921 : i32
      %get3A_2923 = arith.constant 25 : i32
      %get3A_2924 = arith.index_cast %get3A_2923 : i32 to index
      %get3A_2925 = arith.index_cast %and3A_2922 : i32 to index
      %get3A_2926 = arith.constant 0 : index
      %get3A_2927 = tpu.vector_load %arg7[%get3A_2924, %get3A_2925, %get3A_2926] {strides = array<i32>} : memref<48x8x16xf32, #tpu.memory_space<vmem>>, vector<16xf32>,
      %slice3A_2928 = vector.extract_strided_slice %get3A_2572 {offsets = [10], sizes = [1], strides = [1]} : vector<16xi32> to vector<1xi32>
      %squeeze3A_2929 = vector.extract %slice3A_2928[0] : i32 from vector<1xi32>
      %and3A_2930 = arith.constant 7 : i32
      %and3A_2931 = arith.andi %squeeze3A_2929, %and3A_2930 : i32
      %get3A_2932 = arith.constant 26 : i32
      %get3A_2933 = arith.index_cast %get3A_2932 : i32 to index
      %get3A_2934 = arith.index_cast %and3A_2931 : i32 to index
      %get3A_2935 = arith.constant 0 : index
      %get3A_2936 = tpu.vector_load %arg7[%get3A_2933, %get3A_2934, %get3A_2935] {strides = array<i32>} : memref<48x8x16xf32, #tpu.memory_space<vmem>>, vector<16xf32>,
      %sub3A_2937 = arith.subf %get3A_2918, %get3A_2927 : vector<16xf32>
      %sub3A_2938 = arith.subf %get3A_2918, %get3A_2936 : vector<16xf32>
      %mul3A_2939 = arith.mulf %sub3A_2937, %sub3A_2937 : vector<16xf32>
      %mul3A_2940 = arith.mulf %sub3A_2938, %sub3A_2938 : vector<16xf32>
      %sub3A_2941 = arith.subf %mul3A_2939, %mul3A_2940 : vector<16xf32>
      %eq3A_2942 = arith.constant 8 : i32
      %eq3A_2943 = vector.broadcast %eq3A_2942 : i32 to vector<16xi32>
      %eq3A_2944 = arith.cmpi eq, %iota3A, %eq3A_2943 : vector<16xi32>
      %reduce_sum3A_2945 = arith.constant true
      %reduce_sum3A_2946 = vector.broadcast %reduce_sum3A_2945 : i1 to vector<16xi1>
      %reduce_sum3A_2947 = tpu.scan <sum>, %sub3A_2941 masked %reduce_sum3A_2946 : vector<16xf32>, vector<16xi1> -> vector<16xf32>
      %reduce_sum3A_2948 = vector.extract %reduce_sum3A_2947[15] : f32 from vector<16xf32>
      %broadcast_in_dim3A_2949 = vector.broadcast %reduce_sum3A_2948 : f32 to vector<16xf32>
      %select_n3A_2950 = arith.select %eq3A_2944, %broadcast_in_dim3A_2949, %select_n3A_2909 : vector<16xi1>, vector<16xf32>
      %slice3A_2951 = vector.extract_strided_slice %get3A_2572 {offsets = [11], sizes = [1], strides = [1]} : vector<16xi32> to vector<1xi32>
      %squeeze3A_2952 = vector.extract %slice3A_2951[0] : i32 from vector<1xi32>
      %and3A_2953 = arith.constant 7 : i32
      %and3A_2954 = arith.andi %squeeze3A_2952, %and3A_2953 : i32
      %get3A_2955 = arith.constant 27 : i32
      %get3A_2956 = arith.index_cast %get3A_2955 : i32 to index
      %get3A_2957 = arith.index_cast %and3A_2954 : i32 to index
      %get3A_2958 = arith.constant 0 : index
      %get3A_2959 = tpu.vector_load %arg7[%get3A_2956, %get3A_2957, %get3A_2958] {strides = array<i32>} : memref<48x8x16xf32, #tpu.memory_space<vmem>>, vector<16xf32>,
      %slice3A_2960 = vector.extract_strided_slice %get3A_2572 {offsets = [12], sizes = [1], strides = [1]} : vector<16xi32> to vector<1xi32>
      %squeeze3A_2961 = vector.extract %slice3A_2960[0] : i32 from vector<1xi32>
      %and3A_2962 = arith.constant 7 : i32
      %and3A_2963 = arith.andi %squeeze3A_2961, %and3A_2962 : i32
      %get3A_2964 = arith.constant 28 : i32
      %get3A_2965 = arith.index_cast %get3A_2964 : i32 to index
      %get3A_2966 = arith.index_cast %and3A_2963 : i32 to index
      %get3A_2967 = arith.constant 0 : index
      %get3A_2968 = tpu.vector_load %arg7[%get3A_2965, %get3A_2966, %get3A_2967] {strides = array<i32>} : memref<48x8x16xf32, #tpu.memory_space<vmem>>, vector<16xf32>,
      %slice3A_2969 = vector.extract_strided_slice %get3A_2572 {offsets = [13], sizes = [1], strides = [1]} : vector<16xi32> to vector<1xi32>
      %squeeze3A_2970 = vector.extract %slice3A_2969[0] : i32 from vector<1xi32>
      %and3A_2971 = arith.constant 7 : i32
      %and3A_2972 = arith.andi %squeeze3A_2970, %and3A_2971 : i32
      %get3A_2973 = arith.constant 29 : i32
      %get3A_2974 = arith.index_cast %get3A_2973 : i32 to index
      %get3A_2975 = arith.index_cast %and3A_2972 : i32 to index
      %get3A_2976 = arith.constant 0 : index
      %get3A_2977 = tpu.vector_load %arg7[%get3A_2974, %get3A_2975, %get3A_2976] {strides = array<i32>} : memref<48x8x16xf32, #tpu.memory_space<vmem>>, vector<16xf32>,
      %sub3A_2978 = arith.subf %get3A_2959, %get3A_2968 : vector<16xf32>
      %sub3A_2979 = arith.subf %get3A_2959, %get3A_2977 : vector<16xf32>
      %mul3A_2980 = arith.mulf %sub3A_2978, %sub3A_2978 : vector<16xf32>
      %mul3A_2981 = arith.mulf %sub3A_2979, %sub3A_2979 : vector<16xf32>
      %sub3A_2982 = arith.subf %mul3A_2980, %mul3A_2981 : vector<16xf32>
      %eq3A_2983 = arith.constant 9 : i32
      %eq3A_2984 = vector.broadcast %eq3A_2983 : i32 to vector<16xi32>
      %eq3A_2985 = arith.cmpi eq, %iota3A, %eq3A_2984 : vector<16xi32>
      %reduce_sum3A_2986 = arith.constant true
      %reduce_sum3A_2987 = vector.broadcast %reduce_sum3A_2986 : i1 to vector<16xi1>
      %reduce_sum3A_2988 = tpu.scan <sum>, %sub3A_2982 masked %reduce_sum3A_2987 : vector<16xf32>, vector<16xi1> -> vector<16xf32>
      %reduce_sum3A_2989 = vector.extract %reduce_sum3A_2988[15] : f32 from vector<16xf32>
      %broadcast_in_dim3A_2990 = vector.broadcast %reduce_sum3A_2989 : f32 to vector<16xf32>
      %select_n3A_2991 = arith.select %eq3A_2985, %broadcast_in_dim3A_2990, %select_n3A_2950 : vector<16xi1>, vector<16xf32>
      %slice3A_2992 = vector.extract_strided_slice %get3A_2572 {offsets = [14], sizes = [1], strides = [1]} : vector<16xi32> to vector<1xi32>
      %squeeze3A_2993 = vector.extract %slice3A_2992[0] : i32 from vector<1xi32>
      %and3A_2994 = arith.constant 7 : i32
      %and3A_2995 = arith.andi %squeeze3A_2993, %and3A_2994 : i32
      %get3A_2996 = arith.constant 30 : i32
      %get3A_2997 = arith.index_cast %get3A_2996 : i32 to index
      %get3A_2998 = arith.index_cast %and3A_2995 : i32 to index
      %get3A_2999 = arith.constant 0 : index
      %get3A_3000 = tpu.vector_load %arg7[%get3A_2997, %get3A_2998, %get3A_2999] {strides = array<i32>} : memref<48x8x16xf32, #tpu.memory_space<vmem>>, vector<16xf32>,
      %slice3A_3001 = vector.extract_strided_slice %get3A_2572 {offsets = [15], sizes = [1], strides = [1]} : vector<16xi32> to vector<1xi32>
      %squeeze3A_3002 = vector.extract %slice3A_3001[0] : i32 from vector<1xi32>
      %and3A_3003 = arith.constant 7 : i32
      %and3A_3004 = arith.andi %squeeze3A_3002, %and3A_3003 : i32
      %get3A_3005 = arith.constant 31 : i32
      %get3A_3006 = arith.index_cast %get3A_3005 : i32 to index
      %get3A_3007 = arith.index_cast %and3A_3004 : i32 to index
      %get3A_3008 = arith.constant 0 : index
      %get3A_3009 = tpu.vector_load %arg7[%get3A_3006, %get3A_3007, %get3A_3008] {strides = array<i32>} : memref<48x8x16xf32, #tpu.memory_space<vmem>>, vector<16xf32>,
      %slice3A_3010 = vector.extract_strided_slice %get3A_2581 {offsets = [0], sizes = [1], strides = [1]} : vector<16xi32> to vector<1xi32>
      %squeeze3A_3011 = vector.extract %slice3A_3010[0] : i32 from vector<1xi32>
      %and3A_3012 = arith.constant 7 : i32
      %and3A_3013 = arith.andi %squeeze3A_3011, %and3A_3012 : i32
      %get3A_3014 = arith.constant 32 : i32
      %get3A_3015 = arith.index_cast %get3A_3014 : i32 to index
      %get3A_3016 = arith.index_cast %and3A_3013 : i32 to index
      %get3A_3017 = arith.constant 0 : index
      %get3A_3018 = tpu.vector_load %arg7[%get3A_3015, %get3A_3016, %get3A_3017] {strides = array<i32>} : memref<48x8x16xf32, #tpu.memory_space<vmem>>, vector<16xf32>,
      %sub3A_3019 = arith.subf %get3A_3000, %get3A_3009 : vector<16xf32>
      %sub3A_3020 = arith.subf %get3A_3000, %get3A_3018 : vector<16xf32>
      %mul3A_3021 = arith.mulf %sub3A_3019, %sub3A_3019 : vector<16xf32>
      %mul3A_3022 = arith.mulf %sub3A_3020, %sub3A_3020 : vector<16xf32>
      %sub3A_3023 = arith.subf %mul3A_3021, %mul3A_3022 : vector<16xf32>
      %eq3A_3024 = arith.constant 10 : i32
      %eq3A_3025 = vector.broadcast %eq3A_3024 : i32 to vector<16xi32>
      %eq3A_3026 = arith.cmpi eq, %iota3A, %eq3A_3025 : vector<16xi32>
      %reduce_sum3A_3027 = arith.constant true
      %reduce_sum3A_3028 = vector.broadcast %reduce_sum3A_3027 : i1 to vector<16xi1>
      %reduce_sum3A_3029 = tpu.scan <sum>, %sub3A_3023 masked %reduce_sum3A_3028 : vector<16xf32>, vector<16xi1> -> vector<16xf32>
      %reduce_sum3A_3030 = vector.extract %reduce_sum3A_3029[15] : f32 from vector<16xf32>
      %broadcast_in_dim3A_3031 = vector.broadcast %reduce_sum3A_3030 : f32 to vector<16xf32>
      %select_n3A_3032 = arith.select %eq3A_3026, %broadcast_in_dim3A_3031, %select_n3A_2991 : vector<16xi1>, vector<16xf32>
      %slice3A_3033 = vector.extract_strided_slice %get3A_2581 {offsets = [1], sizes = [1], strides = [1]} : vector<16xi32> to vector<1xi32>
      %squeeze3A_3034 = vector.extract %slice3A_3033[0] : i32 from vector<1xi32>
      %and3A_3035 = arith.constant 7 : i32
      %and3A_3036 = arith.andi %squeeze3A_3034, %and3A_3035 : i32
      %get3A_3037 = arith.constant 33 : i32
      %get3A_3038 = arith.index_cast %get3A_3037 : i32 to index
      %get3A_3039 = arith.index_cast %and3A_3036 : i32 to index
      %get3A_3040 = arith.constant 0 : index
      %get3A_3041 = tpu.vector_load %arg7[%get3A_3038, %get3A_3039, %get3A_3040] {strides = array<i32>} : memref<48x8x16xf32, #tpu.memory_space<vmem>>, vector<16xf32>,
      %slice3A_3042 = vector.extract_strided_slice %get3A_2581 {offsets = [2], sizes = [1], strides = [1]} : vector<16xi32> to vector<1xi32>
      %squeeze3A_3043 = vector.extract %slice3A_3042[0] : i32 from vector<1xi32>
      %and3A_3044 = arith.constant 7 : i32
      %and3A_3045 = arith.andi %squeeze3A_3043, %and3A_3044 : i32
      %get3A_3046 = arith.constant 34 : i32
      %get3A_3047 = arith.index_cast %get3A_3046 : i32 to index
      %get3A_3048 = arith.index_cast %and3A_3045 : i32 to index
      %get3A_3049 = arith.constant 0 : index
      %get3A_3050 = tpu.vector_load %arg7[%get3A_3047, %get3A_3048, %get3A_3049] {strides = array<i32>} : memref<48x8x16xf32, #tpu.memory_space<vmem>>, vector<16xf32>,
      %slice3A_3051 = vector.extract_strided_slice %get3A_2581 {offsets = [3], sizes = [1], strides = [1]} : vector<16xi32> to vector<1xi32>
      %squeeze3A_3052 = vector.extract %slice3A_3051[0] : i32 from vector<1xi32>
      %and3A_3053 = arith.constant 7 : i32
      %and3A_3054 = arith.andi %squeeze3A_3052, %and3A_3053 : i32
      %get3A_3055 = arith.constant 35 : i32
      %get3A_3056 = arith.index_cast %get3A_3055 : i32 to index
      %get3A_3057 = arith.index_cast %and3A_3054 : i32 to index
      %get3A_3058 = arith.constant 0 : index
      %get3A_3059 = tpu.vector_load %arg7[%get3A_3056, %get3A_3057, %get3A_3058] {strides = array<i32>} : memref<48x8x16xf32, #tpu.memory_space<vmem>>, vector<16xf32>,
      %sub3A_3060 = arith.subf %get3A_3041, %get3A_3050 : vector<16xf32>
      %sub3A_3061 = arith.subf %get3A_3041, %get3A_3059 : vector<16xf32>
      %mul3A_3062 = arith.mulf %sub3A_3060, %sub3A_3060 : vector<16xf32>
      %mul3A_3063 = arith.mulf %sub3A_3061, %sub3A_3061 : vector<16xf32>
      %sub3A_3064 = arith.subf %mul3A_3062, %mul3A_3063 : vector<16xf32>
      %eq3A_3065 = arith.constant 11 : i32
      %eq3A_3066 = vector.broadcast %eq3A_3065 : i32 to vector<16xi32>
      %eq3A_3067 = arith.cmpi eq, %iota3A, %eq3A_3066 : vector<16xi32>
      %reduce_sum3A_3068 = arith.constant true
      %reduce_sum3A_3069 = vector.broadcast %reduce_sum3A_3068 : i1 to vector<16xi1>
      %reduce_sum3A_3070 = tpu.scan <sum>, %sub3A_3064 masked %reduce_sum3A_3069 : vector<16xf32>, vector<16xi1> -> vector<16xf32>
      %reduce_sum3A_3071 = vector.extract %reduce_sum3A_3070[15] : f32 from vector<16xf32>
      %broadcast_in_dim3A_3072 = vector.broadcast %reduce_sum3A_3071 : f32 to vector<16xf32>
      %select_n3A_3073 = arith.select %eq3A_3067, %broadcast_in_dim3A_3072, %select_n3A_3032 : vector<16xi1>, vector<16xf32>
      %slice3A_3074 = vector.extract_strided_slice %get3A_2581 {offsets = [4], sizes = [1], strides = [1]} : vector<16xi32> to vector<1xi32>
      %squeeze3A_3075 = vector.extract %slice3A_3074[0] : i32 from vector<1xi32>
      %and3A_3076 = arith.constant 7 : i32
      %and3A_3077 = arith.andi %squeeze3A_3075, %and3A_3076 : i32
      %get3A_3078 = arith.constant 36 : i32
      %get3A_3079 = arith.index_cast %get3A_3078 : i32 to index
      %get3A_3080 = arith.index_cast %and3A_3077 : i32 to index
      %get3A_3081 = arith.constant 0 : index
      %get3A_3082 = tpu.vector_load %arg7[%get3A_3079, %get3A_3080, %get3A_3081] {strides = array<i32>} : memref<48x8x16xf32, #tpu.memory_space<vmem>>, vector<16xf32>,
      %slice3A_3083 = vector.extract_strided_slice %get3A_2581 {offsets = [5], sizes = [1], strides = [1]} : vector<16xi32> to vector<1xi32>
      %squeeze3A_3084 = vector.extract %slice3A_3083[0] : i32 from vector<1xi32>
      %and3A_3085 = arith.constant 7 : i32
      %and3A_3086 = arith.andi %squeeze3A_3084, %and3A_3085 : i32
      %get3A_3087 = arith.constant 37 : i32
      %get3A_3088 = arith.index_cast %get3A_3087 : i32 to index
      %get3A_3089 = arith.index_cast %and3A_3086 : i32 to index
      %get3A_3090 = arith.constant 0 : index
      %get3A_3091 = tpu.vector_load %arg7[%get3A_3088, %get3A_3089, %get3A_3090] {strides = array<i32>} : memref<48x8x16xf32, #tpu.memory_space<vmem>>, vector<16xf32>,
      %slice3A_3092 = vector.extract_strided_slice %get3A_2581 {offsets = [6], sizes = [1], strides = [1]} : vector<16xi32> to vector<1xi32>
      %squeeze3A_3093 = vector.extract %slice3A_3092[0] : i32 from vector<1xi32>
      %and3A_3094 = arith.constant 7 : i32
      %and3A_3095 = arith.andi %squeeze3A_3093, %and3A_3094 : i32
      %get3A_3096 = arith.constant 38 : i32
      %get3A_3097 = arith.index_cast %get3A_3096 : i32 to index
      %get3A_3098 = arith.index_cast %and3A_3095 : i32 to index
      %get3A_3099 = arith.constant 0 : index
      %get3A_3100 = tpu.vector_load %arg7[%get3A_3097, %get3A_3098, %get3A_3099] {strides = array<i32>} : memref<48x8x16xf32, #tpu.memory_space<vmem>>, vector<16xf32>,
      %sub3A_3101 = arith.subf %get3A_3082, %get3A_3091 : vector<16xf32>
      %sub3A_3102 = arith.subf %get3A_3082, %get3A_3100 : vector<16xf32>
      %mul3A_3103 = arith.mulf %sub3A_3101, %sub3A_3101 : vector<16xf32>
      %mul3A_3104 = arith.mulf %sub3A_3102, %sub3A_3102 : vector<16xf32>
      %sub3A_3105 = arith.subf %mul3A_3103, %mul3A_3104 : vector<16xf32>
      %eq3A_3106 = arith.constant 12 : i32
      %eq3A_3107 = vector.broadcast %eq3A_3106 : i32 to vector<16xi32>
      %eq3A_3108 = arith.cmpi eq, %iota3A, %eq3A_3107 : vector<16xi32>
      %reduce_sum3A_3109 = arith.constant true
      %reduce_sum3A_3110 = vector.broadcast %reduce_sum3A_3109 : i1 to vector<16xi1>
      %reduce_sum3A_3111 = tpu.scan <sum>, %sub3A_3105 masked %reduce_sum3A_3110 : vector<16xf32>, vector<16xi1> -> vector<16xf32>
      %reduce_sum3A_3112 = vector.extract %reduce_sum3A_3111[15] : f32 from vector<16xf32>
      %broadcast_in_dim3A_3113 = vector.broadcast %reduce_sum3A_3112 : f32 to vector<16xf32>
      %select_n3A_3114 = arith.select %eq3A_3108, %broadcast_in_dim3A_3113, %select_n3A_3073 : vector<16xi1>, vector<16xf32>
      %slice3A_3115 = vector.extract_strided_slice %get3A_2581 {offsets = [7], sizes = [1], strides = [1]} : vector<16xi32> to vector<1xi32>
      %squeeze3A_3116 = vector.extract %slice3A_3115[0] : i32 from vector<1xi32>
      %and3A_3117 = arith.constant 7 : i32
      %and3A_3118 = arith.andi %squeeze3A_3116, %and3A_3117 : i32
      %get3A_3119 = arith.constant 39 : i32
      %get3A_3120 = arith.index_cast %get3A_3119 : i32 to index
      %get3A_3121 = arith.index_cast %and3A_3118 : i32 to index
      %get3A_3122 = arith.constant 0 : index
      %get3A_3123 = tpu.vector_load %arg7[%get3A_3120, %get3A_3121, %get3A_3122] {strides = array<i32>} : memref<48x8x16xf32, #tpu.memory_space<vmem>>, vector<16xf32>,
      %slice3A_3124 = vector.extract_strided_slice %get3A_2581 {offsets = [8], sizes = [1], strides = [1]} : vector<16xi32> to vector<1xi32>
      %squeeze3A_3125 = vector.extract %slice3A_3124[0] : i32 from vector<1xi32>
      %and3A_3126 = arith.constant 7 : i32
      %and3A_3127 = arith.andi %squeeze3A_3125, %and3A_3126 : i32
      %get3A_3128 = arith.constant 40 : i32
      %get3A_3129 = arith.index_cast %get3A_3128 : i32 to index
      %get3A_3130 = arith.index_cast %and3A_3127 : i32 to index
      %get3A_3131 = arith.constant 0 : index
      %get3A_3132 = tpu.vector_load %arg7[%get3A_3129, %get3A_3130, %get3A_3131] {strides = array<i32>} : memref<48x8x16xf32, #tpu.memory_space<vmem>>, vector<16xf32>,
      %slice3A_3133 = vector.extract_strided_slice %get3A_2581 {offsets = [9], sizes = [1], strides = [1]} : vector<16xi32> to vector<1xi32>
      %squeeze3A_3134 = vector.extract %slice3A_3133[0] : i32 from vector<1xi32>
      %and3A_3135 = arith.constant 7 : i32
      %and3A_3136 = arith.andi %squeeze3A_3134, %and3A_3135 : i32
      %get3A_3137 = arith.constant 41 : i32
      %get3A_3138 = arith.index_cast %get3A_3137 : i32 to index
      %get3A_3139 = arith.index_cast %and3A_3136 : i32 to index
      %get3A_3140 = arith.constant 0 : index
      %get3A_3141 = tpu.vector_load %arg7[%get3A_3138, %get3A_3139, %get3A_3140] {strides = array<i32>} : memref<48x8x16xf32, #tpu.memory_space<vmem>>, vector<16xf32>,
      %sub3A_3142 = arith.subf %get3A_3123, %get3A_3132 : vector<16xf32>
      %sub3A_3143 = arith.subf %get3A_3123, %get3A_3141 : vector<16xf32>
      %mul3A_3144 = arith.mulf %sub3A_3142, %sub3A_3142 : vector<16xf32>
      %mul3A_3145 = arith.mulf %sub3A_3143, %sub3A_3143 : vector<16xf32>
      %sub3A_3146 = arith.subf %mul3A_3144, %mul3A_3145 : vector<16xf32>
      %eq3A_3147 = arith.constant 13 : i32
      %eq3A_3148 = vector.broadcast %eq3A_3147 : i32 to vector<16xi32>
      %eq3A_3149 = arith.cmpi eq, %iota3A, %eq3A_3148 : vector<16xi32>
      %reduce_sum3A_3150 = arith.constant true
      %reduce_sum3A_3151 = vector.broadcast %reduce_sum3A_3150 : i1 to vector<16xi1>
      %reduce_sum3A_3152 = tpu.scan <sum>, %sub3A_3146 masked %reduce_sum3A_3151 : vector<16xf32>, vector<16xi1> -> vector<16xf32>
      %reduce_sum3A_3153 = vector.extract %reduce_sum3A_3152[15] : f32 from vector<16xf32>
      %broadcast_in_dim3A_3154 = vector.broadcast %reduce_sum3A_3153 : f32 to vector<16xf32>
      %select_n3A_3155 = arith.select %eq3A_3149, %broadcast_in_dim3A_3154, %select_n3A_3114 : vector<16xi1>, vector<16xf32>
      %slice3A_3156 = vector.extract_strided_slice %get3A_2581 {offsets = [10], sizes = [1], strides = [1]} : vector<16xi32> to vector<1xi32>
      %squeeze3A_3157 = vector.extract %slice3A_3156[0] : i32 from vector<1xi32>
      %and3A_3158 = arith.constant 7 : i32
      %and3A_3159 = arith.andi %squeeze3A_3157, %and3A_3158 : i32
      %get3A_3160 = arith.constant 42 : i32
      %get3A_3161 = arith.index_cast %get3A_3160 : i32 to index
      %get3A_3162 = arith.index_cast %and3A_3159 : i32 to index
      %get3A_3163 = arith.constant 0 : index
      %get3A_3164 = tpu.vector_load %arg7[%get3A_3161, %get3A_3162, %get3A_3163] {strides = array<i32>} : memref<48x8x16xf32, #tpu.memory_space<vmem>>, vector<16xf32>,
      %slice3A_3165 = vector.extract_strided_slice %get3A_2581 {offsets = [11], sizes = [1], strides = [1]} : vector<16xi32> to vector<1xi32>
      %squeeze3A_3166 = vector.extract %slice3A_3165[0] : i32 from vector<1xi32>
      %and3A_3167 = arith.constant 7 : i32
      %and3A_3168 = arith.andi %squeeze3A_3166, %and3A_3167 : i32
      %get3A_3169 = arith.constant 43 : i32
      %get3A_3170 = arith.index_cast %get3A_3169 : i32 to index
      %get3A_3171 = arith.index_cast %and3A_3168 : i32 to index
      %get3A_3172 = arith.constant 0 : index
      %get3A_3173 = tpu.vector_load %arg7[%get3A_3170, %get3A_3171, %get3A_3172] {strides = array<i32>} : memref<48x8x16xf32, #tpu.memory_space<vmem>>, vector<16xf32>,
      %slice3A_3174 = vector.extract_strided_slice %get3A_2581 {offsets = [12], sizes = [1], strides = [1]} : vector<16xi32> to vector<1xi32>
      %squeeze3A_3175 = vector.extract %slice3A_3174[0] : i32 from vector<1xi32>
      %and3A_3176 = arith.constant 7 : i32
      %and3A_3177 = arith.andi %squeeze3A_3175, %and3A_3176 : i32
      %get3A_3178 = arith.constant 44 : i32
      %get3A_3179 = arith.index_cast %get3A_3178 : i32 to index
      %get3A_3180 = arith.index_cast %and3A_3177 : i32 to index
      %get3A_3181 = arith.constant 0 : index
      %get3A_3182 = tpu.vector_load %arg7[%get3A_3179, %get3A_3180, %get3A_3181] {strides = array<i32>} : memref<48x8x16xf32, #tpu.memory_space<vmem>>, vector<16xf32>,
      %sub3A_3183 = arith.subf %get3A_3164, %get3A_3173 : vector<16xf32>
      %sub3A_3184 = arith.subf %get3A_3164, %get3A_3182 : vector<16xf32>
      %mul3A_3185 = arith.mulf %sub3A_3183, %sub3A_3183 : vector<16xf32>
      %mul3A_3186 = arith.mulf %sub3A_3184, %sub3A_3184 : vector<16xf32>
      %sub3A_3187 = arith.subf %mul3A_3185, %mul3A_3186 : vector<16xf32>
      %eq3A_3188 = arith.constant 14 : i32
      %eq3A_3189 = vector.broadcast %eq3A_3188 : i32 to vector<16xi32>
      %eq3A_3190 = arith.cmpi eq, %iota3A, %eq3A_3189 : vector<16xi32>
      %reduce_sum3A_3191 = arith.constant true
      %reduce_sum3A_3192 = vector.broadcast %reduce_sum3A_3191 : i1 to vector<16xi1>
      %reduce_sum3A_3193 = tpu.scan <sum>, %sub3A_3187 masked %reduce_sum3A_3192 : vector<16xf32>, vector<16xi1> -> vector<16xf32>
      %reduce_sum3A_3194 = vector.extract %reduce_sum3A_3193[15] : f32 from vector<16xf32>
      %broadcast_in_dim3A_3195 = vector.broadcast %reduce_sum3A_3194 : f32 to vector<16xf32>
      %select_n3A_3196 = arith.select %eq3A_3190, %broadcast_in_dim3A_3195, %select_n3A_3155 : vector<16xi1>, vector<16xf32>
      %slice3A_3197 = vector.extract_strided_slice %get3A_2581 {offsets = [13], sizes = [1], strides = [1]} : vector<16xi32> to vector<1xi32>
      %squeeze3A_3198 = vector.extract %slice3A_3197[0] : i32 from vector<1xi32>
      %and3A_3199 = arith.constant 7 : i32
      %and3A_3200 = arith.andi %squeeze3A_3198, %and3A_3199 : i32
      %get3A_3201 = arith.constant 45 : i32
      %get3A_3202 = arith.index_cast %get3A_3201 : i32 to index
      %get3A_3203 = arith.index_cast %and3A_3200 : i32 to index
      %get3A_3204 = arith.constant 0 : index
      %get3A_3205 = tpu.vector_load %arg7[%get3A_3202, %get3A_3203, %get3A_3204] {strides = array<i32>} : memref<48x8x16xf32, #tpu.memory_space<vmem>>, vector<16xf32>,
      %slice3A_3206 = vector.extract_strided_slice %get3A_2581 {offsets = [14], sizes = [1], strides = [1]} : vector<16xi32> to vector<1xi32>
      %squeeze3A_3207 = vector.extract %slice3A_3206[0] : i32 from vector<1xi32>
      %and3A_3208 = arith.constant 7 : i32
      %and3A_3209 = arith.andi %squeeze3A_3207, %and3A_3208 : i32
      %get3A_3210 = arith.constant 46 : i32
      %get3A_3211 = arith.index_cast %get3A_3210 : i32 to index
      %get3A_3212 = arith.index_cast %and3A_3209 : i32 to index
      %get3A_3213 = arith.constant 0 : index
      %get3A_3214 = tpu.vector_load %arg7[%get3A_3211, %get3A_3212, %get3A_3213] {strides = array<i32>} : memref<48x8x16xf32, #tpu.memory_space<vmem>>, vector<16xf32>,
      %slice3A_3215 = vector.extract_strided_slice %get3A_2581 {offsets = [15], sizes = [1], strides = [1]} : vector<16xi32> to vector<1xi32>
      %squeeze3A_3216 = vector.extract %slice3A_3215[0] : i32 from vector<1xi32>
      %and3A_3217 = arith.constant 7 : i32
      %and3A_3218 = arith.andi %squeeze3A_3216, %and3A_3217 : i32
      %get3A_3219 = arith.constant 47 : i32
      %get3A_3220 = arith.index_cast %get3A_3219 : i32 to index
      %get3A_3221 = arith.index_cast %and3A_3218 : i32 to index
      %get3A_3222 = arith.constant 0 : index
      %get3A_3223 = tpu.vector_load %arg7[%get3A_3220, %get3A_3221, %get3A_3222] {strides = array<i32>} : memref<48x8x16xf32, #tpu.memory_space<vmem>>, vector<16xf32>,
      %sub3A_3224 = arith.subf %get3A_3205, %get3A_3214 : vector<16xf32>
      %sub3A_3225 = arith.subf %get3A_3205, %get3A_3223 : vector<16xf32>
      %mul3A_3226 = arith.mulf %sub3A_3224, %sub3A_3224 : vector<16xf32>
      %mul3A_3227 = arith.mulf %sub3A_3225, %sub3A_3225 : vector<16xf32>
      %sub3A_3228 = arith.subf %mul3A_3226, %mul3A_3227 : vector<16xf32>
      %eq3A_3229 = arith.constant 15 : i32
      %eq3A_3230 = vector.broadcast %eq3A_3229 : i32 to vector<16xi32>
      %eq3A_3231 = arith.cmpi eq, %iota3A, %eq3A_3230 : vector<16xi32>
      %reduce_sum3A_3232 = arith.constant true
      %reduce_sum3A_3233 = vector.broadcast %reduce_sum3A_3232 : i1 to vector<16xi1>
      %reduce_sum3A_3234 = tpu.scan <sum>, %sub3A_3228 masked %reduce_sum3A_3233 : vector<16xf32>, vector<16xi1> -> vector<16xf32>
      %reduce_sum3A_3235 = vector.extract %reduce_sum3A_3234[15] : f32 from vector<16xf32>
      %broadcast_in_dim3A_3236 = vector.broadcast %reduce_sum3A_3235 : f32 to vector<16xf32>
      %select_n3A_3237 = arith.select %eq3A_3231, %broadcast_in_dim3A_3236, %select_n3A_3196 : vector<16xi1>, vector<16xf32>
      %exp3A_3238 = math.exp %select_n3A_3237 : vector<16xf32>
      %add3A_3239 = arith.constant 1.000000e+00 : f32
      %add3A_3240 = vector.broadcast %add3A_3239 : f32 to vector<16xf32>
      %add3A_3241 = arith.addf %add3A_3240, %exp3A_3238 : vector<16xf32>
      %bitcast_convert_type3A_3242 = tpu.bitcast %add3A_3241 : vector<16xf32> -> vector<16xi32>
      %shift_right_arithmetic3A_3243 = arith.constant 23 : i32
      %shift_right_arithmetic3A_3244 = vector.broadcast %shift_right_arithmetic3A_3243 : i32 to vector<16xi32>
      %shift_right_arithmetic3A_3245 = arith.shrsi %bitcast_convert_type3A_3242, %shift_right_arithmetic3A_3244 : vector<16xi32>
      %sub3A_3246 = arith.constant 127 : i32
      %sub3A_3247 = vector.broadcast %sub3A_3246 : i32 to vector<16xi32>
      %sub3A_3248 = arith.subi %shift_right_arithmetic3A_3245, %sub3A_3247 : vector<16xi32>
      %and3A_3249 = arith.constant 8388607 : i32
      %and3A_3250 = vector.broadcast %and3A_3249 : i32 to vector<16xi32>
      %and3A_3251 = arith.andi %bitcast_convert_type3A_3242, %and3A_3250 : vector<16xi32>
      %or3A_3252 = arith.constant 1065353216 : i32
      %or3A_3253 = vector.broadcast %or3A_3252 : i32 to vector<16xi32>
      %or3A_3254 = arith.ori %and3A_3251, %or3A_3253 : vector<16xi32>
      %bitcast_convert_type3A_3255 = tpu.bitcast %or3A_3254 : vector<16xi32> -> vector<16xf32>
      %sub3A_3256 = arith.constant 1.000000e+00 : f32
      %sub3A_3257 = vector.broadcast %sub3A_3256 : f32 to vector<16xf32>
      %sub3A_3258 = arith.subf %bitcast_convert_type3A_3255, %sub3A_3257 : vector<16xf32>
      %mul3A_3259 = arith.constant -0.0248256065 : f32
      %mul3A_3260 = vector.broadcast %mul3A_3259 : f32 to vector<16xf32>
      %mul3A_3261 = arith.mulf %mul3A_3260, %sub3A_3258 : vector<16xf32>
      %add3A_3262 = arith.constant 0.117905185 : f32
      %add3A_3263 = vector.broadcast %add3A_3262 : f32 to vector<16xf32>
      %add3A_3264 = arith.addf %mul3A_3261, %add3A_3263 : vector<16xf32>
      %mul3A_3265 = arith.mulf %add3A_3264, %sub3A_3258 : vector<16xf32>
      %add3A_3266 = arith.constant -0.272353172 : f32
      %add3A_3267 = vector.broadcast %add3A_3266 : f32 to vector<16xf32>
      %add3A_3268 = arith.addf %mul3A_3265, %add3A_3267 : vector<16xf32>
      %mul3A_3269 = arith.mulf %add3A_3268, %sub3A_3258 : vector<16xf32>
      %add3A_3270 = arith.constant 0.45385623 : f32
      %add3A_3271 = vector.broadcast %add3A_3270 : f32 to vector<16xf32>
      %add3A_3272 = arith.addf %mul3A_3269, %add3A_3271 : vector<16xf32>
      %mul3A_3273 = arith.mulf %add3A_3272, %sub3A_3258 : vector<16xf32>
      %add3A_3274 = arith.constant -0.716986895 : f32
      %add3A_3275 = vector.broadcast %add3A_3274 : f32 to vector<16xf32>
      %add3A_3276 = arith.addf %mul3A_3273, %add3A_3275 : vector<16xf32>
      %mul3A_3277 = arith.mulf %add3A_3276, %sub3A_3258 : vector<16xf32>
      %add3A_3278 = arith.constant 1.44239545 : f32
      %add3A_3279 = vector.broadcast %add3A_3278 : f32 to vector<16xf32>
      %add3A_3280 = arith.addf %mul3A_3277, %add3A_3279 : vector<16xf32>
      %mul3A_3281 = arith.mulf %add3A_3280, %sub3A_3258 : vector<16xf32>
      %add3A_3282 = arith.constant 5.06533297E-6 : f32
      %add3A_3283 = vector.broadcast %add3A_3282 : f32 to vector<16xf32>
      %add3A_3284 = arith.addf %mul3A_3281, %add3A_3283 : vector<16xf32>
      %convert_element_type3A_3285 = arith.sitofp %sub3A_3248 : vector<16xi32> to vector<16xf32>
      %add3A_3286 = arith.addf %convert_element_type3A_3285, %add3A_3284 : vector<16xf32>
      %mul3A_3287 = arith.constant 0.693147182 : f32
      %mul3A_3288 = vector.broadcast %mul3A_3287 : f32 to vector<16xf32>
      %mul3A_3289 = arith.mulf %add3A_3286, %mul3A_3288 : vector<16xf32>
      %mul3A_3290 = arith.constant 16 : i32
      %mul3A_3291 = arith.muli %add3A_2550, %mul3A_3290 : i32
      %swap3A_3292 = arith.index_cast %mul3A_3291 : i32 to index
      %swap3A_3293 = tpu.vector_load %arg8[%swap3A_3292] {strides = array<i32>} : memref<512xf32, #tpu.memory_space<vmem>>, vector<16xf32>,
      tpu.vector_store %arg8[%swap3A_3292], %mul3A_3289 {strides = array<i32>} : memref<512xf32, #tpu.memory_space<vmem>>, vector<16xf32>,
    }
    %scan3A_891 = arith.constant 16 : i32
    "tpu.region"() ({
      %run_scoped3A = tpu.sem_alloc : memref<!tpu.dma_semaphore, #tpu.memory_space<semaphore_mem>>
      %dma_start3A_892 = tpu.memref_slice %arg4[%mul3A_2] : memref<16384xf32, #tpu.memory_space<hbm>> -> memref<512xf32, #tpu.memory_space<hbm>>
      %dma_start3A_893 = tpu.memref_slice %arg4[%mul3A_2] : memref<16384xf32, #tpu.memory_space<hbm>> -> memref<512xf32, #tpu.memory_space<hbm>>
      tpu.enqueue_dma source(%arg8 : memref<512xf32, #tpu.memory_space<vmem>>) target(%dma_start3A_893 : memref<512xf32, #tpu.memory_space<hbm>>) target_semaphore(%run_scoped3A : memref<!tpu.dma_semaphore, #tpu.memory_space<semaphore_mem>>)
      %dma_wait3A = tpu.memref_slice %arg4[%mul3A_2] : memref<16384xf32, #tpu.memory_space<hbm>> -> memref<512xf32, #tpu.memory_space<hbm>>
      %dma_wait3A_894 = tpu.memref_slice %arg4[%mul3A_2] : memref<16384xf32, #tpu.memory_space<hbm>> -> memref<512xf32, #tpu.memory_space<hbm>>
      tpu.wait_dma2 semaphore(%run_scoped3A : memref<!tpu.dma_semaphore, #tpu.memory_space<semaphore_mem>>) src(%arg8 : memref<512xf32, #tpu.memory_space<vmem>>) dst(%dma_wait3A_894 : memref<512xf32, #tpu.memory_space<hbm>>)
      tpu.yield
    }) : () -> ()
    return
  }
}

</mosaic_0001>

<sc_bundles>
// kernel: kernel.3.cloned.1.call-start
scs
__scs_entry_jumppad:
0x0: {  	(pc) =	sbr.rel $0x88, $3  }
0x1: {  	(tag) =	ssettag $0x0;
	lr =	simm.s32 $0x1  }
0x2: {  	[smem:$0x3F9F] =	sst lr;
	_ =	strace $0xD0000000  }
0x3: {  	_ = 	snop  }
0x4: {  	_ = 	snop  }
0x5: {  	_ = 	snop  }
0x6: {  	_ = 	snop  }
0x7: {  	_ = 	snop  }
__scs_overlays_trampoline_lowered:
0x8: {  	[smem:$0x3FAE] =	sst s0  }
0x9: {  	[smem:$0x3FAF] =	sst s1  }
0xa: {  	[smem:$0x3FB0] =	sst s2  }
0xb: {  	[smem:$0x3FB1] =	sst s3  }
0xc: {  	[smem:$0x3FB2] =	sst s4  }
0xd: {  	[smem:$0x3FB3] =	sst s5  }
0xe: {  	[smem:$0x3FB4] =	sst s6  }
0xf: {  	[smem:$0x3FB5] =	sst s7  }
0x10: {  	[smem:$0x3FB6] =	sst s8  }
0x11: {  	[smem:$0x3FB7] =	sst s9;
	s0 =	simm.s32 @!p0 $0x0  }
0x12: {  	s1 =	sld [smem:$0x3F9D];
	s0 =	simm.s32 @p0 $0x1  }
0x13: {  	[smem:$0x3FB8] =	sst s0;
	s0 =	simm.s32 @!p1 $0x0  }
0x14: {  	s2 =	sld [smem:$0x3F9C];
	s0 =	simm.s32 @p1 $0x1  }
0x15: {  	[smem:$0x3FB9] =	sst s0;
	s0 =	simm.s32 @!p2 $0x0  }
0x16: {  	s3 =	sld [smem:$0x3FDB];
	s0 =	simm.s32 @p2 $0x1  }
0x17: {  	s4 =	simm.s32 $0x1BF5;
	[smem:$0x3FBB] =	sst s0  }
0x18: {  	s0 =	sld [smem:$0x3F9E];
	_ =	swait.ge [sflag:s4], $0x0  }
0x19: {  	s7 =	sld [smem:$0x3F9F]  }
0x1a: {  	s8 =	sadd.s32 $0xFFFFE003, lr  }
0x1b: {  	s9 =	sadd.s32 $0xFFFFFEF7, lr;
	s5 =	simm.s32 $0xFFFFFFFF;
	p2 =	slt.u32 s8, $0xFFFFF086  }
0x1c: {  	p1 =	slt.u32 s9, $0xF7A;
	s5 =	simm.s32 @!p2 $0x0  }
0x1d: {  	s5 =	simm.s32 @p1 $0x1;
	p0 =	seq.s32 s7, s2  }
0x1e: {  	s7 =	smul.u32 @!p0 $0xF7A, s2;
	p2 =	seq.s32 @!p0 s5, $0x0  }
0x1f: {  	s9 =	smul.u32 $0xF7A, s1;
	s8 =	simm.s32 @!p0 $0x1BF5;
	p2 =	por !p2, p0  }
0x20: {  	[sflag:s8] =	ssyncset.s32 @!p0 $0xFFFFF086;
	s6 =	sadd.s32 @!p0 s3, s7;
	s7 =	simm.s32 @!p0 $0x108  }
0x21: {  	s3 =	sadd.s32 s3, s9;
	s6 =	sadd.s32 @!p0 $0x88, s6;
	s7 =	simm.s32 @p2 $0x1082  }
0x22: {  	[simem:s7], [sflag:s8] =	dma.local @!p0 [hbm:s6], $0xF7A  }
0x23: {  	s9 =	sor.u32 $0xD0000000, s2;
	s6 =	simm.s32 $0x108;
	_ =	swait.ge @!p0 [sflag:s8], $0x0  }
0x24: {  	s3 =	sadd.s32 $0x88, s3;
	s6 =	simm.s32 @!p1 $0x1082;
	[sflag:s4] =	ssyncset.s32 $0xFFFFF086  }
0x25: {  	[simem:s6], [sflag:s4] =	dma.local [hbm:s3], $0xF7A  }
0x26: {  	[smem:$0x3F9F] =	sst s1;
	(tag) =	ssettag s2;
	_ =	strace s9  }
0x27: {  	s1 =	sld [smem:$0x3FAF]  }
0x28: {  	s2 =	sld [smem:$0x3FB0]  }
0x29: {  	s4 =	sld [smem:$0x3FB2]  }
0x2a: {  	p0 =	seq.s32 s5, $0x0;
	s5 =	sld [smem:$0x3FB3]  }
0x2b: {  	s6 =	sld [smem:$0x3FB4]  }
0x2c: {  	s7 =	sld [smem:$0x3FB5]  }
0x2d: {  	s3 =	simm.s32 $0x108;
	s8 =	sld [smem:$0x3FB6]  }
0x2e: {  	s3 =	simm.s32 @!p0 $0x1082;
	s9 =	sld [smem:$0x3FB7]  }
0x2f: {  	lr =	sadd.s32 s0, s3;
	s0 =	sld [smem:$0x3FAE]  }
0x30: {  	s3 =	sld [smem:$0x3FB1]  }
0x31: {  	[smem:$0x3FBA] =	sst s10  }
0x32: {  	s10 =	sld [smem:$0x3FB8];
	_ =	sdelay $0x3  }
0x33: {  	p0 =	seq.s32 s10, $0x1;
	s10 =	sld [smem:$0x3FBA];
	_ =	sdelay $0x3  }
0x34: {  	[smem:$0x3FBA] =	sst s10  }
0x35: {  	s10 =	sld [smem:$0x3FB9];
	_ =	sdelay $0x3  }
0x36: {  	p1 =	seq.s32 s10, $0x1;
	s10 =	sld [smem:$0x3FBA];
	_ =	sdelay $0x3  }
0x37: {  	[smem:$0x3FBA] =	sst s10  }
0x38: {  	s10 =	sld [smem:$0x3FBB]  }
0x39: {  	_ = 	snop;
	(pc) =	sbr.ind lr, $3  }
0x3a: {  	_ = 	snop  }
0x3b: {  	_ = 	snop  }
0x3c: {  	p2 =	seq.s32 s10, $0x1;
	s10 =	sld [smem:$0x3FBA]  }
0x3d: {  	_ =	shalt  }
0x3e: {  	_ =	shalt  }
0x3f: {  	_ =	shalt  }
0x40: {  	_ =	shalt  }
0x41: {  	_ =	shalt  }
0x42: {  	_ =	shalt  }
0x43: {  	_ =	shalt  }
0x44: {  	_ =	shalt  }
0x45: {  	_ =	shalt  }
0x46: {  	_ =	shalt  }
0x47: {  	_ =	shalt  }
0x48: {  	_ =	shalt  }
0x49: {  	_ =	shalt  }
0x4a: {  	_ =	shalt  }
0x4b: {  	_ =	shalt  }
0x4c: {  	_ =	shalt  }
0x4d: {  	_ =	shalt  }
0x4e: {  	_ =	shalt  }
0x4f: {  	_ =	shalt  }
0x50: {  	_ =	shalt  }
0x51: {  	_ =	shalt  }
0x52: {  	_ =	shalt  }
0x53: {  	_ =	shalt  }
0x54: {  	_ =	shalt  }
0x55: {  	_ =	shalt  }
0x56: {  	_ =	shalt  }
0x57: {  	_ =	shalt  }
0x58: {  	_ =	shalt  }
0x59: {  	_ =	shalt  }
0x5a: {  	_ =	shalt  }
0x5b: {  	_ =	shalt  }
0x5c: {  	_ =	shalt  }
0x5d: {  	_ =	shalt  }
0x5e: {  	_ =	shalt  }
0x5f: {  	_ =	shalt  }
0x60: {  	_ =	shalt  }
0x61: {  	_ =	shalt  }
0x62: {  	_ =	shalt  }
0x63: {  	_ =	shalt  }
0x64: {  	_ =	shalt  }
0x65: {  	_ =	shalt  }
0x66: {  	_ =	shalt  }
0x67: {  	_ =	shalt  }
0x68: {  	_ =	shalt  }
0x69: {  	_ =	shalt  }
0x6a: {  	_ =	shalt  }
0x6b: {  	_ =	shalt  }
0x6c: {  	_ =	shalt  }
0x6d: {  	_ =	shalt  }
0x6e: {  	_ =	shalt  }
0x6f: {  	_ =	shalt  }
0x70: {  	_ =	shalt  }
0x71: {  	_ =	shalt  }
0x72: {  	_ =	shalt  }
0x73: {  	_ =	shalt  }
0x74: {  	_ =	shalt  }
0x75: {  	_ =	shalt  }
0x76: {  	_ =	shalt  }
0x77: {  	_ =	shalt  }
0x78: {  	_ =	shalt  }
0x79: {  	_ =	shalt  }
0x7a: {  	_ =	shalt  }
0x7b: {  	_ =	shalt  }
0x7c: {  	_ =	shalt  }
0x7d: {  	_ =	shalt  }
0x7e: {  	_ =	shalt  }
0x7f: {  	_ =	shalt  }
0x80: {  	_ =	shalt  }
0x81: {  	_ =	shalt  }
0x82: {  	_ =	shalt  }
0x83: {  	_ =	shalt  }
0x84: {  	_ =	shalt  }
0x85: {  	_ =	shalt  }
0x86: {  	_ =	shalt  }
0x87: {  	_ =	shalt  }
.Lfunc_end0:
.L_simem_size_0:
called_computation_lowered:
.L_overlay_start_0:
0x88: {  	s2 =	sld [smem:$0x3FD9]  }
0x89: {  	s3 =	sld [smem:$0x3FFE];
	_ =	sdelay $0x1  }
0x8a: {  	s1 =	srdreg.scid  }
0x8b: {  	s0 =	sand.u32 $0x1, s1  }
0x8c: {  	s17 =	sshll.u32 s0, $0xA;
	s2 =	sadd.s32 s3, s2  }
0x8d: {  	s2 =	sadd.s32 s2, s17  }
0x8e: {  	[smem:$0x3FC6] =	sst s2  }
0x8f: {  	_ = 	snop  }
0x90: {  	s2 =	sld [smem:$0x3FD0];
	(tm) =	ssettm $0x1  }
0x91: {  	s18 =	sld [smem:$0x3FFB];
	_ =	sdelay $0x3  }
0x92: {  	_ =	strace s18  }
0x93: {  	s3 =	sld [smem:$0x3FFC];
	_ =	sdelay $0x3  }
0x94: {  	_ =	strace s3  }
0x95: {  	s3 =	sld [smem:$0x3FFD];
	_ =	sdelay $0x3  }
0x96: {  	_ =	strace s3  }
0x97: {  	_ =	strace $0x8FFFFFFF  }
0x98: {  	s19 =	sld [smem:$0x3FDB];
	_ =	sdelay $0x1  }
0x99: {  	s4 =	simm.s32 $_scs_section_size  }
0x9a: {  	s5 =	simm.s32 $_size__tile_overlayer_lowered;
	s6 =	simm.s32 $_tile_overlayer_lowered  }
0x9b: {  	s22 =	simm.s32 $0x1BFF;
	s21 =	sshll.u32 s6, $0x1;
	s3 =	sadd.s32 s4, s19  }
0x9c: {  	s7 =	simm.s32 $0x0;
	s20 =	sshll.u32 s5, $0x1;
	s5 =	sadd.s32 s21, s3  }
0x9d: {  	[timem:s7], [sflag:s22] =	dma.local [hbm:s5], s20  }
0x9e: {  	_ =	swait.ge [sflag:s22], s20  }
0x9f: {  	s4 =	ssub.s32 $0x0, s20;
	[sflag:s22] =	ssyncset.done $0x0  }
0xa0: {  	[sflag:s22] =	ssyncadd.s32 s4;
	_ =	sdelay $0x1  }
0xa1: {  	s23 =	simm.s32 $0x1B8B  }
0xa2: {  	_ =	swait.ge [sflag:s23], $0x1  }
0xa3: {  	[sflag:s23] =	ssyncset.done $0x0  }
0xa4: {  	s25 =	simm.s32 $0x1B8E;
	s24 =	sld [smem:$0x3FFE];
	[sflag:s23] =	ssyncadd.s32 $0xFFFFFFFF  }
0xa5: {  	s26 =	simm.s32 $execute0_lowered;
	[smem:$0x3FD2] =	sst s25  }
0xa6: {  	s5 =	sshll.u32 s26, $0x1;
	_ =	strace $0x80000046;
	[dreg:$0x1] =	wrdreg $0xFFFFFFFF  }
0xa7: {  	s28 =	simm.s32 $_size_execute0_lowered;
	s3 =	sadd.s32 s3, s5;
	[dreg:$0x0] =	wrdreg $0x0  }
0xa8: {  	s5 =	sshll.u32 s28, $0x1;
	[dreg:$0x2] =	wrdreg s3  }
0xa9: {  	[dreg:$0x3] =	wrdreg s5  }
0xaa: {  	[dreg:$0x4] =	wrdreg $0xC0  }
0xab: {  	_ =	task [dreg:s7], $0x5FFFF  }
0xac: {  	[dreg:$0x1] =	wrdreg $0xFFFFFFFF  }
0xad: {  	[dreg:$0x0] =	wrdreg $0x60  }
0xae: {  	[dreg:$0x2] =	wrdreg s24  }
0xaf: {  	[dreg:$0x3] =	wrdreg s2  }
0xb0: {  	[dreg:$0x4] =	wrdreg $0x9  }
0xb1: {  	_ =	task.clear_ibuf [dreg:s7], $0x5FFFF;
	_ =	strace $0x90000046  }
0xb2: {  	s29 =	simm.s32 $0x9;
	_ =	strace $0x80000048  }
0xb3: {  	_ =	swait.ge [sflag:s29], $0x1  }
0xb4: {  	[sflag:s29] =	ssyncadd.s32 $0xFFFFFFFF  }
0xb5: {  	_ =	strace $0x90000048  }
0xb6: {  	_ =	sfence  }
0xb7: {  	s30 =	sld [smem:$0x0];
	_ =	sdelay $0x2  }
0xb8: {  	s31 =	sshll.u32 s1, $0xD;
	s1 =	sshrl.u32 s1, $0x2  }
0xb9: {  	s3 =	sand.u32 $0x4000, s31;
	s1 =	sadd.s32 s1, s30  }
0xba: {  	s0 =	sor.u32 s3, s0;
	s1 =	sshll.u32 s1, $0x11  }
0xbb: {  	s0 =	sor.u32 s1, s0  }
0xbc: {  	s0 =	sadd.s32 $0x8F2B, s0  }
0xbd: {  	[sflag:s0] =	ssyncadd.remote.s32 $0x1  }
0xbe: {  	_ =	sfence.sel $0xFFFF  }
0xbf: {  	[dreg:$0x0] =	wrdreg $0xFFFFFFFF;
	(pc) =	sbr.abs _section_cstart, $3  }
0xc0: {  	[dreg:$0x1] =	wrdreg $0xFFFFFFFF  }
0xc1: {  	_ =	task.clear_ibuf [dreg:s7], $0x2FFFF;
	_ =	strace $0x9FFFFFFF  }
0xc2: {  	(tm) =	ssettm $0x7FFFFFFF  }
0xc3: {  	_ =	shalt  }
tec
execute0_lowered:
.L_overlay_start_1:
0x0: {  	(tag) =	ssettag $0x1  }
0x1: {  	s0 =	rddreg [dreg:$0x0];
	s1 =	srdreg.scid  }
0x2: {  	s2 =	stileid.u32;
	s4 =	rddreg [dreg:$0x1];
	s20 =	simm.s32 $0x3  }
0x3: {  	s28 =	simm.s32 $0x13C00;
	s29 =	simm.s32 $0x14000;
	s30 =	simm.s32 $0x14400  }
0x4: {  	s31 =	simm.s32 $0x14800;
	s7 =	simm.s32 $0x16000;
	s8 =	simm.s32 $0x16400  }
0x5: {  	s9 =	simm.s32 $0x16800;
	s10 =	simm.s32 $0x16C00;
	s11 =	simm.s32 $0x17000  }
0x6: {  	s12 =	simm.s32 $0x17400;
	s13 =	simm.s32 $0x17800;
	s14 =	simm.s32 $0x17C00  }
0x7: {  	s15 =	simm.s32 $0x18000;
	s16 =	simm.s32 $0x18400;
	s17 =	simm.s32 $0x1  }
0x8: {  	s18 =	simm.s32 $0x2;
	s1 =	sand.u32 $0x1, s1;
	s3 =	sshll.u32 s2, $0x1  }
0x9: {  	s21 =	simm.s32 $0x0;
	s2 =	simm.s32 $0x0;
	s5 =	sor.u32 s1, s3  }
0xa: {  	[smem:$0x7FF] =	sst s2;
	s1 =	ssub.s32 $0x2, s1;
	s3 =	sshll.u32 s5, $0x8  }
0xb: {  	_ =	strace $0x80000047;
	s24 =	sshrl.u32 s1, $0x1;
	s5 =	sshll.u32 s5, $0x6  }
0xc: {  	s6 =	sadd.s32 s3, s0;
	s3 =	sadd.s32 $0x2400, s0;
	s0 =	ssub.s32 s1, s24  }
.Ltmp0:
0xd: {  	vm0 =	vmmov $0x1;
	vm1 =	vmmov $0x3;
	vm2 =	vmmov $0x7;
	s26 =	sadd.s32 s4, s5;
	s24 =	simm.s32 $0x13000;
	(pc) =	sbr.rel .LBB2_1-.Ltmp0, $4  }
0xe: {  	vm3 =	vmmov $0xf;
	vm4 =	vmmov $0x1f;
	vm5 =	vmmov $0x3f;
	s1 =	simm.s32 $0x14C00;
	s4 =	simm.s32 $0x15400;
	s5 =	simm.s32 $0x15800  }
0xf: {  	vm6 =	vmmov $0x7f;
	vm7 =	vmmov $0xff;
	vm8 =	vmmov $0x1ff;
	s25 =	sadd.s32 $0x400, s6;
	[dreg:$0x4] =	wrdreg s26;
	s0 =	smax.u32 s0, $0x1  }
0x10: {  	vm9 =	vmmov $0x3ff;
	vm10 =	vmmov $0x7ff;
	vm11 =	vmmov $0xfff;
	s26 =	simm.s32 $0x13800;
	s6 =	simm.s32 $0x15C00;
	[dreg:$0x3] =	wrdreg s25  }
0x11: {  	vm12 =	vmmov $0x1fff;
	vm13 =	vmmov $0x3fff;
	vm14 =	vmmov $0x7fff;
	[dreg:$0x5] =	wrdreg s0;
	s25 =	simm.s32 $0x13400;
	s0 =	simm.s32 $0x15000  }
.LBB2_5:
0x12: {  	s19 =	rddreg [dreg:$0x4];
	s20 =	simm.s32 $0x18800  }
0x13: {  	[hbm4b:s19+s2] =	stream.linear.scatter [tilespmem:s20], [sflag:$0x3], $0x200, $0x38;
	[tilespmem:$0x18A00] =	vst v63  }
0x14: {  	s20 =	simm.s32 $0x3  }
0x15: {  	_ =	swait.ge [sflag:s20], $0x200  }
0x16: {  	s21 =	rddreg [dreg:$0x6]  }
0x17: {  	s23 =	rddreg [dreg:$0x5];
	s21 =	sadd.s32 $0x1, s21  }
0x18: {  	p0 =	sne.s32 s21, s23  }
.Ltmp1:
0x19: {  	_ = 	snop;
	(pc) =	sbr.rel @!p0 .LBB2_6-.Ltmp1, $3  }
0x1a: {  	_ =	sdelay $0x1  }
0x1b: {  	[sflag:s20] =	ssyncset.done $0x0  }
0x1c: {  	[sflag:s20] =	ssyncadd.s32 $0xFFFFFE00  }
.LBB2_1:
0x1d: {  	[dreg:$0x6] =	wrdreg s21  }
0x1e: {  	s19 =	rddreg [dreg:$0x3]  }
0x1f: {  	[tilespmem:s2], [sflag:$0x3] =	stream.linear.gather [hbm4b:s19+s2], $0x600, $0x38;
	[tilespmem:$0x18A00] =	vst v63  }
0x20: {  	_ =	swait.ge [sflag:s20], $0x600  }
0x21: {  	[sflag:s20] =	ssyncset.done $0x0  }
0x22: {  	[sflag:s20] =	ssyncadd.s32 $0xFFFFFA00  }
0x23: {  	v0 =	vld [tilespmem:$0x0];
	_ =	sdelay $0x4  }
0x24: {  	v0 =	vshll.u32 v0, $0x4  }
0x25: {  	(v2sf) =	vpush v0, $0x0;
	_ =	sdelay $0x1  }
0x26: {  	(v2sf) =	vpush v0, $0x1;
	_ =	sdelay $0x1  }
0x27: {  	(v2sf) =	vpush v0, $0x2;
	_ =	sdelay $0x8  }
0x28: {  	(v2sf) =	vpush v0, $0x3;
	_ =	sdelay $0x1  }
0x29: {  	s20 =	spop (v2sf);
	(v2sf) =	vpush v0, $0x4;
	_ =	sdelay $0x1  }
0x2a: {  	s22 =	spop (v2sf);
	(v2sf) =	vpush v0, $0x5;
	_ =	sdelay $0x1  }
0x2b: {  	s19 =	sand.u32 $0xFFFFF80, s20;
	s20 =	spop (v2sf);
	(v2sf) =	vpush v0, $0x6;
	_ =	sdelay $0x2  }
0x2c: {  	s21 =	simm.s32 $0x800;
	s19 =	sadd.s32 s3, s19;
	(v2sf) =	vpush v0, $0x7  }
0x2d: {  	[tilespmem:s21], [sflag:$0x1] =	stream.linear.gather [hbm4b:s19+s2], $0x400, $0x38;
	[tilespmem:$0x18A00] =	vst v63  }
0x2e: {  	s19 =	sand.u32 $0xFFFFF80, s22  }
0x2f: {  	s23 =	simm.s32 $0xC00;
	s19 =	sadd.s32 s3, s19  }
0x30: {  	[tilespmem:s23], [sflag:$0x1] =	stream.linear.gather [hbm4b:s19+s2], $0x400, $0x38;
	[tilespmem:$0x18A00] =	vst v63  }
0x31: {  	s19 =	sand.u32 $0xFFFFF80, s20  }
0x32: {  	s21 =	simm.s32 $0x1000;
	s22 =	spop (v2sf);
	s19 =	sadd.s32 s3, s19  }
0x33: {  	[tilespmem:s21], [sflag:$0x1] =	stream.linear.gather [hbm4b:s19+s2], $0x400, $0x38;
	[tilespmem:$0x18A00] =	vst v63  }
0x34: {  	s20 =	spop (v2sf);
	(v2sf) =	vpush v0, $0x8  }
0x35: {  	s19 =	sand.u32 $0xFFFFF80, s22  }
0x36: {  	s23 =	simm.s32 $0x1400;
	s19 =	sadd.s32 s3, s19;
	s22 =	spop (v2sf);
	(v2sf) =	vpush v0, $0x9  }
0x37: {  	[tilespmem:s23], [sflag:$0x1] =	stream.linear.gather [hbm4b:s19+s2], $0x400, $0x38;
	[tilespmem:$0x18A00] =	vst v63  }
0x38: {  	s19 =	sand.u32 $0xFFFFF80, s20;
	s20 =	spop (v2sf);
	(v2sf) =	vpush v0, $0xA  }
0x39: {  	s21 =	simm.s32 $0x1800;
	s19 =	sadd.s32 s3, s19  }
0x3a: {  	[tilespmem:s21], [sflag:$0x1] =	stream.linear.gather [hbm4b:s19+s2], $0x400, $0x38;
	[tilespmem:$0x18A00] =	vst v63  }
0x3b: {  	s19 =	sand.u32 $0xFFFFF80, s22;
	s22 =	spop (v2sf);
	(v2sf) =	vpush v0, $0xB;
	_ =	sdelay $0x1  }
0x3c: {  	s23 =	simm.s32 $0x1C00;
	s19 =	sadd.s32 s3, s19  }
0x3d: {  	[tilespmem:s23], [sflag:$0x1] =	stream.linear.gather [hbm4b:s19+s2], $0x400, $0x38;
	[tilespmem:$0x18A00] =	vst v63  }
0x3e: {  	s19 =	sand.u32 $0xFFFFF80, s20  }
0x3f: {  	s21 =	simm.s32 $0x2000;
	s19 =	sadd.s32 s3, s19  }
0x40: {  	[tilespmem:s21], [sflag:$0x1] =	stream.linear.gather [hbm4b:s19+s2], $0x400, $0x38;
	[tilespmem:$0x18A00] =	vst v63  }
0x41: {  	s19 =	sand.u32 $0xFFFFF80, s22  }
0x42: {  	s23 =	simm.s32 $0x2400;
	s19 =	sadd.s32 s3, s19;
	s20 =	spop (v2sf);
	(v2sf) =	vpush v0, $0xC  }
0x43: {  	[tilespmem:s23], [sflag:$0x1] =	stream.linear.gather [hbm4b:s19+s2], $0x400, $0x38;
	[tilespmem:$0x18A00] =	vst v63  }
0x44: {  	s22 =	spop (v2sf);
	(v2sf) =	vpush v0, $0xD  }
0x45: {  	s19 =	sand.u32 $0xFFFFF80, s20  }
0x46: {  	s21 =	simm.s32 $0x2800;
	s19 =	sadd.s32 s3, s19;
	s20 =	spop (v2sf)  }
0x47: {  	(v2sf) =	vpush v0, $0xE;
	[tilespmem:s21], [sflag:$0x1] =	stream.linear.gather [hbm4b:s19+s2], $0x400, $0x38;
	[tilespmem:$0x18A00] =	vst v63  }
0x48: {  	s19 =	sand.u32 $0xFFFFF80, s22  }
0x49: {  	s23 =	simm.s32 $0x2C00;
	s22 =	spop (v2sf);
	s19 =	sadd.s32 s3, s19  }
0x4a: {  	(v2sf) =	vpush v0, $0xF;
	[tilespmem:s23], [sflag:$0x1] =	stream.linear.gather [hbm4b:s19+s2], $0x400, $0x38;
	[tilespmem:$0x18A00] =	vst v63  }
0x4b: {  	s19 =	sand.u32 $0xFFFFF80, s20  }
0x4c: {  	s21 =	simm.s32 $0x3000;
	s19 =	sadd.s32 s3, s19  }
0x4d: {  	[tilespmem:s21], [sflag:$0x1] =	stream.linear.gather [hbm4b:s19+s2], $0x400, $0x38;
	[tilespmem:$0x18A00] =	vst v63  }
0x4e: {  	s19 =	sand.u32 $0xFFFFF80, s22  }
0x4f: {  	s23 =	simm.s32 $0x3400;
	s19 =	sadd.s32 s3, s19  }
0x50: {  	[tilespmem:s23], [sflag:$0x1] =	stream.linear.gather [hbm4b:s19+s2], $0x400, $0x38;
	[tilespmem:$0x18A00] =	vst v63  }
0x51: {  	s20 =	spop (v2sf)  }
0x52: {  	s19 =	sand.u32 $0xFFFFF80, s20  }
0x53: {  	s21 =	simm.s32 $0x3800;
	s22 =	spop (v2sf);
	s19 =	sadd.s32 s3, s19  }
0x54: {  	[tilespmem:s21], [sflag:$0x1] =	stream.linear.gather [hbm4b:s19+s2], $0x400, $0x38;
	[tilespmem:$0x18A00] =	vst v63  }
0x55: {  	s19 =	sand.u32 $0xFFFFF80, s22  }
0x56: {  	s23 =	simm.s32 $0x3C00;
	s20 =	spop (v2sf);
	s19 =	sadd.s32 s3, s19  }
0x57: {  	[tilespmem:s23], [sflag:$0x1] =	stream.linear.gather [hbm4b:s19+s2], $0x400, $0x38;
	[tilespmem:$0x18A00] =	vst v63  }
0x58: {  	s19 =	sand.u32 $0xFFFFF80, s20  }
0x59: {  	s21 =	simm.s32 $0x4000;
	s22 =	spop (v2sf);
	s19 =	sadd.s32 s3, s19  }
0x5a: {  	[tilespmem:s21], [sflag:$0x1] =	stream.linear.gather [hbm4b:s19+s2], $0x400, $0x38;
	[tilespmem:$0x18A00] =	vst v63  }
0x5b: {  	s19 =	sand.u32 $0xFFFFF80, s22  }
0x5c: {  	s23 =	simm.s32 $0x4400;
	s19 =	sadd.s32 s3, s19  }
0x5d: {  	[tilespmem:s23], [sflag:$0x1] =	stream.linear.gather [hbm4b:s19+s2], $0x400, $0x38;
	[tilespmem:$0x18A00] =	vst v63  }
0x5e: {  	v62 =	vld [tilespmem:$0x10];
	_ =	sdelay $0x4  }
0x5f: {  	v0 =	vshll.u32 v62, $0x4  }
0x60: {  	(v2sf) =	vpush v0, $0x0;
	_ =	sdelay $0x1  }
0x61: {  	(v2sf) =	vpush v0, $0x1  }
0x62: {  	(v2sf) =	vpush v0, $0x2;
	_ =	sdelay $0x1  }
0x63: {  	(v2sf) =	vpush v0, $0x3;
	_ =	sdelay $0x4  }
0x64: {  	(v2sf) =	vpush v0, $0x4;
	_ =	sdelay $0x4  }
0x65: {  	s20 =	spop (v2sf);
	(v2sf) =	vpush v0, $0x5;
	_ =	sdelay $0x1  }
0x66: {  	s19 =	sand.u32 $0xFFFFF80, s20;
	s22 =	spop (v2sf);
	(v2sf) =	vpush v0, $0x6  }
0x67: {  	s21 =	simm.s32 $0x4800;
	s19 =	sadd.s32 s3, s19;
	s20 =	spop (v2sf)  }
0x68: {  	[tilespmem:s21], [sflag:$0x1] =	stream.linear.gather [hbm4b:s19+s2], $0x400, $0x38;
	[tilespmem:$0x18A00] =	vst v63  }
0x69: {  	s19 =	sand.u32 $0xFFFFF80, s22;
	s22 =	spop (v2sf);
	(v2sf) =	vpush v0, $0x7;
	_ =	sdelay $0x1  }
0x6a: {  	s23 =	simm.s32 $0x4C00;
	s19 =	sadd.s32 s3, s19  }
0x6b: {  	[tilespmem:s23], [sflag:$0x1] =	stream.linear.gather [hbm4b:s19+s2], $0x400, $0x38;
	[tilespmem:$0x18A00] =	vst v63  }
0x6c: {  	s19 =	sand.u32 $0xFFFFF80, s20  }
0x6d: {  	s21 =	simm.s32 $0x5000;
	s20 =	spop (v2sf);
	(v2sf) =	vpush v0, $0x8;
	s19 =	sadd.s32 s3, s19  }
0x6e: {  	[tilespmem:s21], [sflag:$0x1] =	stream.linear.gather [hbm4b:s19+s2], $0x400, $0x38;
	[tilespmem:$0x18A00] =	vst v63  }
0x6f: {  	s19 =	sand.u32 $0xFFFFF80, s22  }
0x70: {  	s23 =	simm.s32 $0x5400;
	s19 =	sadd.s32 s3, s19  }
0x71: {  	[tilespmem:s23], [sflag:$0x1] =	stream.linear.gather [hbm4b:s19+s2], $0x400, $0x38;
	[tilespmem:$0x18A00] =	vst v63  }
0x72: {  	s22 =	spop (v2sf);
	(v2sf) =	vpush v0, $0x9  }
0x73: {  	s19 =	sand.u32 $0xFFFFF80, s20  }
0x74: {  	s21 =	simm.s32 $0x5800;
	s19 =	sadd.s32 s3, s19;
	s20 =	spop (v2sf);
	(v2sf) =	vpush v0, $0xA  }
0x75: {  	[tilespmem:s21], [sflag:$0x1] =	stream.linear.gather [hbm4b:s19+s2], $0x400, $0x38;
	[tilespmem:$0x18A00] =	vst v63  }
0x76: {  	s19 =	sand.u32 $0xFFFFF80, s22  }
0x77: {  	s23 =	simm.s32 $0x5C00;
	s19 =	sadd.s32 s3, s19;
	s22 =	spop (v2sf);
	(v2sf) =	vpush v0, $0xB  }
0x78: {  	[tilespmem:s23], [sflag:$0x1] =	stream.linear.gather [hbm4b:s19+s2], $0x400, $0x38;
	[tilespmem:$0x18A00] =	vst v63  }
0x79: {  	s19 =	sand.u32 $0xFFFFF80, s20  }
0x7a: {  	s21 =	simm.s32 $0x6000;
	s19 =	sadd.s32 s3, s19  }
0x7b: {  	[tilespmem:s21], [sflag:$0x1] =	stream.linear.gather [hbm4b:s19+s2], $0x400, $0x38;
	[tilespmem:$0x18A00] =	vst v63  }
0x7c: {  	s20 =	spop (v2sf);
	(v2sf) =	vpush v0, $0xC  }
0x7d: {  	s19 =	sand.u32 $0xFFFFF80, s22  }
0x7e: {  	s23 =	simm.s32 $0x6400;
	s19 =	sadd.s32 s3, s19  }
0x7f: {  	[tilespmem:s23], [sflag:$0x1] =	stream.linear.gather [hbm4b:s19+s2], $0x400, $0x38;
	[tilespmem:$0x18A00] =	vst v63  }
0x80: {  	s19 =	sand.u32 $0xFFFFF80, s20  }
0x81: {  	s21 =	simm.s32 $0x6800;
	s19 =	sadd.s32 s3, s19;
	s22 =	spop (v2sf);
	(v2sf) =	vpush v0, $0xD  }
0x82: {  	[tilespmem:s21], [sflag:$0x1] =	stream.linear.gather [hbm4b:s19+s2], $0x400, $0x38;
	[tilespmem:$0x18A00] =	vst v63  }
0x83: {  	s19 =	sand.u32 $0xFFFFF80, s22;
	s20 =	spop (v2sf);
	(v2sf) =	vpush v0, $0xE  }
0x84: {  	s23 =	simm.s32 $0x6C00;
	s19 =	sadd.s32 s3, s19  }
0x85: {  	[tilespmem:s23], [sflag:$0x1] =	stream.linear.gather [hbm4b:s19+s2], $0x400, $0x38;
	[tilespmem:$0x18A00] =	vst v63  }
0x86: {  	s22 =	spop (v2sf);
	(v2sf) =	vpush v0, $0xF  }
0x87: {  	s19 =	sand.u32 $0xFFFFF80, s20  }
0x88: {  	s21 =	simm.s32 $0x7000;
	s19 =	sadd.s32 s3, s19  }
0x89: {  	[tilespmem:s21], [sflag:$0x1] =	stream.linear.gather [hbm4b:s19+s2], $0x400, $0x38;
	[tilespmem:$0x18A00] =	vst v63  }
0x8a: {  	s19 =	sand.u32 $0xFFFFF80, s22  }
0x8b: {  	s23 =	simm.s32 $0x7400;
	s20 =	spop (v2sf);
	s19 =	sadd.s32 s3, s19  }
0x8c: {  	[tilespmem:s23], [sflag:$0x1] =	stream.linear.gather [hbm4b:s19+s2], $0x400, $0x38;
	[tilespmem:$0x18A00] =	vst v63  }
0x8d: {  	s19 =	sand.u32 $0xFFFFF80, s20  }
0x8e: {  	s21 =	simm.s32 $0x7800;
	s19 =	sadd.s32 s3, s19  }
0x8f: {  	[tilespmem:s21], [sflag:$0x1] =	stream.linear.gather [hbm4b:s19+s2], $0x400, $0x38;
	[tilespmem:$0x18A00] =	vst v63  }
0x90: {  	s22 =	spop (v2sf)  }
0x91: {  	s19 =	sand.u32 $0xFFFFF80, s22  }
0x92: {  	s23 =	simm.s32 $0x7C00;
	s20 =	spop (v2sf);
	s19 =	sadd.s32 s3, s19  }
0x93: {  	[tilespmem:s23], [sflag:$0x1] =	stream.linear.gather [hbm4b:s19+s2], $0x400, $0x38;
	[tilespmem:$0x18A00] =	vst v63  }
0x94: {  	s19 =	sand.u32 $0xFFFFF80, s20  }
0x95: {  	s21 =	simm.s32 $0x8000;
	s22 =	spop (v2sf);
	s19 =	sadd.s32 s3, s19  }
0x96: {  	[tilespmem:s21], [sflag:$0x1] =	stream.linear.gather [hbm4b:s19+s2], $0x400, $0x38;
	[tilespmem:$0x18A00] =	vst v63  }
0x97: {  	s19 =	sand.u32 $0xFFFFF80, s22  }
0x98: {  	s23 =	simm.s32 $0x8400;
	s19 =	sadd.s32 s3, s19  }
0x99: {  	[tilespmem:s23], [sflag:$0x1] =	stream.linear.gather [hbm4b:s19+s2], $0x400, $0x38;
	[tilespmem:$0x18A00] =	vst v63  }
0x9a: {  	v63 =	vld [tilespmem:$0x20];
	_ =	sdelay $0x4  }
0x9b: {  	v0 =	vshll.u32 v63, $0x4  }
0x9c: {  	(v2sf) =	vpush v0, $0x0;
	_ =	sdelay $0x2  }
0x9d: {  	(v2sf) =	vpush v0, $0x1  }
0x9e: {  	(v2sf) =	vpush v0, $0x2;
	_ =	sdelay $0x2  }
0x9f: {  	(v2sf) =	vpush v0, $0x3;
	_ =	sdelay $0x1  }
0xa0: {  	(v2sf) =	vpush v0, $0x4;
	_ =	sdelay $0x5  }
0xa1: {  	s20 =	spop (v2sf);
	(v2sf) =	vpush v0, $0x5;
	_ =	sdelay $0x2  }
0xa2: {  	s19 =	sand.u32 $0xFFFFF80, s20;
	s22 =	spop (v2sf)  }
0xa3: {  	s21 =	simm.s32 $0x8800;
	s19 =	sadd.s32 s3, s19;
	s20 =	spop (v2sf)  }
0xa4: {  	(v2sf) =	vpush v0, $0x6;
	[tilespmem:s21], [sflag:$0x1] =	stream.linear.gather [hbm4b:s19+s2], $0x400, $0x38;
	[tilespmem:$0x18A00] =	vst v63  }
0xa5: {  	s19 =	sand.u32 $0xFFFFF80, s22  }
0xa6: {  	s23 =	simm.s32 $0x8C00;
	s22 =	spop (v2sf);
	s19 =	sadd.s32 s3, s19  }
0xa7: {  	(v2sf) =	vpush v0, $0x7;
	[tilespmem:s23], [sflag:$0x1] =	stream.linear.gather [hbm4b:s19+s2], $0x400, $0x38;
	[tilespmem:$0x18A00] =	vst v63  }
0xa8: {  	s19 =	sand.u32 $0xFFFFF80, s20;
	s20 =	spop (v2sf);
	(v2sf) =	vpush v0, $0x8;
	_ =	sdelay $0x2  }
0xa9: {  	s21 =	simm.s32 $0x9000;
	s19 =	sadd.s32 s3, s19  }
0xaa: {  	[tilespmem:s21], [sflag:$0x1] =	stream.linear.gather [hbm4b:s19+s2], $0x400, $0x38;
	[tilespmem:$0x18A00] =	vst v63  }
0xab: {  	s19 =	sand.u32 $0xFFFFF80, s22  }
0xac: {  	s23 =	simm.s32 $0x9400;
	s19 =	sadd.s32 s3, s19;
	s22 =	spop (v2sf);
	(v2sf) =	vpush v0, $0x9  }
0xad: {  	[tilespmem:s23], [sflag:$0x1] =	stream.linear.gather [hbm4b:s19+s2], $0x400, $0x38;
	[tilespmem:$0x18A00] =	vst v63  }
0xae: {  	s19 =	sand.u32 $0xFFFFF80, s20  }
0xaf: {  	s21 =	simm.s32 $0x9800;
	s19 =	sadd.s32 s3, s19;
	(v2sf) =	vpush v0, $0xA  }
0xb0: {  	[tilespmem:s21], [sflag:$0x1] =	stream.linear.gather [hbm4b:s19+s2], $0x400, $0x38;
	[tilespmem:$0x18A00] =	vst v63  }
0xb1: {  	s19 =	sand.u32 $0xFFFFF80, s22;
	s20 =	spop (v2sf);
	(v2sf) =	vpush v0, $0xB  }
0xb2: {  	s23 =	simm.s32 $0x9C00;
	s19 =	sadd.s32 s3, s19  }
0xb3: {  	[tilespmem:s23], [sflag:$0x1] =	stream.linear.gather [hbm4b:s19+s2], $0x400, $0x38;
	[tilespmem:$0x18A00] =	vst v63  }
0xb4: {  	s19 =	sand.u32 $0xFFFFF80, s20;
	s22 =	spop (v2sf);
	(v2sf) =	vpush v0, $0xC  }
0xb5: {  	s21 =	simm.s32 $0xA000;
	s19 =	sadd.s32 s3, s19;
	s20 =	spop (v2sf);
	(v2sf) =	vpush v0, $0xD  }
0xb6: {  	[tilespmem:s21], [sflag:$0x1] =	stream.linear.gather [hbm4b:s19+s2], $0x400, $0x38;
	[tilespmem:$0x18A00] =	vst v63  }
0xb7: {  	s19 =	sand.u32 $0xFFFFF80, s22  }
0xb8: {  	s23 =	simm.s32 $0xA400;
	s19 =	sadd.s32 s3, s19  }
0xb9: {  	[tilespmem:s23], [sflag:$0x1] =	stream.linear.gather [hbm4b:s19+s2], $0x400, $0x38;
	[tilespmem:$0x18A00] =	vst v63  }
0xba: {  	s19 =	sand.u32 $0xFFFFF80, s20  }
0xbb: {  	s21 =	simm.s32 $0xA800;
	s19 =	sadd.s32 s3, s19;
	s22 =	spop (v2sf);
	(v2sf) =	vpush v0, $0xE  }
0xbc: {  	[tilespmem:s21], [sflag:$0x1] =	stream.linear.gather [hbm4b:s19+s2], $0x400, $0x38;
	[tilespmem:$0x18A00] =	vst v63  }
0xbd: {  	s19 =	sand.u32 $0xFFFFF80, s22  }
0xbe: {  	s23 =	simm.s32 $0xAC00;
	s21 =	spop (v2sf);
	s19 =	sadd.s32 s3, s19  }
0xbf: {  	(v2sf) =	vpush v0, $0xF;
	[tilespmem:s23], [sflag:$0x1] =	stream.linear.gather [hbm4b:s19+s2], $0x400, $0x38;
	[tilespmem:$0x18A00] =	vst v63  }
0xc0: {  	s22 =	spop (v2sf);
	s19 =	sand.u32 $0xFFFFF80, s21  }
0xc1: {  	s23 =	simm.s32 $0xB000;
	s21 =	sand.u32 $0xFFFFF80, s22;
	s19 =	sadd.s32 s3, s19  }
0xc2: {  	[tilespmem:s23], [sflag:$0x1] =	stream.linear.gather [hbm4b:s19+s2], $0x400, $0x38;
	[tilespmem:$0x18A00] =	vst v63  }
0xc3: {  	s22 =	spop (v2sf);
	s19 =	sadd.s32 s3, s21  }
0xc4: {  	s23 =	simm.s32 $0xB400;
	s21 =	sand.u32 $0xFFFFF80, s22;
	s22 =	spop (v2sf)  }
0xc5: {  	[tilespmem:s23], [sflag:$0x1] =	stream.linear.gather [hbm4b:s19+s2], $0x400, $0x38;
	[tilespmem:$0x18A00] =	vst v63  }
0xc6: {  	s19 =	sadd.s32 s3, s21;
	s23 =	simm.s32 $0xB800;
	s21 =	sand.u32 $0xFFFFF80, s22  }
0xc7: {  	[tilespmem:s23], [sflag:$0x1] =	stream.linear.gather [hbm4b:s19+s2], $0x400, $0x38;
	[tilespmem:$0x18A00] =	vst v63  }
0xc8: {  	s19 =	sadd.s32 s3, s21;
	s23 =	simm.s32 $0xBC00  }
0xc9: {  	[tilespmem:s23], [sflag:$0x1] =	stream.linear.gather [hbm4b:s19+s2], $0x400, $0x38;
	[tilespmem:$0x18A00] =	vst v63  }
0xca: {  	s22 =	spop (v2sf)  }
0xcb: {  	s20 =	sand.u32 $0xFFFFF80, s22  }
0xcc: {  	s21 =	simm.s32 $0xC000;
	s19 =	sadd.s32 s3, s20  }
0xcd: {  	[tilespmem:s21], [sflag:$0x1] =	stream.linear.gather [hbm4b:s19+s2], $0x400, $0x38;
	[tilespmem:$0x18A00] =	vst v63  }
.Ltmp2:
0xce: {  	s22 =	spop (v2sf);
	(pc) =	sbr.rel .LBB2_2-.Ltmp2, $4  }
0xcf: {  	s19 =	sand.u32 $0xFFFFF80, s22  }
0xd0: {  	s23 =	simm.s32 $0xC400;
	s19 =	sadd.s32 s3, s19  }
0xd1: {  	[tilespmem:s23], [sflag:$0x1] =	stream.linear.gather [hbm4b:s19+s2], $0x400, $0x38;
	[tilespmem:$0x18A00] =	vst v63  }
0xd2: {  	s20 =	simm.s32 $0x40;
	s21 =	simm.s32 $0x0;
	s19 =	simm.s32 $0x18810  }
.LBB2_4:
0xd3: {  	_ =	swait.ge [sflag:s18], $0xC000  }
0xd4: {  	[sflag:s18] =	ssyncset.done $0x0  }
0xd5: {  	[sflag:s18] =	ssyncadd.s32 $0xFFFF4000  }
0xd6: {  	v0 =	vld [tilespmem:s20+$0xFFFFFFF0];
	_ =	sdelay $0x4  }
0xd7: {  	v0 =	vshll.u32 v0, $0x7  }
0xd8: {  	(v2sf) =	vpush v0, $0x0  }
0xd9: {  	(v2sf) =	vpush v0, $0x1  }
0xda: {  	(v2sf) =	vpush v0, $0x2  }
0xdb: {  	(v2sf) =	vpush v0, $0x3  }
0xdc: {  	(v2sf) =	vpush v0, $0x4  }
0xdd: {  	(v2sf) =	vpush v0, $0x5  }
0xde: {  	(v2sf) =	vpush v0, $0x6  }
0xdf: {  	(v2sf) =	vpush v0, $0x7  }
0xe0: {  	(v2sf) =	vpush v0, $0x8  }
0xe1: {  	(v2sf) =	vpush v0, $0x9  }
0xe2: {  	v1 =	vld [tilespmem:s20+$0x0];
	(v2sf) =	vpush v0, $0xA  }
0xe3: {  	(v2sf) =	vpush v0, $0xB  }
0xe4: {  	(v2sf) =	vpush v0, $0xC  }
0xe5: {  	(v2sf) =	vpush v0, $0xD  }
0xe6: {  	(v2sf) =	vpush v0, $0xE  }
0xe7: {  	v28 =	vshll.u32 v1, $0x7;
	s22 =	spop (v2sf);
	(v2sf) =	vpush v0, $0xF  }
0xe8: {  	v29 =	vld [tilespmem:s20+$0x10];
	s22 =	sand.u32 $0x380, s22;
	s23 =	spop (v2sf);
	(v2sf) =	vpush v28, $0x0  }
0xe9: {  	v2 =	vld [tilespmem:s22+$0xC800];
	s22 =	sand.u32 $0x380, s23;
	s23 =	spop (v2sf);
	(v2sf) =	vpush v28, $0x1  }
0xea: {  	v3 =	vld [tilespmem:s22+$0xCC00];
	s22 =	sand.u32 $0x380, s23;
	s23 =	spop (v2sf);
	(v2sf) =	vpush v28, $0x2  }
0xeb: {  	v4 =	vld [tilespmem:s22+$0xD000];
	s22 =	sand.u32 $0x380, s23;
	s23 =	spop (v2sf);
	(v2sf) =	vpush v28, $0x3  }
0xec: {  	v5 =	vld [tilespmem:s22+$0xD400];
	s22 =	sand.u32 $0x380, s23;
	s23 =	spop (v2sf);
	(v2sf) =	vpush v28, $0x4  }
0xed: {  	v6 =	vld [tilespmem:s22+$0xD800];
	s22 =	sand.u32 $0x380, s23;
	s23 =	spop (v2sf);
	(v2sf) =	vpush v28, $0x5  }
0xee: {  	v7 =	vld [tilespmem:s22+$0xDC00];
	s22 =	sand.u32 $0x380, s23;
	s23 =	spop (v2sf);
	(v2sf) =	vpush v28, $0x6  }
0xef: {  	v8 =	vld [tilespmem:s22+$0xE000];
	s22 =	sand.u32 $0x380, s23;
	s23 =	spop (v2sf);
	(v2sf) =	vpush v28, $0x7  }
0xf0: {  	v9 =	vld [tilespmem:s22+$0xE400];
	s22 =	sand.u32 $0x380, s23;
	s23 =	spop (v2sf);
	(v2sf) =	vpush v28, $0x8  }
0xf1: {  	v10 =	vld [tilespmem:s22+$0xE800];
	s22 =	sand.u32 $0x380, s23;
	s23 =	spop (v2sf);
	(v2sf) =	vpush v28, $0x9  }
0xf2: {  	v11 =	vld [tilespmem:s22+$0xEC00];
	s22 =	sand.u32 $0x380, s23;
	s23 =	spop (v2sf);
	(v2sf) =	vpush v28, $0xA  }
0xf3: {  	v12 =	vld [tilespmem:s22+$0xF000];
	s22 =	sand.u32 $0x380, s23;
	s23 =	spop (v2sf);
	(v2sf) =	vpush v28, $0xB  }
0xf4: {  	v13 =	vld [tilespmem:s22+$0xF400];
	s22 =	sand.u32 $0x380, s23;
	s23 =	spop (v2sf);
	(v2sf) =	vpush v28, $0xC  }
0xf5: {  	v14 =	vld [tilespmem:s22+$0xF800];
	s22 =	sand.u32 $0x380, s23;
	s23 =	spop (v2sf);
	(v2sf) =	vpush v28, $0xD  }
0xf6: {  	v15 =	vld [tilespmem:s22+$0xFC00];
	s22 =	sand.u32 $0x380, s23;
	s23 =	spop (v2sf);
	(v2sf) =	vpush v28, $0xE  }
0xf7: {  	v30 =	vshll.u32 v29, $0x7;
	v16 =	vld [tilespmem:s22+$0x10000];
	s22 =	sand.u32 $0x380, s23;
	s23 =	spop (v2sf);
	(v2sf) =	vpush v28, $0xF  }
0xf8: {  	v32 =	vld [tilespmem:s22+$0x10400];
	s22 =	sand.u32 $0x380, s23;
	s23 =	spop (v2sf);
	(v2sf) =	vpush v30, $0x0  }
0xf9: {  	v33 =	vld [tilespmem:s22+$0x10800];
	s22 =	sand.u32 $0x380, s23;
	s23 =	spop (v2sf);
	(v2sf) =	vpush v30, $0x1  }
0xfa: {  	v17 =	vld [tilespmem:s22+$0x10C00];
	s22 =	sand.u32 $0x380, s23;
	s23 =	spop (v2sf);
	(v2sf) =	vpush v30, $0x2  }
0xfb: {  	v18 =	vld [tilespmem:s22+$0x11000];
	s22 =	sand.u32 $0x380, s23;
	s23 =	spop (v2sf);
	(v2sf) =	vpush v30, $0x3  }
0xfc: {  	v19 =	vld [tilespmem:s22+$0x11400];
	s22 =	sand.u32 $0x380, s23;
	s23 =	spop (v2sf);
	(v2sf) =	vpush v30, $0x4  }
0xfd: {  	v34 =	vld [tilespmem:s22+$0x11800];
	s22 =	sand.u32 $0x380, s23;
	s23 =	spop (v2sf);
	(v2sf) =	vpush v30, $0x5  }
0xfe: {  	v31 =	vsub.f32 v2, v3;
	v20 =	vld [tilespmem:s22+$0x11C00];
	s22 =	sand.u32 $0x380, s23;
	s23 =	spop (v2sf);
	(v2sf) =	vpush v30, $0x6  }
0xff: {  	v2 =	vsub.f32 v2, v4;
	v35 =	vld [tilespmem:s22+$0x12000];
	s22 =	sand.u32 $0x380, s23;
	s23 =	spop (v2sf);
	(v2sf) =	vpush v30, $0x7  }
0x100: {  	v1 =	vmul.f32 v31, v31;
	v21 =	vld [tilespmem:s22+$0x12400];
	s22 =	sand.u32 $0x380, s23;
	s23 =	spop (v2sf);
	(v2sf) =	vpush v30, $0x8  }
0x101: {  	v2 =	vmul.f32 v2, v2;
	v6 =	vsub.f32 v5, v6;
	v36 =	vld [tilespmem:s22+$0x12800];
	s22 =	sand.u32 $0x380, s23;
	s23 =	spop (v2sf);
	(v2sf) =	vpush v30, $0x9  }
0x102: {  	v5 =	vsub.f32 v5, v7;
	v22 =	vld [tilespmem:s22+$0x12C00];
	s22 =	sand.u32 $0x380, s23;
	s23 =	spop (v2sf);
	(v2sf) =	vpush v30, $0xA  }
0x103: {  	v1 =	vsub.f32 v1, v2;
	v37 =	vld [tilespmem:s22+$0x13000];
	s22 =	sand.u32 $0x380, s23;
	s23 =	spop (v2sf);
	(v2sf) =	vpush v30, $0xB  }
0x104: {  	v6 =	vmul.f32 v6, v6;
	v9 =	vsub.f32 v8, v9;
	v23 =	vld [tilespmem:s22+$0x13400];
	s22 =	sand.u32 $0x380, s23;
	s23 =	spop (v2sf);
	(v2sf) =	vpush v30, $0xC  }
0x105: {  	v5 =	vmul.f32 v5, v5;
	v8 =	vsub.f32 v8, v10;
	v38 =	vld [tilespmem:s22+$0x13800];
	s22 =	sand.u32 $0x380, s23;
	s23 =	spop (v2sf);
	(v2sf) =	vpush v30, $0xD  }
0x106: {  	v9 =	vmul.f32 v9, v9;
	v12 =	vsub.f32 v11, v12;
	v24 =	vld [tilespmem:s22+$0x13C00];
	s22 =	sand.u32 $0x380, s23;
	s23 =	spop (v2sf);
	(v2sf) =	vpush v30, $0xE  }
0x107: {  	v8 =	vmul.f32 v8, v8;
	v11 =	vsub.f32 v11, v13;
	v39 =	vld [tilespmem:s22+$0x14000];
	s22 =	sand.u32 $0x380, s23;
	s23 =	spop (v2sf);
	(v2sf) =	vpush v30, $0xF  }
0x108: {  	v5 =	vsub.f32 v6, v5;
	v12 =	vmul.f32 v12, v12;
	v15 =	vsub.f32 v14, v15;
	v40 =	vld [tilespmem:s22+$0x14400];
	s22 =	spop (v2sf);
	s23 =	sand.u32 $0x380, s23  }
0x109: {  	v8 =	vsub.f32 v9, v8;
	v11 =	vmul.f32 v11, v11;
	v14 =	vsub.f32 v14, v16;
	v41 =	vld [tilespmem:s23+$0x14800];
	s23 =	spop (v2sf);
	s22 =	sand.u32 $0x380, s22  }
0x10a: {  	v15 =	vmul.f32 v15, v15;
	v4 =	vsub.f32 v32, v33;
	v3 =	vsub.f32 v32, v17;
	v42 =	vld [tilespmem:s22+$0x14C00];
	s22 =	spop (v2sf);
	s23 =	sand.u32 $0x380, s23  }
0x10b: {  	v14 =	vmul.f32 v14, v14;
	v19 =	vsub.f32 v18, v19;
	v2 =	vsub.f32 v18, v34;
	v43 =	vld [tilespmem:s23+$0x15000];
	s23 =	spop (v2sf);
	s22 =	sand.u32 $0x380, s22  }
0x10c: {  	v11 =	vsub.f32 v12, v11;
	v4 =	vmul.f32 v4, v4;
	v3 =	vmul.f32 v3, v3;
	v45 =	vld [tilespmem:s22+$0x15400];
	s22 =	spop (v2sf);
	s23 =	sand.u32 $0x380, s23  }
0x10d: {  	v19 =	vmul.f32 v19, v19;
	v2 =	vmul.f32 v2, v2;
	v7 =	vsub.f32 v20, v35;
	v46 =	vld [tilespmem:s23+$0x15800];
	s23 =	spop (v2sf);
	s22 =	sand.u32 $0x380, s22  }
0x10e: {  	v44 =	vsub.f32 v15, v14;
	v47 =	vsub.f32 v20, v21;
	v48 =	vld [tilespmem:s22+$0x15C00];
	s22 =	spop (v2sf);
	s23 =	sand.u32 $0x380, s23  }
0x10f: {  	v3 =	vsub.f32 v4, v3;
	v2 =	vsub.f32 v19, v2;
	v7 =	vmul.f32 v7, v7;
	v50 =	vld [tilespmem:s23+$0x16000];
	s23 =	spop (v2sf);
	s22 =	sand.u32 $0x380, s22  }
0x110: {  	v49 =	vsub.f32 v36, v22;
	v15 =	vmul.f32 v47, v47;
	v10 =	vsub.f32 v36, v37;
	v52 =	vld [tilespmem:s22+$0x16400];
	s22 =	spop (v2sf);
	s23 =	sand.u32 $0x380, s23  }
0x111: {  	(xrf2) =	vadd.scan.msk.f32 $0xffff, v1;
	v16 =	vsub.f32 v23, v38;
	v51 =	vsub.f32 v23, v24;
	v53 =	vld [tilespmem:s23+$0x16800];
	s23 =	spop (v2sf);
	s22 =	sand.u32 $0x380, s22  }
0x112: {  	(xrf2) =	vadd.scan.msk.f32 $0xffff, v5;
	v56 =	vmul.f32 v49, v49;
	v7 =	vsub.f32 v7, v15;
	v10 =	vmul.f32 v10, v10;
	v55 =	vld [tilespmem:s22+$0x16C00];
	s22 =	spop (v2sf);
	s23 =	sand.u32 $0x380, s23  }
0x113: {  	(xrf2) =	vadd.scan.msk.f32 $0xffff, v8;
	v58 =	vmul.f32 v16, v16;
	v0 =	vsub.f32 v39, v40;
	v59 =	vmul.f32 v51, v51;
	v57 =	vld [tilespmem:s23+$0x17000];
	s23 =	spop (v2sf);
	s22 =	sand.u32 $0x380, s22  }
0x114: {  	v10 =	vsub.f32 v56, v10;
	v54 =	vsub.f32 v39, v41;
	v60 =	vld [tilespmem:s22+$0x17400];
	s22 =	spop (v2sf);
	s23 =	sand.u32 $0x380, s23  }
0x115: {  	(xrf2) =	vadd.scan.msk.f32 $0xffff, v11;
	v0 =	vmul.f32 v0, v0;
	v61 =	vsub.f32 v58, v59;
	v9 =	vsub.f32 v42, v43;
	v62 =	vld [tilespmem:s23+$0x17800];
	s23 =	spop (v2sf);
	s22 =	sand.u32 $0x380, s22  }
0x116: {  	(xrf2) =	vadd.scan.msk.f32 $0xffff, v44;
	v5 =	vmul.f32 v54, v54;
	v63 =	vsub.f32 v42, v45;
	v21 =	vsub.f32 v46, v48;
	v16 =	vld [tilespmem:s22+$0x17C00];
	s22 =	sand.u32 $0x380, s23;
	s23 =	spop (v2sf)  }
0x117: {  	(xrf2) =	vadd.scan.msk.f32 $0xffff, v3;
	v9 =	vmul.f32 v9, v9;
	v4 =	vsub.f32 v46, v50;
	v1 =	vsub.f32 v52, v53;
	v20 =	vld [tilespmem:s22+$0x18000];
	s23 =	sand.u32 $0x380, s23  }
0x118: {  	(xrf2) =	vadd.scan.msk.f32 $0xffff, v2;
	v23 =	vmul.f32 v63, v63;
	v3 =	vmul.f32 v21, v21;
	v24 =	vsub.f32 v52, v55;
	v25 =	vld [tilespmem:s23+$0x18400]  }
0x119: {  	(xrf2) =	vadd.scan.msk.f32 $0xffff, v7;
	v0 =	vsub.f32 v0, v5;
	v4 =	vmul.f32 v4, v4;
	v1 =	vmul.f32 v1, v1  }
0x11a: {  	(xrf2) =	vadd.scan.msk.f32 $0xffff, v10;
	v26 =	vsub.f32 v57, v60;
	v5 =	vmul.f32 v24, v24;
	v8 =	vsub.f32 v57, v62  }
0x11b: {  	v27, _, _ =	vpop (xrf2);
	(xrf2) =	vadd.scan.msk.f32 $0xffff, v61;
	v2 =	vsub.f32 v9, v23;
	v3 =	vsub.f32 v3, v4  }
0x11c: {  	v29, _, _ =	vpop (xrf2);
	(xrf2) =	vadd.scan.msk.f32 $0xffff, v0;
	v28 =	vsub.f32 v1, v5;
	v30 =	vmul.f32 v26, v26;
	v31 =	vmul.f32 v8, v8  }
0x11d: {  	v32 =	vbroadcast v27, $0xF;
	v34, _, _ =	vpop (xrf2);
	(xrf2) =	vadd.scan.msk.f32 $0xffff, v2;
	v33 =	vsub.f32 v16, v20;
	v6 =	vsub.f32 v16, v25  }
0x11e: {  	v35 =	vbroadcast v34, $0xF;
	(xrf2) =	vadd.scan.msk.f32 $0xffff, v3;
	v1 =	vbroadcast v29, $0xF;
	v5 =	vsub.f32 v30, v31  }
0x11f: {  	v36, _, _ =	vpop (xrf2);
	(xrf2) =	vadd.scan.msk.f32 $0xffff, v28;
	v37 =	vmul.f32 v33, v33;
	v38 =	vmul.f32 v6, v6  }
0x120: {  	v40, _, _ =	vpop (xrf2);
	v39 =	vbroadcast v36, $0xF;
	v1 =	vsel vm0, v32, v1;
	(xrf2) =	vadd.scan.msk.f32 $0xffff, v5  }
0x121: {  	v41, _, _ =	vpop (xrf2);
	v42 =	vbroadcast v40, $0xF;
	v1 =	vsel vm1, v1, v35;
	v0 =	vsub.f32 v37, v38  }
0x122: {  	v44 =	vbroadcast v41, $0xF;
	v43, _, _ =	vpop (xrf2);
	v1 =	vsel vm2, v1, v39  }
0x123: {  	v45 =	vbroadcast v43, $0xF;
	v46, _, _ =	vpop (xrf2);
	v1 =	vsel vm3, v1, v42;
	(xrf2) =	vadd.scan.msk.f32 $0xffff, v0  }
0x124: {  	v48 =	vbroadcast v46, $0xF;
	v47, _, _ =	vpop (xrf2);
	v1 =	vsel vm4, v1, v44  }
0x125: {  	v49, _, _ =	vpop (xrf2);
	v1 =	vsel vm5, v1, v45;
	v0 =	vbroadcast v47, $0xF  }
0x126: {  	v51 =	vbroadcast v49, $0xF;
	v50, _, _ =	vpop (xrf2);
	v1 =	vsel vm6, v1, v48  }
0x127: {  	v53 =	vbroadcast v50, $0xF;
	v52, _, _ =	vpop (xrf2);
	v0 =	vsel vm7, v1, v0  }
0x128: {  	v55 =	vbroadcast v52, $0xF;
	v54, _, _ =	vpop (xrf2);
	v0 =	vsel vm8, v0, v51  }
0x129: {  	v57 =	vbroadcast v54, $0xF;
	v56, _, _ =	vpop (xrf2);
	v0 =	vsel vm9, v0, v53  }
0x12a: {  	v0 =	vsel vm10, v0, v55;
	v59 =	vbroadcast v56, $0xF;
	v58, _, _ =	vpop (xrf2)  }
0x12b: {  	v0 =	vsel vm11, v0, v57;
	v60 =	vbroadcast v58, $0xF  }
0x12c: {  	v0 =	vsel vm12, v0, v59  }
0x12d: {  	v0 =	vsel vm13, v0, v60;
	v61, _, _ =	vpop (xrf2)  }
0x12e: {  	v0 =	vsel vm14, v0, v61  }
0x12f: {  	v0 =	vmul.f32 $1.442695020e+00, v0;
	_ =	sdelay $0x1  }
0x130: {  	(erf) = vpow2.f32 v0;
	_ =	sdelay $0x8  }
0x131: {  	v0 =	vpop (erf)  }
0x132: {  	v0 =	vadd.f32 $1.000000000e+00, v0;
	_ =	sdelay $0x1  }
0x133: {  	v62 =	vand.u32 $0x7FFFFF, v0  }
0x134: {  	v1 =	vor.u32 $0x3F800000, v62  }
0x135: {  	v1 =	vadd.f32 $-1.000000000e+00, v1;
	_ =	sdelay $0x1  }
0x136: {  	v63 =	vmul.f32 $-2.482560650e-02, v1;
	_ =	sdelay $0x1  }
0x137: {  	v2 =	vadd.f32 $1.179051850e-01, v63;
	_ =	sdelay $0x1  }
0x138: {  	v2 =	vmul.f32 v2, v1;
	_ =	sdelay $0x1  }
0x139: {  	v2 =	vadd.f32 $-2.723531720e-01, v2;
	_ =	sdelay $0x1  }
0x13a: {  	v2 =	vmul.f32 v2, v1;
	_ =	sdelay $0x1  }
0x13b: {  	v2 =	vadd.f32 $4.538562300e-01, v2;
	_ =	sdelay $0x1  }
0x13c: {  	v2 =	vmul.f32 v2, v1;
	_ =	sdelay $0x1  }
0x13d: {  	v2 =	vadd.f32 $-7.169868950e-01, v2;
	_ =	sdelay $0x1  }
0x13e: {  	v2 =	vmul.f32 v2, v1;
	_ =	sdelay $0x1  }
0x13f: {  	v2 =	vadd.f32 $1.442395450e+00, v2;
	_ =	sdelay $0x1  }
0x140: {  	v0 =	vshra.s32 v0, $0x17;
	v1 =	vmul.f32 v2, v1  }
0x141: {  	v0 =	vadd.s32 $0xFFFFFF81, v0  }
0x142: {  	s21 =	sadd.s32 $0x60, s21;
	v0 =	vcvt.s32.f32 v0;
	v1 =	vadd.f32 $5.065332970e-06, v1  }
0x143: {  	p0 =	sne.s32 s21, $0x600  }
.Ltmp3:
0x144: {  	v0 =	vadd.f32 v0, v1;
	(pc) =	sbr.rel @!p0 .LBB2_5-.Ltmp3, $3  }
0x145: {  	_ = 	snop  }
0x146: {  	v0 =	vmul.f32 $6.931471820e-01, v0;
	_ =	sdelay $0x1  }
0x147: {  	s20 =	sadd.s32 $0x60, s20;
	[tilespmem:s19+$0x0] =	vst v0;
	s19 =	sadd.s32 $0x20, s19  }
.LBB2_2:
0x148: {  	v0 =	vld [tilespmem:s20+$0xFFFFFFF0];
	_ =	sdelay $0x4  }
0x149: {  	v0 =	vshll.u32 v0, $0x4  }
0x14a: {  	(v2sf) =	vpush v0, $0x0;
	_ =	sdelay $0x3  }
0x14b: {  	(v2sf) =	vpush v0, $0x1;
	_ =	sdelay $0x3  }
0x14c: {  	(v2sf) =	vpush v0, $0x2;
	_ =	sdelay $0x3  }
0x14d: {  	(v2sf) =	vpush v0, $0x3;
	_ =	sdelay $0x2  }
0x14e: {  	s22 =	spop (v2sf)  }
0x14f: {  	(v2sf) =	vpush v0, $0x4;
	s22 =	sand.u32 $0xFFFFF80, s22  }
0x150: {  	s23 =	simm.s32 $0xC800;
	s22 =	sadd.s32 s3, s22  }
0x151: {  	[tilespmem:s23], [sflag:$0x2] =	stream.linear.gather [hbm4b:s22+s2], $0x400, $0x38;
	[tilespmem:$0x18A00] =	vst v63  }
0x152: {  	s23 =	spop (v2sf)  }
0x153: {  	(v2sf) =	vpush v0, $0x5;
	s22 =	sand.u32 $0xFFFFF80, s23  }
0x154: {  	s23 =	simm.s32 $0xCC00;
	s22 =	sadd.s32 s3, s22  }
0x155: {  	[tilespmem:s23], [sflag:$0x2] =	stream.linear.gather [hbm4b:s22+s2], $0x400, $0x38;
	[tilespmem:$0x18A00] =	vst v63  }
0x156: {  	s23 =	spop (v2sf)  }
0x157: {  	(v2sf) =	vpush v0, $0x6;
	s22 =	sand.u32 $0xFFFFF80, s23  }
0x158: {  	s23 =	simm.s32 $0xD000;
	s22 =	sadd.s32 s3, s22  }
0x159: {  	[tilespmem:s23], [sflag:$0x2] =	stream.linear.gather [hbm4b:s22+s2], $0x400, $0x38;
	[tilespmem:$0x18A00] =	vst v63  }
0x15a: {  	s23 =	spop (v2sf)  }
0x15b: {  	(v2sf) =	vpush v0, $0x7;
	s22 =	sand.u32 $0xFFFFF80, s23  }
0x15c: {  	s23 =	simm.s32 $0xD400;
	s22 =	sadd.s32 s3, s22  }
0x15d: {  	[tilespmem:s23], [sflag:$0x2] =	stream.linear.gather [hbm4b:s22+s2], $0x400, $0x38;
	[tilespmem:$0x18A00] =	vst v63  }
0x15e: {  	s23 =	spop (v2sf)  }
0x15f: {  	(v2sf) =	vpush v0, $0x8;
	s22 =	sand.u32 $0xFFFFF80, s23  }
0x160: {  	s23 =	simm.s32 $0xD800;
	s22 =	sadd.s32 s3, s22  }
0x161: {  	[tilespmem:s23], [sflag:$0x2] =	stream.linear.gather [hbm4b:s22+s2], $0x400, $0x38;
	[tilespmem:$0x18A00] =	vst v63  }
0x162: {  	s23 =	spop (v2sf)  }
0x163: {  	(v2sf) =	vpush v0, $0x9;
	s22 =	sand.u32 $0xFFFFF80, s23  }
0x164: {  	s23 =	simm.s32 $0xDC00;
	s22 =	sadd.s32 s3, s22  }
0x165: {  	[tilespmem:s23], [sflag:$0x2] =	stream.linear.gather [hbm4b:s22+s2], $0x400, $0x38;
	[tilespmem:$0x18A00] =	vst v63  }
0x166: {  	s23 =	spop (v2sf)  }
0x167: {  	(v2sf) =	vpush v0, $0xA;
	s22 =	sand.u32 $0xFFFFF80, s23  }
0x168: {  	s23 =	simm.s32 $0xE000;
	s22 =	sadd.s32 s3, s22  }
0x169: {  	[tilespmem:s23], [sflag:$0x2] =	stream.linear.gather [hbm4b:s22+s2], $0x400, $0x38;
	[tilespmem:$0x18A00] =	vst v63  }
0x16a: {  	s23 =	spop (v2sf)  }
0x16b: {  	(v2sf) =	vpush v0, $0xB;
	s22 =	sand.u32 $0xFFFFF80, s23  }
0x16c: {  	s23 =	simm.s32 $0xE400;
	s22 =	sadd.s32 s3, s22  }
0x16d: {  	[tilespmem:s23], [sflag:$0x2] =	stream.linear.gather [hbm4b:s22+s2], $0x400, $0x38;
	[tilespmem:$0x18A00] =	vst v63  }
0x16e: {  	s23 =	spop (v2sf)  }
0x16f: {  	(v2sf) =	vpush v0, $0xC;
	s22 =	sand.u32 $0xFFFFF80, s23  }
0x170: {  	s23 =	simm.s32 $0xE800;
	s22 =	sadd.s32 s3, s22  }
0x171: {  	[tilespmem:s23], [sflag:$0x2] =	stream.linear.gather [hbm4b:s22+s2], $0x400, $0x38;
	[tilespmem:$0x18A00] =	vst v63  }
0x172: {  	s23 =	spop (v2sf)  }
0x173: {  	(v2sf) =	vpush v0, $0xD;
	s22 =	sand.u32 $0xFFFFF80, s23  }
0x174: {  	s23 =	simm.s32 $0xEC00;
	s22 =	sadd.s32 s3, s22  }
0x175: {  	[tilespmem:s23], [sflag:$0x2] =	stream.linear.gather [hbm4b:s22+s2], $0x400, $0x38;
	[tilespmem:$0x18A00] =	vst v63  }
0x176: {  	s23 =	spop (v2sf)  }
0x177: {  	(v2sf) =	vpush v0, $0xE;
	s22 =	sand.u32 $0xFFFFF80, s23  }
0x178: {  	s23 =	simm.s32 $0xF000;
	s22 =	sadd.s32 s3, s22  }
0x179: {  	[tilespmem:s23], [sflag:$0x2] =	stream.linear.gather [hbm4b:s22+s2], $0x400, $0x38;
	[tilespmem:$0x18A00] =	vst v63  }
0x17a: {  	s23 =	spop (v2sf)  }
0x17b: {  	(v2sf) =	vpush v0, $0xF;
	s22 =	sand.u32 $0xFFFFF80, s23  }
0x17c: {  	s23 =	simm.s32 $0xF400;
	s22 =	sadd.s32 s3, s22  }
0x17d: {  	[tilespmem:s23], [sflag:$0x2] =	stream.linear.gather [hbm4b:s22+s2], $0x400, $0x38;
	[tilespmem:$0x18A00] =	vst v63  }
0x17e: {  	s23 =	spop (v2sf)  }
0x17f: {  	s22 =	sand.u32 $0xFFFFF80, s23  }
0x180: {  	s23 =	simm.s32 $0xF800;
	s22 =	sadd.s32 s3, s22  }
0x181: {  	[tilespmem:s23], [sflag:$0x2] =	stream.linear.gather [hbm4b:s22+s2], $0x400, $0x38;
	[tilespmem:$0x18A00] =	vst v63  }
0x182: {  	s23 =	spop (v2sf)  }
0x183: {  	s22 =	sand.u32 $0xFFFFF80, s23  }
0x184: {  	s23 =	simm.s32 $0xFC00;
	s22 =	sadd.s32 s3, s22  }
0x185: {  	[tilespmem:s23], [sflag:$0x2] =	stream.linear.gather [hbm4b:s22+s2], $0x400, $0x38;
	[tilespmem:$0x18A00] =	vst v63  }
0x186: {  	s23 =	spop (v2sf)  }
0x187: {  	s22 =	sand.u32 $0xFFFFF80, s23  }
0x188: {  	s23 =	simm.s32 $0x10000;
	s22 =	sadd.s32 s3, s22  }
0x189: {  	[tilespmem:s23], [sflag:$0x2] =	stream.linear.gather [hbm4b:s22+s2], $0x400, $0x38;
	[tilespmem:$0x18A00] =	vst v63  }
0x18a: {  	s23 =	spop (v2sf)  }
0x18b: {  	s22 =	sand.u32 $0xFFFFF80, s23  }
0x18c: {  	s23 =	simm.s32 $0x10400;
	s22 =	sadd.s32 s3, s22  }
0x18d: {  	[tilespmem:s23], [sflag:$0x2] =	stream.linear.gather [hbm4b:s22+s2], $0x400, $0x38;
	[tilespmem:$0x18A00] =	vst v63  }
0x18e: {  	v24 =	vld [tilespmem:s20+$0x0];
	_ =	sdelay $0x4  }
0x18f: {  	v0 =	vshll.u32 v24, $0x4  }
0x190: {  	(v2sf) =	vpush v0, $0x0;
	_ =	sdelay $0x3  }
0x191: {  	(v2sf) =	vpush v0, $0x1;
	_ =	sdelay $0x3  }
0x192: {  	(v2sf) =	vpush v0, $0x2;
	_ =	sdelay $0x3  }
0x193: {  	(v2sf) =	vpush v0, $0x3;
	_ =	sdelay $0x2  }
0x194: {  	s23 =	spop (v2sf)  }
0x195: {  	(v2sf) =	vpush v0, $0x4;
	s22 =	sand.u32 $0xFFFFF80, s23  }
0x196: {  	s23 =	simm.s32 $0x10800;
	s22 =	sadd.s32 s3, s22  }
0x197: {  	[tilespmem:s23], [sflag:$0x2] =	stream.linear.gather [hbm4b:s22+s2], $0x400, $0x38;
	[tilespmem:$0x18A00] =	vst v63  }
0x198: {  	s23 =	spop (v2sf)  }
0x199: {  	(v2sf) =	vpush v0, $0x5;
	s22 =	sand.u32 $0xFFFFF80, s23  }
0x19a: {  	s23 =	simm.s32 $0x10C00;
	s22 =	sadd.s32 s3, s22  }
0x19b: {  	[tilespmem:s23], [sflag:$0x2] =	stream.linear.gather [hbm4b:s22+s2], $0x400, $0x38;
	[tilespmem:$0x18A00] =	vst v63  }
0x19c: {  	s23 =	spop (v2sf)  }
0x19d: {  	(v2sf) =	vpush v0, $0x6;
	s22 =	sand.u32 $0xFFFFF80, s23  }
0x19e: {  	s23 =	simm.s32 $0x11000;
	s22 =	sadd.s32 s3, s22  }
0x19f: {  	[tilespmem:s23], [sflag:$0x2] =	stream.linear.gather [hbm4b:s22+s2], $0x400, $0x38;
	[tilespmem:$0x18A00] =	vst v63  }
0x1a0: {  	s23 =	spop (v2sf)  }
0x1a1: {  	(v2sf) =	vpush v0, $0x7;
	s22 =	sand.u32 $0xFFFFF80, s23  }
0x1a2: {  	s23 =	simm.s32 $0x11400;
	s22 =	sadd.s32 s3, s22  }
0x1a3: {  	[tilespmem:s23], [sflag:$0x2] =	stream.linear.gather [hbm4b:s22+s2], $0x400, $0x38;
	[tilespmem:$0x18A00] =	vst v63  }
0x1a4: {  	s23 =	spop (v2sf)  }
0x1a5: {  	(v2sf) =	vpush v0, $0x8;
	s22 =	sand.u32 $0xFFFFF80, s23  }
0x1a6: {  	s23 =	simm.s32 $0x11800;
	s22 =	sadd.s32 s3, s22  }
0x1a7: {  	[tilespmem:s23], [sflag:$0x2] =	stream.linear.gather [hbm4b:s22+s2], $0x400, $0x38;
	[tilespmem:$0x18A00] =	vst v63  }
0x1a8: {  	s23 =	spop (v2sf)  }
0x1a9: {  	(v2sf) =	vpush v0, $0x9;
	s22 =	sand.u32 $0xFFFFF80, s23  }
0x1aa: {  	s23 =	simm.s32 $0x11C00;
	s22 =	sadd.s32 s3, s22  }
0x1ab: {  	[tilespmem:s23], [sflag:$0x2] =	stream.linear.gather [hbm4b:s22+s2], $0x400, $0x38;
	[tilespmem:$0x18A00] =	vst v63  }
0x1ac: {  	s23 =	spop (v2sf)  }
0x1ad: {  	(v2sf) =	vpush v0, $0xA;
	s22 =	sand.u32 $0xFFFFF80, s23  }
0x1ae: {  	s23 =	simm.s32 $0x12000;
	s22 =	sadd.s32 s3, s22  }
0x1af: {  	(v2sf) =	vpush v0, $0xB;
	[tilespmem:s23], [sflag:$0x2] =	stream.linear.gather [hbm4b:s22+s2], $0x400, $0x38;
	[tilespmem:$0x18A00] =	vst v63  }
0x1b0: {  	s23 =	spop (v2sf)  }
0x1b1: {  	s22 =	sand.u32 $0xFFFFF80, s23  }
0x1b2: {  	(v2sf) =	vpush v0, $0xC;
	s23 =	simm.s32 $0x12400;
	s22 =	sadd.s32 s3, s22  }
0x1b3: {  	[tilespmem:s23], [sflag:$0x2] =	stream.linear.gather [hbm4b:s22+s2], $0x400, $0x38;
	[tilespmem:$0x18A00] =	vst v63  }
0x1b4: {  	s23 =	spop (v2sf)  }
0x1b5: {  	(v2sf) =	vpush v0, $0xD;
	s22 =	sand.u32 $0xFFFFF80, s23  }
0x1b6: {  	s23 =	simm.s32 $0x12800;
	s22 =	sadd.s32 s3, s22  }
0x1b7: {  	[tilespmem:s23], [sflag:$0x2] =	stream.linear.gather [hbm4b:s22+s2], $0x400, $0x38;
	[tilespmem:$0x18A00] =	vst v63  }
0x1b8: {  	(v2sf) =	vpush v0, $0xE;
	s23 =	spop (v2sf)  }
0x1b9: {  	s22 =	sand.u32 $0xFFFFF80, s23  }
0x1ba: {  	s23 =	simm.s32 $0x12C00;
	s22 =	sadd.s32 s3, s22  }
0x1bb: {  	(v2sf) =	vpush v0, $0xF;
	[tilespmem:s23], [sflag:$0x2] =	stream.linear.gather [hbm4b:s22+s2], $0x400, $0x38;
	[tilespmem:$0x18A00] =	vst v63  }
0x1bc: {  	s23 =	spop (v2sf)  }
0x1bd: {  	s22 =	sand.u32 $0xFFFFF80, s23  }
0x1be: {  	s23 =	spop (v2sf);
	s22 =	sadd.s32 s3, s22  }
0x1bf: {  	[tilespmem:s24], [sflag:$0x2] =	stream.linear.gather [hbm4b:s22+s2], $0x400, $0x38;
	[tilespmem:$0x18A00] =	vst v63  }
0x1c0: {  	s22 =	sand.u32 $0xFFFFF80, s23  }
0x1c1: {  	s23 =	spop (v2sf);
	s22 =	sadd.s32 s3, s22  }
0x1c2: {  	[tilespmem:s25], [sflag:$0x2] =	stream.linear.gather [hbm4b:s22+s2], $0x400, $0x38;
	[tilespmem:$0x18A00] =	vst v63  }
0x1c3: {  	s22 =	sand.u32 $0xFFFFF80, s23  }
0x1c4: {  	s23 =	spop (v2sf);
	s22 =	sadd.s32 s3, s22  }
0x1c5: {  	[tilespmem:s26], [sflag:$0x2] =	stream.linear.gather [hbm4b:s22+s2], $0x400, $0x38;
	[tilespmem:$0x18A00] =	vst v63  }
0x1c6: {  	s22 =	sand.u32 $0xFFFFF80, s23  }
0x1c7: {  	s23 =	spop (v2sf);
	s22 =	sadd.s32 s3, s22  }
0x1c8: {  	[tilespmem:s28], [sflag:$0x2] =	stream.linear.gather [hbm4b:s22+s2], $0x400, $0x38;
	[tilespmem:$0x18A00] =	vst v63  }
0x1c9: {  	s22 =	sand.u32 $0xFFFFF80, s23  }
0x1ca: {  	s23 =	spop (v2sf);
	s22 =	sadd.s32 s3, s22  }
0x1cb: {  	[tilespmem:s29], [sflag:$0x2] =	stream.linear.gather [hbm4b:s22+s2], $0x400, $0x38;
	[tilespmem:$0x18A00] =	vst v63  }
0x1cc: {  	s22 =	sand.u32 $0xFFFFF80, s23  }
0x1cd: {  	s22 =	sadd.s32 s3, s22  }
0x1ce: {  	[tilespmem:s30], [sflag:$0x2] =	stream.linear.gather [hbm4b:s22+s2], $0x400, $0x38;
	[tilespmem:$0x18A00] =	vst v63  }
0x1cf: {  	v25 =	vld [tilespmem:s20+$0x10];
	_ =	sdelay $0x4  }
0x1d0: {  	v0 =	vshll.u32 v25, $0x4  }
0x1d1: {  	(v2sf) =	vpush v0, $0x0;
	_ =	sdelay $0x1  }
0x1d2: {  	(v2sf) =	vpush v0, $0x1;
	_ =	sdelay $0x2  }
0x1d3: {  	(v2sf) =	vpush v0, $0x2;
	_ =	sdelay $0x2  }
0x1d4: {  	(v2sf) =	vpush v0, $0x3;
	_ =	sdelay $0x2  }
0x1d5: {  	(v2sf) =	vpush v0, $0x4;
	_ =	sdelay $0x2  }
0x1d6: {  	(v2sf) =	vpush v0, $0x5  }
0x1d7: {  	s23 =	spop (v2sf)  }
0x1d8: {  	s22 =	sand.u32 $0xFFFFF80, s23  }
0x1d9: {  	(v2sf) =	vpush v0, $0x6;
	s23 =	spop (v2sf);
	s22 =	sadd.s32 s3, s22  }
0x1da: {  	[tilespmem:s31], [sflag:$0x2] =	stream.linear.gather [hbm4b:s22+s2], $0x400, $0x38;
	[tilespmem:$0x18A00] =	vst v63  }
0x1db: {  	s22 =	sand.u32 $0xFFFFF80, s23  }
0x1dc: {  	(v2sf) =	vpush v0, $0x7;
	s23 =	spop (v2sf);
	s22 =	sadd.s32 s3, s22  }
0x1dd: {  	[tilespmem:s1], [sflag:$0x2] =	stream.linear.gather [hbm4b:s22+s2], $0x400, $0x38;
	[tilespmem:$0x18A00] =	vst v63  }
0x1de: {  	s22 =	sand.u32 $0xFFFFF80, s23  }
0x1df: {  	(v2sf) =	vpush v0, $0x8;
	s23 =	spop (v2sf);
	s22 =	sadd.s32 s3, s22  }
0x1e0: {  	[tilespmem:s0], [sflag:$0x2] =	stream.linear.gather [hbm4b:s22+s2], $0x400, $0x38;
	[tilespmem:$0x18A00] =	vst v63  }
0x1e1: {  	s22 =	sand.u32 $0xFFFFF80, s23  }
0x1e2: {  	(v2sf) =	vpush v0, $0x9;
	s23 =	spop (v2sf);
	s22 =	sadd.s32 s3, s22  }
0x1e3: {  	[tilespmem:s4], [sflag:$0x2] =	stream.linear.gather [hbm4b:s22+s2], $0x400, $0x38;
	[tilespmem:$0x18A00] =	vst v63  }
0x1e4: {  	s22 =	sand.u32 $0xFFFFF80, s23  }
0x1e5: {  	(v2sf) =	vpush v0, $0xA;
	s23 =	spop (v2sf);
	s22 =	sadd.s32 s3, s22  }
0x1e6: {  	[tilespmem:s5], [sflag:$0x2] =	stream.linear.gather [hbm4b:s22+s2], $0x400, $0x38;
	[tilespmem:$0x18A00] =	vst v63  }
0x1e7: {  	s22 =	sand.u32 $0xFFFFF80, s23  }
0x1e8: {  	(v2sf) =	vpush v0, $0xB;
	s23 =	spop (v2sf);
	s22 =	sadd.s32 s3, s22  }
0x1e9: {  	[tilespmem:s6], [sflag:$0x2] =	stream.linear.gather [hbm4b:s22+s2], $0x400, $0x38;
	[tilespmem:$0x18A00] =	vst v63  }
0x1ea: {  	s22 =	sand.u32 $0xFFFFF80, s23  }
0x1eb: {  	(v2sf) =	vpush v0, $0xC;
	s23 =	spop (v2sf);
	s22 =	sadd.s32 s3, s22  }
0x1ec: {  	[tilespmem:s7], [sflag:$0x2] =	stream.linear.gather [hbm4b:s22+s2], $0x400, $0x38;
	[tilespmem:$0x18A00] =	vst v63  }
0x1ed: {  	s22 =	sand.u32 $0xFFFFF80, s23  }
0x1ee: {  	(v2sf) =	vpush v0, $0xD;
	s23 =	spop (v2sf);
	s22 =	sadd.s32 s3, s22  }
0x1ef: {  	[tilespmem:s8], [sflag:$0x2] =	stream.linear.gather [hbm4b:s22+s2], $0x400, $0x38;
	[tilespmem:$0x18A00] =	vst v63  }
0x1f0: {  	s22 =	sand.u32 $0xFFFFF80, s23  }
0x1f1: {  	(v2sf) =	vpush v0, $0xE;
	s23 =	spop (v2sf);
	s22 =	sadd.s32 s3, s22  }
0x1f2: {  	[tilespmem:s9], [sflag:$0x2] =	stream.linear.gather [hbm4b:s22+s2], $0x400, $0x38;
	[tilespmem:$0x18A00] =	vst v63  }
0x1f3: {  	s22 =	sand.u32 $0xFFFFF80, s23  }
0x1f4: {  	(v2sf) =	vpush v0, $0xF;
	s23 =	spop (v2sf);
	s22 =	sadd.s32 s3, s22  }
0x1f5: {  	[tilespmem:s10], [sflag:$0x2] =	stream.linear.gather [hbm4b:s22+s2], $0x400, $0x38;
	[tilespmem:$0x18A00] =	vst v63  }
0x1f6: {  	s22 =	sand.u32 $0xFFFFF80, s23  }
0x1f7: {  	s23 =	spop (v2sf);
	s22 =	sadd.s32 s3, s22  }
0x1f8: {  	[tilespmem:s11], [sflag:$0x2] =	stream.linear.gather [hbm4b:s22+s2], $0x400, $0x38;
	[tilespmem:$0x18A00] =	vst v63  }
0x1f9: {  	s22 =	sand.u32 $0xFFFFF80, s23  }
0x1fa: {  	s23 =	spop (v2sf);
	s22 =	sadd.s32 s3, s22  }
0x1fb: {  	[tilespmem:s12], [sflag:$0x2] =	stream.linear.gather [hbm4b:s22+s2], $0x400, $0x38;
	[tilespmem:$0x18A00] =	vst v63  }
0x1fc: {  	s22 =	sand.u32 $0xFFFFF80, s23  }
0x1fd: {  	s23 =	spop (v2sf);
	s22 =	sadd.s32 s3, s22  }
0x1fe: {  	[tilespmem:s13], [sflag:$0x2] =	stream.linear.gather [hbm4b:s22+s2], $0x400, $0x38;
	[tilespmem:$0x18A00] =	vst v63  }
0x1ff: {  	s22 =	sand.u32 $0xFFFFF80, s23  }
0x200: {  	s23 =	spop (v2sf);
	s22 =	sadd.s32 s3, s22  }
0x201: {  	[tilespmem:s14], [sflag:$0x2] =	stream.linear.gather [hbm4b:s22+s2], $0x400, $0x38;
	[tilespmem:$0x18A00] =	vst v63  }
0x202: {  	s22 =	sand.u32 $0xFFFFF80, s23  }
0x203: {  	s23 =	spop (v2sf);
	s22 =	sadd.s32 s3, s22  }
0x204: {  	[tilespmem:s15], [sflag:$0x2] =	stream.linear.gather [hbm4b:s22+s2], $0x400, $0x38;
	[tilespmem:$0x18A00] =	vst v63  }
0x205: {  	s22 =	sand.u32 $0xFFFFF80, s23  }
0x206: {  	s22 =	sadd.s32 s3, s22  }
0x207: {  	[tilespmem:s16], [sflag:$0x2] =	stream.linear.gather [hbm4b:s22+s2], $0x400, $0x38;
	[tilespmem:$0x18A00] =	vst v63  }
0x208: {  	_ =	swait.ge [sflag:s17], $0xC000  }
0x209: {  	[sflag:s17] =	ssyncset.done $0x0  }
0x20a: {  	[sflag:s17] =	ssyncadd.s32 $0xFFFF4000  }
0x20b: {  	v26 =	vld [tilespmem:s20+$0xFFFFFFC0];
	_ =	sdelay $0x4  }
0x20c: {  	v0 =	vshll.u32 v26, $0x7  }
0x20d: {  	(v2sf) =	vpush v0, $0x0  }
0x20e: {  	(v2sf) =	vpush v0, $0x1  }
0x20f: {  	(v2sf) =	vpush v0, $0x2  }
0x210: {  	(v2sf) =	vpush v0, $0x3  }
0x211: {  	(v2sf) =	vpush v0, $0x4  }
0x212: {  	(v2sf) =	vpush v0, $0x5  }
0x213: {  	(v2sf) =	vpush v0, $0x6  }
0x214: {  	(v2sf) =	vpush v0, $0x7  }
0x215: {  	(v2sf) =	vpush v0, $0x8  }
0x216: {  	(v2sf) =	vpush v0, $0x9  }
0x217: {  	v1 =	vld [tilespmem:s20+$0xFFFFFFD0];
	(v2sf) =	vpush v0, $0xA  }
0x218: {  	(v2sf) =	vpush v0, $0xB  }
0x219: {  	(v2sf) =	vpush v0, $0xC  }
0x21a: {  	(v2sf) =	vpush v0, $0xD  }
0x21b: {  	(v2sf) =	vpush v0, $0xE  }
0x21c: {  	v27 =	vshll.u32 v1, $0x7;
	s23 =	spop (v2sf);
	(v2sf) =	vpush v0, $0xF  }
0x21d: {  	v28 =	vld [tilespmem:s20+$0xFFFFFFE0];
	s22 =	sand.u32 $0x380, s23;
	s23 =	spop (v2sf);
	(v2sf) =	vpush v27, $0x0  }
0x21e: {  	v2 =	vld [tilespmem:s22+$0x800];
	s22 =	sand.u32 $0x380, s23;
	s23 =	spop (v2sf);
	(v2sf) =	vpush v27, $0x1  }
0x21f: {  	v3 =	vld [tilespmem:s22+$0xC00];
	s22 =	sand.u32 $0x380, s23;
	s23 =	spop (v2sf);
	(v2sf) =	vpush v27, $0x2  }
0x220: {  	v4 =	vld [tilespmem:s22+$0x1000];
	s22 =	sand.u32 $0x380, s23;
	s23 =	spop (v2sf);
	(v2sf) =	vpush v27, $0x3  }
0x221: {  	v5 =	vld [tilespmem:s22+$0x1400];
	s22 =	sand.u32 $0x380, s23;
	s23 =	spop (v2sf);
	(v2sf) =	vpush v27, $0x4  }
0x222: {  	v6 =	vld [tilespmem:s22+$0x1800];
	s22 =	sand.u32 $0x380, s23;
	s23 =	spop (v2sf);
	(v2sf) =	vpush v27, $0x5  }
0x223: {  	v7 =	vld [tilespmem:s22+$0x1C00];
	s22 =	sand.u32 $0x380, s23;
	s23 =	spop (v2sf);
	(v2sf) =	vpush v27, $0x6  }
0x224: {  	v8 =	vld [tilespmem:s22+$0x2000];
	s22 =	sand.u32 $0x380, s23;
	s23 =	spop (v2sf);
	(v2sf) =	vpush v27, $0x7  }
0x225: {  	v9 =	vld [tilespmem:s22+$0x2400];
	s22 =	sand.u32 $0x380, s23;
	s23 =	spop (v2sf);
	(v2sf) =	vpush v27, $0x8  }
0x226: {  	v10 =	vld [tilespmem:s22+$0x2800];
	s22 =	sand.u32 $0x380, s23;
	s23 =	spop (v2sf);
	(v2sf) =	vpush v27, $0x9  }
0x227: {  	v11 =	vld [tilespmem:s22+$0x2C00];
	s22 =	sand.u32 $0x380, s23;
	s23 =	spop (v2sf);
	(v2sf) =	vpush v27, $0xA  }
0x228: {  	v12 =	vld [tilespmem:s22+$0x3000];
	s22 =	sand.u32 $0x380, s23;
	s23 =	spop (v2sf);
	(v2sf) =	vpush v27, $0xB  }
0x229: {  	v13 =	vld [tilespmem:s22+$0x3400];
	s22 =	sand.u32 $0x380, s23;
	s23 =	spop (v2sf);
	(v2sf) =	vpush v27, $0xC  }
0x22a: {  	v14 =	vld [tilespmem:s22+$0x3800];
	s22 =	sand.u32 $0x380, s23;
	s23 =	spop (v2sf);
	(v2sf) =	vpush v27, $0xD  }
0x22b: {  	v15 =	vld [tilespmem:s22+$0x3C00];
	s22 =	sand.u32 $0x380, s23;
	s23 =	spop (v2sf);
	(v2sf) =	vpush v27, $0xE  }
0x22c: {  	v29 =	vshll.u32 v28, $0x7;
	v16 =	vld [tilespmem:s22+$0x4000];
	s22 =	sand.u32 $0x380, s23;
	s23 =	spop (v2sf);
	(v2sf) =	vpush v27, $0xF  }
0x22d: {  	v30 =	vld [tilespmem:s22+$0x4400];
	s22 =	sand.u32 $0x380, s23;
	s23 =	spop (v2sf);
	(v2sf) =	vpush v29, $0x0  }
0x22e: {  	v17 =	vld [tilespmem:s22+$0x4800];
	s22 =	sand.u32 $0x380, s23;
	s23 =	spop (v2sf);
	(v2sf) =	vpush v29, $0x1  }
0x22f: {  	v18 =	vld [tilespmem:s22+$0x4C00];
	s22 =	sand.u32 $0x380, s23;
	s23 =	spop (v2sf);
	(v2sf) =	vpush v29, $0x2  }
0x230: {  	v19 =	vld [tilespmem:s22+$0x5000];
	s22 =	sand.u32 $0x380, s23;
	s23 =	spop (v2sf);
	(v2sf) =	vpush v29, $0x3  }
0x231: {  	v31 =	vld [tilespmem:s22+$0x5400];
	s22 =	sand.u32 $0x380, s23;
	s23 =	spop (v2sf);
	(v2sf) =	vpush v29, $0x4  }
0x232: {  	v3 =	vsub.f32 v2, v3;
	v20 =	vld [tilespmem:s22+$0x5800];
	s22 =	sand.u32 $0x380, s23;
	s23 =	spop (v2sf);
	(v2sf) =	vpush v29, $0x5  }
0x233: {  	v2 =	vsub.f32 v2, v4;
	v32 =	vld [tilespmem:s22+$0x5C00];
	s22 =	sand.u32 $0x380, s23;
	s23 =	spop (v2sf);
	(v2sf) =	vpush v29, $0x6  }
0x234: {  	v3 =	vmul.f32 v3, v3;
	v21 =	vld [tilespmem:s22+$0x6000];
	s22 =	sand.u32 $0x380, s23;
	s23 =	spop (v2sf);
	(v2sf) =	vpush v29, $0x7  }
0x235: {  	v6 =	vsub.f32 v5, v6;
	v2 =	vmul.f32 v2, v2;
	v33 =	vld [tilespmem:s22+$0x6400];
	s22 =	sand.u32 $0x380, s23;
	s23 =	spop (v2sf);
	(v2sf) =	vpush v29, $0x8  }
0x236: {  	v5 =	vsub.f32 v5, v7;
	v22 =	vld [tilespmem:s22+$0x6800];
	s22 =	sand.u32 $0x380, s23;
	s23 =	spop (v2sf);
	(v2sf) =	vpush v29, $0x9  }
0x237: {  	v6 =	vmul.f32 v6, v6;
	v2 =	vsub.f32 v3, v2;
	v34 =	vld [tilespmem:s22+$0x6C00];
	s22 =	sand.u32 $0x380, s23;
	s23 =	spop (v2sf);
	(v2sf) =	vpush v29, $0xA  }
0x238: {  	v9 =	vsub.f32 v8, v9;
	v5 =	vmul.f32 v5, v5;
	v23 =	vld [tilespmem:s22+$0x7000];
	s22 =	sand.u32 $0x380, s23;
	s23 =	spop (v2sf);
	(v2sf) =	vpush v29, $0xB  }
0x239: {  	v8 =	vsub.f32 v8, v10;
	v35 =	vld [tilespmem:s22+$0x7400];
	s22 =	sand.u32 $0x380, s23;
	s23 =	spop (v2sf);
	(v2sf) =	vpush v29, $0xC  }
0x23a: {  	v5 =	vsub.f32 v6, v5;
	v24 =	vld [tilespmem:s22+$0x7800];
	s22 =	sand.u32 $0x380, s23;
	s23 =	spop (v2sf);
	(v2sf) =	vpush v29, $0xD  }
0x23b: {  	v9 =	vmul.f32 v9, v9;
	v12 =	vsub.f32 v11, v12;
	v36 =	vld [tilespmem:s22+$0x7C00];
	s22 =	sand.u32 $0x380, s23;
	s23 =	spop (v2sf);
	(v2sf) =	vpush v29, $0xE  }
0x23c: {  	v8 =	vmul.f32 v8, v8;
	v11 =	vsub.f32 v11, v13;
	(v2sf) =	vpush v29, $0xF;
	v37 =	vld [tilespmem:s22+$0x8000];
	s22 =	spop (v2sf);
	s23 =	sand.u32 $0x380, s23  }
0x23d: {  	v17 =	vsub.f32 v30, v17;
	v1 =	vsub.f32 v30, v18;
	v38 =	vld [tilespmem:s23+$0x8400];
	s23 =	spop (v2sf);
	s22 =	sand.u32 $0x380, s22  }
0x23e: {  	v12 =	vmul.f32 v12, v12;
	v8 =	vsub.f32 v9, v8;
	v15 =	vsub.f32 v14, v15;
	v39 =	vld [tilespmem:s22+$0x8800];
	s22 =	spop (v2sf);
	s23 =	sand.u32 $0x380, s23  }
0x23f: {  	v14 =	vsub.f32 v14, v16;
	v17 =	vmul.f32 v17, v17;
	v1 =	vmul.f32 v1, v1;
	v41 =	vld [tilespmem:s23+$0x8C00];
	s23 =	spop (v2sf);
	s22 =	sand.u32 $0x380, s22  }
0x240: {  	v11 =	vmul.f32 v11, v11;
	v4 =	vsub.f32 v19, v31;
	v45 =	vsub.f32 v19, v20;
	v43 =	vld [tilespmem:s22+$0x9000];
	s22 =	spop (v2sf);
	s23 =	sand.u32 $0x380, s23  }
0x241: {  	v15 =	vmul.f32 v15, v15;
	v14 =	vmul.f32 v14, v14;
	v1 =	vsub.f32 v17, v1;
	v44 =	vld [tilespmem:s23+$0x9400];
	s23 =	spop (v2sf);
	s22 =	sand.u32 $0x380, s22  }
0x242: {  	v4 =	vmul.f32 v4, v4;
	v47 =	vsub.f32 v32, v21;
	v17 =	vmul.f32 v45, v45;
	v46 =	vld [tilespmem:s22+$0x9800];
	s22 =	spop (v2sf);
	s23 =	sand.u32 $0x380, s23  }
0x243: {  	v40 =	vsub.f32 v12, v11;
	v7 =	vsub.f32 v32, v33;
	v48 =	vld [tilespmem:s23+$0x9C00];
	s23 =	spop (v2sf);
	s22 =	sand.u32 $0x380, s22  }
0x244: {  	v42 =	vsub.f32 v15, v14;
	v20 =	vmul.f32 v47, v47;
	v4 =	vsub.f32 v4, v17;
	v50 =	vld [tilespmem:s22+$0xA000];
	s22 =	spop (v2sf);
	s23 =	sand.u32 $0x380, s23  }
0x245: {  	v13 =	vsub.f32 v22, v34;
	v7 =	vmul.f32 v7, v7;
	v49 =	vsub.f32 v22, v23;
	v52 =	vld [tilespmem:s23+$0xA400];
	s23 =	spop (v2sf);
	s22 =	sand.u32 $0x380, s22  }
0x246: {  	(xrf2) =	vadd.scan.msk.f32 $0xffff, v2;
	v51 =	vsub.f32 v35, v24;
	v16 =	vsub.f32 v35, v36;
	v53 =	vld [tilespmem:s22+$0xA800];
	s22 =	spop (v2sf);
	s23 =	sand.u32 $0x380, s23  }
0x247: {  	(xrf2) =	vadd.scan.msk.f32 $0xffff, v5;
	v54 =	vmul.f32 v13, v13;
	v7 =	vsub.f32 v20, v7;
	v55 =	vmul.f32 v49, v49;
	v56 =	vld [tilespmem:s23+$0xAC00];
	s23 =	spop (v2sf);
	s22 =	sand.u32 $0x380, s22  }
0x248: {  	(xrf2) =	vadd.scan.msk.f32 $0xffff, v8;
	v57 =	vmul.f32 v51, v51;
	v3 =	vsub.f32 v37, v38;
	v16 =	vmul.f32 v16, v16;
	v58 =	vld [tilespmem:s22+$0xB000];
	s22 =	spop (v2sf);
	s23 =	sand.u32 $0x380, s23  }
0x249: {  	v6 =	vsub.f32 v54, v55;
	v0 =	vsub.f32 v37, v39;
	v60 =	vld [tilespmem:s23+$0xB400];
	s23 =	spop (v2sf);
	s22 =	sand.u32 $0x380, s22  }
0x24a: {  	(xrf2) =	vadd.scan.msk.f32 $0xffff, v40;
	v3 =	vmul.f32 v3, v3;
	v59 =	vsub.f32 v57, v16;
	v62 =	vsub.f32 v41, v43;
	v61 =	vld [tilespmem:s22+$0xB800];
	s22 =	spop (v2sf);
	s23 =	sand.u32 $0x380, s23  }
0x24b: {  	(xrf2) =	vadd.scan.msk.f32 $0xffff, v42;
	v0 =	vmul.f32 v0, v0;
	v11 =	vsub.f32 v41, v44;
	v10 =	vsub.f32 v46, v48;
	v63 =	vld [tilespmem:s23+$0xBC00];
	s22 =	sand.u32 $0x380, s22;
	s23 =	spop (v2sf)  }
0x24c: {  	(xrf2) =	vadd.scan.msk.f32 $0xffff, v1;
	v24 =	vmul.f32 v62, v62;
	v21 =	vsub.f32 v46, v50;
	v2 =	vsub.f32 v52, v53;
	v20 =	vld [tilespmem:s22+$0xC000];
	s23 =	sand.u32 $0x380, s23  }
0x24d: {  	(xrf2) =	vadd.scan.msk.f32 $0xffff, v4;
	v25 =	vmul.f32 v11, v11;
	v26 =	vmul.f32 v10, v10;
	v23 =	vsub.f32 v52, v56;
	v22 =	vld [tilespmem:s23+$0xC400]  }
0x24e: {  	(xrf2) =	vadd.scan.msk.f32 $0xffff, v7;
	v0 =	vsub.f32 v3, v0;
	v1 =	vmul.f32 v21, v21;
	v2 =	vmul.f32 v2, v2  }
0x24f: {  	(xrf2) =	vadd.scan.msk.f32 $0xffff, v6;
	v27 =	vsub.f32 v58, v60;
	v4 =	vmul.f32 v23, v23;
	v3 =	vsub.f32 v58, v61  }
0x250: {  	v28, _, _ =	vpop (xrf2);
	(xrf2) =	vadd.scan.msk.f32 $0xffff, v59;
	v5 =	vsub.f32 v24, v25;
	v1 =	vsub.f32 v26, v1  }
0x251: {  	v30, _, _ =	vpop (xrf2);
	(xrf2) =	vadd.scan.msk.f32 $0xffff, v0;
	v29 =	vsub.f32 v2, v4;
	v31 =	vmul.f32 v27, v27;
	v3 =	vmul.f32 v3, v3  }
0x252: {  	v32 =	vbroadcast v28, $0xF;
	v35, _, _ =	vpop (xrf2);
	(xrf2) =	vadd.scan.msk.f32 $0xffff, v5;
	v33 =	vsub.f32 v63, v20;
	v34 =	vsub.f32 v63, v22  }
0x253: {  	v36 =	vbroadcast v30, $0xF;
	v37 =	vbroadcast v35, $0xF;
	(xrf2) =	vadd.scan.msk.f32 $0xffff, v1;
	v3 =	vsub.f32 v31, v3  }
0x254: {  	v38, _, _ =	vpop (xrf2);
	(xrf2) =	vadd.scan.msk.f32 $0xffff, v29;
	v39 =	vmul.f32 v33, v33;
	v40 =	vmul.f32 v34, v34  }
0x255: {  	v41, _, _ =	vpop (xrf2);
	v1 =	vsel vm0, v32, v36;
	v4 =	vbroadcast v38, $0xF;
	(xrf2) =	vadd.scan.msk.f32 $0xffff, v3  }
0x256: {  	v42, _, _ =	vpop (xrf2);
	v43 =	vbroadcast v41, $0xF;
	v1 =	vsel vm1, v1, v37;
	v0 =	vsub.f32 v39, v40  }
0x257: {  	v44, _, _ =	vpop (xrf2);
	v1 =	vsel vm2, v1, v4;
	v3 =	vbroadcast v42, $0xF  }
0x258: {  	v45 =	vbroadcast v44, $0xF;
	v46, _, _ =	vpop (xrf2);
	v1 =	vsel vm3, v1, v43;
	(xrf2) =	vadd.scan.msk.f32 $0xffff, v0  }
0x259: {  	v48 =	vbroadcast v46, $0xF;
	v47, _, _ =	vpop (xrf2);
	v1 =	vsel vm4, v1, v3  }
0x25a: {  	v49, _, _ =	vpop (xrf2);
	v1 =	vsel vm5, v1, v45;
	v0 =	vbroadcast v47, $0xF  }
0x25b: {  	v51 =	vbroadcast v49, $0xF;
	v50, _, _ =	vpop (xrf2);
	v1 =	vsel vm6, v1, v48  }
0x25c: {  	v53 =	vbroadcast v50, $0xF;
	v52, _, _ =	vpop (xrf2);
	v0 =	vsel vm7, v1, v0  }
0x25d: {  	v55 =	vbroadcast v52, $0xF;
	v54, _, _ =	vpop (xrf2);
	v0 =	vsel vm8, v0, v51  }
0x25e: {  	v57 =	vbroadcast v54, $0xF;
	v56, _, _ =	vpop (xrf2);
	v0 =	vsel vm9, v0, v53  }
0x25f: {  	v0 =	vsel vm10, v0, v55;
	v59 =	vbroadcast v56, $0xF;
	v58, _, _ =	vpop (xrf2)  }
0x260: {  	v0 =	vsel vm11, v0, v57;
	v60 =	vbroadcast v58, $0xF  }
0x261: {  	v0 =	vsel vm12, v0, v59  }
0x262: {  	v0 =	vsel vm13, v0, v60;
	v61, _, _ =	vpop (xrf2)  }
0x263: {  	v0 =	vsel vm14, v0, v61  }
0x264: {  	v0 =	vmul.f32 $1.442695020e+00, v0;
	_ =	sdelay $0x1  }
0x265: {  	(erf) = vpow2.f32 v0;
	_ =	sdelay $0x8  }
0x266: {  	v0 =	vpop (erf)  }
0x267: {  	v0 =	vadd.f32 $1.000000000e+00, v0;
	_ =	sdelay $0x1  }
0x268: {  	v62 =	vand.u32 $0x7FFFFF, v0  }
0x269: {  	v1 =	vor.u32 $0x3F800000, v62  }
0x26a: {  	v1 =	vadd.f32 $-1.000000000e+00, v1;
	_ =	sdelay $0x1  }
0x26b: {  	v63 =	vmul.f32 $-2.482560650e-02, v1;
	_ =	sdelay $0x1  }
0x26c: {  	v2 =	vadd.f32 $1.179051850e-01, v63;
	_ =	sdelay $0x1  }
0x26d: {  	v2 =	vmul.f32 v2, v1;
	_ =	sdelay $0x1  }
0x26e: {  	v2 =	vadd.f32 $-2.723531720e-01, v2;
	_ =	sdelay $0x1  }
0x26f: {  	v2 =	vmul.f32 v2, v1;
	_ =	sdelay $0x1  }
0x270: {  	v2 =	vadd.f32 $4.538562300e-01, v2;
	_ =	sdelay $0x1  }
0x271: {  	v2 =	vmul.f32 v2, v1;
	_ =	sdelay $0x1  }
0x272: {  	v2 =	vadd.f32 $-7.169868950e-01, v2;
	_ =	sdelay $0x1  }
0x273: {  	v2 =	vmul.f32 v2, v1;
	_ =	sdelay $0x1  }
0x274: {  	v2 =	vadd.f32 $1.442395450e+00, v2;
	_ =	sdelay $0x1  }
0x275: {  	v0 =	vshra.s32 v0, $0x17;
	v1 =	vmul.f32 v2, v1  }
0x276: {  	v0 =	vadd.s32 $0xFFFFFF81, v0  }
0x277: {  	v0 =	vcvt.s32.f32 v0;
	v1 =	vadd.f32 $5.065332970e-06, v1  }
0x278: {  	p0 =	seq.s32 s21, $0x5A0  }
.Ltmp4:
0x279: {  	v0 =	vadd.f32 v0, v1;
	(pc) =	sbr.rel @p0 .LBB2_4-.Ltmp4, $3  }
0x27a: {  	_ = 	snop  }
0x27b: {  	v0 =	vmul.f32 $6.931471820e-01, v0;
	_ =	sdelay $0x1  }
0x27c: {  	[tilespmem:s19+$0xFFFFFFF0] =	vst v0  }
0x27d: {  	v0 =	vld [tilespmem:s20+$0x20];
	_ =	sdelay $0x4  }
0x27e: {  	v0 =	vshll.u32 v0, $0x4  }
0x27f: {  	(v2sf) =	vpush v0, $0x0;
	_ =	sdelay $0x3  }
0x280: {  	(v2sf) =	vpush v0, $0x1;
	_ =	sdelay $0x3  }
0x281: {  	(v2sf) =	vpush v0, $0x2;
	_ =	sdelay $0x3  }
0x282: {  	(v2sf) =	vpush v0, $0x3;
	_ =	sdelay $0x2  }
0x283: {  	s22 =	spop (v2sf)  }
0x284: {  	(v2sf) =	vpush v0, $0x4;
	s22 =	sand.u32 $0xFFFFF80, s22  }
0x285: {  	s23 =	simm.s32 $0x800;
	s22 =	sadd.s32 s3, s22  }
0x286: {  	[tilespmem:s23], [sflag:$0x1] =	stream.linear.gather [hbm4b:s22+s2], $0x400, $0x38;
	[tilespmem:$0x18A00] =	vst v63  }
0x287: {  	s23 =	spop (v2sf)  }
0x288: {  	(v2sf) =	vpush v0, $0x5;
	s22 =	sand.u32 $0xFFFFF80, s23  }
0x289: {  	s23 =	simm.s32 $0xC00;
	s22 =	sadd.s32 s3, s22  }
0x28a: {  	[tilespmem:s23], [sflag:$0x1] =	stream.linear.gather [hbm4b:s22+s2], $0x400, $0x38;
	[tilespmem:$0x18A00] =	vst v63  }
0x28b: {  	s23 =	spop (v2sf)  }
0x28c: {  	(v2sf) =	vpush v0, $0x6;
	s22 =	sand.u32 $0xFFFFF80, s23  }
0x28d: {  	s23 =	simm.s32 $0x1000;
	s22 =	sadd.s32 s3, s22  }
0x28e: {  	[tilespmem:s23], [sflag:$0x1] =	stream.linear.gather [hbm4b:s22+s2], $0x400, $0x38;
	[tilespmem:$0x18A00] =	vst v63  }
0x28f: {  	s23 =	spop (v2sf)  }
0x290: {  	(v2sf) =	vpush v0, $0x7;
	s22 =	sand.u32 $0xFFFFF80, s23  }
0x291: {  	s23 =	simm.s32 $0x1400;
	s22 =	sadd.s32 s3, s22  }
0x292: {  	[tilespmem:s23], [sflag:$0x1] =	stream.linear.gather [hbm4b:s22+s2], $0x400, $0x38;
	[tilespmem:$0x18A00] =	vst v63  }
0x293: {  	s23 =	spop (v2sf)  }
0x294: {  	(v2sf) =	vpush v0, $0x8;
	s22 =	sand.u32 $0xFFFFF80, s23  }
0x295: {  	s23 =	simm.s32 $0x1800;
	s22 =	sadd.s32 s3, s22  }
0x296: {  	[tilespmem:s23], [sflag:$0x1] =	stream.linear.gather [hbm4b:s22+s2], $0x400, $0x38;
	[tilespmem:$0x18A00] =	vst v63  }
0x297: {  	s23 =	spop (v2sf)  }
0x298: {  	(v2sf) =	vpush v0, $0x9;
	s22 =	sand.u32 $0xFFFFF80, s23  }
0x299: {  	s23 =	simm.s32 $0x1C00;
	s22 =	sadd.s32 s3, s22  }
0x29a: {  	[tilespmem:s23], [sflag:$0x1] =	stream.linear.gather [hbm4b:s22+s2], $0x400, $0x38;
	[tilespmem:$0x18A00] =	vst v63  }
0x29b: {  	s23 =	spop (v2sf)  }
0x29c: {  	(v2sf) =	vpush v0, $0xA;
	s22 =	sand.u32 $0xFFFFF80, s23  }
0x29d: {  	s23 =	simm.s32 $0x2000;
	s22 =	sadd.s32 s3, s22  }
0x29e: {  	[tilespmem:s23], [sflag:$0x1] =	stream.linear.gather [hbm4b:s22+s2], $0x400, $0x38;
	[tilespmem:$0x18A00] =	vst v63  }
0x29f: {  	s23 =	spop (v2sf)  }
0x2a0: {  	(v2sf) =	vpush v0, $0xB;
	s22 =	sand.u32 $0xFFFFF80, s23  }
0x2a1: {  	s23 =	simm.s32 $0x2400;
	s22 =	sadd.s32 s3, s22  }
0x2a2: {  	[tilespmem:s23], [sflag:$0x1] =	stream.linear.gather [hbm4b:s22+s2], $0x400, $0x38;
	[tilespmem:$0x18A00] =	vst v63  }
0x2a3: {  	s23 =	spop (v2sf)  }
0x2a4: {  	(v2sf) =	vpush v0, $0xC;
	s22 =	sand.u32 $0xFFFFF80, s23  }
0x2a5: {  	s23 =	simm.s32 $0x2800;
	s22 =	sadd.s32 s3, s22  }
0x2a6: {  	[tilespmem:s23], [sflag:$0x1] =	stream.linear.gather [hbm4b:s22+s2], $0x400, $0x38;
	[tilespmem:$0x18A00] =	vst v63  }
0x2a7: {  	s23 =	spop (v2sf)  }
0x2a8: {  	(v2sf) =	vpush v0, $0xD;
	s22 =	sand.u32 $0xFFFFF80, s23  }
0x2a9: {  	s23 =	simm.s32 $0x2C00;
	s22 =	sadd.s32 s3, s22  }
0x2aa: {  	[tilespmem:s23], [sflag:$0x1] =	stream.linear.gather [hbm4b:s22+s2], $0x400, $0x38;
	[tilespmem:$0x18A00] =	vst v63  }
0x2ab: {  	s23 =	spop (v2sf)  }
0x2ac: {  	(v2sf) =	vpush v0, $0xE;
	s22 =	sand.u32 $0xFFFFF80, s23  }
0x2ad: {  	s23 =	simm.s32 $0x3000;
	s22 =	sadd.s32 s3, s22  }
0x2ae: {  	[tilespmem:s23], [sflag:$0x1] =	stream.linear.gather [hbm4b:s22+s2], $0x400, $0x38;
	[tilespmem:$0x18A00] =	vst v63  }
0x2af: {  	s23 =	spop (v2sf)  }
0x2b0: {  	(v2sf) =	vpush v0, $0xF;
	s22 =	sand.u32 $0xFFFFF80, s23  }
0x2b1: {  	s23 =	simm.s32 $0x3400;
	s22 =	sadd.s32 s3, s22  }
0x2b2: {  	[tilespmem:s23], [sflag:$0x1] =	stream.linear.gather [hbm4b:s22+s2], $0x400, $0x38;
	[tilespmem:$0x18A00] =	vst v63  }
0x2b3: {  	s23 =	spop (v2sf)  }
0x2b4: {  	s22 =	sand.u32 $0xFFFFF80, s23  }
0x2b5: {  	s23 =	simm.s32 $0x3800;
	s22 =	sadd.s32 s3, s22  }
0x2b6: {  	[tilespmem:s23], [sflag:$0x1] =	stream.linear.gather [hbm4b:s22+s2], $0x400, $0x38;
	[tilespmem:$0x18A00] =	vst v63  }
0x2b7: {  	s23 =	spop (v2sf)  }
0x2b8: {  	s22 =	sand.u32 $0xFFFFF80, s23  }
0x2b9: {  	s23 =	simm.s32 $0x3C00;
	s22 =	sadd.s32 s3, s22  }
0x2ba: {  	[tilespmem:s23], [sflag:$0x1] =	stream.linear.gather [hbm4b:s22+s2], $0x400, $0x38;
	[tilespmem:$0x18A00] =	vst v63  }
0x2bb: {  	s23 =	spop (v2sf)  }
0x2bc: {  	s22 =	sand.u32 $0xFFFFF80, s23  }
0x2bd: {  	s23 =	simm.s32 $0x4000;
	s22 =	sadd.s32 s3, s22  }
0x2be: {  	[tilespmem:s23], [sflag:$0x1] =	stream.linear.gather [hbm4b:s22+s2], $0x400, $0x38;
	[tilespmem:$0x18A00] =	vst v63  }
0x2bf: {  	s23 =	spop (v2sf)  }
0x2c0: {  	s22 =	sand.u32 $0xFFFFF80, s23  }
0x2c1: {  	s23 =	simm.s32 $0x4400;
	s22 =	sadd.s32 s3, s22  }
0x2c2: {  	[tilespmem:s23], [sflag:$0x1] =	stream.linear.gather [hbm4b:s22+s2], $0x400, $0x38;
	[tilespmem:$0x18A00] =	vst v63  }
0x2c3: {  	v62 =	vld [tilespmem:s20+$0x30];
	_ =	sdelay $0x4  }
0x2c4: {  	v0 =	vshll.u32 v62, $0x4  }
0x2c5: {  	(v2sf) =	vpush v0, $0x0;
	_ =	sdelay $0x3  }
0x2c6: {  	(v2sf) =	vpush v0, $0x1;
	_ =	sdelay $0x3  }
0x2c7: {  	(v2sf) =	vpush v0, $0x2;
	_ =	sdelay $0x3  }
0x2c8: {  	(v2sf) =	vpush v0, $0x3;
	_ =	sdelay $0x2  }
0x2c9: {  	s23 =	spop (v2sf)  }
0x2ca: {  	(v2sf) =	vpush v0, $0x4;
	s22 =	sand.u32 $0xFFFFF80, s23  }
0x2cb: {  	s23 =	simm.s32 $0x4800;
	s22 =	sadd.s32 s3, s22  }
0x2cc: {  	[tilespmem:s23], [sflag:$0x1] =	stream.linear.gather [hbm4b:s22+s2], $0x400, $0x38;
	[tilespmem:$0x18A00] =	vst v63  }
0x2cd: {  	s23 =	spop (v2sf)  }
0x2ce: {  	(v2sf) =	vpush v0, $0x5;
	s22 =	sand.u32 $0xFFFFF80, s23  }
0x2cf: {  	s23 =	simm.s32 $0x4C00;
	s22 =	sadd.s32 s3, s22  }
0x2d0: {  	[tilespmem:s23], [sflag:$0x1] =	stream.linear.gather [hbm4b:s22+s2], $0x400, $0x38;
	[tilespmem:$0x18A00] =	vst v63  }
0x2d1: {  	s23 =	spop (v2sf)  }
0x2d2: {  	(v2sf) =	vpush v0, $0x6;
	s22 =	sand.u32 $0xFFFFF80, s23  }
0x2d3: {  	s23 =	simm.s32 $0x5000;
	s22 =	sadd.s32 s3, s22  }
0x2d4: {  	[tilespmem:s23], [sflag:$0x1] =	stream.linear.gather [hbm4b:s22+s2], $0x400, $0x38;
	[tilespmem:$0x18A00] =	vst v63  }
0x2d5: {  	s23 =	spop (v2sf)  }
0x2d6: {  	(v2sf) =	vpush v0, $0x7;
	s22 =	sand.u32 $0xFFFFF80, s23  }
0x2d7: {  	s23 =	simm.s32 $0x5400;
	s22 =	sadd.s32 s3, s22  }
0x2d8: {  	[tilespmem:s23], [sflag:$0x1] =	stream.linear.gather [hbm4b:s22+s2], $0x400, $0x38;
	[tilespmem:$0x18A00] =	vst v63  }
0x2d9: {  	s23 =	spop (v2sf)  }
0x2da: {  	(v2sf) =	vpush v0, $0x8;
	s22 =	sand.u32 $0xFFFFF80, s23  }
0x2db: {  	s23 =	simm.s32 $0x5800;
	s22 =	sadd.s32 s3, s22  }
0x2dc: {  	[tilespmem:s23], [sflag:$0x1] =	stream.linear.gather [hbm4b:s22+s2], $0x400, $0x38;
	[tilespmem:$0x18A00] =	vst v63  }
0x2dd: {  	s23 =	spop (v2sf)  }
0x2de: {  	(v2sf) =	vpush v0, $0x9;
	s22 =	sand.u32 $0xFFFFF80, s23  }
0x2df: {  	s23 =	simm.s32 $0x5C00;
	s22 =	sadd.s32 s3, s22  }
0x2e0: {  	[tilespmem:s23], [sflag:$0x1] =	stream.linear.gather [hbm4b:s22+s2], $0x400, $0x38;
	[tilespmem:$0x18A00] =	vst v63  }
0x2e1: {  	s23 =	spop (v2sf)  }
0x2e2: {  	(v2sf) =	vpush v0, $0xA;
	s22 =	sand.u32 $0xFFFFF80, s23  }
0x2e3: {  	s23 =	simm.s32 $0x6000;
	s22 =	sadd.s32 s3, s22  }
0x2e4: {  	[tilespmem:s23], [sflag:$0x1] =	stream.linear.gather [hbm4b:s22+s2], $0x400, $0x38;
	[tilespmem:$0x18A00] =	vst v63  }
0x2e5: {  	s23 =	spop (v2sf)  }
0x2e6: {  	(v2sf) =	vpush v0, $0xB;
	s22 =	sand.u32 $0xFFFFF80, s23  }
0x2e7: {  	s23 =	simm.s32 $0x6400;
	s22 =	sadd.s32 s3, s22  }
0x2e8: {  	[tilespmem:s23], [sflag:$0x1] =	stream.linear.gather [hbm4b:s22+s2], $0x400, $0x38;
	[tilespmem:$0x18A00] =	vst v63  }
0x2e9: {  	s23 =	spop (v2sf)  }
0x2ea: {  	(v2sf) =	vpush v0, $0xC;
	s22 =	sand.u32 $0xFFFFF80, s23  }
0x2eb: {  	s23 =	simm.s32 $0x6800;
	s22 =	sadd.s32 s3, s22  }
0x2ec: {  	[tilespmem:s23], [sflag:$0x1] =	stream.linear.gather [hbm4b:s22+s2], $0x400, $0x38;
	[tilespmem:$0x18A00] =	vst v63  }
0x2ed: {  	s23 =	spop (v2sf)  }
0x2ee: {  	(v2sf) =	vpush v0, $0xD;
	s22 =	sand.u32 $0xFFFFF80, s23  }
0x2ef: {  	s23 =	simm.s32 $0x6C00;
	s22 =	sadd.s32 s3, s22  }
0x2f0: {  	[tilespmem:s23], [sflag:$0x1] =	stream.linear.gather [hbm4b:s22+s2], $0x400, $0x38;
	[tilespmem:$0x18A00] =	vst v63  }
0x2f1: {  	s23 =	spop (v2sf)  }
0x2f2: {  	(v2sf) =	vpush v0, $0xE;
	s22 =	sand.u32 $0xFFFFF80, s23  }
0x2f3: {  	s23 =	simm.s32 $0x7000;
	s22 =	sadd.s32 s3, s22  }
0x2f4: {  	[tilespmem:s23], [sflag:$0x1] =	stream.linear.gather [hbm4b:s22+s2], $0x400, $0x38;
	[tilespmem:$0x18A00] =	vst v63  }
0x2f5: {  	s23 =	spop (v2sf)  }
0x2f6: {  	(v2sf) =	vpush v0, $0xF;
	s22 =	sand.u32 $0xFFFFF80, s23  }
0x2f7: {  	s23 =	simm.s32 $0x7400;
	s22 =	sadd.s32 s3, s22  }
0x2f8: {  	[tilespmem:s23], [sflag:$0x1] =	stream.linear.gather [hbm4b:s22+s2], $0x400, $0x38;
	[tilespmem:$0x18A00] =	vst v63  }
0x2f9: {  	s23 =	spop (v2sf)  }
0x2fa: {  	s22 =	sand.u32 $0xFFFFF80, s23  }
0x2fb: {  	s23 =	simm.s32 $0x7800;
	s22 =	sadd.s32 s3, s22  }
0x2fc: {  	[tilespmem:s23], [sflag:$0x1] =	stream.linear.gather [hbm4b:s22+s2], $0x400, $0x38;
	[tilespmem:$0x18A00] =	vst v63  }
0x2fd: {  	s23 =	spop (v2sf)  }
0x2fe: {  	s22 =	sand.u32 $0xFFFFF80, s23  }
0x2ff: {  	s23 =	simm.s32 $0x7C00;
	s22 =	sadd.s32 s3, s22  }
0x300: {  	[tilespmem:s23], [sflag:$0x1] =	stream.linear.gather [hbm4b:s22+s2], $0x400, $0x38;
	[tilespmem:$0x18A00] =	vst v63  }
0x301: {  	s23 =	spop (v2sf)  }
0x302: {  	s22 =	sand.u32 $0xFFFFF80, s23  }
0x303: {  	s23 =	simm.s32 $0x8000;
	s22 =	sadd.s32 s3, s22  }
0x304: {  	[tilespmem:s23], [sflag:$0x1] =	stream.linear.gather [hbm4b:s22+s2], $0x400, $0x38;
	[tilespmem:$0x18A00] =	vst v63  }
0x305: {  	s23 =	spop (v2sf)  }
0x306: {  	s22 =	sand.u32 $0xFFFFF80, s23  }
0x307: {  	s23 =	simm.s32 $0x8400;
	s22 =	sadd.s32 s3, s22  }
0x308: {  	[tilespmem:s23], [sflag:$0x1] =	stream.linear.gather [hbm4b:s22+s2], $0x400, $0x38;
	[tilespmem:$0x18A00] =	vst v63  }
0x309: {  	s23 =	sand.u32 $0x7E0, s21  }
0x30a: {  	v63 =	vld [tilespmem:s23+$0x80];
	_ =	sdelay $0x4  }
0x30b: {  	v0 =	vshll.u32 v63, $0x4  }
0x30c: {  	(v2sf) =	vpush v0, $0x0;
	_ =	sdelay $0x3  }
0x30d: {  	(v2sf) =	vpush v0, $0x1;
	_ =	sdelay $0x3  }
0x30e: {  	(v2sf) =	vpush v0, $0x2;
	_ =	sdelay $0x3  }
0x30f: {  	(v2sf) =	vpush v0, $0x3;
	_ =	sdelay $0x2  }
0x310: {  	s23 =	spop (v2sf)  }
0x311: {  	(v2sf) =	vpush v0, $0x4;
	s22 =	sand.u32 $0xFFFFF80, s23  }
0x312: {  	s23 =	simm.s32 $0x8800;
	s22 =	sadd.s32 s3, s22  }
0x313: {  	[tilespmem:s23], [sflag:$0x1] =	stream.linear.gather [hbm4b:s22+s2], $0x400, $0x38;
	[tilespmem:$0x18A00] =	vst v63  }
0x314: {  	s23 =	spop (v2sf)  }
0x315: {  	(v2sf) =	vpush v0, $0x5;
	s22 =	sand.u32 $0xFFFFF80, s23  }
0x316: {  	s23 =	simm.s32 $0x8C00;
	s22 =	sadd.s32 s3, s22  }
0x317: {  	[tilespmem:s23], [sflag:$0x1] =	stream.linear.gather [hbm4b:s22+s2], $0x400, $0x38;
	[tilespmem:$0x18A00] =	vst v63  }
0x318: {  	s23 =	spop (v2sf)  }
0x319: {  	(v2sf) =	vpush v0, $0x6;
	s22 =	sand.u32 $0xFFFFF80, s23  }
0x31a: {  	s23 =	simm.s32 $0x9000;
	s22 =	sadd.s32 s3, s22  }
0x31b: {  	[tilespmem:s23], [sflag:$0x1] =	stream.linear.gather [hbm4b:s22+s2], $0x400, $0x38;
	[tilespmem:$0x18A00] =	vst v63  }
0x31c: {  	s23 =	spop (v2sf)  }
0x31d: {  	(v2sf) =	vpush v0, $0x7;
	s22 =	sand.u32 $0xFFFFF80, s23  }
0x31e: {  	s23 =	simm.s32 $0x9400;
	s22 =	sadd.s32 s3, s22  }
0x31f: {  	[tilespmem:s23], [sflag:$0x1] =	stream.linear.gather [hbm4b:s22+s2], $0x400, $0x38;
	[tilespmem:$0x18A00] =	vst v63  }
0x320: {  	s23 =	spop (v2sf)  }
0x321: {  	(v2sf) =	vpush v0, $0x8;
	s22 =	sand.u32 $0xFFFFF80, s23  }
0x322: {  	s23 =	simm.s32 $0x9800;
	s22 =	sadd.s32 s3, s22  }
0x323: {  	[tilespmem:s23], [sflag:$0x1] =	stream.linear.gather [hbm4b:s22+s2], $0x400, $0x38;
	[tilespmem:$0x18A00] =	vst v63  }
0x324: {  	s23 =	spop (v2sf)  }
0x325: {  	(v2sf) =	vpush v0, $0x9;
	s22 =	sand.u32 $0xFFFFF80, s23  }
0x326: {  	s23 =	simm.s32 $0x9C00;
	s22 =	sadd.s32 s3, s22  }
0x327: {  	[tilespmem:s23], [sflag:$0x1] =	stream.linear.gather [hbm4b:s22+s2], $0x400, $0x38;
	[tilespmem:$0x18A00] =	vst v63  }
0x328: {  	s23 =	spop (v2sf)  }
0x329: {  	(v2sf) =	vpush v0, $0xA;
	s22 =	sand.u32 $0xFFFFF80, s23  }
0x32a: {  	s23 =	simm.s32 $0xA000;
	s22 =	sadd.s32 s3, s22  }
0x32b: {  	[tilespmem:s23], [sflag:$0x1] =	stream.linear.gather [hbm4b:s22+s2], $0x400, $0x38;
	[tilespmem:$0x18A00] =	vst v63  }
0x32c: {  	s23 =	spop (v2sf)  }
0x32d: {  	(v2sf) =	vpush v0, $0xB;
	s22 =	sand.u32 $0xFFFFF80, s23  }
0x32e: {  	s23 =	simm.s32 $0xA400;
	s22 =	sadd.s32 s3, s22  }
0x32f: {  	[tilespmem:s23], [sflag:$0x1] =	stream.linear.gather [hbm4b:s22+s2], $0x400, $0x38;
	[tilespmem:$0x18A00] =	vst v63  }
0x330: {  	s23 =	spop (v2sf)  }
0x331: {  	(v2sf) =	vpush v0, $0xC;
	s22 =	sand.u32 $0xFFFFF80, s23  }
0x332: {  	s23 =	simm.s32 $0xA800;
	s22 =	sadd.s32 s3, s22  }
0x333: {  	[tilespmem:s23], [sflag:$0x1] =	stream.linear.gather [hbm4b:s22+s2], $0x400, $0x38;
	[tilespmem:$0x18A00] =	vst v63  }
0x334: {  	s23 =	spop (v2sf)  }
0x335: {  	(v2sf) =	vpush v0, $0xD;
	s22 =	sand.u32 $0xFFFFF80, s23  }
0x336: {  	s23 =	simm.s32 $0xAC00;
	s22 =	sadd.s32 s3, s22  }
0x337: {  	[tilespmem:s23], [sflag:$0x1] =	stream.linear.gather [hbm4b:s22+s2], $0x400, $0x38;
	[tilespmem:$0x18A00] =	vst v63  }
0x338: {  	s23 =	spop (v2sf)  }
0x339: {  	(v2sf) =	vpush v0, $0xE;
	s22 =	sand.u32 $0xFFFFF80, s23  }
0x33a: {  	s23 =	simm.s32 $0xB000;
	s22 =	sadd.s32 s3, s22  }
0x33b: {  	[tilespmem:s23], [sflag:$0x1] =	stream.linear.gather [hbm4b:s22+s2], $0x400, $0x38;
	[tilespmem:$0x18A00] =	vst v63  }
0x33c: {  	s23 =	spop (v2sf)  }
0x33d: {  	s22 =	sand.u32 $0xFFFFF80, s23  }
0x33e: {  	(v2sf) =	vpush v0, $0xF;
	s23 =	simm.s32 $0xB400;
	s22 =	sadd.s32 s3, s22  }
0x33f: {  	[tilespmem:s23], [sflag:$0x1] =	stream.linear.gather [hbm4b:s22+s2], $0x400, $0x38;
	[tilespmem:$0x18A00] =	vst v63  }
0x340: {  	s23 =	spop (v2sf)  }
0x341: {  	s22 =	sand.u32 $0xFFFFF80, s23  }
0x342: {  	s23 =	simm.s32 $0xB800;
	s22 =	sadd.s32 s3, s22  }
0x343: {  	[tilespmem:s23], [sflag:$0x1] =	stream.linear.gather [hbm4b:s22+s2], $0x400, $0x38;
	[tilespmem:$0x18A00] =	vst v63  }
0x344: {  	s23 =	spop (v2sf)  }
0x345: {  	s22 =	sand.u32 $0xFFFFF80, s23  }
0x346: {  	s23 =	simm.s32 $0xBC00;
	s22 =	sadd.s32 s3, s22  }
0x347: {  	[tilespmem:s23], [sflag:$0x1] =	stream.linear.gather [hbm4b:s22+s2], $0x400, $0x38;
	[tilespmem:$0x18A00] =	vst v63  }
0x348: {  	s23 =	spop (v2sf)  }
0x349: {  	s22 =	sand.u32 $0xFFFFF80, s23  }
0x34a: {  	s23 =	simm.s32 $0xC000;
	s22 =	sadd.s32 s3, s22  }
0x34b: {  	[tilespmem:s23], [sflag:$0x1] =	stream.linear.gather [hbm4b:s22+s2], $0x400, $0x38;
	[tilespmem:$0x18A00] =	vst v63  }
.Ltmp5:
0x34c: {  	_ = 	snop;
	(pc) =	sbr.rel .LBB2_4-.Ltmp5, $4  }
0x34d: {  	s23 =	spop (v2sf)  }
0x34e: {  	s22 =	sand.u32 $0xFFFFF80, s23  }
0x34f: {  	s23 =	simm.s32 $0xC400;
	s22 =	sadd.s32 s3, s22  }
0x350: {  	[tilespmem:s23], [sflag:$0x1] =	stream.linear.gather [hbm4b:s22+s2], $0x400, $0x38;
	[tilespmem:$0x18A00] =	vst v63  }
.LBB2_6:
0x351: {  	_ =	sfence.sel $0x180000  }
0x352: {  	[bflag:$0x0] =	sbarrier.arrive $0xFFFF  }
0x353: {  	_ =	strace $0x90000047  }
0x354: {  	s0 =	stileid.u32;
	[bflag:$0x2] =	sbarrier.arrive $0xFFFF  }
0x355: {  	p0 =	sne.s32 s0, $0x0;
	s0 =	rddreg [dreg:$0x2]  }
0x356: {  	s0 =	sadd.s32 @!p0 $0x100000, s0  }
0x357: {  	[sflag:s0] =	ssyncadd.tile.s32 @!p0 $0x1;
	_ =	shalt  }
.Lfunc_end2:
_tile_overlayer_lowered:
.L_overlay_start_2:
0x358: {  	(tag) =	ssettag $0x2  }
0x359: {  	s0 =	rddreg [dreg:$0x0];
	s2 =	stileid.u32  }
0x35a: {  	s1 =	rddreg [dreg:$0x1];
	p0 =	sne.s32 s2, $0x0  }
0x35b: {  	s3 =	rddreg [dreg:$0x2];
	[bflag:$0x3] =	sbarrier.arrive $0xFFFF;
	s2 =	simm.s32 @!p0 $0x1C03  }
0x35c: {  	[timem:s3], [sflag:s2] =	dma.local @!p0 [hbm:s0], s1  }
0x35d: {  	s0 =	simm.s32 @!p0 $0x3  }
0x35e: {  	_ =	swait.ge @!p0 [sflag:s0], s1  }
0x35f: {  	s1 =	ssub.s32 @!p0 $0x0, s1;
	[sflag:s0] =	ssyncset.done @!p0 $0x0  }
0x360: {  	[sflag:s0] =	ssyncadd.s32 @!p0 s1  }
0x361: {  	[bflag:$0x3] =	sbarrier.arrive $0xFFFF  }
0x362: {  	_ =	shalt  }

</sc_bundles>
